<compile_context>
chip_gen: v7x
topology: tpu7x:2x2x1
jax: 0.10.2.dev20260603
libtpu: 0.0.44.dev20260713+nightly
codegen_flags: <defaults>
</compile_context>

<pallas_src>
import functools

import jax
import jax.numpy as jnp
from jax import lax
from jax.experimental import pallas as pl
from jax.experimental.pallas import tpu as pltpu
from jax.experimental.pallas import tpu_sc as plsc

VOCAB = 1_000_000
EMB = 100


ROWBLK = 16384


def _rowmax_body(t_ref, o_ref):
    o_ref[...] = jnp.max(t_ref[...], axis=1)


def _rowmax(table):
    nvocab = table.shape[0]
    return pl.pallas_call(
        _rowmax_body,
        grid=(pl.cdiv(nvocab, ROWBLK),),
        in_specs=[pl.BlockSpec((ROWBLK, EMB), lambda i: (i, 0))],
        out_specs=pl.BlockSpec((ROWBLK,), lambda i: (i,)),
        out_shape=jax.ShapeDtypeStruct((nvocab,), jnp.float32),
    )(table)



NC, NS = 2, 16
NW = NC * NS
IDXW = 128
RSTEP = 16


def _sc_gather(rowmax, text):
    nrows, seqlen = text.shape
    rows_per_w = nrows // NW
    steps = rows_per_w // RSTEP

    @functools.partial(
        pl.kernel,
        out_type=jax.ShapeDtypeStruct((nrows, seqlen), jnp.float32),
        mesh=plsc.VectorSubcoreMesh(core_axis_name="c", subcore_axis_name="s"),
        scratch_types=[
            pltpu.VMEM((2 * RSTEP, seqlen), jnp.int32),
            pltpu.VMEM((2 * RSTEP, seqlen), jnp.float32),
            pltpu.SemaphoreType.DMA((2,)),
            pltpu.SemaphoreType.DMA((2,)),
            pltpu.SemaphoreType.DMA((2,)),
        ],
    )
    def k(rowmax_hbm, text_hbm, out_hbm, idx_v, val_v, isem, gsem, osem):
        w = lax.axis_index("s") * NC + lax.axis_index("c")
        base = w * rows_per_w

        def idx_copy(g, slot):
            return pltpu.make_async_copy(
                text_hbm.at[pl.ds(base + g * RSTEP, RSTEP)],
                idx_v.at[pl.ds(slot * RSTEP, RSTEP)],
                isem.at[slot],
            )

        def out_copy(g, slot):
            return pltpu.make_async_copy(
                val_v.at[pl.ds(slot * RSTEP, RSTEP)],
                out_hbm.at[pl.ds(base + g * RSTEP, RSTEP)],
                osem.at[slot],
            )

        def fire(slot):
            for r in range(RSTEP):
                pltpu.async_copy(
                    rowmax_hbm.at[idx_v.at[slot * RSTEP + r]],
                    val_v.at[slot * RSTEP + r],
                    gsem.at[slot],
                )

        def drain(slot):
            for r in range(RSTEP):
                pltpu.make_async_copy(
                    rowmax_hbm.at[idx_v.at[slot * RSTEP + r]],
                    val_v.at[slot * RSTEP + r],
                    gsem.at[slot],
                ).wait()

        idx_copy(0, 0).start()

        def body(g, carry):
            cur = lax.rem(g, 2)
            prv = 1 - cur

            idx_copy(g, cur).wait()

            @pl.when(g >= 2)
            def _():
                out_copy(g - 2, cur).wait()

            @pl.when(cur == 0)
            def _():
                fire(0)

            @pl.when(cur == 1)
            def _():
                fire(1)

            @pl.when(jnp.logical_and(g >= 1, cur == 1))
            def _():
                drain(0)

            @pl.when(jnp.logical_and(g >= 1, cur == 0))
            def _():
                drain(1)

            @pl.when(g >= 1)
            def _():
                out_copy(g - 1, prv).start()

            @pl.when(g + 1 < steps)
            def _():
                idx_copy(g + 1, prv).start()

            return carry

        lax.fori_loop(0, steps, body, 0, unroll=2)

        lslot = (steps - 1) % 2
        drain(lslot)
        out_copy(steps - 1, lslot).start()
        out_copy(steps - 2, 1 - lslot).wait()
        out_copy(steps - 1, lslot).wait()

    return k(rowmax, text)



BBLK = 1024


def _head_body(s_ref, wt_ref, b_ref, o_ref):
    s = s_ref[...]
    shifted = jnp.concatenate([s[:, 1:], s[:, :1]], axis=1)
    act = jnp.maximum(jnp.maximum(s, shifted), 0.0)
    o_ref[...] = (
        jnp.dot(act, wt_ref[...], preferred_element_type=jnp.float32) + b_ref[...]
    )


def _head(s, wt, b2):
    bsz, seqlen = s.shape
    out_dim = wt.shape[1]
    return pl.pallas_call(
        _head_body,
        grid=(bsz // BBLK,),
        in_specs=[
            pl.BlockSpec((BBLK, seqlen), lambda i: (i, 0)),
            pl.BlockSpec((seqlen, out_dim), lambda i: (0, 0)),
            pl.BlockSpec((1, out_dim), lambda i: (0, 0)),
        ],
        out_specs=pl.BlockSpec((BBLK, out_dim), lambda i: (i, 0)),
        out_shape=jax.ShapeDtypeStruct((bsz, out_dim), jnp.float32),
    )(s, wt, b2)


def kernel(text, table, W, b):
    bsz, seqlen = text.shape
    rm = _rowmax(table)
    textr = text.reshape(-1, IDXW).astype(jnp.int32)
    sflat = _sc_gather(rm, textr)
    s = sflat.reshape(bsz, seqlen)
    wt = jnp.pad(W.T, ((0, 1), (0, 0)))
    out = _head(s, wt, b.reshape(1, -1))
    return out

# --- scband reference (transcript-rebuilt; emitter-appended) ---
"""Pipeline reference for scband-net-19507741458764 (READ-ONLY COPY).

The authoritative reference and input builder live on the scoring server;
editing this copy changes nothing except your own understanding.
"""

import jax, jax.numpy as jnp
import numpy as np

VOCAB = 1000000
EMB = 100
B = 16384
L = 200
OUT = 64

def setup_inputs(seed: int = 0) -> dict:
    key = jax.random.key(seed)
    k1, k2, k3, k4 = jax.random.split(key, 4)
    text = jax.random.randint(k1, (B, L), 0, VOCAB)
    table = jax.random.normal(k2, (VOCAB, EMB), dtype=jnp.float32)
    W = jax.random.normal(k3, (OUT, 199), dtype=jnp.float32) * 0.05
    b = jax.random.normal(k4, (OUT,), dtype=jnp.float32) * 0.05
    return {"text": text, "table": table, "W": W, "b": b}

def reference(text, table, W, b):
    # nn.Embedding: gather rows
    emb = jnp.take(table, text, axis=0)  # [B, L, EMB]
    # max_pool2d on 3D input [B, L, EMB] with kernel (2, EMB), stride (1, EMB):
    # kernel covers the full embedding dim, so output width is 1;
    # pooled[b, i] = max over emb[b, i:i+2, :]. After squeeze(2): [B, L-1]
    pooled = jnp.max(jnp.maximum(emb[:, :-1, :], emb[:, 1:, :]), axis=-1)  # [B, 199]
    act = jax.nn.relu(pooled)
    out = act @ W.T + b  # Linear(199 -> OUT)
    # dropout(p=0.0) is identity
    return out

if __name__ == "__main__":
    import jax
    _d = setup_inputs()
    print(jax.jit(kernel)(*tuple(_d.values())))

</pallas_src>

<mosaic_0001>
#map = affine_map<(d0, d1) -> (0)>
#map1 = affine_map<(d0, d1) -> (0, 0)>
module attributes {stable_mosaic.version = 14 : i64} {
  func.func @k(%arg0: i32, %arg1: i32, %arg2: memref<1000000xf32, #tpu.memory_space<hbm>>, %arg3: memref<25600x128xi32, #tpu.memory_space<hbm>>, %arg4: memref<25600x128xf32, #tpu.memory_space<hbm>>, %arg5: memref<32x128xi32, #tpu.memory_space<vmem>>, %arg6: memref<32x128xf32, #tpu.memory_space<vmem>>, %arg7: memref<2x!tpu.dma_semaphore, #tpu.memory_space<semaphore_mem>>, %arg8: memref<2x!tpu.dma_semaphore, #tpu.memory_space<semaphore_mem>>, %arg9: memref<2x!tpu.dma_semaphore, #tpu.memory_space<semaphore_mem>>) attributes {dimension_semantics = [#tpu.dimension_semantics<core_parallel>, #tpu.dimension_semantics<subcore_parallel>], iteration_bounds = array<i64: 2, 16>, scalar_prefetch = 0 : i64, scratch_operands = 5 : i64, tpu.core_type = #tpu.core_type<sc_vector_subcore>, window_params = [{transform_indices = #map}, {transform_indices = #map1}, {transform_indices = #map1}]} {
    %mul3A = arith.constant 2 : i32
    %mul3A_0 = arith.muli %arg1, %mul3A : i32
    %add3A = arith.addi %mul3A_0, %arg0 : i32
    %mul3A_1 = arith.constant 800 : i32
    %mul3A_2 = arith.muli %add3A, %mul3A_1 : i32
    %add3A_3 = arith.constant 0 : i32
    %add3A_4 = arith.addi %mul3A_2, %add3A_3 : i32
    %dma_start3A = arith.constant 0 : i32
    %dma_start3A_5 = arith.constant 0 : i32
    %dma_start3A_6 = arith.constant 0 : i32
    %dma_start3A_7 = tpu.memref_slice %arg5[%dma_start3A_5, %dma_start3A_6] : memref<32x128xi32, #tpu.memory_space<vmem>> -> memref<16x128xi32, #tpu.memory_space<vmem>>
    %dma_start3A_8 = arith.constant 0 : i32
    %dma_start3A_9 = tpu.memref_slice %arg3[%add3A_4, %dma_start3A_8] : memref<25600x128xi32, #tpu.memory_space<hbm>> -> memref<16x128xi32, #tpu.memory_space<hbm>>
    %dma_start3A_10 = tpu.memref_slice %arg7[%dma_start3A] : memref<2x!tpu.dma_semaphore, #tpu.memory_space<semaphore_mem>> -> memref<1x!tpu.dma_semaphore, #tpu.memory_space<semaphore_mem>>
    %dma_start3A_11 = tpu.memref_squeeze %dma_start3A_10 : memref<1x!tpu.dma_semaphore, #tpu.memory_space<semaphore_mem>> -> memref<!tpu.dma_semaphore, #tpu.memory_space<semaphore_mem>>
    %dma_start3A_12 = arith.constant 0 : i32
    %dma_start3A_13 = arith.constant 0 : i32
    %dma_start3A_14 = tpu.memref_slice %arg5[%dma_start3A_12, %dma_start3A_13] : memref<32x128xi32, #tpu.memory_space<vmem>> -> memref<16x128xi32, #tpu.memory_space<vmem>>
    %dma_start3A_15 = arith.constant 0 : i32
    %dma_start3A_16 = tpu.memref_slice %arg3[%add3A_4, %dma_start3A_15] : memref<25600x128xi32, #tpu.memory_space<hbm>> -> memref<16x128xi32, #tpu.memory_space<hbm>>
    tpu.enqueue_dma source(%dma_start3A_16 : memref<16x128xi32, #tpu.memory_space<hbm>>) target(%dma_start3A_14 : memref<16x128xi32, #tpu.memory_space<vmem>>) target_semaphore(%dma_start3A_11 : memref<!tpu.dma_semaphore, #tpu.memory_space<semaphore_mem>>)
    %scan3A = arith.constant 0 : i32
    %scan3A_17 = arith.constant 0 : i32
    %scan3A_18 = arith.constant 50 : i32
    %scan3A_19 = arith.addi %scan3A_17, %scan3A_18 : i32
    %scan3A_20 = arith.constant 2 : i32
    scf.for %scan3A_274 = %scan3A_17 to %scan3A_19 step %scan3A_20  : i32 {
      %rem3A = arith.constant 2 : i32
      %rem3A_275 = arith.remsi %scan3A_274, %rem3A : i32
      %sub3A = arith.constant 1 : i32
      %sub3A_276 = arith.subi %sub3A, %rem3A_275 : i32
      %mul3A_277 = arith.constant 16 : i32
      %mul3A_278 = arith.muli %scan3A_274, %mul3A_277 : i32
      %add3A_279 = arith.addi %mul3A_2, %mul3A_278 : i32
      %mul3A_280 = arith.constant 16 : i32
      %mul3A_281 = arith.muli %rem3A_275, %mul3A_280 : i32
      %dma_wait3A_282 = arith.constant 0 : i32
      %dma_wait3A_283 = tpu.memref_slice %arg5[%mul3A_281, %dma_wait3A_282] : memref<32x128xi32, #tpu.memory_space<vmem>> -> memref<16x128xi32, #tpu.memory_space<vmem>>
      %dma_wait3A_284 = arith.constant 0 : i32
      %dma_wait3A_285 = tpu.memref_slice %arg3[%add3A_279, %dma_wait3A_284] : memref<25600x128xi32, #tpu.memory_space<hbm>> -> memref<16x128xi32, #tpu.memory_space<hbm>>
      %dma_wait3A_286 = tpu.memref_slice %arg7[%rem3A_275] : memref<2x!tpu.dma_semaphore, #tpu.memory_space<semaphore_mem>> -> memref<1x!tpu.dma_semaphore, #tpu.memory_space<semaphore_mem>>
      %dma_wait3A_287 = tpu.memref_squeeze %dma_wait3A_286 : memref<1x!tpu.dma_semaphore, #tpu.memory_space<semaphore_mem>> -> memref<!tpu.dma_semaphore, #tpu.memory_space<semaphore_mem>>
      %dma_wait3A_288 = arith.constant 0 : i32
      %dma_wait3A_289 = tpu.memref_slice %arg5[%mul3A_281, %dma_wait3A_288] : memref<32x128xi32, #tpu.memory_space<vmem>> -> memref<16x128xi32, #tpu.memory_space<vmem>>
      %dma_wait3A_290 = arith.constant 0 : i32
      %dma_wait3A_291 = tpu.memref_slice %arg3[%add3A_279, %dma_wait3A_290] : memref<25600x128xi32, #tpu.memory_space<hbm>> -> memref<16x128xi32, #tpu.memory_space<hbm>>
      tpu.wait_dma2 semaphore(%dma_wait3A_287 : memref<!tpu.dma_semaphore, #tpu.memory_space<semaphore_mem>>) src(%dma_wait3A_291 : memref<16x128xi32, #tpu.memory_space<hbm>>) dst(%dma_wait3A_289 : memref<16x128xi32, #tpu.memory_space<vmem>>)
      %ge3A = arith.constant 2 : i32
      %ge3A_292 = arith.cmpi sge, %scan3A_274, %ge3A : i32
      %convert_element_type3A = arith.extui %ge3A_292 : i1 to i32
      %cond3A = arith.constant 0 : i32
      %cond3A_293 = arith.cmpi ne, %convert_element_type3A, %cond3A : i32
      scf.if %cond3A_293 {
        %sub3A_393 = arith.constant 2 : i32
        %sub3A_394 = arith.subi %scan3A_274, %sub3A_393 : i32
        %mul3A_395 = arith.constant 16 : i32
        %mul3A_396 = arith.muli %rem3A_275, %mul3A_395 : i32
        %mul3A_397 = arith.constant 16 : i32
        %mul3A_398 = arith.muli %sub3A_394, %mul3A_397 : i32
        %add3A_399 = arith.addi %mul3A_2, %mul3A_398 : i32
        %dma_wait3A_400 = arith.constant 0 : i32
        %dma_wait3A_401 = tpu.memref_slice %arg6[%mul3A_396, %dma_wait3A_400] : memref<32x128xf32, #tpu.memory_space<vmem>> -> memref<16x128xf32, #tpu.memory_space<vmem>>
        %dma_wait3A_402 = arith.constant 0 : i32
        %dma_wait3A_403 = tpu.memref_slice %arg4[%add3A_399, %dma_wait3A_402] : memref<25600x128xf32, #tpu.memory_space<hbm>> -> memref<16x128xf32, #tpu.memory_space<hbm>>
        %dma_wait3A_404 = tpu.memref_slice %arg9[%rem3A_275] : memref<2x!tpu.dma_semaphore, #tpu.memory_space<semaphore_mem>> -> memref<1x!tpu.dma_semaphore, #tpu.memory_space<semaphore_mem>>
        %dma_wait3A_405 = tpu.memref_squeeze %dma_wait3A_404 : memref<1x!tpu.dma_semaphore, #tpu.memory_space<semaphore_mem>> -> memref<!tpu.dma_semaphore, #tpu.memory_space<semaphore_mem>>
        %dma_wait3A_406 = arith.constant 0 : i32
        %dma_wait3A_407 = tpu.memref_slice %arg4[%add3A_399, %dma_wait3A_406] : memref<25600x128xf32, #tpu.memory_space<hbm>> -> memref<16x128xf32, #tpu.memory_space<hbm>>
        %dma_wait3A_408 = arith.constant 0 : i32
        %dma_wait3A_409 = tpu.memref_slice %arg6[%mul3A_396, %dma_wait3A_408] : memref<32x128xf32, #tpu.memory_space<vmem>> -> memref<16x128xf32, #tpu.memory_space<vmem>>
        tpu.wait_dma2 semaphore(%dma_wait3A_405 : memref<!tpu.dma_semaphore, #tpu.memory_space<semaphore_mem>>) src(%dma_wait3A_409 : memref<16x128xf32, #tpu.memory_space<vmem>>) dst(%dma_wait3A_407 : memref<16x128xf32, #tpu.memory_space<hbm>>)
      } else {
      }
      %eq3A = arith.constant 0 : i32
      %eq3A_294 = arith.cmpi eq, %rem3A_275, %eq3A : i32
      %convert_element_type3A_295 = arith.extui %eq3A_294 : i1 to i32
      %cond3A_296 = arith.constant 0 : i32
      %cond3A_297 = arith.cmpi ne, %convert_element_type3A_295, %cond3A_296 : i32
      scf.if %cond3A_297 {
        %dma_start3A_393 = arith.constant 0 : i32
        %dma_start3A_394 = arith.constant 0 : i32
        %dma_start3A_395 = arith.constant 0 : i32
        %dma_start3A_396 = arith.constant 0 : i32
        %dma_start3A_397 = tpu.memref_slice %arg6[%dma_start3A_394, %dma_start3A_396] : memref<32x128xf32, #tpu.memory_space<vmem>> -> memref<1x128xf32, #tpu.memory_space<vmem>>
        %dma_start3A_398 = tpu.memref_squeeze %dma_start3A_397 : memref<1x128xf32, #tpu.memory_space<vmem>> -> memref<128xf32, #tpu.memory_space<vmem>>
        %dma_start3A_399 = arith.constant 0 : i32
        %dma_start3A_400 = tpu.memref_slice %arg5[%dma_start3A_393, %dma_start3A_399] : memref<32x128xi32, #tpu.memory_space<vmem>> -> memref<1x128xi32, #tpu.memory_space<vmem>>
        %dma_start3A_401 = tpu.memref_squeeze %dma_start3A_400 : memref<1x128xi32, #tpu.memory_space<vmem>> -> memref<128xi32, #tpu.memory_space<vmem>>
        %dma_start3A_402 = arith.constant 0 : i32
        %dma_start3A_403 = tpu.memref_slice %arg2[%dma_start3A_402] : memref<1000000xf32, #tpu.memory_space<hbm>> -> memref<1000000xf32, #tpu.memory_space<hbm>>
        %dma_start3A_404 = tpu.memref_slice %arg8[%dma_start3A_395] : memref<2x!tpu.dma_semaphore, #tpu.memory_space<semaphore_mem>> -> memref<1x!tpu.dma_semaphore, #tpu.memory_space<semaphore_mem>>
        %dma_start3A_405 = tpu.memref_squeeze %dma_start3A_404 : memref<1x!tpu.dma_semaphore, #tpu.memory_space<semaphore_mem>> -> memref<!tpu.dma_semaphore, #tpu.memory_space<semaphore_mem>>
        tpu.enqueue_indirect_dma source(%dma_start3A_403 : memref<1000000xf32, #tpu.memory_space<hbm>>) target(%dma_start3A_398 : memref<128xf32, #tpu.memory_space<vmem>>) offsets(%dma_start3A_401 : memref<128xi32, #tpu.memory_space<vmem>>) semaphore(%dma_start3A_405 : memref<!tpu.dma_semaphore, #tpu.memory_space<semaphore_mem>>)
        %dma_start3A_406 = arith.constant 1 : i32
        %dma_start3A_407 = arith.constant 1 : i32
        %dma_start3A_408 = arith.constant 0 : i32
        %dma_start3A_409 = arith.constant 0 : i32
        %dma_start3A_410 = tpu.memref_slice %arg6[%dma_start3A_407, %dma_start3A_409] : memref<32x128xf32, #tpu.memory_space<vmem>> -> memref<1x128xf32, #tpu.memory_space<vmem>>
        %dma_start3A_411 = tpu.memref_squeeze %dma_start3A_410 : memref<1x128xf32, #tpu.memory_space<vmem>> -> memref<128xf32, #tpu.memory_space<vmem>>
        %dma_start3A_412 = arith.constant 0 : i32
        %dma_start3A_413 = tpu.memref_slice %arg5[%dma_start3A_406, %dma_start3A_412] : memref<32x128xi32, #tpu.memory_space<vmem>> -> memref<1x128xi32, #tpu.memory_space<vmem>>
        %dma_start3A_414 = tpu.memref_squeeze %dma_start3A_413 : memref<1x128xi32, #tpu.memory_space<vmem>> -> memref<128xi32, #tpu.memory_space<vmem>>
        %dma_start3A_415 = arith.constant 0 : i32
        %dma_start3A_416 = tpu.memref_slice %arg2[%dma_start3A_415] : memref<1000000xf32, #tpu.memory_space<hbm>> -> memref<1000000xf32, #tpu.memory_space<hbm>>
        %dma_start3A_417 = tpu.memref_slice %arg8[%dma_start3A_408] : memref<2x!tpu.dma_semaphore, #tpu.memory_space<semaphore_mem>> -> memref<1x!tpu.dma_semaphore, #tpu.memory_space<semaphore_mem>>
        %dma_start3A_418 = tpu.memref_squeeze %dma_start3A_417 : memref<1x!tpu.dma_semaphore, #tpu.memory_space<semaphore_mem>> -> memref<!tpu.dma_semaphore, #tpu.memory_space<semaphore_mem>>
        tpu.enqueue_indirect_dma source(%dma_start3A_416 : memref<1000000xf32, #tpu.memory_space<hbm>>) target(%dma_start3A_411 : memref<128xf32, #tpu.memory_space<vmem>>) offsets(%dma_start3A_414 : memref<128xi32, #tpu.memory_space<vmem>>) semaphore(%dma_start3A_418 : memref<!tpu.dma_semaphore, #tpu.memory_space<semaphore_mem>>)
        %dma_start3A_419 = arith.constant 2 : i32
        %dma_start3A_420 = arith.constant 2 : i32
        %dma_start3A_421 = arith.constant 0 : i32
        %dma_start3A_422 = arith.constant 0 : i32
        %dma_start3A_423 = tpu.memref_slice %arg6[%dma_start3A_420, %dma_start3A_422] : memref<32x128xf32, #tpu.memory_space<vmem>> -> memref<1x128xf32, #tpu.memory_space<vmem>>
        %dma_start3A_424 = tpu.memref_squeeze %dma_start3A_423 : memref<1x128xf32, #tpu.memory_space<vmem>> -> memref<128xf32, #tpu.memory_space<vmem>>
        %dma_start3A_425 = arith.constant 0 : i32
        %dma_start3A_426 = tpu.memref_slice %arg5[%dma_start3A_419, %dma_start3A_425] : memref<32x128xi32, #tpu.memory_space<vmem>> -> memref<1x128xi32, #tpu.memory_space<vmem>>
        %dma_start3A_427 = tpu.memref_squeeze %dma_start3A_426 : memref<1x128xi32, #tpu.memory_space<vmem>> -> memref<128xi32, #tpu.memory_space<vmem>>
        %dma_start3A_428 = arith.constant 0 : i32
        %dma_start3A_429 = tpu.memref_slice %arg2[%dma_start3A_428] : memref<1000000xf32, #tpu.memory_space<hbm>> -> memref<1000000xf32, #tpu.memory_space<hbm>>
        %dma_start3A_430 = tpu.memref_slice %arg8[%dma_start3A_421] : memref<2x!tpu.dma_semaphore, #tpu.memory_space<semaphore_mem>> -> memref<1x!tpu.dma_semaphore, #tpu.memory_space<semaphore_mem>>
        %dma_start3A_431 = tpu.memref_squeeze %dma_start3A_430 : memref<1x!tpu.dma_semaphore, #tpu.memory_space<semaphore_mem>> -> memref<!tpu.dma_semaphore, #tpu.memory_space<semaphore_mem>>
        tpu.enqueue_indirect_dma source(%dma_start3A_429 : memref<1000000xf32, #tpu.memory_space<hbm>>) target(%dma_start3A_424 : memref<128xf32, #tpu.memory_space<vmem>>) offsets(%dma_start3A_427 : memref<128xi32, #tpu.memory_space<vmem>>) semaphore(%dma_start3A_431 : memref<!tpu.dma_semaphore, #tpu.memory_space<semaphore_mem>>)
        %dma_start3A_432 = arith.constant 3 : i32
        %dma_start3A_433 = arith.constant 3 : i32
        %dma_start3A_434 = arith.constant 0 : i32
        %dma_start3A_435 = arith.constant 0 : i32
        %dma_start3A_436 = tpu.memref_slice %arg6[%dma_start3A_433, %dma_start3A_435] : memref<32x128xf32, #tpu.memory_space<vmem>> -> memref<1x128xf32, #tpu.memory_space<vmem>>
        %dma_start3A_437 = tpu.memref_squeeze %dma_start3A_436 : memref<1x128xf32, #tpu.memory_space<vmem>> -> memref<128xf32, #tpu.memory_space<vmem>>
        %dma_start3A_438 = arith.constant 0 : i32
        %dma_start3A_439 = tpu.memref_slice %arg5[%dma_start3A_432, %dma_start3A_438] : memref<32x128xi32, #tpu.memory_space<vmem>> -> memref<1x128xi32, #tpu.memory_space<vmem>>
        %dma_start3A_440 = tpu.memref_squeeze %dma_start3A_439 : memref<1x128xi32, #tpu.memory_space<vmem>> -> memref<128xi32, #tpu.memory_space<vmem>>
        %dma_start3A_441 = arith.constant 0 : i32
        %dma_start3A_442 = tpu.memref_slice %arg2[%dma_start3A_441] : memref<1000000xf32, #tpu.memory_space<hbm>> -> memref<1000000xf32, #tpu.memory_space<hbm>>
        %dma_start3A_443 = tpu.memref_slice %arg8[%dma_start3A_434] : memref<2x!tpu.dma_semaphore, #tpu.memory_space<semaphore_mem>> -> memref<1x!tpu.dma_semaphore, #tpu.memory_space<semaphore_mem>>
        %dma_start3A_444 = tpu.memref_squeeze %dma_start3A_443 : memref<1x!tpu.dma_semaphore, #tpu.memory_space<semaphore_mem>> -> memref<!tpu.dma_semaphore, #tpu.memory_space<semaphore_mem>>
        tpu.enqueue_indirect_dma source(%dma_start3A_442 : memref<1000000xf32, #tpu.memory_space<hbm>>) target(%dma_start3A_437 : memref<128xf32, #tpu.memory_space<vmem>>) offsets(%dma_start3A_440 : memref<128xi32, #tpu.memory_space<vmem>>) semaphore(%dma_start3A_444 : memref<!tpu.dma_semaphore, #tpu.memory_space<semaphore_mem>>)
        %dma_start3A_445 = arith.constant 4 : i32
        %dma_start3A_446 = arith.constant 4 : i32
        %dma_start3A_447 = arith.constant 0 : i32
        %dma_start3A_448 = arith.constant 0 : i32
        %dma_start3A_449 = tpu.memref_slice %arg6[%dma_start3A_446, %dma_start3A_448] : memref<32x128xf32, #tpu.memory_space<vmem>> -> memref<1x128xf32, #tpu.memory_space<vmem>>
        %dma_start3A_450 = tpu.memref_squeeze %dma_start3A_449 : memref<1x128xf32, #tpu.memory_space<vmem>> -> memref<128xf32, #tpu.memory_space<vmem>>
        %dma_start3A_451 = arith.constant 0 : i32
        %dma_start3A_452 = tpu.memref_slice %arg5[%dma_start3A_445, %dma_start3A_451] : memref<32x128xi32, #tpu.memory_space<vmem>> -> memref<1x128xi32, #tpu.memory_space<vmem>>
        %dma_start3A_453 = tpu.memref_squeeze %dma_start3A_452 : memref<1x128xi32, #tpu.memory_space<vmem>> -> memref<128xi32, #tpu.memory_space<vmem>>
        %dma_start3A_454 = arith.constant 0 : i32
        %dma_start3A_455 = tpu.memref_slice %arg2[%dma_start3A_454] : memref<1000000xf32, #tpu.memory_space<hbm>> -> memref<1000000xf32, #tpu.memory_space<hbm>>
        %dma_start3A_456 = tpu.memref_slice %arg8[%dma_start3A_447] : memref<2x!tpu.dma_semaphore, #tpu.memory_space<semaphore_mem>> -> memref<1x!tpu.dma_semaphore, #tpu.memory_space<semaphore_mem>>
        %dma_start3A_457 = tpu.memref_squeeze %dma_start3A_456 : memref<1x!tpu.dma_semaphore, #tpu.memory_space<semaphore_mem>> -> memref<!tpu.dma_semaphore, #tpu.memory_space<semaphore_mem>>
        tpu.enqueue_indirect_dma source(%dma_start3A_455 : memref<1000000xf32, #tpu.memory_space<hbm>>) target(%dma_start3A_450 : memref<128xf32, #tpu.memory_space<vmem>>) offsets(%dma_start3A_453 : memref<128xi32, #tpu.memory_space<vmem>>) semaphore(%dma_start3A_457 : memref<!tpu.dma_semaphore, #tpu.memory_space<semaphore_mem>>)
        %dma_start3A_458 = arith.constant 5 : i32
        %dma_start3A_459 = arith.constant 5 : i32
        %dma_start3A_460 = arith.constant 0 : i32
        %dma_start3A_461 = arith.constant 0 : i32
        %dma_start3A_462 = tpu.memref_slice %arg6[%dma_start3A_459, %dma_start3A_461] : memref<32x128xf32, #tpu.memory_space<vmem>> -> memref<1x128xf32, #tpu.memory_space<vmem>>
        %dma_start3A_463 = tpu.memref_squeeze %dma_start3A_462 : memref<1x128xf32, #tpu.memory_space<vmem>> -> memref<128xf32, #tpu.memory_space<vmem>>
        %dma_start3A_464 = arith.constant 0 : i32
        %dma_start3A_465 = tpu.memref_slice %arg5[%dma_start3A_458, %dma_start3A_464] : memref<32x128xi32, #tpu.memory_space<vmem>> -> memref<1x128xi32, #tpu.memory_space<vmem>>
        %dma_start3A_466 = tpu.memref_squeeze %dma_start3A_465 : memref<1x128xi32, #tpu.memory_space<vmem>> -> memref<128xi32, #tpu.memory_space<vmem>>
        %dma_start3A_467 = arith.constant 0 : i32
        %dma_start3A_468 = tpu.memref_slice %arg2[%dma_start3A_467] : memref<1000000xf32, #tpu.memory_space<hbm>> -> memref<1000000xf32, #tpu.memory_space<hbm>>
        %dma_start3A_469 = tpu.memref_slice %arg8[%dma_start3A_460] : memref<2x!tpu.dma_semaphore, #tpu.memory_space<semaphore_mem>> -> memref<1x!tpu.dma_semaphore, #tpu.memory_space<semaphore_mem>>
        %dma_start3A_470 = tpu.memref_squeeze %dma_start3A_469 : memref<1x!tpu.dma_semaphore, #tpu.memory_space<semaphore_mem>> -> memref<!tpu.dma_semaphore, #tpu.memory_space<semaphore_mem>>
        tpu.enqueue_indirect_dma source(%dma_start3A_468 : memref<1000000xf32, #tpu.memory_space<hbm>>) target(%dma_start3A_463 : memref<128xf32, #tpu.memory_space<vmem>>) offsets(%dma_start3A_466 : memref<128xi32, #tpu.memory_space<vmem>>) semaphore(%dma_start3A_470 : memref<!tpu.dma_semaphore, #tpu.memory_space<semaphore_mem>>)
        %dma_start3A_471 = arith.constant 6 : i32
        %dma_start3A_472 = arith.constant 6 : i32
        %dma_start3A_473 = arith.constant 0 : i32
        %dma_start3A_474 = arith.constant 0 : i32
        %dma_start3A_475 = tpu.memref_slice %arg6[%dma_start3A_472, %dma_start3A_474] : memref<32x128xf32, #tpu.memory_space<vmem>> -> memref<1x128xf32, #tpu.memory_space<vmem>>
        %dma_start3A_476 = tpu.memref_squeeze %dma_start3A_475 : memref<1x128xf32, #tpu.memory_space<vmem>> -> memref<128xf32, #tpu.memory_space<vmem>>
        %dma_start3A_477 = arith.constant 0 : i32
        %dma_start3A_478 = tpu.memref_slice %arg5[%dma_start3A_471, %dma_start3A_477] : memref<32x128xi32, #tpu.memory_space<vmem>> -> memref<1x128xi32, #tpu.memory_space<vmem>>
        %dma_start3A_479 = tpu.memref_squeeze %dma_start3A_478 : memref<1x128xi32, #tpu.memory_space<vmem>> -> memref<128xi32, #tpu.memory_space<vmem>>
        %dma_start3A_480 = arith.constant 0 : i32
        %dma_start3A_481 = tpu.memref_slice %arg2[%dma_start3A_480] : memref<1000000xf32, #tpu.memory_space<hbm>> -> memref<1000000xf32, #tpu.memory_space<hbm>>
        %dma_start3A_482 = tpu.memref_slice %arg8[%dma_start3A_473] : memref<2x!tpu.dma_semaphore, #tpu.memory_space<semaphore_mem>> -> memref<1x!tpu.dma_semaphore, #tpu.memory_space<semaphore_mem>>
        %dma_start3A_483 = tpu.memref_squeeze %dma_start3A_482 : memref<1x!tpu.dma_semaphore, #tpu.memory_space<semaphore_mem>> -> memref<!tpu.dma_semaphore, #tpu.memory_space<semaphore_mem>>
        tpu.enqueue_indirect_dma source(%dma_start3A_481 : memref<1000000xf32, #tpu.memory_space<hbm>>) target(%dma_start3A_476 : memref<128xf32, #tpu.memory_space<vmem>>) offsets(%dma_start3A_479 : memref<128xi32, #tpu.memory_space<vmem>>) semaphore(%dma_start3A_483 : memref<!tpu.dma_semaphore, #tpu.memory_space<semaphore_mem>>)
        %dma_start3A_484 = arith.constant 7 : i32
        %dma_start3A_485 = arith.constant 7 : i32
        %dma_start3A_486 = arith.constant 0 : i32
        %dma_start3A_487 = arith.constant 0 : i32
        %dma_start3A_488 = tpu.memref_slice %arg6[%dma_start3A_485, %dma_start3A_487] : memref<32x128xf32, #tpu.memory_space<vmem>> -> memref<1x128xf32, #tpu.memory_space<vmem>>
        %dma_start3A_489 = tpu.memref_squeeze %dma_start3A_488 : memref<1x128xf32, #tpu.memory_space<vmem>> -> memref<128xf32, #tpu.memory_space<vmem>>
        %dma_start3A_490 = arith.constant 0 : i32
        %dma_start3A_491 = tpu.memref_slice %arg5[%dma_start3A_484, %dma_start3A_490] : memref<32x128xi32, #tpu.memory_space<vmem>> -> memref<1x128xi32, #tpu.memory_space<vmem>>
        %dma_start3A_492 = tpu.memref_squeeze %dma_start3A_491 : memref<1x128xi32, #tpu.memory_space<vmem>> -> memref<128xi32, #tpu.memory_space<vmem>>
        %dma_start3A_493 = arith.constant 0 : i32
        %dma_start3A_494 = tpu.memref_slice %arg2[%dma_start3A_493] : memref<1000000xf32, #tpu.memory_space<hbm>> -> memref<1000000xf32, #tpu.memory_space<hbm>>
        %dma_start3A_495 = tpu.memref_slice %arg8[%dma_start3A_486] : memref<2x!tpu.dma_semaphore, #tpu.memory_space<semaphore_mem>> -> memref<1x!tpu.dma_semaphore, #tpu.memory_space<semaphore_mem>>
        %dma_start3A_496 = tpu.memref_squeeze %dma_start3A_495 : memref<1x!tpu.dma_semaphore, #tpu.memory_space<semaphore_mem>> -> memref<!tpu.dma_semaphore, #tpu.memory_space<semaphore_mem>>
        tpu.enqueue_indirect_dma source(%dma_start3A_494 : memref<1000000xf32, #tpu.memory_space<hbm>>) target(%dma_start3A_489 : memref<128xf32, #tpu.memory_space<vmem>>) offsets(%dma_start3A_492 : memref<128xi32, #tpu.memory_space<vmem>>) semaphore(%dma_start3A_496 : memref<!tpu.dma_semaphore, #tpu.memory_space<semaphore_mem>>)
        %dma_start3A_497 = arith.constant 8 : i32
        %dma_start3A_498 = arith.constant 8 : i32
        %dma_start3A_499 = arith.constant 0 : i32
        %dma_start3A_500 = arith.constant 0 : i32
        %dma_start3A_501 = tpu.memref_slice %arg6[%dma_start3A_498, %dma_start3A_500] : memref<32x128xf32, #tpu.memory_space<vmem>> -> memref<1x128xf32, #tpu.memory_space<vmem>>
        %dma_start3A_502 = tpu.memref_squeeze %dma_start3A_501 : memref<1x128xf32, #tpu.memory_space<vmem>> -> memref<128xf32, #tpu.memory_space<vmem>>
        %dma_start3A_503 = arith.constant 0 : i32
        %dma_start3A_504 = tpu.memref_slice %arg5[%dma_start3A_497, %dma_start3A_503] : memref<32x128xi32, #tpu.memory_space<vmem>> -> memref<1x128xi32, #tpu.memory_space<vmem>>
        %dma_start3A_505 = tpu.memref_squeeze %dma_start3A_504 : memref<1x128xi32, #tpu.memory_space<vmem>> -> memref<128xi32, #tpu.memory_space<vmem>>
        %dma_start3A_506 = arith.constant 0 : i32
        %dma_start3A_507 = tpu.memref_slice %arg2[%dma_start3A_506] : memref<1000000xf32, #tpu.memory_space<hbm>> -> memref<1000000xf32, #tpu.memory_space<hbm>>
        %dma_start3A_508 = tpu.memref_slice %arg8[%dma_start3A_499] : memref<2x!tpu.dma_semaphore, #tpu.memory_space<semaphore_mem>> -> memref<1x!tpu.dma_semaphore, #tpu.memory_space<semaphore_mem>>
        %dma_start3A_509 = tpu.memref_squeeze %dma_start3A_508 : memref<1x!tpu.dma_semaphore, #tpu.memory_space<semaphore_mem>> -> memref<!tpu.dma_semaphore, #tpu.memory_space<semaphore_mem>>
        tpu.enqueue_indirect_dma source(%dma_start3A_507 : memref<1000000xf32, #tpu.memory_space<hbm>>) target(%dma_start3A_502 : memref<128xf32, #tpu.memory_space<vmem>>) offsets(%dma_start3A_505 : memref<128xi32, #tpu.memory_space<vmem>>) semaphore(%dma_start3A_509 : memref<!tpu.dma_semaphore, #tpu.memory_space<semaphore_mem>>)
        %dma_start3A_510 = arith.constant 9 : i32
        %dma_start3A_511 = arith.constant 9 : i32
        %dma_start3A_512 = arith.constant 0 : i32
        %dma_start3A_513 = arith.constant 0 : i32
        %dma_start3A_514 = tpu.memref_slice %arg6[%dma_start3A_511, %dma_start3A_513] : memref<32x128xf32, #tpu.memory_space<vmem>> -> memref<1x128xf32, #tpu.memory_space<vmem>>
        %dma_start3A_515 = tpu.memref_squeeze %dma_start3A_514 : memref<1x128xf32, #tpu.memory_space<vmem>> -> memref<128xf32, #tpu.memory_space<vmem>>
        %dma_start3A_516 = arith.constant 0 : i32
        %dma_start3A_517 = tpu.memref_slice %arg5[%dma_start3A_510, %dma_start3A_516] : memref<32x128xi32, #tpu.memory_space<vmem>> -> memref<1x128xi32, #tpu.memory_space<vmem>>
        %dma_start3A_518 = tpu.memref_squeeze %dma_start3A_517 : memref<1x128xi32, #tpu.memory_space<vmem>> -> memref<128xi32, #tpu.memory_space<vmem>>
        %dma_start3A_519 = arith.constant 0 : i32
        %dma_start3A_520 = tpu.memref_slice %arg2[%dma_start3A_519] : memref<1000000xf32, #tpu.memory_space<hbm>> -> memref<1000000xf32, #tpu.memory_space<hbm>>
        %dma_start3A_521 = tpu.memref_slice %arg8[%dma_start3A_512] : memref<2x!tpu.dma_semaphore, #tpu.memory_space<semaphore_mem>> -> memref<1x!tpu.dma_semaphore, #tpu.memory_space<semaphore_mem>>
        %dma_start3A_522 = tpu.memref_squeeze %dma_start3A_521 : memref<1x!tpu.dma_semaphore, #tpu.memory_space<semaphore_mem>> -> memref<!tpu.dma_semaphore, #tpu.memory_space<semaphore_mem>>
        tpu.enqueue_indirect_dma source(%dma_start3A_520 : memref<1000000xf32, #tpu.memory_space<hbm>>) target(%dma_start3A_515 : memref<128xf32, #tpu.memory_space<vmem>>) offsets(%dma_start3A_518 : memref<128xi32, #tpu.memory_space<vmem>>) semaphore(%dma_start3A_522 : memref<!tpu.dma_semaphore, #tpu.memory_space<semaphore_mem>>)
        %dma_start3A_523 = arith.constant 10 : i32
        %dma_start3A_524 = arith.constant 10 : i32
        %dma_start3A_525 = arith.constant 0 : i32
        %dma_start3A_526 = arith.constant 0 : i32
        %dma_start3A_527 = tpu.memref_slice %arg6[%dma_start3A_524, %dma_start3A_526] : memref<32x128xf32, #tpu.memory_space<vmem>> -> memref<1x128xf32, #tpu.memory_space<vmem>>
        %dma_start3A_528 = tpu.memref_squeeze %dma_start3A_527 : memref<1x128xf32, #tpu.memory_space<vmem>> -> memref<128xf32, #tpu.memory_space<vmem>>
        %dma_start3A_529 = arith.constant 0 : i32
        %dma_start3A_530 = tpu.memref_slice %arg5[%dma_start3A_523, %dma_start3A_529] : memref<32x128xi32, #tpu.memory_space<vmem>> -> memref<1x128xi32, #tpu.memory_space<vmem>>
        %dma_start3A_531 = tpu.memref_squeeze %dma_start3A_530 : memref<1x128xi32, #tpu.memory_space<vmem>> -> memref<128xi32, #tpu.memory_space<vmem>>
        %dma_start3A_532 = arith.constant 0 : i32
        %dma_start3A_533 = tpu.memref_slice %arg2[%dma_start3A_532] : memref<1000000xf32, #tpu.memory_space<hbm>> -> memref<1000000xf32, #tpu.memory_space<hbm>>
        %dma_start3A_534 = tpu.memref_slice %arg8[%dma_start3A_525] : memref<2x!tpu.dma_semaphore, #tpu.memory_space<semaphore_mem>> -> memref<1x!tpu.dma_semaphore, #tpu.memory_space<semaphore_mem>>
        %dma_start3A_535 = tpu.memref_squeeze %dma_start3A_534 : memref<1x!tpu.dma_semaphore, #tpu.memory_space<semaphore_mem>> -> memref<!tpu.dma_semaphore, #tpu.memory_space<semaphore_mem>>
        tpu.enqueue_indirect_dma source(%dma_start3A_533 : memref<1000000xf32, #tpu.memory_space<hbm>>) target(%dma_start3A_528 : memref<128xf32, #tpu.memory_space<vmem>>) offsets(%dma_start3A_531 : memref<128xi32, #tpu.memory_space<vmem>>) semaphore(%dma_start3A_535 : memref<!tpu.dma_semaphore, #tpu.memory_space<semaphore_mem>>)
        %dma_start3A_536 = arith.constant 11 : i32
        %dma_start3A_537 = arith.constant 11 : i32
        %dma_start3A_538 = arith.constant 0 : i32
        %dma_start3A_539 = arith.constant 0 : i32
        %dma_start3A_540 = tpu.memref_slice %arg6[%dma_start3A_537, %dma_start3A_539] : memref<32x128xf32, #tpu.memory_space<vmem>> -> memref<1x128xf32, #tpu.memory_space<vmem>>
        %dma_start3A_541 = tpu.memref_squeeze %dma_start3A_540 : memref<1x128xf32, #tpu.memory_space<vmem>> -> memref<128xf32, #tpu.memory_space<vmem>>
        %dma_start3A_542 = arith.constant 0 : i32
        %dma_start3A_543 = tpu.memref_slice %arg5[%dma_start3A_536, %dma_start3A_542] : memref<32x128xi32, #tpu.memory_space<vmem>> -> memref<1x128xi32, #tpu.memory_space<vmem>>
        %dma_start3A_544 = tpu.memref_squeeze %dma_start3A_543 : memref<1x128xi32, #tpu.memory_space<vmem>> -> memref<128xi32, #tpu.memory_space<vmem>>
        %dma_start3A_545 = arith.constant 0 : i32
        %dma_start3A_546 = tpu.memref_slice %arg2[%dma_start3A_545] : memref<1000000xf32, #tpu.memory_space<hbm>> -> memref<1000000xf32, #tpu.memory_space<hbm>>
        %dma_start3A_547 = tpu.memref_slice %arg8[%dma_start3A_538] : memref<2x!tpu.dma_semaphore, #tpu.memory_space<semaphore_mem>> -> memref<1x!tpu.dma_semaphore, #tpu.memory_space<semaphore_mem>>
        %dma_start3A_548 = tpu.memref_squeeze %dma_start3A_547 : memref<1x!tpu.dma_semaphore, #tpu.memory_space<semaphore_mem>> -> memref<!tpu.dma_semaphore, #tpu.memory_space<semaphore_mem>>
        tpu.enqueue_indirect_dma source(%dma_start3A_546 : memref<1000000xf32, #tpu.memory_space<hbm>>) target(%dma_start3A_541 : memref<128xf32, #tpu.memory_space<vmem>>) offsets(%dma_start3A_544 : memref<128xi32, #tpu.memory_space<vmem>>) semaphore(%dma_start3A_548 : memref<!tpu.dma_semaphore, #tpu.memory_space<semaphore_mem>>)
        %dma_start3A_549 = arith.constant 12 : i32
        %dma_start3A_550 = arith.constant 12 : i32
        %dma_start3A_551 = arith.constant 0 : i32
        %dma_start3A_552 = arith.constant 0 : i32
        %dma_start3A_553 = tpu.memref_slice %arg6[%dma_start3A_550, %dma_start3A_552] : memref<32x128xf32, #tpu.memory_space<vmem>> -> memref<1x128xf32, #tpu.memory_space<vmem>>
        %dma_start3A_554 = tpu.memref_squeeze %dma_start3A_553 : memref<1x128xf32, #tpu.memory_space<vmem>> -> memref<128xf32, #tpu.memory_space<vmem>>
        %dma_start3A_555 = arith.constant 0 : i32
        %dma_start3A_556 = tpu.memref_slice %arg5[%dma_start3A_549, %dma_start3A_555] : memref<32x128xi32, #tpu.memory_space<vmem>> -> memref<1x128xi32, #tpu.memory_space<vmem>>
        %dma_start3A_557 = tpu.memref_squeeze %dma_start3A_556 : memref<1x128xi32, #tpu.memory_space<vmem>> -> memref<128xi32, #tpu.memory_space<vmem>>
        %dma_start3A_558 = arith.constant 0 : i32
        %dma_start3A_559 = tpu.memref_slice %arg2[%dma_start3A_558] : memref<1000000xf32, #tpu.memory_space<hbm>> -> memref<1000000xf32, #tpu.memory_space<hbm>>
        %dma_start3A_560 = tpu.memref_slice %arg8[%dma_start3A_551] : memref<2x!tpu.dma_semaphore, #tpu.memory_space<semaphore_mem>> -> memref<1x!tpu.dma_semaphore, #tpu.memory_space<semaphore_mem>>
        %dma_start3A_561 = tpu.memref_squeeze %dma_start3A_560 : memref<1x!tpu.dma_semaphore, #tpu.memory_space<semaphore_mem>> -> memref<!tpu.dma_semaphore, #tpu.memory_space<semaphore_mem>>
        tpu.enqueue_indirect_dma source(%dma_start3A_559 : memref<1000000xf32, #tpu.memory_space<hbm>>) target(%dma_start3A_554 : memref<128xf32, #tpu.memory_space<vmem>>) offsets(%dma_start3A_557 : memref<128xi32, #tpu.memory_space<vmem>>) semaphore(%dma_start3A_561 : memref<!tpu.dma_semaphore, #tpu.memory_space<semaphore_mem>>)
        %dma_start3A_562 = arith.constant 13 : i32
        %dma_start3A_563 = arith.constant 13 : i32
        %dma_start3A_564 = arith.constant 0 : i32
        %dma_start3A_565 = arith.constant 0 : i32
        %dma_start3A_566 = tpu.memref_slice %arg6[%dma_start3A_563, %dma_start3A_565] : memref<32x128xf32, #tpu.memory_space<vmem>> -> memref<1x128xf32, #tpu.memory_space<vmem>>
        %dma_start3A_567 = tpu.memref_squeeze %dma_start3A_566 : memref<1x128xf32, #tpu.memory_space<vmem>> -> memref<128xf32, #tpu.memory_space<vmem>>
        %dma_start3A_568 = arith.constant 0 : i32
        %dma_start3A_569 = tpu.memref_slice %arg5[%dma_start3A_562, %dma_start3A_568] : memref<32x128xi32, #tpu.memory_space<vmem>> -> memref<1x128xi32, #tpu.memory_space<vmem>>
        %dma_start3A_570 = tpu.memref_squeeze %dma_start3A_569 : memref<1x128xi32, #tpu.memory_space<vmem>> -> memref<128xi32, #tpu.memory_space<vmem>>
        %dma_start3A_571 = arith.constant 0 : i32
        %dma_start3A_572 = tpu.memref_slice %arg2[%dma_start3A_571] : memref<1000000xf32, #tpu.memory_space<hbm>> -> memref<1000000xf32, #tpu.memory_space<hbm>>
        %dma_start3A_573 = tpu.memref_slice %arg8[%dma_start3A_564] : memref<2x!tpu.dma_semaphore, #tpu.memory_space<semaphore_mem>> -> memref<1x!tpu.dma_semaphore, #tpu.memory_space<semaphore_mem>>
        %dma_start3A_574 = tpu.memref_squeeze %dma_start3A_573 : memref<1x!tpu.dma_semaphore, #tpu.memory_space<semaphore_mem>> -> memref<!tpu.dma_semaphore, #tpu.memory_space<semaphore_mem>>
        tpu.enqueue_indirect_dma source(%dma_start3A_572 : memref<1000000xf32, #tpu.memory_space<hbm>>) target(%dma_start3A_567 : memref<128xf32, #tpu.memory_space<vmem>>) offsets(%dma_start3A_570 : memref<128xi32, #tpu.memory_space<vmem>>) semaphore(%dma_start3A_574 : memref<!tpu.dma_semaphore, #tpu.memory_space<semaphore_mem>>)
        %dma_start3A_575 = arith.constant 14 : i32
        %dma_start3A_576 = arith.constant 14 : i32
        %dma_start3A_577 = arith.constant 0 : i32
        %dma_start3A_578 = arith.constant 0 : i32
        %dma_start3A_579 = tpu.memref_slice %arg6[%dma_start3A_576, %dma_start3A_578] : memref<32x128xf32, #tpu.memory_space<vmem>> -> memref<1x128xf32, #tpu.memory_space<vmem>>
        %dma_start3A_580 = tpu.memref_squeeze %dma_start3A_579 : memref<1x128xf32, #tpu.memory_space<vmem>> -> memref<128xf32, #tpu.memory_space<vmem>>
        %dma_start3A_581 = arith.constant 0 : i32
        %dma_start3A_582 = tpu.memref_slice %arg5[%dma_start3A_575, %dma_start3A_581] : memref<32x128xi32, #tpu.memory_space<vmem>> -> memref<1x128xi32, #tpu.memory_space<vmem>>
        %dma_start3A_583 = tpu.memref_squeeze %dma_start3A_582 : memref<1x128xi32, #tpu.memory_space<vmem>> -> memref<128xi32, #tpu.memory_space<vmem>>
        %dma_start3A_584 = arith.constant 0 : i32
        %dma_start3A_585 = tpu.memref_slice %arg2[%dma_start3A_584] : memref<1000000xf32, #tpu.memory_space<hbm>> -> memref<1000000xf32, #tpu.memory_space<hbm>>
        %dma_start3A_586 = tpu.memref_slice %arg8[%dma_start3A_577] : memref<2x!tpu.dma_semaphore, #tpu.memory_space<semaphore_mem>> -> memref<1x!tpu.dma_semaphore, #tpu.memory_space<semaphore_mem>>
        %dma_start3A_587 = tpu.memref_squeeze %dma_start3A_586 : memref<1x!tpu.dma_semaphore, #tpu.memory_space<semaphore_mem>> -> memref<!tpu.dma_semaphore, #tpu.memory_space<semaphore_mem>>
        tpu.enqueue_indirect_dma source(%dma_start3A_585 : memref<1000000xf32, #tpu.memory_space<hbm>>) target(%dma_start3A_580 : memref<128xf32, #tpu.memory_space<vmem>>) offsets(%dma_start3A_583 : memref<128xi32, #tpu.memory_space<vmem>>) semaphore(%dma_start3A_587 : memref<!tpu.dma_semaphore, #tpu.memory_space<semaphore_mem>>)
        %dma_start3A_588 = arith.constant 15 : i32
        %dma_start3A_589 = arith.constant 15 : i32
        %dma_start3A_590 = arith.constant 0 : i32
        %dma_start3A_591 = arith.constant 0 : i32
        %dma_start3A_592 = tpu.memref_slice %arg6[%dma_start3A_589, %dma_start3A_591] : memref<32x128xf32, #tpu.memory_space<vmem>> -> memref<1x128xf32, #tpu.memory_space<vmem>>
        %dma_start3A_593 = tpu.memref_squeeze %dma_start3A_592 : memref<1x128xf32, #tpu.memory_space<vmem>> -> memref<128xf32, #tpu.memory_space<vmem>>
        %dma_start3A_594 = arith.constant 0 : i32
        %dma_start3A_595 = tpu.memref_slice %arg5[%dma_start3A_588, %dma_start3A_594] : memref<32x128xi32, #tpu.memory_space<vmem>> -> memref<1x128xi32, #tpu.memory_space<vmem>>
        %dma_start3A_596 = tpu.memref_squeeze %dma_start3A_595 : memref<1x128xi32, #tpu.memory_space<vmem>> -> memref<128xi32, #tpu.memory_space<vmem>>
        %dma_start3A_597 = arith.constant 0 : i32
        %dma_start3A_598 = tpu.memref_slice %arg2[%dma_start3A_597] : memref<1000000xf32, #tpu.memory_space<hbm>> -> memref<1000000xf32, #tpu.memory_space<hbm>>
        %dma_start3A_599 = tpu.memref_slice %arg8[%dma_start3A_590] : memref<2x!tpu.dma_semaphore, #tpu.memory_space<semaphore_mem>> -> memref<1x!tpu.dma_semaphore, #tpu.memory_space<semaphore_mem>>
        %dma_start3A_600 = tpu.memref_squeeze %dma_start3A_599 : memref<1x!tpu.dma_semaphore, #tpu.memory_space<semaphore_mem>> -> memref<!tpu.dma_semaphore, #tpu.memory_space<semaphore_mem>>
        tpu.enqueue_indirect_dma source(%dma_start3A_598 : memref<1000000xf32, #tpu.memory_space<hbm>>) target(%dma_start3A_593 : memref<128xf32, #tpu.memory_space<vmem>>) offsets(%dma_start3A_596 : memref<128xi32, #tpu.memory_space<vmem>>) semaphore(%dma_start3A_600 : memref<!tpu.dma_semaphore, #tpu.memory_space<semaphore_mem>>)
      } else {
      }
      %eq3A_298 = arith.constant 1 : i32
      %eq3A_299 = arith.cmpi eq, %rem3A_275, %eq3A_298 : i32
      %convert_element_type3A_300 = arith.extui %eq3A_299 : i1 to i32
      %cond3A_301 = arith.constant 0 : i32
      %cond3A_302 = arith.cmpi ne, %convert_element_type3A_300, %cond3A_301 : i32
      scf.if %cond3A_302 {
        %dma_start3A_393 = arith.constant 16 : i32
        %dma_start3A_394 = arith.constant 16 : i32
        %dma_start3A_395 = arith.constant 1 : i32
        %dma_start3A_396 = arith.constant 0 : i32
        %dma_start3A_397 = tpu.memref_slice %arg6[%dma_start3A_394, %dma_start3A_396] : memref<32x128xf32, #tpu.memory_space<vmem>> -> memref<1x128xf32, #tpu.memory_space<vmem>>
        %dma_start3A_398 = tpu.memref_squeeze %dma_start3A_397 : memref<1x128xf32, #tpu.memory_space<vmem>> -> memref<128xf32, #tpu.memory_space<vmem>>
        %dma_start3A_399 = arith.constant 0 : i32
        %dma_start3A_400 = tpu.memref_slice %arg5[%dma_start3A_393, %dma_start3A_399] : memref<32x128xi32, #tpu.memory_space<vmem>> -> memref<1x128xi32, #tpu.memory_space<vmem>>
        %dma_start3A_401 = tpu.memref_squeeze %dma_start3A_400 : memref<1x128xi32, #tpu.memory_space<vmem>> -> memref<128xi32, #tpu.memory_space<vmem>>
        %dma_start3A_402 = arith.constant 0 : i32
        %dma_start3A_403 = tpu.memref_slice %arg2[%dma_start3A_402] : memref<1000000xf32, #tpu.memory_space<hbm>> -> memref<1000000xf32, #tpu.memory_space<hbm>>
        %dma_start3A_404 = tpu.memref_slice %arg8[%dma_start3A_395] : memref<2x!tpu.dma_semaphore, #tpu.memory_space<semaphore_mem>> -> memref<1x!tpu.dma_semaphore, #tpu.memory_space<semaphore_mem>>
        %dma_start3A_405 = tpu.memref_squeeze %dma_start3A_404 : memref<1x!tpu.dma_semaphore, #tpu.memory_space<semaphore_mem>> -> memref<!tpu.dma_semaphore, #tpu.memory_space<semaphore_mem>>
        tpu.enqueue_indirect_dma source(%dma_start3A_403 : memref<1000000xf32, #tpu.memory_space<hbm>>) target(%dma_start3A_398 : memref<128xf32, #tpu.memory_space<vmem>>) offsets(%dma_start3A_401 : memref<128xi32, #tpu.memory_space<vmem>>) semaphore(%dma_start3A_405 : memref<!tpu.dma_semaphore, #tpu.memory_space<semaphore_mem>>)
        %dma_start3A_406 = arith.constant 17 : i32
        %dma_start3A_407 = arith.constant 17 : i32
        %dma_start3A_408 = arith.constant 1 : i32
        %dma_start3A_409 = arith.constant 0 : i32
        %dma_start3A_410 = tpu.memref_slice %arg6[%dma_start3A_407, %dma_start3A_409] : memref<32x128xf32, #tpu.memory_space<vmem>> -> memref<1x128xf32, #tpu.memory_space<vmem>>
        %dma_start3A_411 = tpu.memref_squeeze %dma_start3A_410 : memref<1x128xf32, #tpu.memory_space<vmem>> -> memref<128xf32, #tpu.memory_space<vmem>>
        %dma_start3A_412 = arith.constant 0 : i32
        %dma_start3A_413 = tpu.memref_slice %arg5[%dma_start3A_406, %dma_start3A_412] : memref<32x128xi32, #tpu.memory_space<vmem>> -> memref<1x128xi32, #tpu.memory_space<vmem>>
        %dma_start3A_414 = tpu.memref_squeeze %dma_start3A_413 : memref<1x128xi32, #tpu.memory_space<vmem>> -> memref<128xi32, #tpu.memory_space<vmem>>
        %dma_start3A_415 = arith.constant 0 : i32
        %dma_start3A_416 = tpu.memref_slice %arg2[%dma_start3A_415] : memref<1000000xf32, #tpu.memory_space<hbm>> -> memref<1000000xf32, #tpu.memory_space<hbm>>
        %dma_start3A_417 = tpu.memref_slice %arg8[%dma_start3A_408] : memref<2x!tpu.dma_semaphore, #tpu.memory_space<semaphore_mem>> -> memref<1x!tpu.dma_semaphore, #tpu.memory_space<semaphore_mem>>
        %dma_start3A_418 = tpu.memref_squeeze %dma_start3A_417 : memref<1x!tpu.dma_semaphore, #tpu.memory_space<semaphore_mem>> -> memref<!tpu.dma_semaphore, #tpu.memory_space<semaphore_mem>>
        tpu.enqueue_indirect_dma source(%dma_start3A_416 : memref<1000000xf32, #tpu.memory_space<hbm>>) target(%dma_start3A_411 : memref<128xf32, #tpu.memory_space<vmem>>) offsets(%dma_start3A_414 : memref<128xi32, #tpu.memory_space<vmem>>) semaphore(%dma_start3A_418 : memref<!tpu.dma_semaphore, #tpu.memory_space<semaphore_mem>>)
        %dma_start3A_419 = arith.constant 18 : i32
        %dma_start3A_420 = arith.constant 18 : i32
        %dma_start3A_421 = arith.constant 1 : i32
        %dma_start3A_422 = arith.constant 0 : i32
        %dma_start3A_423 = tpu.memref_slice %arg6[%dma_start3A_420, %dma_start3A_422] : memref<32x128xf32, #tpu.memory_space<vmem>> -> memref<1x128xf32, #tpu.memory_space<vmem>>
        %dma_start3A_424 = tpu.memref_squeeze %dma_start3A_423 : memref<1x128xf32, #tpu.memory_space<vmem>> -> memref<128xf32, #tpu.memory_space<vmem>>
        %dma_start3A_425 = arith.constant 0 : i32
        %dma_start3A_426 = tpu.memref_slice %arg5[%dma_start3A_419, %dma_start3A_425] : memref<32x128xi32, #tpu.memory_space<vmem>> -> memref<1x128xi32, #tpu.memory_space<vmem>>
        %dma_start3A_427 = tpu.memref_squeeze %dma_start3A_426 : memref<1x128xi32, #tpu.memory_space<vmem>> -> memref<128xi32, #tpu.memory_space<vmem>>
        %dma_start3A_428 = arith.constant 0 : i32
        %dma_start3A_429 = tpu.memref_slice %arg2[%dma_start3A_428] : memref<1000000xf32, #tpu.memory_space<hbm>> -> memref<1000000xf32, #tpu.memory_space<hbm>>
        %dma_start3A_430 = tpu.memref_slice %arg8[%dma_start3A_421] : memref<2x!tpu.dma_semaphore, #tpu.memory_space<semaphore_mem>> -> memref<1x!tpu.dma_semaphore, #tpu.memory_space<semaphore_mem>>
        %dma_start3A_431 = tpu.memref_squeeze %dma_start3A_430 : memref<1x!tpu.dma_semaphore, #tpu.memory_space<semaphore_mem>> -> memref<!tpu.dma_semaphore, #tpu.memory_space<semaphore_mem>>
        tpu.enqueue_indirect_dma source(%dma_start3A_429 : memref<1000000xf32, #tpu.memory_space<hbm>>) target(%dma_start3A_424 : memref<128xf32, #tpu.memory_space<vmem>>) offsets(%dma_start3A_427 : memref<128xi32, #tpu.memory_space<vmem>>) semaphore(%dma_start3A_431 : memref<!tpu.dma_semaphore, #tpu.memory_space<semaphore_mem>>)
        %dma_start3A_432 = arith.constant 19 : i32
        %dma_start3A_433 = arith.constant 19 : i32
        %dma_start3A_434 = arith.constant 1 : i32
        %dma_start3A_435 = arith.constant 0 : i32
        %dma_start3A_436 = tpu.memref_slice %arg6[%dma_start3A_433, %dma_start3A_435] : memref<32x128xf32, #tpu.memory_space<vmem>> -> memref<1x128xf32, #tpu.memory_space<vmem>>
        %dma_start3A_437 = tpu.memref_squeeze %dma_start3A_436 : memref<1x128xf32, #tpu.memory_space<vmem>> -> memref<128xf32, #tpu.memory_space<vmem>>
        %dma_start3A_438 = arith.constant 0 : i32
        %dma_start3A_439 = tpu.memref_slice %arg5[%dma_start3A_432, %dma_start3A_438] : memref<32x128xi32, #tpu.memory_space<vmem>> -> memref<1x128xi32, #tpu.memory_space<vmem>>
        %dma_start3A_440 = tpu.memref_squeeze %dma_start3A_439 : memref<1x128xi32, #tpu.memory_space<vmem>> -> memref<128xi32, #tpu.memory_space<vmem>>
        %dma_start3A_441 = arith.constant 0 : i32
        %dma_start3A_442 = tpu.memref_slice %arg2[%dma_start3A_441] : memref<1000000xf32, #tpu.memory_space<hbm>> -> memref<1000000xf32, #tpu.memory_space<hbm>>
        %dma_start3A_443 = tpu.memref_slice %arg8[%dma_start3A_434] : memref<2x!tpu.dma_semaphore, #tpu.memory_space<semaphore_mem>> -> memref<1x!tpu.dma_semaphore, #tpu.memory_space<semaphore_mem>>
        %dma_start3A_444 = tpu.memref_squeeze %dma_start3A_443 : memref<1x!tpu.dma_semaphore, #tpu.memory_space<semaphore_mem>> -> memref<!tpu.dma_semaphore, #tpu.memory_space<semaphore_mem>>
        tpu.enqueue_indirect_dma source(%dma_start3A_442 : memref<1000000xf32, #tpu.memory_space<hbm>>) target(%dma_start3A_437 : memref<128xf32, #tpu.memory_space<vmem>>) offsets(%dma_start3A_440 : memref<128xi32, #tpu.memory_space<vmem>>) semaphore(%dma_start3A_444 : memref<!tpu.dma_semaphore, #tpu.memory_space<semaphore_mem>>)
        %dma_start3A_445 = arith.constant 20 : i32
        %dma_start3A_446 = arith.constant 20 : i32
        %dma_start3A_447 = arith.constant 1 : i32
        %dma_start3A_448 = arith.constant 0 : i32
        %dma_start3A_449 = tpu.memref_slice %arg6[%dma_start3A_446, %dma_start3A_448] : memref<32x128xf32, #tpu.memory_space<vmem>> -> memref<1x128xf32, #tpu.memory_space<vmem>>
        %dma_start3A_450 = tpu.memref_squeeze %dma_start3A_449 : memref<1x128xf32, #tpu.memory_space<vmem>> -> memref<128xf32, #tpu.memory_space<vmem>>
        %dma_start3A_451 = arith.constant 0 : i32
        %dma_start3A_452 = tpu.memref_slice %arg5[%dma_start3A_445, %dma_start3A_451] : memref<32x128xi32, #tpu.memory_space<vmem>> -> memref<1x128xi32, #tpu.memory_space<vmem>>
        %dma_start3A_453 = tpu.memref_squeeze %dma_start3A_452 : memref<1x128xi32, #tpu.memory_space<vmem>> -> memref<128xi32, #tpu.memory_space<vmem>>
        %dma_start3A_454 = arith.constant 0 : i32
        %dma_start3A_455 = tpu.memref_slice %arg2[%dma_start3A_454] : memref<1000000xf32, #tpu.memory_space<hbm>> -> memref<1000000xf32, #tpu.memory_space<hbm>>
        %dma_start3A_456 = tpu.memref_slice %arg8[%dma_start3A_447] : memref<2x!tpu.dma_semaphore, #tpu.memory_space<semaphore_mem>> -> memref<1x!tpu.dma_semaphore, #tpu.memory_space<semaphore_mem>>
        %dma_start3A_457 = tpu.memref_squeeze %dma_start3A_456 : memref<1x!tpu.dma_semaphore, #tpu.memory_space<semaphore_mem>> -> memref<!tpu.dma_semaphore, #tpu.memory_space<semaphore_mem>>
        tpu.enqueue_indirect_dma source(%dma_start3A_455 : memref<1000000xf32, #tpu.memory_space<hbm>>) target(%dma_start3A_450 : memref<128xf32, #tpu.memory_space<vmem>>) offsets(%dma_start3A_453 : memref<128xi32, #tpu.memory_space<vmem>>) semaphore(%dma_start3A_457 : memref<!tpu.dma_semaphore, #tpu.memory_space<semaphore_mem>>)
        %dma_start3A_458 = arith.constant 21 : i32
        %dma_start3A_459 = arith.constant 21 : i32
        %dma_start3A_460 = arith.constant 1 : i32
        %dma_start3A_461 = arith.constant 0 : i32
        %dma_start3A_462 = tpu.memref_slice %arg6[%dma_start3A_459, %dma_start3A_461] : memref<32x128xf32, #tpu.memory_space<vmem>> -> memref<1x128xf32, #tpu.memory_space<vmem>>
        %dma_start3A_463 = tpu.memref_squeeze %dma_start3A_462 : memref<1x128xf32, #tpu.memory_space<vmem>> -> memref<128xf32, #tpu.memory_space<vmem>>
        %dma_start3A_464 = arith.constant 0 : i32
        %dma_start3A_465 = tpu.memref_slice %arg5[%dma_start3A_458, %dma_start3A_464] : memref<32x128xi32, #tpu.memory_space<vmem>> -> memref<1x128xi32, #tpu.memory_space<vmem>>
        %dma_start3A_466 = tpu.memref_squeeze %dma_start3A_465 : memref<1x128xi32, #tpu.memory_space<vmem>> -> memref<128xi32, #tpu.memory_space<vmem>>
        %dma_start3A_467 = arith.constant 0 : i32
        %dma_start3A_468 = tpu.memref_slice %arg2[%dma_start3A_467] : memref<1000000xf32, #tpu.memory_space<hbm>> -> memref<1000000xf32, #tpu.memory_space<hbm>>
        %dma_start3A_469 = tpu.memref_slice %arg8[%dma_start3A_460] : memref<2x!tpu.dma_semaphore, #tpu.memory_space<semaphore_mem>> -> memref<1x!tpu.dma_semaphore, #tpu.memory_space<semaphore_mem>>
        %dma_start3A_470 = tpu.memref_squeeze %dma_start3A_469 : memref<1x!tpu.dma_semaphore, #tpu.memory_space<semaphore_mem>> -> memref<!tpu.dma_semaphore, #tpu.memory_space<semaphore_mem>>
        tpu.enqueue_indirect_dma source(%dma_start3A_468 : memref<1000000xf32, #tpu.memory_space<hbm>>) target(%dma_start3A_463 : memref<128xf32, #tpu.memory_space<vmem>>) offsets(%dma_start3A_466 : memref<128xi32, #tpu.memory_space<vmem>>) semaphore(%dma_start3A_470 : memref<!tpu.dma_semaphore, #tpu.memory_space<semaphore_mem>>)
        %dma_start3A_471 = arith.constant 22 : i32
        %dma_start3A_472 = arith.constant 22 : i32
        %dma_start3A_473 = arith.constant 1 : i32
        %dma_start3A_474 = arith.constant 0 : i32
        %dma_start3A_475 = tpu.memref_slice %arg6[%dma_start3A_472, %dma_start3A_474] : memref<32x128xf32, #tpu.memory_space<vmem>> -> memref<1x128xf32, #tpu.memory_space<vmem>>
        %dma_start3A_476 = tpu.memref_squeeze %dma_start3A_475 : memref<1x128xf32, #tpu.memory_space<vmem>> -> memref<128xf32, #tpu.memory_space<vmem>>
        %dma_start3A_477 = arith.constant 0 : i32
        %dma_start3A_478 = tpu.memref_slice %arg5[%dma_start3A_471, %dma_start3A_477] : memref<32x128xi32, #tpu.memory_space<vmem>> -> memref<1x128xi32, #tpu.memory_space<vmem>>
        %dma_start3A_479 = tpu.memref_squeeze %dma_start3A_478 : memref<1x128xi32, #tpu.memory_space<vmem>> -> memref<128xi32, #tpu.memory_space<vmem>>
        %dma_start3A_480 = arith.constant 0 : i32
        %dma_start3A_481 = tpu.memref_slice %arg2[%dma_start3A_480] : memref<1000000xf32, #tpu.memory_space<hbm>> -> memref<1000000xf32, #tpu.memory_space<hbm>>
        %dma_start3A_482 = tpu.memref_slice %arg8[%dma_start3A_473] : memref<2x!tpu.dma_semaphore, #tpu.memory_space<semaphore_mem>> -> memref<1x!tpu.dma_semaphore, #tpu.memory_space<semaphore_mem>>
        %dma_start3A_483 = tpu.memref_squeeze %dma_start3A_482 : memref<1x!tpu.dma_semaphore, #tpu.memory_space<semaphore_mem>> -> memref<!tpu.dma_semaphore, #tpu.memory_space<semaphore_mem>>
        tpu.enqueue_indirect_dma source(%dma_start3A_481 : memref<1000000xf32, #tpu.memory_space<hbm>>) target(%dma_start3A_476 : memref<128xf32, #tpu.memory_space<vmem>>) offsets(%dma_start3A_479 : memref<128xi32, #tpu.memory_space<vmem>>) semaphore(%dma_start3A_483 : memref<!tpu.dma_semaphore, #tpu.memory_space<semaphore_mem>>)
        %dma_start3A_484 = arith.constant 23 : i32
        %dma_start3A_485 = arith.constant 23 : i32
        %dma_start3A_486 = arith.constant 1 : i32
        %dma_start3A_487 = arith.constant 0 : i32
        %dma_start3A_488 = tpu.memref_slice %arg6[%dma_start3A_485, %dma_start3A_487] : memref<32x128xf32, #tpu.memory_space<vmem>> -> memref<1x128xf32, #tpu.memory_space<vmem>>
        %dma_start3A_489 = tpu.memref_squeeze %dma_start3A_488 : memref<1x128xf32, #tpu.memory_space<vmem>> -> memref<128xf32, #tpu.memory_space<vmem>>
        %dma_start3A_490 = arith.constant 0 : i32
        %dma_start3A_491 = tpu.memref_slice %arg5[%dma_start3A_484, %dma_start3A_490] : memref<32x128xi32, #tpu.memory_space<vmem>> -> memref<1x128xi32, #tpu.memory_space<vmem>>
        %dma_start3A_492 = tpu.memref_squeeze %dma_start3A_491 : memref<1x128xi32, #tpu.memory_space<vmem>> -> memref<128xi32, #tpu.memory_space<vmem>>
        %dma_start3A_493 = arith.constant 0 : i32
        %dma_start3A_494 = tpu.memref_slice %arg2[%dma_start3A_493] : memref<1000000xf32, #tpu.memory_space<hbm>> -> memref<1000000xf32, #tpu.memory_space<hbm>>
        %dma_start3A_495 = tpu.memref_slice %arg8[%dma_start3A_486] : memref<2x!tpu.dma_semaphore, #tpu.memory_space<semaphore_mem>> -> memref<1x!tpu.dma_semaphore, #tpu.memory_space<semaphore_mem>>
        %dma_start3A_496 = tpu.memref_squeeze %dma_start3A_495 : memref<1x!tpu.dma_semaphore, #tpu.memory_space<semaphore_mem>> -> memref<!tpu.dma_semaphore, #tpu.memory_space<semaphore_mem>>
        tpu.enqueue_indirect_dma source(%dma_start3A_494 : memref<1000000xf32, #tpu.memory_space<hbm>>) target(%dma_start3A_489 : memref<128xf32, #tpu.memory_space<vmem>>) offsets(%dma_start3A_492 : memref<128xi32, #tpu.memory_space<vmem>>) semaphore(%dma_start3A_496 : memref<!tpu.dma_semaphore, #tpu.memory_space<semaphore_mem>>)
        %dma_start3A_497 = arith.constant 24 : i32
        %dma_start3A_498 = arith.constant 24 : i32
        %dma_start3A_499 = arith.constant 1 : i32
        %dma_start3A_500 = arith.constant 0 : i32
        %dma_start3A_501 = tpu.memref_slice %arg6[%dma_start3A_498, %dma_start3A_500] : memref<32x128xf32, #tpu.memory_space<vmem>> -> memref<1x128xf32, #tpu.memory_space<vmem>>
        %dma_start3A_502 = tpu.memref_squeeze %dma_start3A_501 : memref<1x128xf32, #tpu.memory_space<vmem>> -> memref<128xf32, #tpu.memory_space<vmem>>
        %dma_start3A_503 = arith.constant 0 : i32
        %dma_start3A_504 = tpu.memref_slice %arg5[%dma_start3A_497, %dma_start3A_503] : memref<32x128xi32, #tpu.memory_space<vmem>> -> memref<1x128xi32, #tpu.memory_space<vmem>>
        %dma_start3A_505 = tpu.memref_squeeze %dma_start3A_504 : memref<1x128xi32, #tpu.memory_space<vmem>> -> memref<128xi32, #tpu.memory_space<vmem>>
        %dma_start3A_506 = arith.constant 0 : i32
        %dma_start3A_507 = tpu.memref_slice %arg2[%dma_start3A_506] : memref<1000000xf32, #tpu.memory_space<hbm>> -> memref<1000000xf32, #tpu.memory_space<hbm>>
        %dma_start3A_508 = tpu.memref_slice %arg8[%dma_start3A_499] : memref<2x!tpu.dma_semaphore, #tpu.memory_space<semaphore_mem>> -> memref<1x!tpu.dma_semaphore, #tpu.memory_space<semaphore_mem>>
        %dma_start3A_509 = tpu.memref_squeeze %dma_start3A_508 : memref<1x!tpu.dma_semaphore, #tpu.memory_space<semaphore_mem>> -> memref<!tpu.dma_semaphore, #tpu.memory_space<semaphore_mem>>
        tpu.enqueue_indirect_dma source(%dma_start3A_507 : memref<1000000xf32, #tpu.memory_space<hbm>>) target(%dma_start3A_502 : memref<128xf32, #tpu.memory_space<vmem>>) offsets(%dma_start3A_505 : memref<128xi32, #tpu.memory_space<vmem>>) semaphore(%dma_start3A_509 : memref<!tpu.dma_semaphore, #tpu.memory_space<semaphore_mem>>)
        %dma_start3A_510 = arith.constant 25 : i32
        %dma_start3A_511 = arith.constant 25 : i32
        %dma_start3A_512 = arith.constant 1 : i32
        %dma_start3A_513 = arith.constant 0 : i32
        %dma_start3A_514 = tpu.memref_slice %arg6[%dma_start3A_511, %dma_start3A_513] : memref<32x128xf32, #tpu.memory_space<vmem>> -> memref<1x128xf32, #tpu.memory_space<vmem>>
        %dma_start3A_515 = tpu.memref_squeeze %dma_start3A_514 : memref<1x128xf32, #tpu.memory_space<vmem>> -> memref<128xf32, #tpu.memory_space<vmem>>
        %dma_start3A_516 = arith.constant 0 : i32
        %dma_start3A_517 = tpu.memref_slice %arg5[%dma_start3A_510, %dma_start3A_516] : memref<32x128xi32, #tpu.memory_space<vmem>> -> memref<1x128xi32, #tpu.memory_space<vmem>>
        %dma_start3A_518 = tpu.memref_squeeze %dma_start3A_517 : memref<1x128xi32, #tpu.memory_space<vmem>> -> memref<128xi32, #tpu.memory_space<vmem>>
        %dma_start3A_519 = arith.constant 0 : i32
        %dma_start3A_520 = tpu.memref_slice %arg2[%dma_start3A_519] : memref<1000000xf32, #tpu.memory_space<hbm>> -> memref<1000000xf32, #tpu.memory_space<hbm>>
        %dma_start3A_521 = tpu.memref_slice %arg8[%dma_start3A_512] : memref<2x!tpu.dma_semaphore, #tpu.memory_space<semaphore_mem>> -> memref<1x!tpu.dma_semaphore, #tpu.memory_space<semaphore_mem>>
        %dma_start3A_522 = tpu.memref_squeeze %dma_start3A_521 : memref<1x!tpu.dma_semaphore, #tpu.memory_space<semaphore_mem>> -> memref<!tpu.dma_semaphore, #tpu.memory_space<semaphore_mem>>
        tpu.enqueue_indirect_dma source(%dma_start3A_520 : memref<1000000xf32, #tpu.memory_space<hbm>>) target(%dma_start3A_515 : memref<128xf32, #tpu.memory_space<vmem>>) offsets(%dma_start3A_518 : memref<128xi32, #tpu.memory_space<vmem>>) semaphore(%dma_start3A_522 : memref<!tpu.dma_semaphore, #tpu.memory_space<semaphore_mem>>)
        %dma_start3A_523 = arith.constant 26 : i32
        %dma_start3A_524 = arith.constant 26 : i32
        %dma_start3A_525 = arith.constant 1 : i32
        %dma_start3A_526 = arith.constant 0 : i32
        %dma_start3A_527 = tpu.memref_slice %arg6[%dma_start3A_524, %dma_start3A_526] : memref<32x128xf32, #tpu.memory_space<vmem>> -> memref<1x128xf32, #tpu.memory_space<vmem>>
        %dma_start3A_528 = tpu.memref_squeeze %dma_start3A_527 : memref<1x128xf32, #tpu.memory_space<vmem>> -> memref<128xf32, #tpu.memory_space<vmem>>
        %dma_start3A_529 = arith.constant 0 : i32
        %dma_start3A_530 = tpu.memref_slice %arg5[%dma_start3A_523, %dma_start3A_529] : memref<32x128xi32, #tpu.memory_space<vmem>> -> memref<1x128xi32, #tpu.memory_space<vmem>>
        %dma_start3A_531 = tpu.memref_squeeze %dma_start3A_530 : memref<1x128xi32, #tpu.memory_space<vmem>> -> memref<128xi32, #tpu.memory_space<vmem>>
        %dma_start3A_532 = arith.constant 0 : i32
        %dma_start3A_533 = tpu.memref_slice %arg2[%dma_start3A_532] : memref<1000000xf32, #tpu.memory_space<hbm>> -> memref<1000000xf32, #tpu.memory_space<hbm>>
        %dma_start3A_534 = tpu.memref_slice %arg8[%dma_start3A_525] : memref<2x!tpu.dma_semaphore, #tpu.memory_space<semaphore_mem>> -> memref<1x!tpu.dma_semaphore, #tpu.memory_space<semaphore_mem>>
        %dma_start3A_535 = tpu.memref_squeeze %dma_start3A_534 : memref<1x!tpu.dma_semaphore, #tpu.memory_space<semaphore_mem>> -> memref<!tpu.dma_semaphore, #tpu.memory_space<semaphore_mem>>
        tpu.enqueue_indirect_dma source(%dma_start3A_533 : memref<1000000xf32, #tpu.memory_space<hbm>>) target(%dma_start3A_528 : memref<128xf32, #tpu.memory_space<vmem>>) offsets(%dma_start3A_531 : memref<128xi32, #tpu.memory_space<vmem>>) semaphore(%dma_start3A_535 : memref<!tpu.dma_semaphore, #tpu.memory_space<semaphore_mem>>)
        %dma_start3A_536 = arith.constant 27 : i32
        %dma_start3A_537 = arith.constant 27 : i32
        %dma_start3A_538 = arith.constant 1 : i32
        %dma_start3A_539 = arith.constant 0 : i32
        %dma_start3A_540 = tpu.memref_slice %arg6[%dma_start3A_537, %dma_start3A_539] : memref<32x128xf32, #tpu.memory_space<vmem>> -> memref<1x128xf32, #tpu.memory_space<vmem>>
        %dma_start3A_541 = tpu.memref_squeeze %dma_start3A_540 : memref<1x128xf32, #tpu.memory_space<vmem>> -> memref<128xf32, #tpu.memory_space<vmem>>
        %dma_start3A_542 = arith.constant 0 : i32
        %dma_start3A_543 = tpu.memref_slice %arg5[%dma_start3A_536, %dma_start3A_542] : memref<32x128xi32, #tpu.memory_space<vmem>> -> memref<1x128xi32, #tpu.memory_space<vmem>>
        %dma_start3A_544 = tpu.memref_squeeze %dma_start3A_543 : memref<1x128xi32, #tpu.memory_space<vmem>> -> memref<128xi32, #tpu.memory_space<vmem>>
        %dma_start3A_545 = arith.constant 0 : i32
        %dma_start3A_546 = tpu.memref_slice %arg2[%dma_start3A_545] : memref<1000000xf32, #tpu.memory_space<hbm>> -> memref<1000000xf32, #tpu.memory_space<hbm>>
        %dma_start3A_547 = tpu.memref_slice %arg8[%dma_start3A_538] : memref<2x!tpu.dma_semaphore, #tpu.memory_space<semaphore_mem>> -> memref<1x!tpu.dma_semaphore, #tpu.memory_space<semaphore_mem>>
        %dma_start3A_548 = tpu.memref_squeeze %dma_start3A_547 : memref<1x!tpu.dma_semaphore, #tpu.memory_space<semaphore_mem>> -> memref<!tpu.dma_semaphore, #tpu.memory_space<semaphore_mem>>
        tpu.enqueue_indirect_dma source(%dma_start3A_546 : memref<1000000xf32, #tpu.memory_space<hbm>>) target(%dma_start3A_541 : memref<128xf32, #tpu.memory_space<vmem>>) offsets(%dma_start3A_544 : memref<128xi32, #tpu.memory_space<vmem>>) semaphore(%dma_start3A_548 : memref<!tpu.dma_semaphore, #tpu.memory_space<semaphore_mem>>)
        %dma_start3A_549 = arith.constant 28 : i32
        %dma_start3A_550 = arith.constant 28 : i32
        %dma_start3A_551 = arith.constant 1 : i32
        %dma_start3A_552 = arith.constant 0 : i32
        %dma_start3A_553 = tpu.memref_slice %arg6[%dma_start3A_550, %dma_start3A_552] : memref<32x128xf32, #tpu.memory_space<vmem>> -> memref<1x128xf32, #tpu.memory_space<vmem>>
        %dma_start3A_554 = tpu.memref_squeeze %dma_start3A_553 : memref<1x128xf32, #tpu.memory_space<vmem>> -> memref<128xf32, #tpu.memory_space<vmem>>
        %dma_start3A_555 = arith.constant 0 : i32
        %dma_start3A_556 = tpu.memref_slice %arg5[%dma_start3A_549, %dma_start3A_555] : memref<32x128xi32, #tpu.memory_space<vmem>> -> memref<1x128xi32, #tpu.memory_space<vmem>>
        %dma_start3A_557 = tpu.memref_squeeze %dma_start3A_556 : memref<1x128xi32, #tpu.memory_space<vmem>> -> memref<128xi32, #tpu.memory_space<vmem>>
        %dma_start3A_558 = arith.constant 0 : i32
        %dma_start3A_559 = tpu.memref_slice %arg2[%dma_start3A_558] : memref<1000000xf32, #tpu.memory_space<hbm>> -> memref<1000000xf32, #tpu.memory_space<hbm>>
        %dma_start3A_560 = tpu.memref_slice %arg8[%dma_start3A_551] : memref<2x!tpu.dma_semaphore, #tpu.memory_space<semaphore_mem>> -> memref<1x!tpu.dma_semaphore, #tpu.memory_space<semaphore_mem>>
        %dma_start3A_561 = tpu.memref_squeeze %dma_start3A_560 : memref<1x!tpu.dma_semaphore, #tpu.memory_space<semaphore_mem>> -> memref<!tpu.dma_semaphore, #tpu.memory_space<semaphore_mem>>
        tpu.enqueue_indirect_dma source(%dma_start3A_559 : memref<1000000xf32, #tpu.memory_space<hbm>>) target(%dma_start3A_554 : memref<128xf32, #tpu.memory_space<vmem>>) offsets(%dma_start3A_557 : memref<128xi32, #tpu.memory_space<vmem>>) semaphore(%dma_start3A_561 : memref<!tpu.dma_semaphore, #tpu.memory_space<semaphore_mem>>)
        %dma_start3A_562 = arith.constant 29 : i32
        %dma_start3A_563 = arith.constant 29 : i32
        %dma_start3A_564 = arith.constant 1 : i32
        %dma_start3A_565 = arith.constant 0 : i32
        %dma_start3A_566 = tpu.memref_slice %arg6[%dma_start3A_563, %dma_start3A_565] : memref<32x128xf32, #tpu.memory_space<vmem>> -> memref<1x128xf32, #tpu.memory_space<vmem>>
        %dma_start3A_567 = tpu.memref_squeeze %dma_start3A_566 : memref<1x128xf32, #tpu.memory_space<vmem>> -> memref<128xf32, #tpu.memory_space<vmem>>
        %dma_start3A_568 = arith.constant 0 : i32
        %dma_start3A_569 = tpu.memref_slice %arg5[%dma_start3A_562, %dma_start3A_568] : memref<32x128xi32, #tpu.memory_space<vmem>> -> memref<1x128xi32, #tpu.memory_space<vmem>>
        %dma_start3A_570 = tpu.memref_squeeze %dma_start3A_569 : memref<1x128xi32, #tpu.memory_space<vmem>> -> memref<128xi32, #tpu.memory_space<vmem>>
        %dma_start3A_571 = arith.constant 0 : i32
        %dma_start3A_572 = tpu.memref_slice %arg2[%dma_start3A_571] : memref<1000000xf32, #tpu.memory_space<hbm>> -> memref<1000000xf32, #tpu.memory_space<hbm>>
        %dma_start3A_573 = tpu.memref_slice %arg8[%dma_start3A_564] : memref<2x!tpu.dma_semaphore, #tpu.memory_space<semaphore_mem>> -> memref<1x!tpu.dma_semaphore, #tpu.memory_space<semaphore_mem>>
        %dma_start3A_574 = tpu.memref_squeeze %dma_start3A_573 : memref<1x!tpu.dma_semaphore, #tpu.memory_space<semaphore_mem>> -> memref<!tpu.dma_semaphore, #tpu.memory_space<semaphore_mem>>
        tpu.enqueue_indirect_dma source(%dma_start3A_572 : memref<1000000xf32, #tpu.memory_space<hbm>>) target(%dma_start3A_567 : memref<128xf32, #tpu.memory_space<vmem>>) offsets(%dma_start3A_570 : memref<128xi32, #tpu.memory_space<vmem>>) semaphore(%dma_start3A_574 : memref<!tpu.dma_semaphore, #tpu.memory_space<semaphore_mem>>)
        %dma_start3A_575 = arith.constant 30 : i32
        %dma_start3A_576 = arith.constant 30 : i32
        %dma_start3A_577 = arith.constant 1 : i32
        %dma_start3A_578 = arith.constant 0 : i32
        %dma_start3A_579 = tpu.memref_slice %arg6[%dma_start3A_576, %dma_start3A_578] : memref<32x128xf32, #tpu.memory_space<vmem>> -> memref<1x128xf32, #tpu.memory_space<vmem>>
        %dma_start3A_580 = tpu.memref_squeeze %dma_start3A_579 : memref<1x128xf32, #tpu.memory_space<vmem>> -> memref<128xf32, #tpu.memory_space<vmem>>
        %dma_start3A_581 = arith.constant 0 : i32
        %dma_start3A_582 = tpu.memref_slice %arg5[%dma_start3A_575, %dma_start3A_581] : memref<32x128xi32, #tpu.memory_space<vmem>> -> memref<1x128xi32, #tpu.memory_space<vmem>>
        %dma_start3A_583 = tpu.memref_squeeze %dma_start3A_582 : memref<1x128xi32, #tpu.memory_space<vmem>> -> memref<128xi32, #tpu.memory_space<vmem>>
        %dma_start3A_584 = arith.constant 0 : i32
        %dma_start3A_585 = tpu.memref_slice %arg2[%dma_start3A_584] : memref<1000000xf32, #tpu.memory_space<hbm>> -> memref<1000000xf32, #tpu.memory_space<hbm>>
        %dma_start3A_586 = tpu.memref_slice %arg8[%dma_start3A_577] : memref<2x!tpu.dma_semaphore, #tpu.memory_space<semaphore_mem>> -> memref<1x!tpu.dma_semaphore, #tpu.memory_space<semaphore_mem>>
        %dma_start3A_587 = tpu.memref_squeeze %dma_start3A_586 : memref<1x!tpu.dma_semaphore, #tpu.memory_space<semaphore_mem>> -> memref<!tpu.dma_semaphore, #tpu.memory_space<semaphore_mem>>
        tpu.enqueue_indirect_dma source(%dma_start3A_585 : memref<1000000xf32, #tpu.memory_space<hbm>>) target(%dma_start3A_580 : memref<128xf32, #tpu.memory_space<vmem>>) offsets(%dma_start3A_583 : memref<128xi32, #tpu.memory_space<vmem>>) semaphore(%dma_start3A_587 : memref<!tpu.dma_semaphore, #tpu.memory_space<semaphore_mem>>)
        %dma_start3A_588 = arith.constant 31 : i32
        %dma_start3A_589 = arith.constant 31 : i32
        %dma_start3A_590 = arith.constant 1 : i32
        %dma_start3A_591 = arith.constant 0 : i32
        %dma_start3A_592 = tpu.memref_slice %arg6[%dma_start3A_589, %dma_start3A_591] : memref<32x128xf32, #tpu.memory_space<vmem>> -> memref<1x128xf32, #tpu.memory_space<vmem>>
        %dma_start3A_593 = tpu.memref_squeeze %dma_start3A_592 : memref<1x128xf32, #tpu.memory_space<vmem>> -> memref<128xf32, #tpu.memory_space<vmem>>
        %dma_start3A_594 = arith.constant 0 : i32
        %dma_start3A_595 = tpu.memref_slice %arg5[%dma_start3A_588, %dma_start3A_594] : memref<32x128xi32, #tpu.memory_space<vmem>> -> memref<1x128xi32, #tpu.memory_space<vmem>>
        %dma_start3A_596 = tpu.memref_squeeze %dma_start3A_595 : memref<1x128xi32, #tpu.memory_space<vmem>> -> memref<128xi32, #tpu.memory_space<vmem>>
        %dma_start3A_597 = arith.constant 0 : i32
        %dma_start3A_598 = tpu.memref_slice %arg2[%dma_start3A_597] : memref<1000000xf32, #tpu.memory_space<hbm>> -> memref<1000000xf32, #tpu.memory_space<hbm>>
        %dma_start3A_599 = tpu.memref_slice %arg8[%dma_start3A_590] : memref<2x!tpu.dma_semaphore, #tpu.memory_space<semaphore_mem>> -> memref<1x!tpu.dma_semaphore, #tpu.memory_space<semaphore_mem>>
        %dma_start3A_600 = tpu.memref_squeeze %dma_start3A_599 : memref<1x!tpu.dma_semaphore, #tpu.memory_space<semaphore_mem>> -> memref<!tpu.dma_semaphore, #tpu.memory_space<semaphore_mem>>
        tpu.enqueue_indirect_dma source(%dma_start3A_598 : memref<1000000xf32, #tpu.memory_space<hbm>>) target(%dma_start3A_593 : memref<128xf32, #tpu.memory_space<vmem>>) offsets(%dma_start3A_596 : memref<128xi32, #tpu.memory_space<vmem>>) semaphore(%dma_start3A_600 : memref<!tpu.dma_semaphore, #tpu.memory_space<semaphore_mem>>)
      } else {
      }
      %ge3A_303 = arith.constant 1 : i32
      %ge3A_304 = arith.cmpi sge, %scan3A_274, %ge3A_303 : i32
      %eq3A_305 = arith.constant 1 : i32
      %eq3A_306 = arith.cmpi eq, %rem3A_275, %eq3A_305 : i32
      %and3A = arith.andi %ge3A_304, %eq3A_306 : i1
      %convert_element_type3A_307 = arith.extui %and3A : i1 to i32
      %cond3A_308 = arith.constant 0 : i32
      %cond3A_309 = arith.cmpi ne, %convert_element_type3A_307, %cond3A_308 : i32
      scf.if %cond3A_309 {
        %dma_wait3A_393 = arith.constant 0 : i32
        %dma_wait3A_394 = arith.constant 0 : i32
        %dma_wait3A_395 = arith.constant 0 : i32
        %dma_wait3A_396 = arith.constant 0 : i32
        %dma_wait3A_397 = tpu.memref_slice %arg6[%dma_wait3A_394, %dma_wait3A_396] : memref<32x128xf32, #tpu.memory_space<vmem>> -> memref<1x128xf32, #tpu.memory_space<vmem>>
        %dma_wait3A_398 = tpu.memref_squeeze %dma_wait3A_397 : memref<1x128xf32, #tpu.memory_space<vmem>> -> memref<128xf32, #tpu.memory_space<vmem>>
        %dma_wait3A_399 = arith.constant 0 : i32
        %dma_wait3A_400 = tpu.memref_slice %arg5[%dma_wait3A_393, %dma_wait3A_399] : memref<32x128xi32, #tpu.memory_space<vmem>> -> memref<1x128xi32, #tpu.memory_space<vmem>>
        %dma_wait3A_401 = tpu.memref_squeeze %dma_wait3A_400 : memref<1x128xi32, #tpu.memory_space<vmem>> -> memref<128xi32, #tpu.memory_space<vmem>>
        %dma_wait3A_402 = arith.constant 0 : i32
        %dma_wait3A_403 = tpu.memref_slice %arg2[%dma_wait3A_402] : memref<1000000xf32, #tpu.memory_space<hbm>> -> memref<1000000xf32, #tpu.memory_space<hbm>>
        %dma_wait3A_404 = tpu.memref_slice %arg8[%dma_wait3A_395] : memref<2x!tpu.dma_semaphore, #tpu.memory_space<semaphore_mem>> -> memref<1x!tpu.dma_semaphore, #tpu.memory_space<semaphore_mem>>
        %dma_wait3A_405 = tpu.memref_squeeze %dma_wait3A_404 : memref<1x!tpu.dma_semaphore, #tpu.memory_space<semaphore_mem>> -> memref<!tpu.dma_semaphore, #tpu.memory_space<semaphore_mem>>
        tpu.wait_indirect_dma semaphore(%dma_wait3A_405 : memref<!tpu.dma_semaphore, #tpu.memory_space<semaphore_mem>>) src(%dma_wait3A_403 : memref<1000000xf32, #tpu.memory_space<hbm>>) dst(%dma_wait3A_398 : memref<128xf32, #tpu.memory_space<vmem>>)
        %dma_wait3A_406 = arith.constant 1 : i32
        %dma_wait3A_407 = arith.constant 1 : i32
        %dma_wait3A_408 = arith.constant 0 : i32
        %dma_wait3A_409 = arith.constant 0 : i32
        %dma_wait3A_410 = tpu.memref_slice %arg6[%dma_wait3A_407, %dma_wait3A_409] : memref<32x128xf32, #tpu.memory_space<vmem>> -> memref<1x128xf32, #tpu.memory_space<vmem>>
        %dma_wait3A_411 = tpu.memref_squeeze %dma_wait3A_410 : memref<1x128xf32, #tpu.memory_space<vmem>> -> memref<128xf32, #tpu.memory_space<vmem>>
        %dma_wait3A_412 = arith.constant 0 : i32
        %dma_wait3A_413 = tpu.memref_slice %arg5[%dma_wait3A_406, %dma_wait3A_412] : memref<32x128xi32, #tpu.memory_space<vmem>> -> memref<1x128xi32, #tpu.memory_space<vmem>>
        %dma_wait3A_414 = tpu.memref_squeeze %dma_wait3A_413 : memref<1x128xi32, #tpu.memory_space<vmem>> -> memref<128xi32, #tpu.memory_space<vmem>>
        %dma_wait3A_415 = arith.constant 0 : i32
        %dma_wait3A_416 = tpu.memref_slice %arg2[%dma_wait3A_415] : memref<1000000xf32, #tpu.memory_space<hbm>> -> memref<1000000xf32, #tpu.memory_space<hbm>>
        %dma_wait3A_417 = tpu.memref_slice %arg8[%dma_wait3A_408] : memref<2x!tpu.dma_semaphore, #tpu.memory_space<semaphore_mem>> -> memref<1x!tpu.dma_semaphore, #tpu.memory_space<semaphore_mem>>
        %dma_wait3A_418 = tpu.memref_squeeze %dma_wait3A_417 : memref<1x!tpu.dma_semaphore, #tpu.memory_space<semaphore_mem>> -> memref<!tpu.dma_semaphore, #tpu.memory_space<semaphore_mem>>
        tpu.wait_indirect_dma semaphore(%dma_wait3A_418 : memref<!tpu.dma_semaphore, #tpu.memory_space<semaphore_mem>>) src(%dma_wait3A_416 : memref<1000000xf32, #tpu.memory_space<hbm>>) dst(%dma_wait3A_411 : memref<128xf32, #tpu.memory_space<vmem>>)
        %dma_wait3A_419 = arith.constant 2 : i32
        %dma_wait3A_420 = arith.constant 2 : i32
        %dma_wait3A_421 = arith.constant 0 : i32
        %dma_wait3A_422 = arith.constant 0 : i32
        %dma_wait3A_423 = tpu.memref_slice %arg6[%dma_wait3A_420, %dma_wait3A_422] : memref<32x128xf32, #tpu.memory_space<vmem>> -> memref<1x128xf32, #tpu.memory_space<vmem>>
        %dma_wait3A_424 = tpu.memref_squeeze %dma_wait3A_423 : memref<1x128xf32, #tpu.memory_space<vmem>> -> memref<128xf32, #tpu.memory_space<vmem>>
        %dma_wait3A_425 = arith.constant 0 : i32
        %dma_wait3A_426 = tpu.memref_slice %arg5[%dma_wait3A_419, %dma_wait3A_425] : memref<32x128xi32, #tpu.memory_space<vmem>> -> memref<1x128xi32, #tpu.memory_space<vmem>>
        %dma_wait3A_427 = tpu.memref_squeeze %dma_wait3A_426 : memref<1x128xi32, #tpu.memory_space<vmem>> -> memref<128xi32, #tpu.memory_space<vmem>>
        %dma_wait3A_428 = arith.constant 0 : i32
        %dma_wait3A_429 = tpu.memref_slice %arg2[%dma_wait3A_428] : memref<1000000xf32, #tpu.memory_space<hbm>> -> memref<1000000xf32, #tpu.memory_space<hbm>>
        %dma_wait3A_430 = tpu.memref_slice %arg8[%dma_wait3A_421] : memref<2x!tpu.dma_semaphore, #tpu.memory_space<semaphore_mem>> -> memref<1x!tpu.dma_semaphore, #tpu.memory_space<semaphore_mem>>
        %dma_wait3A_431 = tpu.memref_squeeze %dma_wait3A_430 : memref<1x!tpu.dma_semaphore, #tpu.memory_space<semaphore_mem>> -> memref<!tpu.dma_semaphore, #tpu.memory_space<semaphore_mem>>
        tpu.wait_indirect_dma semaphore(%dma_wait3A_431 : memref<!tpu.dma_semaphore, #tpu.memory_space<semaphore_mem>>) src(%dma_wait3A_429 : memref<1000000xf32, #tpu.memory_space<hbm>>) dst(%dma_wait3A_424 : memref<128xf32, #tpu.memory_space<vmem>>)
        %dma_wait3A_432 = arith.constant 3 : i32
        %dma_wait3A_433 = arith.constant 3 : i32
        %dma_wait3A_434 = arith.constant 0 : i32
        %dma_wait3A_435 = arith.constant 0 : i32
        %dma_wait3A_436 = tpu.memref_slice %arg6[%dma_wait3A_433, %dma_wait3A_435] : memref<32x128xf32, #tpu.memory_space<vmem>> -> memref<1x128xf32, #tpu.memory_space<vmem>>
        %dma_wait3A_437 = tpu.memref_squeeze %dma_wait3A_436 : memref<1x128xf32, #tpu.memory_space<vmem>> -> memref<128xf32, #tpu.memory_space<vmem>>
        %dma_wait3A_438 = arith.constant 0 : i32
        %dma_wait3A_439 = tpu.memref_slice %arg5[%dma_wait3A_432, %dma_wait3A_438] : memref<32x128xi32, #tpu.memory_space<vmem>> -> memref<1x128xi32, #tpu.memory_space<vmem>>
        %dma_wait3A_440 = tpu.memref_squeeze %dma_wait3A_439 : memref<1x128xi32, #tpu.memory_space<vmem>> -> memref<128xi32, #tpu.memory_space<vmem>>
        %dma_wait3A_441 = arith.constant 0 : i32
        %dma_wait3A_442 = tpu.memref_slice %arg2[%dma_wait3A_441] : memref<1000000xf32, #tpu.memory_space<hbm>> -> memref<1000000xf32, #tpu.memory_space<hbm>>
        %dma_wait3A_443 = tpu.memref_slice %arg8[%dma_wait3A_434] : memref<2x!tpu.dma_semaphore, #tpu.memory_space<semaphore_mem>> -> memref<1x!tpu.dma_semaphore, #tpu.memory_space<semaphore_mem>>
        %dma_wait3A_444 = tpu.memref_squeeze %dma_wait3A_443 : memref<1x!tpu.dma_semaphore, #tpu.memory_space<semaphore_mem>> -> memref<!tpu.dma_semaphore, #tpu.memory_space<semaphore_mem>>
        tpu.wait_indirect_dma semaphore(%dma_wait3A_444 : memref<!tpu.dma_semaphore, #tpu.memory_space<semaphore_mem>>) src(%dma_wait3A_442 : memref<1000000xf32, #tpu.memory_space<hbm>>) dst(%dma_wait3A_437 : memref<128xf32, #tpu.memory_space<vmem>>)
        %dma_wait3A_445 = arith.constant 4 : i32
        %dma_wait3A_446 = arith.constant 4 : i32
        %dma_wait3A_447 = arith.constant 0 : i32
        %dma_wait3A_448 = arith.constant 0 : i32
        %dma_wait3A_449 = tpu.memref_slice %arg6[%dma_wait3A_446, %dma_wait3A_448] : memref<32x128xf32, #tpu.memory_space<vmem>> -> memref<1x128xf32, #tpu.memory_space<vmem>>
        %dma_wait3A_450 = tpu.memref_squeeze %dma_wait3A_449 : memref<1x128xf32, #tpu.memory_space<vmem>> -> memref<128xf32, #tpu.memory_space<vmem>>
        %dma_wait3A_451 = arith.constant 0 : i32
        %dma_wait3A_452 = tpu.memref_slice %arg5[%dma_wait3A_445, %dma_wait3A_451] : memref<32x128xi32, #tpu.memory_space<vmem>> -> memref<1x128xi32, #tpu.memory_space<vmem>>
        %dma_wait3A_453 = tpu.memref_squeeze %dma_wait3A_452 : memref<1x128xi32, #tpu.memory_space<vmem>> -> memref<128xi32, #tpu.memory_space<vmem>>
        %dma_wait3A_454 = arith.constant 0 : i32
        %dma_wait3A_455 = tpu.memref_slice %arg2[%dma_wait3A_454] : memref<1000000xf32, #tpu.memory_space<hbm>> -> memref<1000000xf32, #tpu.memory_space<hbm>>
        %dma_wait3A_456 = tpu.memref_slice %arg8[%dma_wait3A_447] : memref<2x!tpu.dma_semaphore, #tpu.memory_space<semaphore_mem>> -> memref<1x!tpu.dma_semaphore, #tpu.memory_space<semaphore_mem>>
        %dma_wait3A_457 = tpu.memref_squeeze %dma_wait3A_456 : memref<1x!tpu.dma_semaphore, #tpu.memory_space<semaphore_mem>> -> memref<!tpu.dma_semaphore, #tpu.memory_space<semaphore_mem>>
        tpu.wait_indirect_dma semaphore(%dma_wait3A_457 : memref<!tpu.dma_semaphore, #tpu.memory_space<semaphore_mem>>) src(%dma_wait3A_455 : memref<1000000xf32, #tpu.memory_space<hbm>>) dst(%dma_wait3A_450 : memref<128xf32, #tpu.memory_space<vmem>>)
        %dma_wait3A_458 = arith.constant 5 : i32
        %dma_wait3A_459 = arith.constant 5 : i32
        %dma_wait3A_460 = arith.constant 0 : i32
        %dma_wait3A_461 = arith.constant 0 : i32
        %dma_wait3A_462 = tpu.memref_slice %arg6[%dma_wait3A_459, %dma_wait3A_461] : memref<32x128xf32, #tpu.memory_space<vmem>> -> memref<1x128xf32, #tpu.memory_space<vmem>>
        %dma_wait3A_463 = tpu.memref_squeeze %dma_wait3A_462 : memref<1x128xf32, #tpu.memory_space<vmem>> -> memref<128xf32, #tpu.memory_space<vmem>>
        %dma_wait3A_464 = arith.constant 0 : i32
        %dma_wait3A_465 = tpu.memref_slice %arg5[%dma_wait3A_458, %dma_wait3A_464] : memref<32x128xi32, #tpu.memory_space<vmem>> -> memref<1x128xi32, #tpu.memory_space<vmem>>
        %dma_wait3A_466 = tpu.memref_squeeze %dma_wait3A_465 : memref<1x128xi32, #tpu.memory_space<vmem>> -> memref<128xi32, #tpu.memory_space<vmem>>
        %dma_wait3A_467 = arith.constant 0 : i32
        %dma_wait3A_468 = tpu.memref_slice %arg2[%dma_wait3A_467] : memref<1000000xf32, #tpu.memory_space<hbm>> -> memref<1000000xf32, #tpu.memory_space<hbm>>
        %dma_wait3A_469 = tpu.memref_slice %arg8[%dma_wait3A_460] : memref<2x!tpu.dma_semaphore, #tpu.memory_space<semaphore_mem>> -> memref<1x!tpu.dma_semaphore, #tpu.memory_space<semaphore_mem>>
        %dma_wait3A_470 = tpu.memref_squeeze %dma_wait3A_469 : memref<1x!tpu.dma_semaphore, #tpu.memory_space<semaphore_mem>> -> memref<!tpu.dma_semaphore, #tpu.memory_space<semaphore_mem>>
        tpu.wait_indirect_dma semaphore(%dma_wait3A_470 : memref<!tpu.dma_semaphore, #tpu.memory_space<semaphore_mem>>) src(%dma_wait3A_468 : memref<1000000xf32, #tpu.memory_space<hbm>>) dst(%dma_wait3A_463 : memref<128xf32, #tpu.memory_space<vmem>>)
        %dma_wait3A_471 = arith.constant 6 : i32
        %dma_wait3A_472 = arith.constant 6 : i32
        %dma_wait3A_473 = arith.constant 0 : i32
        %dma_wait3A_474 = arith.constant 0 : i32
        %dma_wait3A_475 = tpu.memref_slice %arg6[%dma_wait3A_472, %dma_wait3A_474] : memref<32x128xf32, #tpu.memory_space<vmem>> -> memref<1x128xf32, #tpu.memory_space<vmem>>
        %dma_wait3A_476 = tpu.memref_squeeze %dma_wait3A_475 : memref<1x128xf32, #tpu.memory_space<vmem>> -> memref<128xf32, #tpu.memory_space<vmem>>
        %dma_wait3A_477 = arith.constant 0 : i32
        %dma_wait3A_478 = tpu.memref_slice %arg5[%dma_wait3A_471, %dma_wait3A_477] : memref<32x128xi32, #tpu.memory_space<vmem>> -> memref<1x128xi32, #tpu.memory_space<vmem>>
        %dma_wait3A_479 = tpu.memref_squeeze %dma_wait3A_478 : memref<1x128xi32, #tpu.memory_space<vmem>> -> memref<128xi32, #tpu.memory_space<vmem>>
        %dma_wait3A_480 = arith.constant 0 : i32
        %dma_wait3A_481 = tpu.memref_slice %arg2[%dma_wait3A_480] : memref<1000000xf32, #tpu.memory_space<hbm>> -> memref<1000000xf32, #tpu.memory_space<hbm>>
        %dma_wait3A_482 = tpu.memref_slice %arg8[%dma_wait3A_473] : memref<2x!tpu.dma_semaphore, #tpu.memory_space<semaphore_mem>> -> memref<1x!tpu.dma_semaphore, #tpu.memory_space<semaphore_mem>>
        %dma_wait3A_483 = tpu.memref_squeeze %dma_wait3A_482 : memref<1x!tpu.dma_semaphore, #tpu.memory_space<semaphore_mem>> -> memref<!tpu.dma_semaphore, #tpu.memory_space<semaphore_mem>>
        tpu.wait_indirect_dma semaphore(%dma_wait3A_483 : memref<!tpu.dma_semaphore, #tpu.memory_space<semaphore_mem>>) src(%dma_wait3A_481 : memref<1000000xf32, #tpu.memory_space<hbm>>) dst(%dma_wait3A_476 : memref<128xf32, #tpu.memory_space<vmem>>)
        %dma_wait3A_484 = arith.constant 7 : i32
        %dma_wait3A_485 = arith.constant 7 : i32
        %dma_wait3A_486 = arith.constant 0 : i32
        %dma_wait3A_487 = arith.constant 0 : i32
        %dma_wait3A_488 = tpu.memref_slice %arg6[%dma_wait3A_485, %dma_wait3A_487] : memref<32x128xf32, #tpu.memory_space<vmem>> -> memref<1x128xf32, #tpu.memory_space<vmem>>
        %dma_wait3A_489 = tpu.memref_squeeze %dma_wait3A_488 : memref<1x128xf32, #tpu.memory_space<vmem>> -> memref<128xf32, #tpu.memory_space<vmem>>
        %dma_wait3A_490 = arith.constant 0 : i32
        %dma_wait3A_491 = tpu.memref_slice %arg5[%dma_wait3A_484, %dma_wait3A_490] : memref<32x128xi32, #tpu.memory_space<vmem>> -> memref<1x128xi32, #tpu.memory_space<vmem>>
        %dma_wait3A_492 = tpu.memref_squeeze %dma_wait3A_491 : memref<1x128xi32, #tpu.memory_space<vmem>> -> memref<128xi32, #tpu.memory_space<vmem>>
        %dma_wait3A_493 = arith.constant 0 : i32
        %dma_wait3A_494 = tpu.memref_slice %arg2[%dma_wait3A_493] : memref<1000000xf32, #tpu.memory_space<hbm>> -> memref<1000000xf32, #tpu.memory_space<hbm>>
        %dma_wait3A_495 = tpu.memref_slice %arg8[%dma_wait3A_486] : memref<2x!tpu.dma_semaphore, #tpu.memory_space<semaphore_mem>> -> memref<1x!tpu.dma_semaphore, #tpu.memory_space<semaphore_mem>>
        %dma_wait3A_496 = tpu.memref_squeeze %dma_wait3A_495 : memref<1x!tpu.dma_semaphore, #tpu.memory_space<semaphore_mem>> -> memref<!tpu.dma_semaphore, #tpu.memory_space<semaphore_mem>>
        tpu.wait_indirect_dma semaphore(%dma_wait3A_496 : memref<!tpu.dma_semaphore, #tpu.memory_space<semaphore_mem>>) src(%dma_wait3A_494 : memref<1000000xf32, #tpu.memory_space<hbm>>) dst(%dma_wait3A_489 : memref<128xf32, #tpu.memory_space<vmem>>)
        %dma_wait3A_497 = arith.constant 8 : i32
        %dma_wait3A_498 = arith.constant 8 : i32
        %dma_wait3A_499 = arith.constant 0 : i32
        %dma_wait3A_500 = arith.constant 0 : i32
        %dma_wait3A_501 = tpu.memref_slice %arg6[%dma_wait3A_498, %dma_wait3A_500] : memref<32x128xf32, #tpu.memory_space<vmem>> -> memref<1x128xf32, #tpu.memory_space<vmem>>
        %dma_wait3A_502 = tpu.memref_squeeze %dma_wait3A_501 : memref<1x128xf32, #tpu.memory_space<vmem>> -> memref<128xf32, #tpu.memory_space<vmem>>
        %dma_wait3A_503 = arith.constant 0 : i32
        %dma_wait3A_504 = tpu.memref_slice %arg5[%dma_wait3A_497, %dma_wait3A_503] : memref<32x128xi32, #tpu.memory_space<vmem>> -> memref<1x128xi32, #tpu.memory_space<vmem>>
        %dma_wait3A_505 = tpu.memref_squeeze %dma_wait3A_504 : memref<1x128xi32, #tpu.memory_space<vmem>> -> memref<128xi32, #tpu.memory_space<vmem>>
        %dma_wait3A_506 = arith.constant 0 : i32
        %dma_wait3A_507 = tpu.memref_slice %arg2[%dma_wait3A_506] : memref<1000000xf32, #tpu.memory_space<hbm>> -> memref<1000000xf32, #tpu.memory_space<hbm>>
        %dma_wait3A_508 = tpu.memref_slice %arg8[%dma_wait3A_499] : memref<2x!tpu.dma_semaphore, #tpu.memory_space<semaphore_mem>> -> memref<1x!tpu.dma_semaphore, #tpu.memory_space<semaphore_mem>>
        %dma_wait3A_509 = tpu.memref_squeeze %dma_wait3A_508 : memref<1x!tpu.dma_semaphore, #tpu.memory_space<semaphore_mem>> -> memref<!tpu.dma_semaphore, #tpu.memory_space<semaphore_mem>>
        tpu.wait_indirect_dma semaphore(%dma_wait3A_509 : memref<!tpu.dma_semaphore, #tpu.memory_space<semaphore_mem>>) src(%dma_wait3A_507 : memref<1000000xf32, #tpu.memory_space<hbm>>) dst(%dma_wait3A_502 : memref<128xf32, #tpu.memory_space<vmem>>)
        %dma_wait3A_510 = arith.constant 9 : i32
        %dma_wait3A_511 = arith.constant 9 : i32
        %dma_wait3A_512 = arith.constant 0 : i32
        %dma_wait3A_513 = arith.constant 0 : i32
        %dma_wait3A_514 = tpu.memref_slice %arg6[%dma_wait3A_511, %dma_wait3A_513] : memref<32x128xf32, #tpu.memory_space<vmem>> -> memref<1x128xf32, #tpu.memory_space<vmem>>
        %dma_wait3A_515 = tpu.memref_squeeze %dma_wait3A_514 : memref<1x128xf32, #tpu.memory_space<vmem>> -> memref<128xf32, #tpu.memory_space<vmem>>
        %dma_wait3A_516 = arith.constant 0 : i32
        %dma_wait3A_517 = tpu.memref_slice %arg5[%dma_wait3A_510, %dma_wait3A_516] : memref<32x128xi32, #tpu.memory_space<vmem>> -> memref<1x128xi32, #tpu.memory_space<vmem>>
        %dma_wait3A_518 = tpu.memref_squeeze %dma_wait3A_517 : memref<1x128xi32, #tpu.memory_space<vmem>> -> memref<128xi32, #tpu.memory_space<vmem>>
        %dma_wait3A_519 = arith.constant 0 : i32
        %dma_wait3A_520 = tpu.memref_slice %arg2[%dma_wait3A_519] : memref<1000000xf32, #tpu.memory_space<hbm>> -> memref<1000000xf32, #tpu.memory_space<hbm>>
        %dma_wait3A_521 = tpu.memref_slice %arg8[%dma_wait3A_512] : memref<2x!tpu.dma_semaphore, #tpu.memory_space<semaphore_mem>> -> memref<1x!tpu.dma_semaphore, #tpu.memory_space<semaphore_mem>>
        %dma_wait3A_522 = tpu.memref_squeeze %dma_wait3A_521 : memref<1x!tpu.dma_semaphore, #tpu.memory_space<semaphore_mem>> -> memref<!tpu.dma_semaphore, #tpu.memory_space<semaphore_mem>>
        tpu.wait_indirect_dma semaphore(%dma_wait3A_522 : memref<!tpu.dma_semaphore, #tpu.memory_space<semaphore_mem>>) src(%dma_wait3A_520 : memref<1000000xf32, #tpu.memory_space<hbm>>) dst(%dma_wait3A_515 : memref<128xf32, #tpu.memory_space<vmem>>)
        %dma_wait3A_523 = arith.constant 10 : i32
        %dma_wait3A_524 = arith.constant 10 : i32
        %dma_wait3A_525 = arith.constant 0 : i32
        %dma_wait3A_526 = arith.constant 0 : i32
        %dma_wait3A_527 = tpu.memref_slice %arg6[%dma_wait3A_524, %dma_wait3A_526] : memref<32x128xf32, #tpu.memory_space<vmem>> -> memref<1x128xf32, #tpu.memory_space<vmem>>
        %dma_wait3A_528 = tpu.memref_squeeze %dma_wait3A_527 : memref<1x128xf32, #tpu.memory_space<vmem>> -> memref<128xf32, #tpu.memory_space<vmem>>
        %dma_wait3A_529 = arith.constant 0 : i32
        %dma_wait3A_530 = tpu.memref_slice %arg5[%dma_wait3A_523, %dma_wait3A_529] : memref<32x128xi32, #tpu.memory_space<vmem>> -> memref<1x128xi32, #tpu.memory_space<vmem>>
        %dma_wait3A_531 = tpu.memref_squeeze %dma_wait3A_530 : memref<1x128xi32, #tpu.memory_space<vmem>> -> memref<128xi32, #tpu.memory_space<vmem>>
        %dma_wait3A_532 = arith.constant 0 : i32
        %dma_wait3A_533 = tpu.memref_slice %arg2[%dma_wait3A_532] : memref<1000000xf32, #tpu.memory_space<hbm>> -> memref<1000000xf32, #tpu.memory_space<hbm>>
        %dma_wait3A_534 = tpu.memref_slice %arg8[%dma_wait3A_525] : memref<2x!tpu.dma_semaphore, #tpu.memory_space<semaphore_mem>> -> memref<1x!tpu.dma_semaphore, #tpu.memory_space<semaphore_mem>>
        %dma_wait3A_535 = tpu.memref_squeeze %dma_wait3A_534 : memref<1x!tpu.dma_semaphore, #tpu.memory_space<semaphore_mem>> -> memref<!tpu.dma_semaphore, #tpu.memory_space<semaphore_mem>>
        tpu.wait_indirect_dma semaphore(%dma_wait3A_535 : memref<!tpu.dma_semaphore, #tpu.memory_space<semaphore_mem>>) src(%dma_wait3A_533 : memref<1000000xf32, #tpu.memory_space<hbm>>) dst(%dma_wait3A_528 : memref<128xf32, #tpu.memory_space<vmem>>)
        %dma_wait3A_536 = arith.constant 11 : i32
        %dma_wait3A_537 = arith.constant 11 : i32
        %dma_wait3A_538 = arith.constant 0 : i32
        %dma_wait3A_539 = arith.constant 0 : i32
        %dma_wait3A_540 = tpu.memref_slice %arg6[%dma_wait3A_537, %dma_wait3A_539] : memref<32x128xf32, #tpu.memory_space<vmem>> -> memref<1x128xf32, #tpu.memory_space<vmem>>
        %dma_wait3A_541 = tpu.memref_squeeze %dma_wait3A_540 : memref<1x128xf32, #tpu.memory_space<vmem>> -> memref<128xf32, #tpu.memory_space<vmem>>
        %dma_wait3A_542 = arith.constant 0 : i32
        %dma_wait3A_543 = tpu.memref_slice %arg5[%dma_wait3A_536, %dma_wait3A_542] : memref<32x128xi32, #tpu.memory_space<vmem>> -> memref<1x128xi32, #tpu.memory_space<vmem>>
        %dma_wait3A_544 = tpu.memref_squeeze %dma_wait3A_543 : memref<1x128xi32, #tpu.memory_space<vmem>> -> memref<128xi32, #tpu.memory_space<vmem>>
        %dma_wait3A_545 = arith.constant 0 : i32
        %dma_wait3A_546 = tpu.memref_slice %arg2[%dma_wait3A_545] : memref<1000000xf32, #tpu.memory_space<hbm>> -> memref<1000000xf32, #tpu.memory_space<hbm>>
        %dma_wait3A_547 = tpu.memref_slice %arg8[%dma_wait3A_538] : memref<2x!tpu.dma_semaphore, #tpu.memory_space<semaphore_mem>> -> memref<1x!tpu.dma_semaphore, #tpu.memory_space<semaphore_mem>>
        %dma_wait3A_548 = tpu.memref_squeeze %dma_wait3A_547 : memref<1x!tpu.dma_semaphore, #tpu.memory_space<semaphore_mem>> -> memref<!tpu.dma_semaphore, #tpu.memory_space<semaphore_mem>>
        tpu.wait_indirect_dma semaphore(%dma_wait3A_548 : memref<!tpu.dma_semaphore, #tpu.memory_space<semaphore_mem>>) src(%dma_wait3A_546 : memref<1000000xf32, #tpu.memory_space<hbm>>) dst(%dma_wait3A_541 : memref<128xf32, #tpu.memory_space<vmem>>)
        %dma_wait3A_549 = arith.constant 12 : i32
        %dma_wait3A_550 = arith.constant 12 : i32
        %dma_wait3A_551 = arith.constant 0 : i32
        %dma_wait3A_552 = arith.constant 0 : i32
        %dma_wait3A_553 = tpu.memref_slice %arg6[%dma_wait3A_550, %dma_wait3A_552] : memref<32x128xf32, #tpu.memory_space<vmem>> -> memref<1x128xf32, #tpu.memory_space<vmem>>
        %dma_wait3A_554 = tpu.memref_squeeze %dma_wait3A_553 : memref<1x128xf32, #tpu.memory_space<vmem>> -> memref<128xf32, #tpu.memory_space<vmem>>
        %dma_wait3A_555 = arith.constant 0 : i32
        %dma_wait3A_556 = tpu.memref_slice %arg5[%dma_wait3A_549, %dma_wait3A_555] : memref<32x128xi32, #tpu.memory_space<vmem>> -> memref<1x128xi32, #tpu.memory_space<vmem>>
        %dma_wait3A_557 = tpu.memref_squeeze %dma_wait3A_556 : memref<1x128xi32, #tpu.memory_space<vmem>> -> memref<128xi32, #tpu.memory_space<vmem>>
        %dma_wait3A_558 = arith.constant 0 : i32
        %dma_wait3A_559 = tpu.memref_slice %arg2[%dma_wait3A_558] : memref<1000000xf32, #tpu.memory_space<hbm>> -> memref<1000000xf32, #tpu.memory_space<hbm>>
        %dma_wait3A_560 = tpu.memref_slice %arg8[%dma_wait3A_551] : memref<2x!tpu.dma_semaphore, #tpu.memory_space<semaphore_mem>> -> memref<1x!tpu.dma_semaphore, #tpu.memory_space<semaphore_mem>>
        %dma_wait3A_561 = tpu.memref_squeeze %dma_wait3A_560 : memref<1x!tpu.dma_semaphore, #tpu.memory_space<semaphore_mem>> -> memref<!tpu.dma_semaphore, #tpu.memory_space<semaphore_mem>>
        tpu.wait_indirect_dma semaphore(%dma_wait3A_561 : memref<!tpu.dma_semaphore, #tpu.memory_space<semaphore_mem>>) src(%dma_wait3A_559 : memref<1000000xf32, #tpu.memory_space<hbm>>) dst(%dma_wait3A_554 : memref<128xf32, #tpu.memory_space<vmem>>)
        %dma_wait3A_562 = arith.constant 13 : i32
        %dma_wait3A_563 = arith.constant 13 : i32
        %dma_wait3A_564 = arith.constant 0 : i32
        %dma_wait3A_565 = arith.constant 0 : i32
        %dma_wait3A_566 = tpu.memref_slice %arg6[%dma_wait3A_563, %dma_wait3A_565] : memref<32x128xf32, #tpu.memory_space<vmem>> -> memref<1x128xf32, #tpu.memory_space<vmem>>
        %dma_wait3A_567 = tpu.memref_squeeze %dma_wait3A_566 : memref<1x128xf32, #tpu.memory_space<vmem>> -> memref<128xf32, #tpu.memory_space<vmem>>
        %dma_wait3A_568 = arith.constant 0 : i32
        %dma_wait3A_569 = tpu.memref_slice %arg5[%dma_wait3A_562, %dma_wait3A_568] : memref<32x128xi32, #tpu.memory_space<vmem>> -> memref<1x128xi32, #tpu.memory_space<vmem>>
        %dma_wait3A_570 = tpu.memref_squeeze %dma_wait3A_569 : memref<1x128xi32, #tpu.memory_space<vmem>> -> memref<128xi32, #tpu.memory_space<vmem>>
        %dma_wait3A_571 = arith.constant 0 : i32
        %dma_wait3A_572 = tpu.memref_slice %arg2[%dma_wait3A_571] : memref<1000000xf32, #tpu.memory_space<hbm>> -> memref<1000000xf32, #tpu.memory_space<hbm>>
        %dma_wait3A_573 = tpu.memref_slice %arg8[%dma_wait3A_564] : memref<2x!tpu.dma_semaphore, #tpu.memory_space<semaphore_mem>> -> memref<1x!tpu.dma_semaphore, #tpu.memory_space<semaphore_mem>>
        %dma_wait3A_574 = tpu.memref_squeeze %dma_wait3A_573 : memref<1x!tpu.dma_semaphore, #tpu.memory_space<semaphore_mem>> -> memref<!tpu.dma_semaphore, #tpu.memory_space<semaphore_mem>>
        tpu.wait_indirect_dma semaphore(%dma_wait3A_574 : memref<!tpu.dma_semaphore, #tpu.memory_space<semaphore_mem>>) src(%dma_wait3A_572 : memref<1000000xf32, #tpu.memory_space<hbm>>) dst(%dma_wait3A_567 : memref<128xf32, #tpu.memory_space<vmem>>)
        %dma_wait3A_575 = arith.constant 14 : i32
        %dma_wait3A_576 = arith.constant 14 : i32
        %dma_wait3A_577 = arith.constant 0 : i32
        %dma_wait3A_578 = arith.constant 0 : i32
        %dma_wait3A_579 = tpu.memref_slice %arg6[%dma_wait3A_576, %dma_wait3A_578] : memref<32x128xf32, #tpu.memory_space<vmem>> -> memref<1x128xf32, #tpu.memory_space<vmem>>
        %dma_wait3A_580 = tpu.memref_squeeze %dma_wait3A_579 : memref<1x128xf32, #tpu.memory_space<vmem>> -> memref<128xf32, #tpu.memory_space<vmem>>
        %dma_wait3A_581 = arith.constant 0 : i32
        %dma_wait3A_582 = tpu.memref_slice %arg5[%dma_wait3A_575, %dma_wait3A_581] : memref<32x128xi32, #tpu.memory_space<vmem>> -> memref<1x128xi32, #tpu.memory_space<vmem>>
        %dma_wait3A_583 = tpu.memref_squeeze %dma_wait3A_582 : memref<1x128xi32, #tpu.memory_space<vmem>> -> memref<128xi32, #tpu.memory_space<vmem>>
        %dma_wait3A_584 = arith.constant 0 : i32
        %dma_wait3A_585 = tpu.memref_slice %arg2[%dma_wait3A_584] : memref<1000000xf32, #tpu.memory_space<hbm>> -> memref<1000000xf32, #tpu.memory_space<hbm>>
        %dma_wait3A_586 = tpu.memref_slice %arg8[%dma_wait3A_577] : memref<2x!tpu.dma_semaphore, #tpu.memory_space<semaphore_mem>> -> memref<1x!tpu.dma_semaphore, #tpu.memory_space<semaphore_mem>>
        %dma_wait3A_587 = tpu.memref_squeeze %dma_wait3A_586 : memref<1x!tpu.dma_semaphore, #tpu.memory_space<semaphore_mem>> -> memref<!tpu.dma_semaphore, #tpu.memory_space<semaphore_mem>>
        tpu.wait_indirect_dma semaphore(%dma_wait3A_587 : memref<!tpu.dma_semaphore, #tpu.memory_space<semaphore_mem>>) src(%dma_wait3A_585 : memref<1000000xf32, #tpu.memory_space<hbm>>) dst(%dma_wait3A_580 : memref<128xf32, #tpu.memory_space<vmem>>)
        %dma_wait3A_588 = arith.constant 15 : i32
        %dma_wait3A_589 = arith.constant 15 : i32
        %dma_wait3A_590 = arith.constant 0 : i32
        %dma_wait3A_591 = arith.constant 0 : i32
        %dma_wait3A_592 = tpu.memref_slice %arg6[%dma_wait3A_589, %dma_wait3A_591] : memref<32x128xf32, #tpu.memory_space<vmem>> -> memref<1x128xf32, #tpu.memory_space<vmem>>
        %dma_wait3A_593 = tpu.memref_squeeze %dma_wait3A_592 : memref<1x128xf32, #tpu.memory_space<vmem>> -> memref<128xf32, #tpu.memory_space<vmem>>
        %dma_wait3A_594 = arith.constant 0 : i32
        %dma_wait3A_595 = tpu.memref_slice %arg5[%dma_wait3A_588, %dma_wait3A_594] : memref<32x128xi32, #tpu.memory_space<vmem>> -> memref<1x128xi32, #tpu.memory_space<vmem>>
        %dma_wait3A_596 = tpu.memref_squeeze %dma_wait3A_595 : memref<1x128xi32, #tpu.memory_space<vmem>> -> memref<128xi32, #tpu.memory_space<vmem>>
        %dma_wait3A_597 = arith.constant 0 : i32
        %dma_wait3A_598 = tpu.memref_slice %arg2[%dma_wait3A_597] : memref<1000000xf32, #tpu.memory_space<hbm>> -> memref<1000000xf32, #tpu.memory_space<hbm>>
        %dma_wait3A_599 = tpu.memref_slice %arg8[%dma_wait3A_590] : memref<2x!tpu.dma_semaphore, #tpu.memory_space<semaphore_mem>> -> memref<1x!tpu.dma_semaphore, #tpu.memory_space<semaphore_mem>>
        %dma_wait3A_600 = tpu.memref_squeeze %dma_wait3A_599 : memref<1x!tpu.dma_semaphore, #tpu.memory_space<semaphore_mem>> -> memref<!tpu.dma_semaphore, #tpu.memory_space<semaphore_mem>>
        tpu.wait_indirect_dma semaphore(%dma_wait3A_600 : memref<!tpu.dma_semaphore, #tpu.memory_space<semaphore_mem>>) src(%dma_wait3A_598 : memref<1000000xf32, #tpu.memory_space<hbm>>) dst(%dma_wait3A_593 : memref<128xf32, #tpu.memory_space<vmem>>)
      } else {
      }
      %ge3A_310 = arith.constant 1 : i32
      %ge3A_311 = arith.cmpi sge, %scan3A_274, %ge3A_310 : i32
      %eq3A_312 = arith.constant 0 : i32
      %eq3A_313 = arith.cmpi eq, %rem3A_275, %eq3A_312 : i32
      %and3A_314 = arith.andi %ge3A_311, %eq3A_313 : i1
      %convert_element_type3A_315 = arith.extui %and3A_314 : i1 to i32
      %cond3A_316 = arith.constant 0 : i32
      %cond3A_317 = arith.cmpi ne, %convert_element_type3A_315, %cond3A_316 : i32
      scf.if %cond3A_317 {
        %dma_wait3A_393 = arith.constant 16 : i32
        %dma_wait3A_394 = arith.constant 16 : i32
        %dma_wait3A_395 = arith.constant 1 : i32
        %dma_wait3A_396 = arith.constant 0 : i32
        %dma_wait3A_397 = tpu.memref_slice %arg6[%dma_wait3A_394, %dma_wait3A_396] : memref<32x128xf32, #tpu.memory_space<vmem>> -> memref<1x128xf32, #tpu.memory_space<vmem>>
        %dma_wait3A_398 = tpu.memref_squeeze %dma_wait3A_397 : memref<1x128xf32, #tpu.memory_space<vmem>> -> memref<128xf32, #tpu.memory_space<vmem>>
        %dma_wait3A_399 = arith.constant 0 : i32
        %dma_wait3A_400 = tpu.memref_slice %arg5[%dma_wait3A_393, %dma_wait3A_399] : memref<32x128xi32, #tpu.memory_space<vmem>> -> memref<1x128xi32, #tpu.memory_space<vmem>>
        %dma_wait3A_401 = tpu.memref_squeeze %dma_wait3A_400 : memref<1x128xi32, #tpu.memory_space<vmem>> -> memref<128xi32, #tpu.memory_space<vmem>>
        %dma_wait3A_402 = arith.constant 0 : i32
        %dma_wait3A_403 = tpu.memref_slice %arg2[%dma_wait3A_402] : memref<1000000xf32, #tpu.memory_space<hbm>> -> memref<1000000xf32, #tpu.memory_space<hbm>>
        %dma_wait3A_404 = tpu.memref_slice %arg8[%dma_wait3A_395] : memref<2x!tpu.dma_semaphore, #tpu.memory_space<semaphore_mem>> -> memref<1x!tpu.dma_semaphore, #tpu.memory_space<semaphore_mem>>
        %dma_wait3A_405 = tpu.memref_squeeze %dma_wait3A_404 : memref<1x!tpu.dma_semaphore, #tpu.memory_space<semaphore_mem>> -> memref<!tpu.dma_semaphore, #tpu.memory_space<semaphore_mem>>
        tpu.wait_indirect_dma semaphore(%dma_wait3A_405 : memref<!tpu.dma_semaphore, #tpu.memory_space<semaphore_mem>>) src(%dma_wait3A_403 : memref<1000000xf32, #tpu.memory_space<hbm>>) dst(%dma_wait3A_398 : memref<128xf32, #tpu.memory_space<vmem>>)
        %dma_wait3A_406 = arith.constant 17 : i32
        %dma_wait3A_407 = arith.constant 17 : i32
        %dma_wait3A_408 = arith.constant 1 : i32
        %dma_wait3A_409 = arith.constant 0 : i32
        %dma_wait3A_410 = tpu.memref_slice %arg6[%dma_wait3A_407, %dma_wait3A_409] : memref<32x128xf32, #tpu.memory_space<vmem>> -> memref<1x128xf32, #tpu.memory_space<vmem>>
        %dma_wait3A_411 = tpu.memref_squeeze %dma_wait3A_410 : memref<1x128xf32, #tpu.memory_space<vmem>> -> memref<128xf32, #tpu.memory_space<vmem>>
        %dma_wait3A_412 = arith.constant 0 : i32
        %dma_wait3A_413 = tpu.memref_slice %arg5[%dma_wait3A_406, %dma_wait3A_412] : memref<32x128xi32, #tpu.memory_space<vmem>> -> memref<1x128xi32, #tpu.memory_space<vmem>>
        %dma_wait3A_414 = tpu.memref_squeeze %dma_wait3A_413 : memref<1x128xi32, #tpu.memory_space<vmem>> -> memref<128xi32, #tpu.memory_space<vmem>>
        %dma_wait3A_415 = arith.constant 0 : i32
        %dma_wait3A_416 = tpu.memref_slice %arg2[%dma_wait3A_415] : memref<1000000xf32, #tpu.memory_space<hbm>> -> memref<1000000xf32, #tpu.memory_space<hbm>>
        %dma_wait3A_417 = tpu.memref_slice %arg8[%dma_wait3A_408] : memref<2x!tpu.dma_semaphore, #tpu.memory_space<semaphore_mem>> -> memref<1x!tpu.dma_semaphore, #tpu.memory_space<semaphore_mem>>
        %dma_wait3A_418 = tpu.memref_squeeze %dma_wait3A_417 : memref<1x!tpu.dma_semaphore, #tpu.memory_space<semaphore_mem>> -> memref<!tpu.dma_semaphore, #tpu.memory_space<semaphore_mem>>
        tpu.wait_indirect_dma semaphore(%dma_wait3A_418 : memref<!tpu.dma_semaphore, #tpu.memory_space<semaphore_mem>>) src(%dma_wait3A_416 : memref<1000000xf32, #tpu.memory_space<hbm>>) dst(%dma_wait3A_411 : memref<128xf32, #tpu.memory_space<vmem>>)
        %dma_wait3A_419 = arith.constant 18 : i32
        %dma_wait3A_420 = arith.constant 18 : i32
        %dma_wait3A_421 = arith.constant 1 : i32
        %dma_wait3A_422 = arith.constant 0 : i32
        %dma_wait3A_423 = tpu.memref_slice %arg6[%dma_wait3A_420, %dma_wait3A_422] : memref<32x128xf32, #tpu.memory_space<vmem>> -> memref<1x128xf32, #tpu.memory_space<vmem>>
        %dma_wait3A_424 = tpu.memref_squeeze %dma_wait3A_423 : memref<1x128xf32, #tpu.memory_space<vmem>> -> memref<128xf32, #tpu.memory_space<vmem>>
        %dma_wait3A_425 = arith.constant 0 : i32
        %dma_wait3A_426 = tpu.memref_slice %arg5[%dma_wait3A_419, %dma_wait3A_425] : memref<32x128xi32, #tpu.memory_space<vmem>> -> memref<1x128xi32, #tpu.memory_space<vmem>>
        %dma_wait3A_427 = tpu.memref_squeeze %dma_wait3A_426 : memref<1x128xi32, #tpu.memory_space<vmem>> -> memref<128xi32, #tpu.memory_space<vmem>>
        %dma_wait3A_428 = arith.constant 0 : i32
        %dma_wait3A_429 = tpu.memref_slice %arg2[%dma_wait3A_428] : memref<1000000xf32, #tpu.memory_space<hbm>> -> memref<1000000xf32, #tpu.memory_space<hbm>>
        %dma_wait3A_430 = tpu.memref_slice %arg8[%dma_wait3A_421] : memref<2x!tpu.dma_semaphore, #tpu.memory_space<semaphore_mem>> -> memref<1x!tpu.dma_semaphore, #tpu.memory_space<semaphore_mem>>
        %dma_wait3A_431 = tpu.memref_squeeze %dma_wait3A_430 : memref<1x!tpu.dma_semaphore, #tpu.memory_space<semaphore_mem>> -> memref<!tpu.dma_semaphore, #tpu.memory_space<semaphore_mem>>
        tpu.wait_indirect_dma semaphore(%dma_wait3A_431 : memref<!tpu.dma_semaphore, #tpu.memory_space<semaphore_mem>>) src(%dma_wait3A_429 : memref<1000000xf32, #tpu.memory_space<hbm>>) dst(%dma_wait3A_424 : memref<128xf32, #tpu.memory_space<vmem>>)
        %dma_wait3A_432 = arith.constant 19 : i32
        %dma_wait3A_433 = arith.constant 19 : i32
        %dma_wait3A_434 = arith.constant 1 : i32
        %dma_wait3A_435 = arith.constant 0 : i32
        %dma_wait3A_436 = tpu.memref_slice %arg6[%dma_wait3A_433, %dma_wait3A_435] : memref<32x128xf32, #tpu.memory_space<vmem>> -> memref<1x128xf32, #tpu.memory_space<vmem>>
        %dma_wait3A_437 = tpu.memref_squeeze %dma_wait3A_436 : memref<1x128xf32, #tpu.memory_space<vmem>> -> memref<128xf32, #tpu.memory_space<vmem>>
        %dma_wait3A_438 = arith.constant 0 : i32
        %dma_wait3A_439 = tpu.memref_slice %arg5[%dma_wait3A_432, %dma_wait3A_438] : memref<32x128xi32, #tpu.memory_space<vmem>> -> memref<1x128xi32, #tpu.memory_space<vmem>>
        %dma_wait3A_440 = tpu.memref_squeeze %dma_wait3A_439 : memref<1x128xi32, #tpu.memory_space<vmem>> -> memref<128xi32, #tpu.memory_space<vmem>>
        %dma_wait3A_441 = arith.constant 0 : i32
        %dma_wait3A_442 = tpu.memref_slice %arg2[%dma_wait3A_441] : memref<1000000xf32, #tpu.memory_space<hbm>> -> memref<1000000xf32, #tpu.memory_space<hbm>>
        %dma_wait3A_443 = tpu.memref_slice %arg8[%dma_wait3A_434] : memref<2x!tpu.dma_semaphore, #tpu.memory_space<semaphore_mem>> -> memref<1x!tpu.dma_semaphore, #tpu.memory_space<semaphore_mem>>
        %dma_wait3A_444 = tpu.memref_squeeze %dma_wait3A_443 : memref<1x!tpu.dma_semaphore, #tpu.memory_space<semaphore_mem>> -> memref<!tpu.dma_semaphore, #tpu.memory_space<semaphore_mem>>
        tpu.wait_indirect_dma semaphore(%dma_wait3A_444 : memref<!tpu.dma_semaphore, #tpu.memory_space<semaphore_mem>>) src(%dma_wait3A_442 : memref<1000000xf32, #tpu.memory_space<hbm>>) dst(%dma_wait3A_437 : memref<128xf32, #tpu.memory_space<vmem>>)
        %dma_wait3A_445 = arith.constant 20 : i32
        %dma_wait3A_446 = arith.constant 20 : i32
        %dma_wait3A_447 = arith.constant 1 : i32
        %dma_wait3A_448 = arith.constant 0 : i32
        %dma_wait3A_449 = tpu.memref_slice %arg6[%dma_wait3A_446, %dma_wait3A_448] : memref<32x128xf32, #tpu.memory_space<vmem>> -> memref<1x128xf32, #tpu.memory_space<vmem>>
        %dma_wait3A_450 = tpu.memref_squeeze %dma_wait3A_449 : memref<1x128xf32, #tpu.memory_space<vmem>> -> memref<128xf32, #tpu.memory_space<vmem>>
        %dma_wait3A_451 = arith.constant 0 : i32
        %dma_wait3A_452 = tpu.memref_slice %arg5[%dma_wait3A_445, %dma_wait3A_451] : memref<32x128xi32, #tpu.memory_space<vmem>> -> memref<1x128xi32, #tpu.memory_space<vmem>>
        %dma_wait3A_453 = tpu.memref_squeeze %dma_wait3A_452 : memref<1x128xi32, #tpu.memory_space<vmem>> -> memref<128xi32, #tpu.memory_space<vmem>>
        %dma_wait3A_454 = arith.constant 0 : i32
        %dma_wait3A_455 = tpu.memref_slice %arg2[%dma_wait3A_454] : memref<1000000xf32, #tpu.memory_space<hbm>> -> memref<1000000xf32, #tpu.memory_space<hbm>>
        %dma_wait3A_456 = tpu.memref_slice %arg8[%dma_wait3A_447] : memref<2x!tpu.dma_semaphore, #tpu.memory_space<semaphore_mem>> -> memref<1x!tpu.dma_semaphore, #tpu.memory_space<semaphore_mem>>
        %dma_wait3A_457 = tpu.memref_squeeze %dma_wait3A_456 : memref<1x!tpu.dma_semaphore, #tpu.memory_space<semaphore_mem>> -> memref<!tpu.dma_semaphore, #tpu.memory_space<semaphore_mem>>
        tpu.wait_indirect_dma semaphore(%dma_wait3A_457 : memref<!tpu.dma_semaphore, #tpu.memory_space<semaphore_mem>>) src(%dma_wait3A_455 : memref<1000000xf32, #tpu.memory_space<hbm>>) dst(%dma_wait3A_450 : memref<128xf32, #tpu.memory_space<vmem>>)
        %dma_wait3A_458 = arith.constant 21 : i32
        %dma_wait3A_459 = arith.constant 21 : i32
        %dma_wait3A_460 = arith.constant 1 : i32
        %dma_wait3A_461 = arith.constant 0 : i32
        %dma_wait3A_462 = tpu.memref_slice %arg6[%dma_wait3A_459, %dma_wait3A_461] : memref<32x128xf32, #tpu.memory_space<vmem>> -> memref<1x128xf32, #tpu.memory_space<vmem>>
        %dma_wait3A_463 = tpu.memref_squeeze %dma_wait3A_462 : memref<1x128xf32, #tpu.memory_space<vmem>> -> memref<128xf32, #tpu.memory_space<vmem>>
        %dma_wait3A_464 = arith.constant 0 : i32
        %dma_wait3A_465 = tpu.memref_slice %arg5[%dma_wait3A_458, %dma_wait3A_464] : memref<32x128xi32, #tpu.memory_space<vmem>> -> memref<1x128xi32, #tpu.memory_space<vmem>>
        %dma_wait3A_466 = tpu.memref_squeeze %dma_wait3A_465 : memref<1x128xi32, #tpu.memory_space<vmem>> -> memref<128xi32, #tpu.memory_space<vmem>>
        %dma_wait3A_467 = arith.constant 0 : i32
        %dma_wait3A_468 = tpu.memref_slice %arg2[%dma_wait3A_467] : memref<1000000xf32, #tpu.memory_space<hbm>> -> memref<1000000xf32, #tpu.memory_space<hbm>>
        %dma_wait3A_469 = tpu.memref_slice %arg8[%dma_wait3A_460] : memref<2x!tpu.dma_semaphore, #tpu.memory_space<semaphore_mem>> -> memref<1x!tpu.dma_semaphore, #tpu.memory_space<semaphore_mem>>
        %dma_wait3A_470 = tpu.memref_squeeze %dma_wait3A_469 : memref<1x!tpu.dma_semaphore, #tpu.memory_space<semaphore_mem>> -> memref<!tpu.dma_semaphore, #tpu.memory_space<semaphore_mem>>
        tpu.wait_indirect_dma semaphore(%dma_wait3A_470 : memref<!tpu.dma_semaphore, #tpu.memory_space<semaphore_mem>>) src(%dma_wait3A_468 : memref<1000000xf32, #tpu.memory_space<hbm>>) dst(%dma_wait3A_463 : memref<128xf32, #tpu.memory_space<vmem>>)
        %dma_wait3A_471 = arith.constant 22 : i32
        %dma_wait3A_472 = arith.constant 22 : i32
        %dma_wait3A_473 = arith.constant 1 : i32
        %dma_wait3A_474 = arith.constant 0 : i32
        %dma_wait3A_475 = tpu.memref_slice %arg6[%dma_wait3A_472, %dma_wait3A_474] : memref<32x128xf32, #tpu.memory_space<vmem>> -> memref<1x128xf32, #tpu.memory_space<vmem>>
        %dma_wait3A_476 = tpu.memref_squeeze %dma_wait3A_475 : memref<1x128xf32, #tpu.memory_space<vmem>> -> memref<128xf32, #tpu.memory_space<vmem>>
        %dma_wait3A_477 = arith.constant 0 : i32
        %dma_wait3A_478 = tpu.memref_slice %arg5[%dma_wait3A_471, %dma_wait3A_477] : memref<32x128xi32, #tpu.memory_space<vmem>> -> memref<1x128xi32, #tpu.memory_space<vmem>>
        %dma_wait3A_479 = tpu.memref_squeeze %dma_wait3A_478 : memref<1x128xi32, #tpu.memory_space<vmem>> -> memref<128xi32, #tpu.memory_space<vmem>>
        %dma_wait3A_480 = arith.constant 0 : i32
        %dma_wait3A_481 = tpu.memref_slice %arg2[%dma_wait3A_480] : memref<1000000xf32, #tpu.memory_space<hbm>> -> memref<1000000xf32, #tpu.memory_space<hbm>>
        %dma_wait3A_482 = tpu.memref_slice %arg8[%dma_wait3A_473] : memref<2x!tpu.dma_semaphore, #tpu.memory_space<semaphore_mem>> -> memref<1x!tpu.dma_semaphore, #tpu.memory_space<semaphore_mem>>
        %dma_wait3A_483 = tpu.memref_squeeze %dma_wait3A_482 : memref<1x!tpu.dma_semaphore, #tpu.memory_space<semaphore_mem>> -> memref<!tpu.dma_semaphore, #tpu.memory_space<semaphore_mem>>
        tpu.wait_indirect_dma semaphore(%dma_wait3A_483 : memref<!tpu.dma_semaphore, #tpu.memory_space<semaphore_mem>>) src(%dma_wait3A_481 : memref<1000000xf32, #tpu.memory_space<hbm>>) dst(%dma_wait3A_476 : memref<128xf32, #tpu.memory_space<vmem>>)
        %dma_wait3A_484 = arith.constant 23 : i32
        %dma_wait3A_485 = arith.constant 23 : i32
        %dma_wait3A_486 = arith.constant 1 : i32
        %dma_wait3A_487 = arith.constant 0 : i32
        %dma_wait3A_488 = tpu.memref_slice %arg6[%dma_wait3A_485, %dma_wait3A_487] : memref<32x128xf32, #tpu.memory_space<vmem>> -> memref<1x128xf32, #tpu.memory_space<vmem>>
        %dma_wait3A_489 = tpu.memref_squeeze %dma_wait3A_488 : memref<1x128xf32, #tpu.memory_space<vmem>> -> memref<128xf32, #tpu.memory_space<vmem>>
        %dma_wait3A_490 = arith.constant 0 : i32
        %dma_wait3A_491 = tpu.memref_slice %arg5[%dma_wait3A_484, %dma_wait3A_490] : memref<32x128xi32, #tpu.memory_space<vmem>> -> memref<1x128xi32, #tpu.memory_space<vmem>>
        %dma_wait3A_492 = tpu.memref_squeeze %dma_wait3A_491 : memref<1x128xi32, #tpu.memory_space<vmem>> -> memref<128xi32, #tpu.memory_space<vmem>>
        %dma_wait3A_493 = arith.constant 0 : i32
        %dma_wait3A_494 = tpu.memref_slice %arg2[%dma_wait3A_493] : memref<1000000xf32, #tpu.memory_space<hbm>> -> memref<1000000xf32, #tpu.memory_space<hbm>>
        %dma_wait3A_495 = tpu.memref_slice %arg8[%dma_wait3A_486] : memref<2x!tpu.dma_semaphore, #tpu.memory_space<semaphore_mem>> -> memref<1x!tpu.dma_semaphore, #tpu.memory_space<semaphore_mem>>
        %dma_wait3A_496 = tpu.memref_squeeze %dma_wait3A_495 : memref<1x!tpu.dma_semaphore, #tpu.memory_space<semaphore_mem>> -> memref<!tpu.dma_semaphore, #tpu.memory_space<semaphore_mem>>
        tpu.wait_indirect_dma semaphore(%dma_wait3A_496 : memref<!tpu.dma_semaphore, #tpu.memory_space<semaphore_mem>>) src(%dma_wait3A_494 : memref<1000000xf32, #tpu.memory_space<hbm>>) dst(%dma_wait3A_489 : memref<128xf32, #tpu.memory_space<vmem>>)
        %dma_wait3A_497 = arith.constant 24 : i32
        %dma_wait3A_498 = arith.constant 24 : i32
        %dma_wait3A_499 = arith.constant 1 : i32
        %dma_wait3A_500 = arith.constant 0 : i32
        %dma_wait3A_501 = tpu.memref_slice %arg6[%dma_wait3A_498, %dma_wait3A_500] : memref<32x128xf32, #tpu.memory_space<vmem>> -> memref<1x128xf32, #tpu.memory_space<vmem>>
        %dma_wait3A_502 = tpu.memref_squeeze %dma_wait3A_501 : memref<1x128xf32, #tpu.memory_space<vmem>> -> memref<128xf32, #tpu.memory_space<vmem>>
        %dma_wait3A_503 = arith.constant 0 : i32
        %dma_wait3A_504 = tpu.memref_slice %arg5[%dma_wait3A_497, %dma_wait3A_503] : memref<32x128xi32, #tpu.memory_space<vmem>> -> memref<1x128xi32, #tpu.memory_space<vmem>>
        %dma_wait3A_505 = tpu.memref_squeeze %dma_wait3A_504 : memref<1x128xi32, #tpu.memory_space<vmem>> -> memref<128xi32, #tpu.memory_space<vmem>>
        %dma_wait3A_506 = arith.constant 0 : i32
        %dma_wait3A_507 = tpu.memref_slice %arg2[%dma_wait3A_506] : memref<1000000xf32, #tpu.memory_space<hbm>> -> memref<1000000xf32, #tpu.memory_space<hbm>>
        %dma_wait3A_508 = tpu.memref_slice %arg8[%dma_wait3A_499] : memref<2x!tpu.dma_semaphore, #tpu.memory_space<semaphore_mem>> -> memref<1x!tpu.dma_semaphore, #tpu.memory_space<semaphore_mem>>
        %dma_wait3A_509 = tpu.memref_squeeze %dma_wait3A_508 : memref<1x!tpu.dma_semaphore, #tpu.memory_space<semaphore_mem>> -> memref<!tpu.dma_semaphore, #tpu.memory_space<semaphore_mem>>
        tpu.wait_indirect_dma semaphore(%dma_wait3A_509 : memref<!tpu.dma_semaphore, #tpu.memory_space<semaphore_mem>>) src(%dma_wait3A_507 : memref<1000000xf32, #tpu.memory_space<hbm>>) dst(%dma_wait3A_502 : memref<128xf32, #tpu.memory_space<vmem>>)
        %dma_wait3A_510 = arith.constant 25 : i32
        %dma_wait3A_511 = arith.constant 25 : i32
        %dma_wait3A_512 = arith.constant 1 : i32
        %dma_wait3A_513 = arith.constant 0 : i32
        %dma_wait3A_514 = tpu.memref_slice %arg6[%dma_wait3A_511, %dma_wait3A_513] : memref<32x128xf32, #tpu.memory_space<vmem>> -> memref<1x128xf32, #tpu.memory_space<vmem>>
        %dma_wait3A_515 = tpu.memref_squeeze %dma_wait3A_514 : memref<1x128xf32, #tpu.memory_space<vmem>> -> memref<128xf32, #tpu.memory_space<vmem>>
        %dma_wait3A_516 = arith.constant 0 : i32
        %dma_wait3A_517 = tpu.memref_slice %arg5[%dma_wait3A_510, %dma_wait3A_516] : memref<32x128xi32, #tpu.memory_space<vmem>> -> memref<1x128xi32, #tpu.memory_space<vmem>>
        %dma_wait3A_518 = tpu.memref_squeeze %dma_wait3A_517 : memref<1x128xi32, #tpu.memory_space<vmem>> -> memref<128xi32, #tpu.memory_space<vmem>>
        %dma_wait3A_519 = arith.constant 0 : i32
        %dma_wait3A_520 = tpu.memref_slice %arg2[%dma_wait3A_519] : memref<1000000xf32, #tpu.memory_space<hbm>> -> memref<1000000xf32, #tpu.memory_space<hbm>>
        %dma_wait3A_521 = tpu.memref_slice %arg8[%dma_wait3A_512] : memref<2x!tpu.dma_semaphore, #tpu.memory_space<semaphore_mem>> -> memref<1x!tpu.dma_semaphore, #tpu.memory_space<semaphore_mem>>
        %dma_wait3A_522 = tpu.memref_squeeze %dma_wait3A_521 : memref<1x!tpu.dma_semaphore, #tpu.memory_space<semaphore_mem>> -> memref<!tpu.dma_semaphore, #tpu.memory_space<semaphore_mem>>
        tpu.wait_indirect_dma semaphore(%dma_wait3A_522 : memref<!tpu.dma_semaphore, #tpu.memory_space<semaphore_mem>>) src(%dma_wait3A_520 : memref<1000000xf32, #tpu.memory_space<hbm>>) dst(%dma_wait3A_515 : memref<128xf32, #tpu.memory_space<vmem>>)
        %dma_wait3A_523 = arith.constant 26 : i32
        %dma_wait3A_524 = arith.constant 26 : i32
        %dma_wait3A_525 = arith.constant 1 : i32
        %dma_wait3A_526 = arith.constant 0 : i32
        %dma_wait3A_527 = tpu.memref_slice %arg6[%dma_wait3A_524, %dma_wait3A_526] : memref<32x128xf32, #tpu.memory_space<vmem>> -> memref<1x128xf32, #tpu.memory_space<vmem>>
        %dma_wait3A_528 = tpu.memref_squeeze %dma_wait3A_527 : memref<1x128xf32, #tpu.memory_space<vmem>> -> memref<128xf32, #tpu.memory_space<vmem>>
        %dma_wait3A_529 = arith.constant 0 : i32
        %dma_wait3A_530 = tpu.memref_slice %arg5[%dma_wait3A_523, %dma_wait3A_529] : memref<32x128xi32, #tpu.memory_space<vmem>> -> memref<1x128xi32, #tpu.memory_space<vmem>>
        %dma_wait3A_531 = tpu.memref_squeeze %dma_wait3A_530 : memref<1x128xi32, #tpu.memory_space<vmem>> -> memref<128xi32, #tpu.memory_space<vmem>>
        %dma_wait3A_532 = arith.constant 0 : i32
        %dma_wait3A_533 = tpu.memref_slice %arg2[%dma_wait3A_532] : memref<1000000xf32, #tpu.memory_space<hbm>> -> memref<1000000xf32, #tpu.memory_space<hbm>>
        %dma_wait3A_534 = tpu.memref_slice %arg8[%dma_wait3A_525] : memref<2x!tpu.dma_semaphore, #tpu.memory_space<semaphore_mem>> -> memref<1x!tpu.dma_semaphore, #tpu.memory_space<semaphore_mem>>
        %dma_wait3A_535 = tpu.memref_squeeze %dma_wait3A_534 : memref<1x!tpu.dma_semaphore, #tpu.memory_space<semaphore_mem>> -> memref<!tpu.dma_semaphore, #tpu.memory_space<semaphore_mem>>
        tpu.wait_indirect_dma semaphore(%dma_wait3A_535 : memref<!tpu.dma_semaphore, #tpu.memory_space<semaphore_mem>>) src(%dma_wait3A_533 : memref<1000000xf32, #tpu.memory_space<hbm>>) dst(%dma_wait3A_528 : memref<128xf32, #tpu.memory_space<vmem>>)
        %dma_wait3A_536 = arith.constant 27 : i32
        %dma_wait3A_537 = arith.constant 27 : i32
        %dma_wait3A_538 = arith.constant 1 : i32
        %dma_wait3A_539 = arith.constant 0 : i32
        %dma_wait3A_540 = tpu.memref_slice %arg6[%dma_wait3A_537, %dma_wait3A_539] : memref<32x128xf32, #tpu.memory_space<vmem>> -> memref<1x128xf32, #tpu.memory_space<vmem>>
        %dma_wait3A_541 = tpu.memref_squeeze %dma_wait3A_540 : memref<1x128xf32, #tpu.memory_space<vmem>> -> memref<128xf32, #tpu.memory_space<vmem>>
        %dma_wait3A_542 = arith.constant 0 : i32
        %dma_wait3A_543 = tpu.memref_slice %arg5[%dma_wait3A_536, %dma_wait3A_542] : memref<32x128xi32, #tpu.memory_space<vmem>> -> memref<1x128xi32, #tpu.memory_space<vmem>>
        %dma_wait3A_544 = tpu.memref_squeeze %dma_wait3A_543 : memref<1x128xi32, #tpu.memory_space<vmem>> -> memref<128xi32, #tpu.memory_space<vmem>>
        %dma_wait3A_545 = arith.constant 0 : i32
        %dma_wait3A_546 = tpu.memref_slice %arg2[%dma_wait3A_545] : memref<1000000xf32, #tpu.memory_space<hbm>> -> memref<1000000xf32, #tpu.memory_space<hbm>>
        %dma_wait3A_547 = tpu.memref_slice %arg8[%dma_wait3A_538] : memref<2x!tpu.dma_semaphore, #tpu.memory_space<semaphore_mem>> -> memref<1x!tpu.dma_semaphore, #tpu.memory_space<semaphore_mem>>
        %dma_wait3A_548 = tpu.memref_squeeze %dma_wait3A_547 : memref<1x!tpu.dma_semaphore, #tpu.memory_space<semaphore_mem>> -> memref<!tpu.dma_semaphore, #tpu.memory_space<semaphore_mem>>
        tpu.wait_indirect_dma semaphore(%dma_wait3A_548 : memref<!tpu.dma_semaphore, #tpu.memory_space<semaphore_mem>>) src(%dma_wait3A_546 : memref<1000000xf32, #tpu.memory_space<hbm>>) dst(%dma_wait3A_541 : memref<128xf32, #tpu.memory_space<vmem>>)
        %dma_wait3A_549 = arith.constant 28 : i32
        %dma_wait3A_550 = arith.constant 28 : i32
        %dma_wait3A_551 = arith.constant 1 : i32
        %dma_wait3A_552 = arith.constant 0 : i32
        %dma_wait3A_553 = tpu.memref_slice %arg6[%dma_wait3A_550, %dma_wait3A_552] : memref<32x128xf32, #tpu.memory_space<vmem>> -> memref<1x128xf32, #tpu.memory_space<vmem>>
        %dma_wait3A_554 = tpu.memref_squeeze %dma_wait3A_553 : memref<1x128xf32, #tpu.memory_space<vmem>> -> memref<128xf32, #tpu.memory_space<vmem>>
        %dma_wait3A_555 = arith.constant 0 : i32
        %dma_wait3A_556 = tpu.memref_slice %arg5[%dma_wait3A_549, %dma_wait3A_555] : memref<32x128xi32, #tpu.memory_space<vmem>> -> memref<1x128xi32, #tpu.memory_space<vmem>>
        %dma_wait3A_557 = tpu.memref_squeeze %dma_wait3A_556 : memref<1x128xi32, #tpu.memory_space<vmem>> -> memref<128xi32, #tpu.memory_space<vmem>>
        %dma_wait3A_558 = arith.constant 0 : i32
        %dma_wait3A_559 = tpu.memref_slice %arg2[%dma_wait3A_558] : memref<1000000xf32, #tpu.memory_space<hbm>> -> memref<1000000xf32, #tpu.memory_space<hbm>>
        %dma_wait3A_560 = tpu.memref_slice %arg8[%dma_wait3A_551] : memref<2x!tpu.dma_semaphore, #tpu.memory_space<semaphore_mem>> -> memref<1x!tpu.dma_semaphore, #tpu.memory_space<semaphore_mem>>
        %dma_wait3A_561 = tpu.memref_squeeze %dma_wait3A_560 : memref<1x!tpu.dma_semaphore, #tpu.memory_space<semaphore_mem>> -> memref<!tpu.dma_semaphore, #tpu.memory_space<semaphore_mem>>
        tpu.wait_indirect_dma semaphore(%dma_wait3A_561 : memref<!tpu.dma_semaphore, #tpu.memory_space<semaphore_mem>>) src(%dma_wait3A_559 : memref<1000000xf32, #tpu.memory_space<hbm>>) dst(%dma_wait3A_554 : memref<128xf32, #tpu.memory_space<vmem>>)
        %dma_wait3A_562 = arith.constant 29 : i32
        %dma_wait3A_563 = arith.constant 29 : i32
        %dma_wait3A_564 = arith.constant 1 : i32
        %dma_wait3A_565 = arith.constant 0 : i32
        %dma_wait3A_566 = tpu.memref_slice %arg6[%dma_wait3A_563, %dma_wait3A_565] : memref<32x128xf32, #tpu.memory_space<vmem>> -> memref<1x128xf32, #tpu.memory_space<vmem>>
        %dma_wait3A_567 = tpu.memref_squeeze %dma_wait3A_566 : memref<1x128xf32, #tpu.memory_space<vmem>> -> memref<128xf32, #tpu.memory_space<vmem>>
        %dma_wait3A_568 = arith.constant 0 : i32
        %dma_wait3A_569 = tpu.memref_slice %arg5[%dma_wait3A_562, %dma_wait3A_568] : memref<32x128xi32, #tpu.memory_space<vmem>> -> memref<1x128xi32, #tpu.memory_space<vmem>>
        %dma_wait3A_570 = tpu.memref_squeeze %dma_wait3A_569 : memref<1x128xi32, #tpu.memory_space<vmem>> -> memref<128xi32, #tpu.memory_space<vmem>>
        %dma_wait3A_571 = arith.constant 0 : i32
        %dma_wait3A_572 = tpu.memref_slice %arg2[%dma_wait3A_571] : memref<1000000xf32, #tpu.memory_space<hbm>> -> memref<1000000xf32, #tpu.memory_space<hbm>>
        %dma_wait3A_573 = tpu.memref_slice %arg8[%dma_wait3A_564] : memref<2x!tpu.dma_semaphore, #tpu.memory_space<semaphore_mem>> -> memref<1x!tpu.dma_semaphore, #tpu.memory_space<semaphore_mem>>
        %dma_wait3A_574 = tpu.memref_squeeze %dma_wait3A_573 : memref<1x!tpu.dma_semaphore, #tpu.memory_space<semaphore_mem>> -> memref<!tpu.dma_semaphore, #tpu.memory_space<semaphore_mem>>
        tpu.wait_indirect_dma semaphore(%dma_wait3A_574 : memref<!tpu.dma_semaphore, #tpu.memory_space<semaphore_mem>>) src(%dma_wait3A_572 : memref<1000000xf32, #tpu.memory_space<hbm>>) dst(%dma_wait3A_567 : memref<128xf32, #tpu.memory_space<vmem>>)
        %dma_wait3A_575 = arith.constant 30 : i32
        %dma_wait3A_576 = arith.constant 30 : i32
        %dma_wait3A_577 = arith.constant 1 : i32
        %dma_wait3A_578 = arith.constant 0 : i32
        %dma_wait3A_579 = tpu.memref_slice %arg6[%dma_wait3A_576, %dma_wait3A_578] : memref<32x128xf32, #tpu.memory_space<vmem>> -> memref<1x128xf32, #tpu.memory_space<vmem>>
        %dma_wait3A_580 = tpu.memref_squeeze %dma_wait3A_579 : memref<1x128xf32, #tpu.memory_space<vmem>> -> memref<128xf32, #tpu.memory_space<vmem>>
        %dma_wait3A_581 = arith.constant 0 : i32
        %dma_wait3A_582 = tpu.memref_slice %arg5[%dma_wait3A_575, %dma_wait3A_581] : memref<32x128xi32, #tpu.memory_space<vmem>> -> memref<1x128xi32, #tpu.memory_space<vmem>>
        %dma_wait3A_583 = tpu.memref_squeeze %dma_wait3A_582 : memref<1x128xi32, #tpu.memory_space<vmem>> -> memref<128xi32, #tpu.memory_space<vmem>>
        %dma_wait3A_584 = arith.constant 0 : i32
        %dma_wait3A_585 = tpu.memref_slice %arg2[%dma_wait3A_584] : memref<1000000xf32, #tpu.memory_space<hbm>> -> memref<1000000xf32, #tpu.memory_space<hbm>>
        %dma_wait3A_586 = tpu.memref_slice %arg8[%dma_wait3A_577] : memref<2x!tpu.dma_semaphore, #tpu.memory_space<semaphore_mem>> -> memref<1x!tpu.dma_semaphore, #tpu.memory_space<semaphore_mem>>
        %dma_wait3A_587 = tpu.memref_squeeze %dma_wait3A_586 : memref<1x!tpu.dma_semaphore, #tpu.memory_space<semaphore_mem>> -> memref<!tpu.dma_semaphore, #tpu.memory_space<semaphore_mem>>
        tpu.wait_indirect_dma semaphore(%dma_wait3A_587 : memref<!tpu.dma_semaphore, #tpu.memory_space<semaphore_mem>>) src(%dma_wait3A_585 : memref<1000000xf32, #tpu.memory_space<hbm>>) dst(%dma_wait3A_580 : memref<128xf32, #tpu.memory_space<vmem>>)
        %dma_wait3A_588 = arith.constant 31 : i32
        %dma_wait3A_589 = arith.constant 31 : i32
        %dma_wait3A_590 = arith.constant 1 : i32
        %dma_wait3A_591 = arith.constant 0 : i32
        %dma_wait3A_592 = tpu.memref_slice %arg6[%dma_wait3A_589, %dma_wait3A_591] : memref<32x128xf32, #tpu.memory_space<vmem>> -> memref<1x128xf32, #tpu.memory_space<vmem>>
        %dma_wait3A_593 = tpu.memref_squeeze %dma_wait3A_592 : memref<1x128xf32, #tpu.memory_space<vmem>> -> memref<128xf32, #tpu.memory_space<vmem>>
        %dma_wait3A_594 = arith.constant 0 : i32
        %dma_wait3A_595 = tpu.memref_slice %arg5[%dma_wait3A_588, %dma_wait3A_594] : memref<32x128xi32, #tpu.memory_space<vmem>> -> memref<1x128xi32, #tpu.memory_space<vmem>>
        %dma_wait3A_596 = tpu.memref_squeeze %dma_wait3A_595 : memref<1x128xi32, #tpu.memory_space<vmem>> -> memref<128xi32, #tpu.memory_space<vmem>>
        %dma_wait3A_597 = arith.constant 0 : i32
        %dma_wait3A_598 = tpu.memref_slice %arg2[%dma_wait3A_597] : memref<1000000xf32, #tpu.memory_space<hbm>> -> memref<1000000xf32, #tpu.memory_space<hbm>>
        %dma_wait3A_599 = tpu.memref_slice %arg8[%dma_wait3A_590] : memref<2x!tpu.dma_semaphore, #tpu.memory_space<semaphore_mem>> -> memref<1x!tpu.dma_semaphore, #tpu.memory_space<semaphore_mem>>
        %dma_wait3A_600 = tpu.memref_squeeze %dma_wait3A_599 : memref<1x!tpu.dma_semaphore, #tpu.memory_space<semaphore_mem>> -> memref<!tpu.dma_semaphore, #tpu.memory_space<semaphore_mem>>
        tpu.wait_indirect_dma semaphore(%dma_wait3A_600 : memref<!tpu.dma_semaphore, #tpu.memory_space<semaphore_mem>>) src(%dma_wait3A_598 : memref<1000000xf32, #tpu.memory_space<hbm>>) dst(%dma_wait3A_593 : memref<128xf32, #tpu.memory_space<vmem>>)
      } else {
      }
      %ge3A_318 = arith.constant 1 : i32
      %ge3A_319 = arith.cmpi sge, %scan3A_274, %ge3A_318 : i32
      %convert_element_type3A_320 = arith.extui %ge3A_319 : i1 to i32
      %cond3A_321 = arith.constant 0 : i32
      %cond3A_322 = arith.cmpi ne, %convert_element_type3A_320, %cond3A_321 : i32
      scf.if %cond3A_322 {
        %sub3A_393 = arith.constant 1 : i32
        %sub3A_394 = arith.subi %scan3A_274, %sub3A_393 : i32
        %mul3A_395 = arith.constant 16 : i32
        %mul3A_396 = arith.muli %sub3A_276, %mul3A_395 : i32
        %mul3A_397 = arith.constant 16 : i32
        %mul3A_398 = arith.muli %sub3A_394, %mul3A_397 : i32
        %add3A_399 = arith.addi %mul3A_2, %mul3A_398 : i32
        %dma_start3A_400 = arith.constant 0 : i32
        %dma_start3A_401 = tpu.memref_slice %arg6[%mul3A_396, %dma_start3A_400] : memref<32x128xf32, #tpu.memory_space<vmem>> -> memref<16x128xf32, #tpu.memory_space<vmem>>
        %dma_start3A_402 = arith.constant 0 : i32
        %dma_start3A_403 = tpu.memref_slice %arg4[%add3A_399, %dma_start3A_402] : memref<25600x128xf32, #tpu.memory_space<hbm>> -> memref<16x128xf32, #tpu.memory_space<hbm>>
        %dma_start3A_404 = tpu.memref_slice %arg9[%sub3A_276] : memref<2x!tpu.dma_semaphore, #tpu.memory_space<semaphore_mem>> -> memref<1x!tpu.dma_semaphore, #tpu.memory_space<semaphore_mem>>
        %dma_start3A_405 = tpu.memref_squeeze %dma_start3A_404 : memref<1x!tpu.dma_semaphore, #tpu.memory_space<semaphore_mem>> -> memref<!tpu.dma_semaphore, #tpu.memory_space<semaphore_mem>>
        %dma_start3A_406 = arith.constant 0 : i32
        %dma_start3A_407 = tpu.memref_slice %arg4[%add3A_399, %dma_start3A_406] : memref<25600x128xf32, #tpu.memory_space<hbm>> -> memref<16x128xf32, #tpu.memory_space<hbm>>
        %dma_start3A_408 = arith.constant 0 : i32
        %dma_start3A_409 = tpu.memref_slice %arg6[%mul3A_396, %dma_start3A_408] : memref<32x128xf32, #tpu.memory_space<vmem>> -> memref<16x128xf32, #tpu.memory_space<vmem>>
        tpu.enqueue_dma source(%dma_start3A_409 : memref<16x128xf32, #tpu.memory_space<vmem>>) target(%dma_start3A_407 : memref<16x128xf32, #tpu.memory_space<hbm>>) target_semaphore(%dma_start3A_405 : memref<!tpu.dma_semaphore, #tpu.memory_space<semaphore_mem>>)
      } else {
      }
      %add3A_323 = arith.constant 1 : i32
      %add3A_324 = arith.addi %scan3A_274, %add3A_323 : i32
      %lt3A = arith.constant 50 : i32
      %lt3A_325 = arith.cmpi slt, %add3A_324, %lt3A : i32
      %convert_element_type3A_326 = arith.extui %lt3A_325 : i1 to i32
      %cond3A_327 = arith.constant 0 : i32
      %cond3A_328 = arith.cmpi ne, %convert_element_type3A_326, %cond3A_327 : i32
      scf.if %cond3A_328 {
        %add3A_393 = arith.constant 1 : i32
        %add3A_394 = arith.addi %scan3A_274, %add3A_393 : i32
        %mul3A_395 = arith.constant 16 : i32
        %mul3A_396 = arith.muli %add3A_394, %mul3A_395 : i32
        %add3A_397 = arith.addi %mul3A_2, %mul3A_396 : i32
        %mul3A_398 = arith.constant 16 : i32
        %mul3A_399 = arith.muli %sub3A_276, %mul3A_398 : i32
        %dma_start3A_400 = arith.constant 0 : i32
        %dma_start3A_401 = tpu.memref_slice %arg5[%mul3A_399, %dma_start3A_400] : memref<32x128xi32, #tpu.memory_space<vmem>> -> memref<16x128xi32, #tpu.memory_space<vmem>>
        %dma_start3A_402 = arith.constant 0 : i32
        %dma_start3A_403 = tpu.memref_slice %arg3[%add3A_397, %dma_start3A_402] : memref<25600x128xi32, #tpu.memory_space<hbm>> -> memref<16x128xi32, #tpu.memory_space<hbm>>
        %dma_start3A_404 = tpu.memref_slice %arg7[%sub3A_276] : memref<2x!tpu.dma_semaphore, #tpu.memory_space<semaphore_mem>> -> memref<1x!tpu.dma_semaphore, #tpu.memory_space<semaphore_mem>>
        %dma_start3A_405 = tpu.memref_squeeze %dma_start3A_404 : memref<1x!tpu.dma_semaphore, #tpu.memory_space<semaphore_mem>> -> memref<!tpu.dma_semaphore, #tpu.memory_space<semaphore_mem>>
        %dma_start3A_406 = arith.constant 0 : i32
        %dma_start3A_407 = tpu.memref_slice %arg5[%mul3A_399, %dma_start3A_406] : memref<32x128xi32, #tpu.memory_space<vmem>> -> memref<16x128xi32, #tpu.memory_space<vmem>>
        %dma_start3A_408 = arith.constant 0 : i32
        %dma_start3A_409 = tpu.memref_slice %arg3[%add3A_397, %dma_start3A_408] : memref<25600x128xi32, #tpu.memory_space<hbm>> -> memref<16x128xi32, #tpu.memory_space<hbm>>
        tpu.enqueue_dma source(%dma_start3A_409 : memref<16x128xi32, #tpu.memory_space<hbm>>) target(%dma_start3A_407 : memref<16x128xi32, #tpu.memory_space<vmem>>) target_semaphore(%dma_start3A_405 : memref<!tpu.dma_semaphore, #tpu.memory_space<semaphore_mem>>)
      } else {
      }
      %scan3A_329 = arith.constant 1 : i32
      %scan3A_330 = arith.addi %scan3A_274, %scan3A_329 : i32
      %rem3A_331 = arith.constant 2 : i32
      %rem3A_332 = arith.remsi %scan3A_330, %rem3A_331 : i32
      %sub3A_333 = arith.constant 1 : i32
      %sub3A_334 = arith.subi %sub3A_333, %rem3A_332 : i32
      %mul3A_335 = arith.constant 16 : i32
      %mul3A_336 = arith.muli %scan3A_330, %mul3A_335 : i32
      %add3A_337 = arith.addi %mul3A_2, %mul3A_336 : i32
      %mul3A_338 = arith.constant 16 : i32
      %mul3A_339 = arith.muli %rem3A_332, %mul3A_338 : i32
      %dma_wait3A_340 = arith.constant 0 : i32
      %dma_wait3A_341 = tpu.memref_slice %arg5[%mul3A_339, %dma_wait3A_340] : memref<32x128xi32, #tpu.memory_space<vmem>> -> memref<16x128xi32, #tpu.memory_space<vmem>>
      %dma_wait3A_342 = arith.constant 0 : i32
      %dma_wait3A_343 = tpu.memref_slice %arg3[%add3A_337, %dma_wait3A_342] : memref<25600x128xi32, #tpu.memory_space<hbm>> -> memref<16x128xi32, #tpu.memory_space<hbm>>
      %dma_wait3A_344 = tpu.memref_slice %arg7[%rem3A_332] : memref<2x!tpu.dma_semaphore, #tpu.memory_space<semaphore_mem>> -> memref<1x!tpu.dma_semaphore, #tpu.memory_space<semaphore_mem>>
      %dma_wait3A_345 = tpu.memref_squeeze %dma_wait3A_344 : memref<1x!tpu.dma_semaphore, #tpu.memory_space<semaphore_mem>> -> memref<!tpu.dma_semaphore, #tpu.memory_space<semaphore_mem>>
      %dma_wait3A_346 = arith.constant 0 : i32
      %dma_wait3A_347 = tpu.memref_slice %arg5[%mul3A_339, %dma_wait3A_346] : memref<32x128xi32, #tpu.memory_space<vmem>> -> memref<16x128xi32, #tpu.memory_space<vmem>>
      %dma_wait3A_348 = arith.constant 0 : i32
      %dma_wait3A_349 = tpu.memref_slice %arg3[%add3A_337, %dma_wait3A_348] : memref<25600x128xi32, #tpu.memory_space<hbm>> -> memref<16x128xi32, #tpu.memory_space<hbm>>
      tpu.wait_dma2 semaphore(%dma_wait3A_345 : memref<!tpu.dma_semaphore, #tpu.memory_space<semaphore_mem>>) src(%dma_wait3A_349 : memref<16x128xi32, #tpu.memory_space<hbm>>) dst(%dma_wait3A_347 : memref<16x128xi32, #tpu.memory_space<vmem>>)
      %ge3A_350 = arith.constant 2 : i32
      %ge3A_351 = arith.cmpi sge, %scan3A_330, %ge3A_350 : i32
      %convert_element_type3A_352 = arith.extui %ge3A_351 : i1 to i32
      %cond3A_353 = arith.constant 0 : i32
      %cond3A_354 = arith.cmpi ne, %convert_element_type3A_352, %cond3A_353 : i32
      scf.if %cond3A_354 {
        %sub3A_393 = arith.constant 2 : i32
        %sub3A_394 = arith.subi %scan3A_330, %sub3A_393 : i32
        %mul3A_395 = arith.constant 16 : i32
        %mul3A_396 = arith.muli %rem3A_332, %mul3A_395 : i32
        %mul3A_397 = arith.constant 16 : i32
        %mul3A_398 = arith.muli %sub3A_394, %mul3A_397 : i32
        %add3A_399 = arith.addi %mul3A_2, %mul3A_398 : i32
        %dma_wait3A_400 = arith.constant 0 : i32
        %dma_wait3A_401 = tpu.memref_slice %arg6[%mul3A_396, %dma_wait3A_400] : memref<32x128xf32, #tpu.memory_space<vmem>> -> memref<16x128xf32, #tpu.memory_space<vmem>>
        %dma_wait3A_402 = arith.constant 0 : i32
        %dma_wait3A_403 = tpu.memref_slice %arg4[%add3A_399, %dma_wait3A_402] : memref<25600x128xf32, #tpu.memory_space<hbm>> -> memref<16x128xf32, #tpu.memory_space<hbm>>
        %dma_wait3A_404 = tpu.memref_slice %arg9[%rem3A_332] : memref<2x!tpu.dma_semaphore, #tpu.memory_space<semaphore_mem>> -> memref<1x!tpu.dma_semaphore, #tpu.memory_space<semaphore_mem>>
        %dma_wait3A_405 = tpu.memref_squeeze %dma_wait3A_404 : memref<1x!tpu.dma_semaphore, #tpu.memory_space<semaphore_mem>> -> memref<!tpu.dma_semaphore, #tpu.memory_space<semaphore_mem>>
        %dma_wait3A_406 = arith.constant 0 : i32
        %dma_wait3A_407 = tpu.memref_slice %arg4[%add3A_399, %dma_wait3A_406] : memref<25600x128xf32, #tpu.memory_space<hbm>> -> memref<16x128xf32, #tpu.memory_space<hbm>>
        %dma_wait3A_408 = arith.constant 0 : i32
        %dma_wait3A_409 = tpu.memref_slice %arg6[%mul3A_396, %dma_wait3A_408] : memref<32x128xf32, #tpu.memory_space<vmem>> -> memref<16x128xf32, #tpu.memory_space<vmem>>
        tpu.wait_dma2 semaphore(%dma_wait3A_405 : memref<!tpu.dma_semaphore, #tpu.memory_space<semaphore_mem>>) src(%dma_wait3A_409 : memref<16x128xf32, #tpu.memory_space<vmem>>) dst(%dma_wait3A_407 : memref<16x128xf32, #tpu.memory_space<hbm>>)
      } else {
      }
      %eq3A_355 = arith.constant 0 : i32
      %eq3A_356 = arith.cmpi eq, %rem3A_332, %eq3A_355 : i32
      %convert_element_type3A_357 = arith.extui %eq3A_356 : i1 to i32
      %cond3A_358 = arith.constant 0 : i32
      %cond3A_359 = arith.cmpi ne, %convert_element_type3A_357, %cond3A_358 : i32
      scf.if %cond3A_359 {
        %dma_start3A_393 = arith.constant 0 : i32
        %dma_start3A_394 = arith.constant 0 : i32
        %dma_start3A_395 = arith.constant 0 : i32
        %dma_start3A_396 = arith.constant 0 : i32
        %dma_start3A_397 = tpu.memref_slice %arg6[%dma_start3A_394, %dma_start3A_396] : memref<32x128xf32, #tpu.memory_space<vmem>> -> memref<1x128xf32, #tpu.memory_space<vmem>>
        %dma_start3A_398 = tpu.memref_squeeze %dma_start3A_397 : memref<1x128xf32, #tpu.memory_space<vmem>> -> memref<128xf32, #tpu.memory_space<vmem>>
        %dma_start3A_399 = arith.constant 0 : i32
        %dma_start3A_400 = tpu.memref_slice %arg5[%dma_start3A_393, %dma_start3A_399] : memref<32x128xi32, #tpu.memory_space<vmem>> -> memref<1x128xi32, #tpu.memory_space<vmem>>
        %dma_start3A_401 = tpu.memref_squeeze %dma_start3A_400 : memref<1x128xi32, #tpu.memory_space<vmem>> -> memref<128xi32, #tpu.memory_space<vmem>>
        %dma_start3A_402 = arith.constant 0 : i32
        %dma_start3A_403 = tpu.memref_slice %arg2[%dma_start3A_402] : memref<1000000xf32, #tpu.memory_space<hbm>> -> memref<1000000xf32, #tpu.memory_space<hbm>>
        %dma_start3A_404 = tpu.memref_slice %arg8[%dma_start3A_395] : memref<2x!tpu.dma_semaphore, #tpu.memory_space<semaphore_mem>> -> memref<1x!tpu.dma_semaphore, #tpu.memory_space<semaphore_mem>>
        %dma_start3A_405 = tpu.memref_squeeze %dma_start3A_404 : memref<1x!tpu.dma_semaphore, #tpu.memory_space<semaphore_mem>> -> memref<!tpu.dma_semaphore, #tpu.memory_space<semaphore_mem>>
        tpu.enqueue_indirect_dma source(%dma_start3A_403 : memref<1000000xf32, #tpu.memory_space<hbm>>) target(%dma_start3A_398 : memref<128xf32, #tpu.memory_space<vmem>>) offsets(%dma_start3A_401 : memref<128xi32, #tpu.memory_space<vmem>>) semaphore(%dma_start3A_405 : memref<!tpu.dma_semaphore, #tpu.memory_space<semaphore_mem>>)
        %dma_start3A_406 = arith.constant 1 : i32
        %dma_start3A_407 = arith.constant 1 : i32
        %dma_start3A_408 = arith.constant 0 : i32
        %dma_start3A_409 = arith.constant 0 : i32
        %dma_start3A_410 = tpu.memref_slice %arg6[%dma_start3A_407, %dma_start3A_409] : memref<32x128xf32, #tpu.memory_space<vmem>> -> memref<1x128xf32, #tpu.memory_space<vmem>>
        %dma_start3A_411 = tpu.memref_squeeze %dma_start3A_410 : memref<1x128xf32, #tpu.memory_space<vmem>> -> memref<128xf32, #tpu.memory_space<vmem>>
        %dma_start3A_412 = arith.constant 0 : i32
        %dma_start3A_413 = tpu.memref_slice %arg5[%dma_start3A_406, %dma_start3A_412] : memref<32x128xi32, #tpu.memory_space<vmem>> -> memref<1x128xi32, #tpu.memory_space<vmem>>
        %dma_start3A_414 = tpu.memref_squeeze %dma_start3A_413 : memref<1x128xi32, #tpu.memory_space<vmem>> -> memref<128xi32, #tpu.memory_space<vmem>>
        %dma_start3A_415 = arith.constant 0 : i32
        %dma_start3A_416 = tpu.memref_slice %arg2[%dma_start3A_415] : memref<1000000xf32, #tpu.memory_space<hbm>> -> memref<1000000xf32, #tpu.memory_space<hbm>>
        %dma_start3A_417 = tpu.memref_slice %arg8[%dma_start3A_408] : memref<2x!tpu.dma_semaphore, #tpu.memory_space<semaphore_mem>> -> memref<1x!tpu.dma_semaphore, #tpu.memory_space<semaphore_mem>>
        %dma_start3A_418 = tpu.memref_squeeze %dma_start3A_417 : memref<1x!tpu.dma_semaphore, #tpu.memory_space<semaphore_mem>> -> memref<!tpu.dma_semaphore, #tpu.memory_space<semaphore_mem>>
        tpu.enqueue_indirect_dma source(%dma_start3A_416 : memref<1000000xf32, #tpu.memory_space<hbm>>) target(%dma_start3A_411 : memref<128xf32, #tpu.memory_space<vmem>>) offsets(%dma_start3A_414 : memref<128xi32, #tpu.memory_space<vmem>>) semaphore(%dma_start3A_418 : memref<!tpu.dma_semaphore, #tpu.memory_space<semaphore_mem>>)
        %dma_start3A_419 = arith.constant 2 : i32
        %dma_start3A_420 = arith.constant 2 : i32
        %dma_start3A_421 = arith.constant 0 : i32
        %dma_start3A_422 = arith.constant 0 : i32
        %dma_start3A_423 = tpu.memref_slice %arg6[%dma_start3A_420, %dma_start3A_422] : memref<32x128xf32, #tpu.memory_space<vmem>> -> memref<1x128xf32, #tpu.memory_space<vmem>>
        %dma_start3A_424 = tpu.memref_squeeze %dma_start3A_423 : memref<1x128xf32, #tpu.memory_space<vmem>> -> memref<128xf32, #tpu.memory_space<vmem>>
        %dma_start3A_425 = arith.constant 0 : i32
        %dma_start3A_426 = tpu.memref_slice %arg5[%dma_start3A_419, %dma_start3A_425] : memref<32x128xi32, #tpu.memory_space<vmem>> -> memref<1x128xi32, #tpu.memory_space<vmem>>
        %dma_start3A_427 = tpu.memref_squeeze %dma_start3A_426 : memref<1x128xi32, #tpu.memory_space<vmem>> -> memref<128xi32, #tpu.memory_space<vmem>>
        %dma_start3A_428 = arith.constant 0 : i32
        %dma_start3A_429 = tpu.memref_slice %arg2[%dma_start3A_428] : memref<1000000xf32, #tpu.memory_space<hbm>> -> memref<1000000xf32, #tpu.memory_space<hbm>>
        %dma_start3A_430 = tpu.memref_slice %arg8[%dma_start3A_421] : memref<2x!tpu.dma_semaphore, #tpu.memory_space<semaphore_mem>> -> memref<1x!tpu.dma_semaphore, #tpu.memory_space<semaphore_mem>>
        %dma_start3A_431 = tpu.memref_squeeze %dma_start3A_430 : memref<1x!tpu.dma_semaphore, #tpu.memory_space<semaphore_mem>> -> memref<!tpu.dma_semaphore, #tpu.memory_space<semaphore_mem>>
        tpu.enqueue_indirect_dma source(%dma_start3A_429 : memref<1000000xf32, #tpu.memory_space<hbm>>) target(%dma_start3A_424 : memref<128xf32, #tpu.memory_space<vmem>>) offsets(%dma_start3A_427 : memref<128xi32, #tpu.memory_space<vmem>>) semaphore(%dma_start3A_431 : memref<!tpu.dma_semaphore, #tpu.memory_space<semaphore_mem>>)
        %dma_start3A_432 = arith.constant 3 : i32
        %dma_start3A_433 = arith.constant 3 : i32
        %dma_start3A_434 = arith.constant 0 : i32
        %dma_start3A_435 = arith.constant 0 : i32
        %dma_start3A_436 = tpu.memref_slice %arg6[%dma_start3A_433, %dma_start3A_435] : memref<32x128xf32, #tpu.memory_space<vmem>> -> memref<1x128xf32, #tpu.memory_space<vmem>>
        %dma_start3A_437 = tpu.memref_squeeze %dma_start3A_436 : memref<1x128xf32, #tpu.memory_space<vmem>> -> memref<128xf32, #tpu.memory_space<vmem>>
        %dma_start3A_438 = arith.constant 0 : i32
        %dma_start3A_439 = tpu.memref_slice %arg5[%dma_start3A_432, %dma_start3A_438] : memref<32x128xi32, #tpu.memory_space<vmem>> -> memref<1x128xi32, #tpu.memory_space<vmem>>
        %dma_start3A_440 = tpu.memref_squeeze %dma_start3A_439 : memref<1x128xi32, #tpu.memory_space<vmem>> -> memref<128xi32, #tpu.memory_space<vmem>>
        %dma_start3A_441 = arith.constant 0 : i32
        %dma_start3A_442 = tpu.memref_slice %arg2[%dma_start3A_441] : memref<1000000xf32, #tpu.memory_space<hbm>> -> memref<1000000xf32, #tpu.memory_space<hbm>>
        %dma_start3A_443 = tpu.memref_slice %arg8[%dma_start3A_434] : memref<2x!tpu.dma_semaphore, #tpu.memory_space<semaphore_mem>> -> memref<1x!tpu.dma_semaphore, #tpu.memory_space<semaphore_mem>>
        %dma_start3A_444 = tpu.memref_squeeze %dma_start3A_443 : memref<1x!tpu.dma_semaphore, #tpu.memory_space<semaphore_mem>> -> memref<!tpu.dma_semaphore, #tpu.memory_space<semaphore_mem>>
        tpu.enqueue_indirect_dma source(%dma_start3A_442 : memref<1000000xf32, #tpu.memory_space<hbm>>) target(%dma_start3A_437 : memref<128xf32, #tpu.memory_space<vmem>>) offsets(%dma_start3A_440 : memref<128xi32, #tpu.memory_space<vmem>>) semaphore(%dma_start3A_444 : memref<!tpu.dma_semaphore, #tpu.memory_space<semaphore_mem>>)
        %dma_start3A_445 = arith.constant 4 : i32
        %dma_start3A_446 = arith.constant 4 : i32
        %dma_start3A_447 = arith.constant 0 : i32
        %dma_start3A_448 = arith.constant 0 : i32
        %dma_start3A_449 = tpu.memref_slice %arg6[%dma_start3A_446, %dma_start3A_448] : memref<32x128xf32, #tpu.memory_space<vmem>> -> memref<1x128xf32, #tpu.memory_space<vmem>>
        %dma_start3A_450 = tpu.memref_squeeze %dma_start3A_449 : memref<1x128xf32, #tpu.memory_space<vmem>> -> memref<128xf32, #tpu.memory_space<vmem>>
        %dma_start3A_451 = arith.constant 0 : i32
        %dma_start3A_452 = tpu.memref_slice %arg5[%dma_start3A_445, %dma_start3A_451] : memref<32x128xi32, #tpu.memory_space<vmem>> -> memref<1x128xi32, #tpu.memory_space<vmem>>
        %dma_start3A_453 = tpu.memref_squeeze %dma_start3A_452 : memref<1x128xi32, #tpu.memory_space<vmem>> -> memref<128xi32, #tpu.memory_space<vmem>>
        %dma_start3A_454 = arith.constant 0 : i32
        %dma_start3A_455 = tpu.memref_slice %arg2[%dma_start3A_454] : memref<1000000xf32, #tpu.memory_space<hbm>> -> memref<1000000xf32, #tpu.memory_space<hbm>>
        %dma_start3A_456 = tpu.memref_slice %arg8[%dma_start3A_447] : memref<2x!tpu.dma_semaphore, #tpu.memory_space<semaphore_mem>> -> memref<1x!tpu.dma_semaphore, #tpu.memory_space<semaphore_mem>>
        %dma_start3A_457 = tpu.memref_squeeze %dma_start3A_456 : memref<1x!tpu.dma_semaphore, #tpu.memory_space<semaphore_mem>> -> memref<!tpu.dma_semaphore, #tpu.memory_space<semaphore_mem>>
        tpu.enqueue_indirect_dma source(%dma_start3A_455 : memref<1000000xf32, #tpu.memory_space<hbm>>) target(%dma_start3A_450 : memref<128xf32, #tpu.memory_space<vmem>>) offsets(%dma_start3A_453 : memref<128xi32, #tpu.memory_space<vmem>>) semaphore(%dma_start3A_457 : memref<!tpu.dma_semaphore, #tpu.memory_space<semaphore_mem>>)
        %dma_start3A_458 = arith.constant 5 : i32
        %dma_start3A_459 = arith.constant 5 : i32
        %dma_start3A_460 = arith.constant 0 : i32
        %dma_start3A_461 = arith.constant 0 : i32
        %dma_start3A_462 = tpu.memref_slice %arg6[%dma_start3A_459, %dma_start3A_461] : memref<32x128xf32, #tpu.memory_space<vmem>> -> memref<1x128xf32, #tpu.memory_space<vmem>>
        %dma_start3A_463 = tpu.memref_squeeze %dma_start3A_462 : memref<1x128xf32, #tpu.memory_space<vmem>> -> memref<128xf32, #tpu.memory_space<vmem>>
        %dma_start3A_464 = arith.constant 0 : i32
        %dma_start3A_465 = tpu.memref_slice %arg5[%dma_start3A_458, %dma_start3A_464] : memref<32x128xi32, #tpu.memory_space<vmem>> -> memref<1x128xi32, #tpu.memory_space<vmem>>
        %dma_start3A_466 = tpu.memref_squeeze %dma_start3A_465 : memref<1x128xi32, #tpu.memory_space<vmem>> -> memref<128xi32, #tpu.memory_space<vmem>>
        %dma_start3A_467 = arith.constant 0 : i32
        %dma_start3A_468 = tpu.memref_slice %arg2[%dma_start3A_467] : memref<1000000xf32, #tpu.memory_space<hbm>> -> memref<1000000xf32, #tpu.memory_space<hbm>>
        %dma_start3A_469 = tpu.memref_slice %arg8[%dma_start3A_460] : memref<2x!tpu.dma_semaphore, #tpu.memory_space<semaphore_mem>> -> memref<1x!tpu.dma_semaphore, #tpu.memory_space<semaphore_mem>>
        %dma_start3A_470 = tpu.memref_squeeze %dma_start3A_469 : memref<1x!tpu.dma_semaphore, #tpu.memory_space<semaphore_mem>> -> memref<!tpu.dma_semaphore, #tpu.memory_space<semaphore_mem>>
        tpu.enqueue_indirect_dma source(%dma_start3A_468 : memref<1000000xf32, #tpu.memory_space<hbm>>) target(%dma_start3A_463 : memref<128xf32, #tpu.memory_space<vmem>>) offsets(%dma_start3A_466 : memref<128xi32, #tpu.memory_space<vmem>>) semaphore(%dma_start3A_470 : memref<!tpu.dma_semaphore, #tpu.memory_space<semaphore_mem>>)
        %dma_start3A_471 = arith.constant 6 : i32
        %dma_start3A_472 = arith.constant 6 : i32
        %dma_start3A_473 = arith.constant 0 : i32
        %dma_start3A_474 = arith.constant 0 : i32
        %dma_start3A_475 = tpu.memref_slice %arg6[%dma_start3A_472, %dma_start3A_474] : memref<32x128xf32, #tpu.memory_space<vmem>> -> memref<1x128xf32, #tpu.memory_space<vmem>>
        %dma_start3A_476 = tpu.memref_squeeze %dma_start3A_475 : memref<1x128xf32, #tpu.memory_space<vmem>> -> memref<128xf32, #tpu.memory_space<vmem>>
        %dma_start3A_477 = arith.constant 0 : i32
        %dma_start3A_478 = tpu.memref_slice %arg5[%dma_start3A_471, %dma_start3A_477] : memref<32x128xi32, #tpu.memory_space<vmem>> -> memref<1x128xi32, #tpu.memory_space<vmem>>
        %dma_start3A_479 = tpu.memref_squeeze %dma_start3A_478 : memref<1x128xi32, #tpu.memory_space<vmem>> -> memref<128xi32, #tpu.memory_space<vmem>>
        %dma_start3A_480 = arith.constant 0 : i32
        %dma_start3A_481 = tpu.memref_slice %arg2[%dma_start3A_480] : memref<1000000xf32, #tpu.memory_space<hbm>> -> memref<1000000xf32, #tpu.memory_space<hbm>>
        %dma_start3A_482 = tpu.memref_slice %arg8[%dma_start3A_473] : memref<2x!tpu.dma_semaphore, #tpu.memory_space<semaphore_mem>> -> memref<1x!tpu.dma_semaphore, #tpu.memory_space<semaphore_mem>>
        %dma_start3A_483 = tpu.memref_squeeze %dma_start3A_482 : memref<1x!tpu.dma_semaphore, #tpu.memory_space<semaphore_mem>> -> memref<!tpu.dma_semaphore, #tpu.memory_space<semaphore_mem>>
        tpu.enqueue_indirect_dma source(%dma_start3A_481 : memref<1000000xf32, #tpu.memory_space<hbm>>) target(%dma_start3A_476 : memref<128xf32, #tpu.memory_space<vmem>>) offsets(%dma_start3A_479 : memref<128xi32, #tpu.memory_space<vmem>>) semaphore(%dma_start3A_483 : memref<!tpu.dma_semaphore, #tpu.memory_space<semaphore_mem>>)
        %dma_start3A_484 = arith.constant 7 : i32
        %dma_start3A_485 = arith.constant 7 : i32
        %dma_start3A_486 = arith.constant 0 : i32
        %dma_start3A_487 = arith.constant 0 : i32
        %dma_start3A_488 = tpu.memref_slice %arg6[%dma_start3A_485, %dma_start3A_487] : memref<32x128xf32, #tpu.memory_space<vmem>> -> memref<1x128xf32, #tpu.memory_space<vmem>>
        %dma_start3A_489 = tpu.memref_squeeze %dma_start3A_488 : memref<1x128xf32, #tpu.memory_space<vmem>> -> memref<128xf32, #tpu.memory_space<vmem>>
        %dma_start3A_490 = arith.constant 0 : i32
        %dma_start3A_491 = tpu.memref_slice %arg5[%dma_start3A_484, %dma_start3A_490] : memref<32x128xi32, #tpu.memory_space<vmem>> -> memref<1x128xi32, #tpu.memory_space<vmem>>
        %dma_start3A_492 = tpu.memref_squeeze %dma_start3A_491 : memref<1x128xi32, #tpu.memory_space<vmem>> -> memref<128xi32, #tpu.memory_space<vmem>>
        %dma_start3A_493 = arith.constant 0 : i32
        %dma_start3A_494 = tpu.memref_slice %arg2[%dma_start3A_493] : memref<1000000xf32, #tpu.memory_space<hbm>> -> memref<1000000xf32, #tpu.memory_space<hbm>>
        %dma_start3A_495 = tpu.memref_slice %arg8[%dma_start3A_486] : memref<2x!tpu.dma_semaphore, #tpu.memory_space<semaphore_mem>> -> memref<1x!tpu.dma_semaphore, #tpu.memory_space<semaphore_mem>>
        %dma_start3A_496 = tpu.memref_squeeze %dma_start3A_495 : memref<1x!tpu.dma_semaphore, #tpu.memory_space<semaphore_mem>> -> memref<!tpu.dma_semaphore, #tpu.memory_space<semaphore_mem>>
        tpu.enqueue_indirect_dma source(%dma_start3A_494 : memref<1000000xf32, #tpu.memory_space<hbm>>) target(%dma_start3A_489 : memref<128xf32, #tpu.memory_space<vmem>>) offsets(%dma_start3A_492 : memref<128xi32, #tpu.memory_space<vmem>>) semaphore(%dma_start3A_496 : memref<!tpu.dma_semaphore, #tpu.memory_space<semaphore_mem>>)
        %dma_start3A_497 = arith.constant 8 : i32
        %dma_start3A_498 = arith.constant 8 : i32
        %dma_start3A_499 = arith.constant 0 : i32
        %dma_start3A_500 = arith.constant 0 : i32
        %dma_start3A_501 = tpu.memref_slice %arg6[%dma_start3A_498, %dma_start3A_500] : memref<32x128xf32, #tpu.memory_space<vmem>> -> memref<1x128xf32, #tpu.memory_space<vmem>>
        %dma_start3A_502 = tpu.memref_squeeze %dma_start3A_501 : memref<1x128xf32, #tpu.memory_space<vmem>> -> memref<128xf32, #tpu.memory_space<vmem>>
        %dma_start3A_503 = arith.constant 0 : i32
        %dma_start3A_504 = tpu.memref_slice %arg5[%dma_start3A_497, %dma_start3A_503] : memref<32x128xi32, #tpu.memory_space<vmem>> -> memref<1x128xi32, #tpu.memory_space<vmem>>
        %dma_start3A_505 = tpu.memref_squeeze %dma_start3A_504 : memref<1x128xi32, #tpu.memory_space<vmem>> -> memref<128xi32, #tpu.memory_space<vmem>>
        %dma_start3A_506 = arith.constant 0 : i32
        %dma_start3A_507 = tpu.memref_slice %arg2[%dma_start3A_506] : memref<1000000xf32, #tpu.memory_space<hbm>> -> memref<1000000xf32, #tpu.memory_space<hbm>>
        %dma_start3A_508 = tpu.memref_slice %arg8[%dma_start3A_499] : memref<2x!tpu.dma_semaphore, #tpu.memory_space<semaphore_mem>> -> memref<1x!tpu.dma_semaphore, #tpu.memory_space<semaphore_mem>>
        %dma_start3A_509 = tpu.memref_squeeze %dma_start3A_508 : memref<1x!tpu.dma_semaphore, #tpu.memory_space<semaphore_mem>> -> memref<!tpu.dma_semaphore, #tpu.memory_space<semaphore_mem>>
        tpu.enqueue_indirect_dma source(%dma_start3A_507 : memref<1000000xf32, #tpu.memory_space<hbm>>) target(%dma_start3A_502 : memref<128xf32, #tpu.memory_space<vmem>>) offsets(%dma_start3A_505 : memref<128xi32, #tpu.memory_space<vmem>>) semaphore(%dma_start3A_509 : memref<!tpu.dma_semaphore, #tpu.memory_space<semaphore_mem>>)
        %dma_start3A_510 = arith.constant 9 : i32
        %dma_start3A_511 = arith.constant 9 : i32
        %dma_start3A_512 = arith.constant 0 : i32
        %dma_start3A_513 = arith.constant 0 : i32
        %dma_start3A_514 = tpu.memref_slice %arg6[%dma_start3A_511, %dma_start3A_513] : memref<32x128xf32, #tpu.memory_space<vmem>> -> memref<1x128xf32, #tpu.memory_space<vmem>>
        %dma_start3A_515 = tpu.memref_squeeze %dma_start3A_514 : memref<1x128xf32, #tpu.memory_space<vmem>> -> memref<128xf32, #tpu.memory_space<vmem>>
        %dma_start3A_516 = arith.constant 0 : i32
        %dma_start3A_517 = tpu.memref_slice %arg5[%dma_start3A_510, %dma_start3A_516] : memref<32x128xi32, #tpu.memory_space<vmem>> -> memref<1x128xi32, #tpu.memory_space<vmem>>
        %dma_start3A_518 = tpu.memref_squeeze %dma_start3A_517 : memref<1x128xi32, #tpu.memory_space<vmem>> -> memref<128xi32, #tpu.memory_space<vmem>>
        %dma_start3A_519 = arith.constant 0 : i32
        %dma_start3A_520 = tpu.memref_slice %arg2[%dma_start3A_519] : memref<1000000xf32, #tpu.memory_space<hbm>> -> memref<1000000xf32, #tpu.memory_space<hbm>>
        %dma_start3A_521 = tpu.memref_slice %arg8[%dma_start3A_512] : memref<2x!tpu.dma_semaphore, #tpu.memory_space<semaphore_mem>> -> memref<1x!tpu.dma_semaphore, #tpu.memory_space<semaphore_mem>>
        %dma_start3A_522 = tpu.memref_squeeze %dma_start3A_521 : memref<1x!tpu.dma_semaphore, #tpu.memory_space<semaphore_mem>> -> memref<!tpu.dma_semaphore, #tpu.memory_space<semaphore_mem>>
        tpu.enqueue_indirect_dma source(%dma_start3A_520 : memref<1000000xf32, #tpu.memory_space<hbm>>) target(%dma_start3A_515 : memref<128xf32, #tpu.memory_space<vmem>>) offsets(%dma_start3A_518 : memref<128xi32, #tpu.memory_space<vmem>>) semaphore(%dma_start3A_522 : memref<!tpu.dma_semaphore, #tpu.memory_space<semaphore_mem>>)
        %dma_start3A_523 = arith.constant 10 : i32
        %dma_start3A_524 = arith.constant 10 : i32
        %dma_start3A_525 = arith.constant 0 : i32
        %dma_start3A_526 = arith.constant 0 : i32
        %dma_start3A_527 = tpu.memref_slice %arg6[%dma_start3A_524, %dma_start3A_526] : memref<32x128xf32, #tpu.memory_space<vmem>> -> memref<1x128xf32, #tpu.memory_space<vmem>>
        %dma_start3A_528 = tpu.memref_squeeze %dma_start3A_527 : memref<1x128xf32, #tpu.memory_space<vmem>> -> memref<128xf32, #tpu.memory_space<vmem>>
        %dma_start3A_529 = arith.constant 0 : i32
        %dma_start3A_530 = tpu.memref_slice %arg5[%dma_start3A_523, %dma_start3A_529] : memref<32x128xi32, #tpu.memory_space<vmem>> -> memref<1x128xi32, #tpu.memory_space<vmem>>
        %dma_start3A_531 = tpu.memref_squeeze %dma_start3A_530 : memref<1x128xi32, #tpu.memory_space<vmem>> -> memref<128xi32, #tpu.memory_space<vmem>>
        %dma_start3A_532 = arith.constant 0 : i32
        %dma_start3A_533 = tpu.memref_slice %arg2[%dma_start3A_532] : memref<1000000xf32, #tpu.memory_space<hbm>> -> memref<1000000xf32, #tpu.memory_space<hbm>>
        %dma_start3A_534 = tpu.memref_slice %arg8[%dma_start3A_525] : memref<2x!tpu.dma_semaphore, #tpu.memory_space<semaphore_mem>> -> memref<1x!tpu.dma_semaphore, #tpu.memory_space<semaphore_mem>>
        %dma_start3A_535 = tpu.memref_squeeze %dma_start3A_534 : memref<1x!tpu.dma_semaphore, #tpu.memory_space<semaphore_mem>> -> memref<!tpu.dma_semaphore, #tpu.memory_space<semaphore_mem>>
        tpu.enqueue_indirect_dma source(%dma_start3A_533 : memref<1000000xf32, #tpu.memory_space<hbm>>) target(%dma_start3A_528 : memref<128xf32, #tpu.memory_space<vmem>>) offsets(%dma_start3A_531 : memref<128xi32, #tpu.memory_space<vmem>>) semaphore(%dma_start3A_535 : memref<!tpu.dma_semaphore, #tpu.memory_space<semaphore_mem>>)
        %dma_start3A_536 = arith.constant 11 : i32
        %dma_start3A_537 = arith.constant 11 : i32
        %dma_start3A_538 = arith.constant 0 : i32
        %dma_start3A_539 = arith.constant 0 : i32
        %dma_start3A_540 = tpu.memref_slice %arg6[%dma_start3A_537, %dma_start3A_539] : memref<32x128xf32, #tpu.memory_space<vmem>> -> memref<1x128xf32, #tpu.memory_space<vmem>>
        %dma_start3A_541 = tpu.memref_squeeze %dma_start3A_540 : memref<1x128xf32, #tpu.memory_space<vmem>> -> memref<128xf32, #tpu.memory_space<vmem>>
        %dma_start3A_542 = arith.constant 0 : i32
        %dma_start3A_543 = tpu.memref_slice %arg5[%dma_start3A_536, %dma_start3A_542] : memref<32x128xi32, #tpu.memory_space<vmem>> -> memref<1x128xi32, #tpu.memory_space<vmem>>
        %dma_start3A_544 = tpu.memref_squeeze %dma_start3A_543 : memref<1x128xi32, #tpu.memory_space<vmem>> -> memref<128xi32, #tpu.memory_space<vmem>>
        %dma_start3A_545 = arith.constant 0 : i32
        %dma_start3A_546 = tpu.memref_slice %arg2[%dma_start3A_545] : memref<1000000xf32, #tpu.memory_space<hbm>> -> memref<1000000xf32, #tpu.memory_space<hbm>>
        %dma_start3A_547 = tpu.memref_slice %arg8[%dma_start3A_538] : memref<2x!tpu.dma_semaphore, #tpu.memory_space<semaphore_mem>> -> memref<1x!tpu.dma_semaphore, #tpu.memory_space<semaphore_mem>>
        %dma_start3A_548 = tpu.memref_squeeze %dma_start3A_547 : memref<1x!tpu.dma_semaphore, #tpu.memory_space<semaphore_mem>> -> memref<!tpu.dma_semaphore, #tpu.memory_space<semaphore_mem>>
        tpu.enqueue_indirect_dma source(%dma_start3A_546 : memref<1000000xf32, #tpu.memory_space<hbm>>) target(%dma_start3A_541 : memref<128xf32, #tpu.memory_space<vmem>>) offsets(%dma_start3A_544 : memref<128xi32, #tpu.memory_space<vmem>>) semaphore(%dma_start3A_548 : memref<!tpu.dma_semaphore, #tpu.memory_space<semaphore_mem>>)
        %dma_start3A_549 = arith.constant 12 : i32
        %dma_start3A_550 = arith.constant 12 : i32
        %dma_start3A_551 = arith.constant 0 : i32
        %dma_start3A_552 = arith.constant 0 : i32
        %dma_start3A_553 = tpu.memref_slice %arg6[%dma_start3A_550, %dma_start3A_552] : memref<32x128xf32, #tpu.memory_space<vmem>> -> memref<1x128xf32, #tpu.memory_space<vmem>>
        %dma_start3A_554 = tpu.memref_squeeze %dma_start3A_553 : memref<1x128xf32, #tpu.memory_space<vmem>> -> memref<128xf32, #tpu.memory_space<vmem>>
        %dma_start3A_555 = arith.constant 0 : i32
        %dma_start3A_556 = tpu.memref_slice %arg5[%dma_start3A_549, %dma_start3A_555] : memref<32x128xi32, #tpu.memory_space<vmem>> -> memref<1x128xi32, #tpu.memory_space<vmem>>
        %dma_start3A_557 = tpu.memref_squeeze %dma_start3A_556 : memref<1x128xi32, #tpu.memory_space<vmem>> -> memref<128xi32, #tpu.memory_space<vmem>>
        %dma_start3A_558 = arith.constant 0 : i32
        %dma_start3A_559 = tpu.memref_slice %arg2[%dma_start3A_558] : memref<1000000xf32, #tpu.memory_space<hbm>> -> memref<1000000xf32, #tpu.memory_space<hbm>>
        %dma_start3A_560 = tpu.memref_slice %arg8[%dma_start3A_551] : memref<2x!tpu.dma_semaphore, #tpu.memory_space<semaphore_mem>> -> memref<1x!tpu.dma_semaphore, #tpu.memory_space<semaphore_mem>>
        %dma_start3A_561 = tpu.memref_squeeze %dma_start3A_560 : memref<1x!tpu.dma_semaphore, #tpu.memory_space<semaphore_mem>> -> memref<!tpu.dma_semaphore, #tpu.memory_space<semaphore_mem>>
        tpu.enqueue_indirect_dma source(%dma_start3A_559 : memref<1000000xf32, #tpu.memory_space<hbm>>) target(%dma_start3A_554 : memref<128xf32, #tpu.memory_space<vmem>>) offsets(%dma_start3A_557 : memref<128xi32, #tpu.memory_space<vmem>>) semaphore(%dma_start3A_561 : memref<!tpu.dma_semaphore, #tpu.memory_space<semaphore_mem>>)
        %dma_start3A_562 = arith.constant 13 : i32
        %dma_start3A_563 = arith.constant 13 : i32
        %dma_start3A_564 = arith.constant 0 : i32
        %dma_start3A_565 = arith.constant 0 : i32
        %dma_start3A_566 = tpu.memref_slice %arg6[%dma_start3A_563, %dma_start3A_565] : memref<32x128xf32, #tpu.memory_space<vmem>> -> memref<1x128xf32, #tpu.memory_space<vmem>>
        %dma_start3A_567 = tpu.memref_squeeze %dma_start3A_566 : memref<1x128xf32, #tpu.memory_space<vmem>> -> memref<128xf32, #tpu.memory_space<vmem>>
        %dma_start3A_568 = arith.constant 0 : i32
        %dma_start3A_569 = tpu.memref_slice %arg5[%dma_start3A_562, %dma_start3A_568] : memref<32x128xi32, #tpu.memory_space<vmem>> -> memref<1x128xi32, #tpu.memory_space<vmem>>
        %dma_start3A_570 = tpu.memref_squeeze %dma_start3A_569 : memref<1x128xi32, #tpu.memory_space<vmem>> -> memref<128xi32, #tpu.memory_space<vmem>>
        %dma_start3A_571 = arith.constant 0 : i32
        %dma_start3A_572 = tpu.memref_slice %arg2[%dma_start3A_571] : memref<1000000xf32, #tpu.memory_space<hbm>> -> memref<1000000xf32, #tpu.memory_space<hbm>>
        %dma_start3A_573 = tpu.memref_slice %arg8[%dma_start3A_564] : memref<2x!tpu.dma_semaphore, #tpu.memory_space<semaphore_mem>> -> memref<1x!tpu.dma_semaphore, #tpu.memory_space<semaphore_mem>>
        %dma_start3A_574 = tpu.memref_squeeze %dma_start3A_573 : memref<1x!tpu.dma_semaphore, #tpu.memory_space<semaphore_mem>> -> memref<!tpu.dma_semaphore, #tpu.memory_space<semaphore_mem>>
        tpu.enqueue_indirect_dma source(%dma_start3A_572 : memref<1000000xf32, #tpu.memory_space<hbm>>) target(%dma_start3A_567 : memref<128xf32, #tpu.memory_space<vmem>>) offsets(%dma_start3A_570 : memref<128xi32, #tpu.memory_space<vmem>>) semaphore(%dma_start3A_574 : memref<!tpu.dma_semaphore, #tpu.memory_space<semaphore_mem>>)
        %dma_start3A_575 = arith.constant 14 : i32
        %dma_start3A_576 = arith.constant 14 : i32
        %dma_start3A_577 = arith.constant 0 : i32
        %dma_start3A_578 = arith.constant 0 : i32
        %dma_start3A_579 = tpu.memref_slice %arg6[%dma_start3A_576, %dma_start3A_578] : memref<32x128xf32, #tpu.memory_space<vmem>> -> memref<1x128xf32, #tpu.memory_space<vmem>>
        %dma_start3A_580 = tpu.memref_squeeze %dma_start3A_579 : memref<1x128xf32, #tpu.memory_space<vmem>> -> memref<128xf32, #tpu.memory_space<vmem>>
        %dma_start3A_581 = arith.constant 0 : i32
        %dma_start3A_582 = tpu.memref_slice %arg5[%dma_start3A_575, %dma_start3A_581] : memref<32x128xi32, #tpu.memory_space<vmem>> -> memref<1x128xi32, #tpu.memory_space<vmem>>
        %dma_start3A_583 = tpu.memref_squeeze %dma_start3A_582 : memref<1x128xi32, #tpu.memory_space<vmem>> -> memref<128xi32, #tpu.memory_space<vmem>>
        %dma_start3A_584 = arith.constant 0 : i32
        %dma_start3A_585 = tpu.memref_slice %arg2[%dma_start3A_584] : memref<1000000xf32, #tpu.memory_space<hbm>> -> memref<1000000xf32, #tpu.memory_space<hbm>>
        %dma_start3A_586 = tpu.memref_slice %arg8[%dma_start3A_577] : memref<2x!tpu.dma_semaphore, #tpu.memory_space<semaphore_mem>> -> memref<1x!tpu.dma_semaphore, #tpu.memory_space<semaphore_mem>>
        %dma_start3A_587 = tpu.memref_squeeze %dma_start3A_586 : memref<1x!tpu.dma_semaphore, #tpu.memory_space<semaphore_mem>> -> memref<!tpu.dma_semaphore, #tpu.memory_space<semaphore_mem>>
        tpu.enqueue_indirect_dma source(%dma_start3A_585 : memref<1000000xf32, #tpu.memory_space<hbm>>) target(%dma_start3A_580 : memref<128xf32, #tpu.memory_space<vmem>>) offsets(%dma_start3A_583 : memref<128xi32, #tpu.memory_space<vmem>>) semaphore(%dma_start3A_587 : memref<!tpu.dma_semaphore, #tpu.memory_space<semaphore_mem>>)
        %dma_start3A_588 = arith.constant 15 : i32
        %dma_start3A_589 = arith.constant 15 : i32
        %dma_start3A_590 = arith.constant 0 : i32
        %dma_start3A_591 = arith.constant 0 : i32
        %dma_start3A_592 = tpu.memref_slice %arg6[%dma_start3A_589, %dma_start3A_591] : memref<32x128xf32, #tpu.memory_space<vmem>> -> memref<1x128xf32, #tpu.memory_space<vmem>>
        %dma_start3A_593 = tpu.memref_squeeze %dma_start3A_592 : memref<1x128xf32, #tpu.memory_space<vmem>> -> memref<128xf32, #tpu.memory_space<vmem>>
        %dma_start3A_594 = arith.constant 0 : i32
        %dma_start3A_595 = tpu.memref_slice %arg5[%dma_start3A_588, %dma_start3A_594] : memref<32x128xi32, #tpu.memory_space<vmem>> -> memref<1x128xi32, #tpu.memory_space<vmem>>
        %dma_start3A_596 = tpu.memref_squeeze %dma_start3A_595 : memref<1x128xi32, #tpu.memory_space<vmem>> -> memref<128xi32, #tpu.memory_space<vmem>>
        %dma_start3A_597 = arith.constant 0 : i32
        %dma_start3A_598 = tpu.memref_slice %arg2[%dma_start3A_597] : memref<1000000xf32, #tpu.memory_space<hbm>> -> memref<1000000xf32, #tpu.memory_space<hbm>>
        %dma_start3A_599 = tpu.memref_slice %arg8[%dma_start3A_590] : memref<2x!tpu.dma_semaphore, #tpu.memory_space<semaphore_mem>> -> memref<1x!tpu.dma_semaphore, #tpu.memory_space<semaphore_mem>>
        %dma_start3A_600 = tpu.memref_squeeze %dma_start3A_599 : memref<1x!tpu.dma_semaphore, #tpu.memory_space<semaphore_mem>> -> memref<!tpu.dma_semaphore, #tpu.memory_space<semaphore_mem>>
        tpu.enqueue_indirect_dma source(%dma_start3A_598 : memref<1000000xf32, #tpu.memory_space<hbm>>) target(%dma_start3A_593 : memref<128xf32, #tpu.memory_space<vmem>>) offsets(%dma_start3A_596 : memref<128xi32, #tpu.memory_space<vmem>>) semaphore(%dma_start3A_600 : memref<!tpu.dma_semaphore, #tpu.memory_space<semaphore_mem>>)
      } else {
      }
      %eq3A_360 = arith.constant 1 : i32
      %eq3A_361 = arith.cmpi eq, %rem3A_332, %eq3A_360 : i32
      %convert_element_type3A_362 = arith.extui %eq3A_361 : i1 to i32
      %cond3A_363 = arith.constant 0 : i32
      %cond3A_364 = arith.cmpi ne, %convert_element_type3A_362, %cond3A_363 : i32
      scf.if %cond3A_364 {
        %dma_start3A_393 = arith.constant 16 : i32
        %dma_start3A_394 = arith.constant 16 : i32
        %dma_start3A_395 = arith.constant 1 : i32
        %dma_start3A_396 = arith.constant 0 : i32
        %dma_start3A_397 = tpu.memref_slice %arg6[%dma_start3A_394, %dma_start3A_396] : memref<32x128xf32, #tpu.memory_space<vmem>> -> memref<1x128xf32, #tpu.memory_space<vmem>>
        %dma_start3A_398 = tpu.memref_squeeze %dma_start3A_397 : memref<1x128xf32, #tpu.memory_space<vmem>> -> memref<128xf32, #tpu.memory_space<vmem>>
        %dma_start3A_399 = arith.constant 0 : i32
        %dma_start3A_400 = tpu.memref_slice %arg5[%dma_start3A_393, %dma_start3A_399] : memref<32x128xi32, #tpu.memory_space<vmem>> -> memref<1x128xi32, #tpu.memory_space<vmem>>
        %dma_start3A_401 = tpu.memref_squeeze %dma_start3A_400 : memref<1x128xi32, #tpu.memory_space<vmem>> -> memref<128xi32, #tpu.memory_space<vmem>>
        %dma_start3A_402 = arith.constant 0 : i32
        %dma_start3A_403 = tpu.memref_slice %arg2[%dma_start3A_402] : memref<1000000xf32, #tpu.memory_space<hbm>> -> memref<1000000xf32, #tpu.memory_space<hbm>>
        %dma_start3A_404 = tpu.memref_slice %arg8[%dma_start3A_395] : memref<2x!tpu.dma_semaphore, #tpu.memory_space<semaphore_mem>> -> memref<1x!tpu.dma_semaphore, #tpu.memory_space<semaphore_mem>>
        %dma_start3A_405 = tpu.memref_squeeze %dma_start3A_404 : memref<1x!tpu.dma_semaphore, #tpu.memory_space<semaphore_mem>> -> memref<!tpu.dma_semaphore, #tpu.memory_space<semaphore_mem>>
        tpu.enqueue_indirect_dma source(%dma_start3A_403 : memref<1000000xf32, #tpu.memory_space<hbm>>) target(%dma_start3A_398 : memref<128xf32, #tpu.memory_space<vmem>>) offsets(%dma_start3A_401 : memref<128xi32, #tpu.memory_space<vmem>>) semaphore(%dma_start3A_405 : memref<!tpu.dma_semaphore, #tpu.memory_space<semaphore_mem>>)
        %dma_start3A_406 = arith.constant 17 : i32
        %dma_start3A_407 = arith.constant 17 : i32
        %dma_start3A_408 = arith.constant 1 : i32
        %dma_start3A_409 = arith.constant 0 : i32
        %dma_start3A_410 = tpu.memref_slice %arg6[%dma_start3A_407, %dma_start3A_409] : memref<32x128xf32, #tpu.memory_space<vmem>> -> memref<1x128xf32, #tpu.memory_space<vmem>>
        %dma_start3A_411 = tpu.memref_squeeze %dma_start3A_410 : memref<1x128xf32, #tpu.memory_space<vmem>> -> memref<128xf32, #tpu.memory_space<vmem>>
        %dma_start3A_412 = arith.constant 0 : i32
        %dma_start3A_413 = tpu.memref_slice %arg5[%dma_start3A_406, %dma_start3A_412] : memref<32x128xi32, #tpu.memory_space<vmem>> -> memref<1x128xi32, #tpu.memory_space<vmem>>
        %dma_start3A_414 = tpu.memref_squeeze %dma_start3A_413 : memref<1x128xi32, #tpu.memory_space<vmem>> -> memref<128xi32, #tpu.memory_space<vmem>>
        %dma_start3A_415 = arith.constant 0 : i32
        %dma_start3A_416 = tpu.memref_slice %arg2[%dma_start3A_415] : memref<1000000xf32, #tpu.memory_space<hbm>> -> memref<1000000xf32, #tpu.memory_space<hbm>>
        %dma_start3A_417 = tpu.memref_slice %arg8[%dma_start3A_408] : memref<2x!tpu.dma_semaphore, #tpu.memory_space<semaphore_mem>> -> memref<1x!tpu.dma_semaphore, #tpu.memory_space<semaphore_mem>>
        %dma_start3A_418 = tpu.memref_squeeze %dma_start3A_417 : memref<1x!tpu.dma_semaphore, #tpu.memory_space<semaphore_mem>> -> memref<!tpu.dma_semaphore, #tpu.memory_space<semaphore_mem>>
        tpu.enqueue_indirect_dma source(%dma_start3A_416 : memref<1000000xf32, #tpu.memory_space<hbm>>) target(%dma_start3A_411 : memref<128xf32, #tpu.memory_space<vmem>>) offsets(%dma_start3A_414 : memref<128xi32, #tpu.memory_space<vmem>>) semaphore(%dma_start3A_418 : memref<!tpu.dma_semaphore, #tpu.memory_space<semaphore_mem>>)
        %dma_start3A_419 = arith.constant 18 : i32
        %dma_start3A_420 = arith.constant 18 : i32
        %dma_start3A_421 = arith.constant 1 : i32
        %dma_start3A_422 = arith.constant 0 : i32
        %dma_start3A_423 = tpu.memref_slice %arg6[%dma_start3A_420, %dma_start3A_422] : memref<32x128xf32, #tpu.memory_space<vmem>> -> memref<1x128xf32, #tpu.memory_space<vmem>>
        %dma_start3A_424 = tpu.memref_squeeze %dma_start3A_423 : memref<1x128xf32, #tpu.memory_space<vmem>> -> memref<128xf32, #tpu.memory_space<vmem>>
        %dma_start3A_425 = arith.constant 0 : i32
        %dma_start3A_426 = tpu.memref_slice %arg5[%dma_start3A_419, %dma_start3A_425] : memref<32x128xi32, #tpu.memory_space<vmem>> -> memref<1x128xi32, #tpu.memory_space<vmem>>
        %dma_start3A_427 = tpu.memref_squeeze %dma_start3A_426 : memref<1x128xi32, #tpu.memory_space<vmem>> -> memref<128xi32, #tpu.memory_space<vmem>>
        %dma_start3A_428 = arith.constant 0 : i32
        %dma_start3A_429 = tpu.memref_slice %arg2[%dma_start3A_428] : memref<1000000xf32, #tpu.memory_space<hbm>> -> memref<1000000xf32, #tpu.memory_space<hbm>>
        %dma_start3A_430 = tpu.memref_slice %arg8[%dma_start3A_421] : memref<2x!tpu.dma_semaphore, #tpu.memory_space<semaphore_mem>> -> memref<1x!tpu.dma_semaphore, #tpu.memory_space<semaphore_mem>>
        %dma_start3A_431 = tpu.memref_squeeze %dma_start3A_430 : memref<1x!tpu.dma_semaphore, #tpu.memory_space<semaphore_mem>> -> memref<!tpu.dma_semaphore, #tpu.memory_space<semaphore_mem>>
        tpu.enqueue_indirect_dma source(%dma_start3A_429 : memref<1000000xf32, #tpu.memory_space<hbm>>) target(%dma_start3A_424 : memref<128xf32, #tpu.memory_space<vmem>>) offsets(%dma_start3A_427 : memref<128xi32, #tpu.memory_space<vmem>>) semaphore(%dma_start3A_431 : memref<!tpu.dma_semaphore, #tpu.memory_space<semaphore_mem>>)
        %dma_start3A_432 = arith.constant 19 : i32
        %dma_start3A_433 = arith.constant 19 : i32
        %dma_start3A_434 = arith.constant 1 : i32
        %dma_start3A_435 = arith.constant 0 : i32
        %dma_start3A_436 = tpu.memref_slice %arg6[%dma_start3A_433, %dma_start3A_435] : memref<32x128xf32, #tpu.memory_space<vmem>> -> memref<1x128xf32, #tpu.memory_space<vmem>>
        %dma_start3A_437 = tpu.memref_squeeze %dma_start3A_436 : memref<1x128xf32, #tpu.memory_space<vmem>> -> memref<128xf32, #tpu.memory_space<vmem>>
        %dma_start3A_438 = arith.constant 0 : i32
        %dma_start3A_439 = tpu.memref_slice %arg5[%dma_start3A_432, %dma_start3A_438] : memref<32x128xi32, #tpu.memory_space<vmem>> -> memref<1x128xi32, #tpu.memory_space<vmem>>
        %dma_start3A_440 = tpu.memref_squeeze %dma_start3A_439 : memref<1x128xi32, #tpu.memory_space<vmem>> -> memref<128xi32, #tpu.memory_space<vmem>>
        %dma_start3A_441 = arith.constant 0 : i32
        %dma_start3A_442 = tpu.memref_slice %arg2[%dma_start3A_441] : memref<1000000xf32, #tpu.memory_space<hbm>> -> memref<1000000xf32, #tpu.memory_space<hbm>>
        %dma_start3A_443 = tpu.memref_slice %arg8[%dma_start3A_434] : memref<2x!tpu.dma_semaphore, #tpu.memory_space<semaphore_mem>> -> memref<1x!tpu.dma_semaphore, #tpu.memory_space<semaphore_mem>>
        %dma_start3A_444 = tpu.memref_squeeze %dma_start3A_443 : memref<1x!tpu.dma_semaphore, #tpu.memory_space<semaphore_mem>> -> memref<!tpu.dma_semaphore, #tpu.memory_space<semaphore_mem>>
        tpu.enqueue_indirect_dma source(%dma_start3A_442 : memref<1000000xf32, #tpu.memory_space<hbm>>) target(%dma_start3A_437 : memref<128xf32, #tpu.memory_space<vmem>>) offsets(%dma_start3A_440 : memref<128xi32, #tpu.memory_space<vmem>>) semaphore(%dma_start3A_444 : memref<!tpu.dma_semaphore, #tpu.memory_space<semaphore_mem>>)
        %dma_start3A_445 = arith.constant 20 : i32
        %dma_start3A_446 = arith.constant 20 : i32
        %dma_start3A_447 = arith.constant 1 : i32
        %dma_start3A_448 = arith.constant 0 : i32
        %dma_start3A_449 = tpu.memref_slice %arg6[%dma_start3A_446, %dma_start3A_448] : memref<32x128xf32, #tpu.memory_space<vmem>> -> memref<1x128xf32, #tpu.memory_space<vmem>>
        %dma_start3A_450 = tpu.memref_squeeze %dma_start3A_449 : memref<1x128xf32, #tpu.memory_space<vmem>> -> memref<128xf32, #tpu.memory_space<vmem>>
        %dma_start3A_451 = arith.constant 0 : i32
        %dma_start3A_452 = tpu.memref_slice %arg5[%dma_start3A_445, %dma_start3A_451] : memref<32x128xi32, #tpu.memory_space<vmem>> -> memref<1x128xi32, #tpu.memory_space<vmem>>
        %dma_start3A_453 = tpu.memref_squeeze %dma_start3A_452 : memref<1x128xi32, #tpu.memory_space<vmem>> -> memref<128xi32, #tpu.memory_space<vmem>>
        %dma_start3A_454 = arith.constant 0 : i32
        %dma_start3A_455 = tpu.memref_slice %arg2[%dma_start3A_454] : memref<1000000xf32, #tpu.memory_space<hbm>> -> memref<1000000xf32, #tpu.memory_space<hbm>>
        %dma_start3A_456 = tpu.memref_slice %arg8[%dma_start3A_447] : memref<2x!tpu.dma_semaphore, #tpu.memory_space<semaphore_mem>> -> memref<1x!tpu.dma_semaphore, #tpu.memory_space<semaphore_mem>>
        %dma_start3A_457 = tpu.memref_squeeze %dma_start3A_456 : memref<1x!tpu.dma_semaphore, #tpu.memory_space<semaphore_mem>> -> memref<!tpu.dma_semaphore, #tpu.memory_space<semaphore_mem>>
        tpu.enqueue_indirect_dma source(%dma_start3A_455 : memref<1000000xf32, #tpu.memory_space<hbm>>) target(%dma_start3A_450 : memref<128xf32, #tpu.memory_space<vmem>>) offsets(%dma_start3A_453 : memref<128xi32, #tpu.memory_space<vmem>>) semaphore(%dma_start3A_457 : memref<!tpu.dma_semaphore, #tpu.memory_space<semaphore_mem>>)
        %dma_start3A_458 = arith.constant 21 : i32
        %dma_start3A_459 = arith.constant 21 : i32
        %dma_start3A_460 = arith.constant 1 : i32
        %dma_start3A_461 = arith.constant 0 : i32
        %dma_start3A_462 = tpu.memref_slice %arg6[%dma_start3A_459, %dma_start3A_461] : memref<32x128xf32, #tpu.memory_space<vmem>> -> memref<1x128xf32, #tpu.memory_space<vmem>>
        %dma_start3A_463 = tpu.memref_squeeze %dma_start3A_462 : memref<1x128xf32, #tpu.memory_space<vmem>> -> memref<128xf32, #tpu.memory_space<vmem>>
        %dma_start3A_464 = arith.constant 0 : i32
        %dma_start3A_465 = tpu.memref_slice %arg5[%dma_start3A_458, %dma_start3A_464] : memref<32x128xi32, #tpu.memory_space<vmem>> -> memref<1x128xi32, #tpu.memory_space<vmem>>
        %dma_start3A_466 = tpu.memref_squeeze %dma_start3A_465 : memref<1x128xi32, #tpu.memory_space<vmem>> -> memref<128xi32, #tpu.memory_space<vmem>>
        %dma_start3A_467 = arith.constant 0 : i32
        %dma_start3A_468 = tpu.memref_slice %arg2[%dma_start3A_467] : memref<1000000xf32, #tpu.memory_space<hbm>> -> memref<1000000xf32, #tpu.memory_space<hbm>>
        %dma_start3A_469 = tpu.memref_slice %arg8[%dma_start3A_460] : memref<2x!tpu.dma_semaphore, #tpu.memory_space<semaphore_mem>> -> memref<1x!tpu.dma_semaphore, #tpu.memory_space<semaphore_mem>>
        %dma_start3A_470 = tpu.memref_squeeze %dma_start3A_469 : memref<1x!tpu.dma_semaphore, #tpu.memory_space<semaphore_mem>> -> memref<!tpu.dma_semaphore, #tpu.memory_space<semaphore_mem>>
        tpu.enqueue_indirect_dma source(%dma_start3A_468 : memref<1000000xf32, #tpu.memory_space<hbm>>) target(%dma_start3A_463 : memref<128xf32, #tpu.memory_space<vmem>>) offsets(%dma_start3A_466 : memref<128xi32, #tpu.memory_space<vmem>>) semaphore(%dma_start3A_470 : memref<!tpu.dma_semaphore, #tpu.memory_space<semaphore_mem>>)
        %dma_start3A_471 = arith.constant 22 : i32
        %dma_start3A_472 = arith.constant 22 : i32
        %dma_start3A_473 = arith.constant 1 : i32
        %dma_start3A_474 = arith.constant 0 : i32
        %dma_start3A_475 = tpu.memref_slice %arg6[%dma_start3A_472, %dma_start3A_474] : memref<32x128xf32, #tpu.memory_space<vmem>> -> memref<1x128xf32, #tpu.memory_space<vmem>>
        %dma_start3A_476 = tpu.memref_squeeze %dma_start3A_475 : memref<1x128xf32, #tpu.memory_space<vmem>> -> memref<128xf32, #tpu.memory_space<vmem>>
        %dma_start3A_477 = arith.constant 0 : i32
        %dma_start3A_478 = tpu.memref_slice %arg5[%dma_start3A_471, %dma_start3A_477] : memref<32x128xi32, #tpu.memory_space<vmem>> -> memref<1x128xi32, #tpu.memory_space<vmem>>
        %dma_start3A_479 = tpu.memref_squeeze %dma_start3A_478 : memref<1x128xi32, #tpu.memory_space<vmem>> -> memref<128xi32, #tpu.memory_space<vmem>>
        %dma_start3A_480 = arith.constant 0 : i32
        %dma_start3A_481 = tpu.memref_slice %arg2[%dma_start3A_480] : memref<1000000xf32, #tpu.memory_space<hbm>> -> memref<1000000xf32, #tpu.memory_space<hbm>>
        %dma_start3A_482 = tpu.memref_slice %arg8[%dma_start3A_473] : memref<2x!tpu.dma_semaphore, #tpu.memory_space<semaphore_mem>> -> memref<1x!tpu.dma_semaphore, #tpu.memory_space<semaphore_mem>>
        %dma_start3A_483 = tpu.memref_squeeze %dma_start3A_482 : memref<1x!tpu.dma_semaphore, #tpu.memory_space<semaphore_mem>> -> memref<!tpu.dma_semaphore, #tpu.memory_space<semaphore_mem>>
        tpu.enqueue_indirect_dma source(%dma_start3A_481 : memref<1000000xf32, #tpu.memory_space<hbm>>) target(%dma_start3A_476 : memref<128xf32, #tpu.memory_space<vmem>>) offsets(%dma_start3A_479 : memref<128xi32, #tpu.memory_space<vmem>>) semaphore(%dma_start3A_483 : memref<!tpu.dma_semaphore, #tpu.memory_space<semaphore_mem>>)
        %dma_start3A_484 = arith.constant 23 : i32
        %dma_start3A_485 = arith.constant 23 : i32
        %dma_start3A_486 = arith.constant 1 : i32
        %dma_start3A_487 = arith.constant 0 : i32
        %dma_start3A_488 = tpu.memref_slice %arg6[%dma_start3A_485, %dma_start3A_487] : memref<32x128xf32, #tpu.memory_space<vmem>> -> memref<1x128xf32, #tpu.memory_space<vmem>>
        %dma_start3A_489 = tpu.memref_squeeze %dma_start3A_488 : memref<1x128xf32, #tpu.memory_space<vmem>> -> memref<128xf32, #tpu.memory_space<vmem>>
        %dma_start3A_490 = arith.constant 0 : i32
        %dma_start3A_491 = tpu.memref_slice %arg5[%dma_start3A_484, %dma_start3A_490] : memref<32x128xi32, #tpu.memory_space<vmem>> -> memref<1x128xi32, #tpu.memory_space<vmem>>
        %dma_start3A_492 = tpu.memref_squeeze %dma_start3A_491 : memref<1x128xi32, #tpu.memory_space<vmem>> -> memref<128xi32, #tpu.memory_space<vmem>>
        %dma_start3A_493 = arith.constant 0 : i32
        %dma_start3A_494 = tpu.memref_slice %arg2[%dma_start3A_493] : memref<1000000xf32, #tpu.memory_space<hbm>> -> memref<1000000xf32, #tpu.memory_space<hbm>>
        %dma_start3A_495 = tpu.memref_slice %arg8[%dma_start3A_486] : memref<2x!tpu.dma_semaphore, #tpu.memory_space<semaphore_mem>> -> memref<1x!tpu.dma_semaphore, #tpu.memory_space<semaphore_mem>>
        %dma_start3A_496 = tpu.memref_squeeze %dma_start3A_495 : memref<1x!tpu.dma_semaphore, #tpu.memory_space<semaphore_mem>> -> memref<!tpu.dma_semaphore, #tpu.memory_space<semaphore_mem>>
        tpu.enqueue_indirect_dma source(%dma_start3A_494 : memref<1000000xf32, #tpu.memory_space<hbm>>) target(%dma_start3A_489 : memref<128xf32, #tpu.memory_space<vmem>>) offsets(%dma_start3A_492 : memref<128xi32, #tpu.memory_space<vmem>>) semaphore(%dma_start3A_496 : memref<!tpu.dma_semaphore, #tpu.memory_space<semaphore_mem>>)
        %dma_start3A_497 = arith.constant 24 : i32
        %dma_start3A_498 = arith.constant 24 : i32
        %dma_start3A_499 = arith.constant 1 : i32
        %dma_start3A_500 = arith.constant 0 : i32
        %dma_start3A_501 = tpu.memref_slice %arg6[%dma_start3A_498, %dma_start3A_500] : memref<32x128xf32, #tpu.memory_space<vmem>> -> memref<1x128xf32, #tpu.memory_space<vmem>>
        %dma_start3A_502 = tpu.memref_squeeze %dma_start3A_501 : memref<1x128xf32, #tpu.memory_space<vmem>> -> memref<128xf32, #tpu.memory_space<vmem>>
        %dma_start3A_503 = arith.constant 0 : i32
        %dma_start3A_504 = tpu.memref_slice %arg5[%dma_start3A_497, %dma_start3A_503] : memref<32x128xi32, #tpu.memory_space<vmem>> -> memref<1x128xi32, #tpu.memory_space<vmem>>
        %dma_start3A_505 = tpu.memref_squeeze %dma_start3A_504 : memref<1x128xi32, #tpu.memory_space<vmem>> -> memref<128xi32, #tpu.memory_space<vmem>>
        %dma_start3A_506 = arith.constant 0 : i32
        %dma_start3A_507 = tpu.memref_slice %arg2[%dma_start3A_506] : memref<1000000xf32, #tpu.memory_space<hbm>> -> memref<1000000xf32, #tpu.memory_space<hbm>>
        %dma_start3A_508 = tpu.memref_slice %arg8[%dma_start3A_499] : memref<2x!tpu.dma_semaphore, #tpu.memory_space<semaphore_mem>> -> memref<1x!tpu.dma_semaphore, #tpu.memory_space<semaphore_mem>>
        %dma_start3A_509 = tpu.memref_squeeze %dma_start3A_508 : memref<1x!tpu.dma_semaphore, #tpu.memory_space<semaphore_mem>> -> memref<!tpu.dma_semaphore, #tpu.memory_space<semaphore_mem>>
        tpu.enqueue_indirect_dma source(%dma_start3A_507 : memref<1000000xf32, #tpu.memory_space<hbm>>) target(%dma_start3A_502 : memref<128xf32, #tpu.memory_space<vmem>>) offsets(%dma_start3A_505 : memref<128xi32, #tpu.memory_space<vmem>>) semaphore(%dma_start3A_509 : memref<!tpu.dma_semaphore, #tpu.memory_space<semaphore_mem>>)
        %dma_start3A_510 = arith.constant 25 : i32
        %dma_start3A_511 = arith.constant 25 : i32
        %dma_start3A_512 = arith.constant 1 : i32
        %dma_start3A_513 = arith.constant 0 : i32
        %dma_start3A_514 = tpu.memref_slice %arg6[%dma_start3A_511, %dma_start3A_513] : memref<32x128xf32, #tpu.memory_space<vmem>> -> memref<1x128xf32, #tpu.memory_space<vmem>>
        %dma_start3A_515 = tpu.memref_squeeze %dma_start3A_514 : memref<1x128xf32, #tpu.memory_space<vmem>> -> memref<128xf32, #tpu.memory_space<vmem>>
        %dma_start3A_516 = arith.constant 0 : i32
        %dma_start3A_517 = tpu.memref_slice %arg5[%dma_start3A_510, %dma_start3A_516] : memref<32x128xi32, #tpu.memory_space<vmem>> -> memref<1x128xi32, #tpu.memory_space<vmem>>
        %dma_start3A_518 = tpu.memref_squeeze %dma_start3A_517 : memref<1x128xi32, #tpu.memory_space<vmem>> -> memref<128xi32, #tpu.memory_space<vmem>>
        %dma_start3A_519 = arith.constant 0 : i32
        %dma_start3A_520 = tpu.memref_slice %arg2[%dma_start3A_519] : memref<1000000xf32, #tpu.memory_space<hbm>> -> memref<1000000xf32, #tpu.memory_space<hbm>>
        %dma_start3A_521 = tpu.memref_slice %arg8[%dma_start3A_512] : memref<2x!tpu.dma_semaphore, #tpu.memory_space<semaphore_mem>> -> memref<1x!tpu.dma_semaphore, #tpu.memory_space<semaphore_mem>>
        %dma_start3A_522 = tpu.memref_squeeze %dma_start3A_521 : memref<1x!tpu.dma_semaphore, #tpu.memory_space<semaphore_mem>> -> memref<!tpu.dma_semaphore, #tpu.memory_space<semaphore_mem>>
        tpu.enqueue_indirect_dma source(%dma_start3A_520 : memref<1000000xf32, #tpu.memory_space<hbm>>) target(%dma_start3A_515 : memref<128xf32, #tpu.memory_space<vmem>>) offsets(%dma_start3A_518 : memref<128xi32, #tpu.memory_space<vmem>>) semaphore(%dma_start3A_522 : memref<!tpu.dma_semaphore, #tpu.memory_space<semaphore_mem>>)
        %dma_start3A_523 = arith.constant 26 : i32
        %dma_start3A_524 = arith.constant 26 : i32
        %dma_start3A_525 = arith.constant 1 : i32
        %dma_start3A_526 = arith.constant 0 : i32
        %dma_start3A_527 = tpu.memref_slice %arg6[%dma_start3A_524, %dma_start3A_526] : memref<32x128xf32, #tpu.memory_space<vmem>> -> memref<1x128xf32, #tpu.memory_space<vmem>>
        %dma_start3A_528 = tpu.memref_squeeze %dma_start3A_527 : memref<1x128xf32, #tpu.memory_space<vmem>> -> memref<128xf32, #tpu.memory_space<vmem>>
        %dma_start3A_529 = arith.constant 0 : i32
        %dma_start3A_530 = tpu.memref_slice %arg5[%dma_start3A_523, %dma_start3A_529] : memref<32x128xi32, #tpu.memory_space<vmem>> -> memref<1x128xi32, #tpu.memory_space<vmem>>
        %dma_start3A_531 = tpu.memref_squeeze %dma_start3A_530 : memref<1x128xi32, #tpu.memory_space<vmem>> -> memref<128xi32, #tpu.memory_space<vmem>>
        %dma_start3A_532 = arith.constant 0 : i32
        %dma_start3A_533 = tpu.memref_slice %arg2[%dma_start3A_532] : memref<1000000xf32, #tpu.memory_space<hbm>> -> memref<1000000xf32, #tpu.memory_space<hbm>>
        %dma_start3A_534 = tpu.memref_slice %arg8[%dma_start3A_525] : memref<2x!tpu.dma_semaphore, #tpu.memory_space<semaphore_mem>> -> memref<1x!tpu.dma_semaphore, #tpu.memory_space<semaphore_mem>>
        %dma_start3A_535 = tpu.memref_squeeze %dma_start3A_534 : memref<1x!tpu.dma_semaphore, #tpu.memory_space<semaphore_mem>> -> memref<!tpu.dma_semaphore, #tpu.memory_space<semaphore_mem>>
        tpu.enqueue_indirect_dma source(%dma_start3A_533 : memref<1000000xf32, #tpu.memory_space<hbm>>) target(%dma_start3A_528 : memref<128xf32, #tpu.memory_space<vmem>>) offsets(%dma_start3A_531 : memref<128xi32, #tpu.memory_space<vmem>>) semaphore(%dma_start3A_535 : memref<!tpu.dma_semaphore, #tpu.memory_space<semaphore_mem>>)
        %dma_start3A_536 = arith.constant 27 : i32
        %dma_start3A_537 = arith.constant 27 : i32
        %dma_start3A_538 = arith.constant 1 : i32
        %dma_start3A_539 = arith.constant 0 : i32
        %dma_start3A_540 = tpu.memref_slice %arg6[%dma_start3A_537, %dma_start3A_539] : memref<32x128xf32, #tpu.memory_space<vmem>> -> memref<1x128xf32, #tpu.memory_space<vmem>>
        %dma_start3A_541 = tpu.memref_squeeze %dma_start3A_540 : memref<1x128xf32, #tpu.memory_space<vmem>> -> memref<128xf32, #tpu.memory_space<vmem>>
        %dma_start3A_542 = arith.constant 0 : i32
        %dma_start3A_543 = tpu.memref_slice %arg5[%dma_start3A_536, %dma_start3A_542] : memref<32x128xi32, #tpu.memory_space<vmem>> -> memref<1x128xi32, #tpu.memory_space<vmem>>
        %dma_start3A_544 = tpu.memref_squeeze %dma_start3A_543 : memref<1x128xi32, #tpu.memory_space<vmem>> -> memref<128xi32, #tpu.memory_space<vmem>>
        %dma_start3A_545 = arith.constant 0 : i32
        %dma_start3A_546 = tpu.memref_slice %arg2[%dma_start3A_545] : memref<1000000xf32, #tpu.memory_space<hbm>> -> memref<1000000xf32, #tpu.memory_space<hbm>>
        %dma_start3A_547 = tpu.memref_slice %arg8[%dma_start3A_538] : memref<2x!tpu.dma_semaphore, #tpu.memory_space<semaphore_mem>> -> memref<1x!tpu.dma_semaphore, #tpu.memory_space<semaphore_mem>>
        %dma_start3A_548 = tpu.memref_squeeze %dma_start3A_547 : memref<1x!tpu.dma_semaphore, #tpu.memory_space<semaphore_mem>> -> memref<!tpu.dma_semaphore, #tpu.memory_space<semaphore_mem>>
        tpu.enqueue_indirect_dma source(%dma_start3A_546 : memref<1000000xf32, #tpu.memory_space<hbm>>) target(%dma_start3A_541 : memref<128xf32, #tpu.memory_space<vmem>>) offsets(%dma_start3A_544 : memref<128xi32, #tpu.memory_space<vmem>>) semaphore(%dma_start3A_548 : memref<!tpu.dma_semaphore, #tpu.memory_space<semaphore_mem>>)
        %dma_start3A_549 = arith.constant 28 : i32
        %dma_start3A_550 = arith.constant 28 : i32
        %dma_start3A_551 = arith.constant 1 : i32
        %dma_start3A_552 = arith.constant 0 : i32
        %dma_start3A_553 = tpu.memref_slice %arg6[%dma_start3A_550, %dma_start3A_552] : memref<32x128xf32, #tpu.memory_space<vmem>> -> memref<1x128xf32, #tpu.memory_space<vmem>>
        %dma_start3A_554 = tpu.memref_squeeze %dma_start3A_553 : memref<1x128xf32, #tpu.memory_space<vmem>> -> memref<128xf32, #tpu.memory_space<vmem>>
        %dma_start3A_555 = arith.constant 0 : i32
        %dma_start3A_556 = tpu.memref_slice %arg5[%dma_start3A_549, %dma_start3A_555] : memref<32x128xi32, #tpu.memory_space<vmem>> -> memref<1x128xi32, #tpu.memory_space<vmem>>
        %dma_start3A_557 = tpu.memref_squeeze %dma_start3A_556 : memref<1x128xi32, #tpu.memory_space<vmem>> -> memref<128xi32, #tpu.memory_space<vmem>>
        %dma_start3A_558 = arith.constant 0 : i32
        %dma_start3A_559 = tpu.memref_slice %arg2[%dma_start3A_558] : memref<1000000xf32, #tpu.memory_space<hbm>> -> memref<1000000xf32, #tpu.memory_space<hbm>>
        %dma_start3A_560 = tpu.memref_slice %arg8[%dma_start3A_551] : memref<2x!tpu.dma_semaphore, #tpu.memory_space<semaphore_mem>> -> memref<1x!tpu.dma_semaphore, #tpu.memory_space<semaphore_mem>>
        %dma_start3A_561 = tpu.memref_squeeze %dma_start3A_560 : memref<1x!tpu.dma_semaphore, #tpu.memory_space<semaphore_mem>> -> memref<!tpu.dma_semaphore, #tpu.memory_space<semaphore_mem>>
        tpu.enqueue_indirect_dma source(%dma_start3A_559 : memref<1000000xf32, #tpu.memory_space<hbm>>) target(%dma_start3A_554 : memref<128xf32, #tpu.memory_space<vmem>>) offsets(%dma_start3A_557 : memref<128xi32, #tpu.memory_space<vmem>>) semaphore(%dma_start3A_561 : memref<!tpu.dma_semaphore, #tpu.memory_space<semaphore_mem>>)
        %dma_start3A_562 = arith.constant 29 : i32
        %dma_start3A_563 = arith.constant 29 : i32
        %dma_start3A_564 = arith.constant 1 : i32
        %dma_start3A_565 = arith.constant 0 : i32
        %dma_start3A_566 = tpu.memref_slice %arg6[%dma_start3A_563, %dma_start3A_565] : memref<32x128xf32, #tpu.memory_space<vmem>> -> memref<1x128xf32, #tpu.memory_space<vmem>>
        %dma_start3A_567 = tpu.memref_squeeze %dma_start3A_566 : memref<1x128xf32, #tpu.memory_space<vmem>> -> memref<128xf32, #tpu.memory_space<vmem>>
        %dma_start3A_568 = arith.constant 0 : i32
        %dma_start3A_569 = tpu.memref_slice %arg5[%dma_start3A_562, %dma_start3A_568] : memref<32x128xi32, #tpu.memory_space<vmem>> -> memref<1x128xi32, #tpu.memory_space<vmem>>
        %dma_start3A_570 = tpu.memref_squeeze %dma_start3A_569 : memref<1x128xi32, #tpu.memory_space<vmem>> -> memref<128xi32, #tpu.memory_space<vmem>>
        %dma_start3A_571 = arith.constant 0 : i32
        %dma_start3A_572 = tpu.memref_slice %arg2[%dma_start3A_571] : memref<1000000xf32, #tpu.memory_space<hbm>> -> memref<1000000xf32, #tpu.memory_space<hbm>>
        %dma_start3A_573 = tpu.memref_slice %arg8[%dma_start3A_564] : memref<2x!tpu.dma_semaphore, #tpu.memory_space<semaphore_mem>> -> memref<1x!tpu.dma_semaphore, #tpu.memory_space<semaphore_mem>>
        %dma_start3A_574 = tpu.memref_squeeze %dma_start3A_573 : memref<1x!tpu.dma_semaphore, #tpu.memory_space<semaphore_mem>> -> memref<!tpu.dma_semaphore, #tpu.memory_space<semaphore_mem>>
        tpu.enqueue_indirect_dma source(%dma_start3A_572 : memref<1000000xf32, #tpu.memory_space<hbm>>) target(%dma_start3A_567 : memref<128xf32, #tpu.memory_space<vmem>>) offsets(%dma_start3A_570 : memref<128xi32, #tpu.memory_space<vmem>>) semaphore(%dma_start3A_574 : memref<!tpu.dma_semaphore, #tpu.memory_space<semaphore_mem>>)
        %dma_start3A_575 = arith.constant 30 : i32
        %dma_start3A_576 = arith.constant 30 : i32
        %dma_start3A_577 = arith.constant 1 : i32
        %dma_start3A_578 = arith.constant 0 : i32
        %dma_start3A_579 = tpu.memref_slice %arg6[%dma_start3A_576, %dma_start3A_578] : memref<32x128xf32, #tpu.memory_space<vmem>> -> memref<1x128xf32, #tpu.memory_space<vmem>>
        %dma_start3A_580 = tpu.memref_squeeze %dma_start3A_579 : memref<1x128xf32, #tpu.memory_space<vmem>> -> memref<128xf32, #tpu.memory_space<vmem>>
        %dma_start3A_581 = arith.constant 0 : i32
        %dma_start3A_582 = tpu.memref_slice %arg5[%dma_start3A_575, %dma_start3A_581] : memref<32x128xi32, #tpu.memory_space<vmem>> -> memref<1x128xi32, #tpu.memory_space<vmem>>
        %dma_start3A_583 = tpu.memref_squeeze %dma_start3A_582 : memref<1x128xi32, #tpu.memory_space<vmem>> -> memref<128xi32, #tpu.memory_space<vmem>>
        %dma_start3A_584 = arith.constant 0 : i32
        %dma_start3A_585 = tpu.memref_slice %arg2[%dma_start3A_584] : memref<1000000xf32, #tpu.memory_space<hbm>> -> memref<1000000xf32, #tpu.memory_space<hbm>>
        %dma_start3A_586 = tpu.memref_slice %arg8[%dma_start3A_577] : memref<2x!tpu.dma_semaphore, #tpu.memory_space<semaphore_mem>> -> memref<1x!tpu.dma_semaphore, #tpu.memory_space<semaphore_mem>>
        %dma_start3A_587 = tpu.memref_squeeze %dma_start3A_586 : memref<1x!tpu.dma_semaphore, #tpu.memory_space<semaphore_mem>> -> memref<!tpu.dma_semaphore, #tpu.memory_space<semaphore_mem>>
        tpu.enqueue_indirect_dma source(%dma_start3A_585 : memref<1000000xf32, #tpu.memory_space<hbm>>) target(%dma_start3A_580 : memref<128xf32, #tpu.memory_space<vmem>>) offsets(%dma_start3A_583 : memref<128xi32, #tpu.memory_space<vmem>>) semaphore(%dma_start3A_587 : memref<!tpu.dma_semaphore, #tpu.memory_space<semaphore_mem>>)
        %dma_start3A_588 = arith.constant 31 : i32
        %dma_start3A_589 = arith.constant 31 : i32
        %dma_start3A_590 = arith.constant 1 : i32
        %dma_start3A_591 = arith.constant 0 : i32
        %dma_start3A_592 = tpu.memref_slice %arg6[%dma_start3A_589, %dma_start3A_591] : memref<32x128xf32, #tpu.memory_space<vmem>> -> memref<1x128xf32, #tpu.memory_space<vmem>>
        %dma_start3A_593 = tpu.memref_squeeze %dma_start3A_592 : memref<1x128xf32, #tpu.memory_space<vmem>> -> memref<128xf32, #tpu.memory_space<vmem>>
        %dma_start3A_594 = arith.constant 0 : i32
        %dma_start3A_595 = tpu.memref_slice %arg5[%dma_start3A_588, %dma_start3A_594] : memref<32x128xi32, #tpu.memory_space<vmem>> -> memref<1x128xi32, #tpu.memory_space<vmem>>
        %dma_start3A_596 = tpu.memref_squeeze %dma_start3A_595 : memref<1x128xi32, #tpu.memory_space<vmem>> -> memref<128xi32, #tpu.memory_space<vmem>>
        %dma_start3A_597 = arith.constant 0 : i32
        %dma_start3A_598 = tpu.memref_slice %arg2[%dma_start3A_597] : memref<1000000xf32, #tpu.memory_space<hbm>> -> memref<1000000xf32, #tpu.memory_space<hbm>>
        %dma_start3A_599 = tpu.memref_slice %arg8[%dma_start3A_590] : memref<2x!tpu.dma_semaphore, #tpu.memory_space<semaphore_mem>> -> memref<1x!tpu.dma_semaphore, #tpu.memory_space<semaphore_mem>>
        %dma_start3A_600 = tpu.memref_squeeze %dma_start3A_599 : memref<1x!tpu.dma_semaphore, #tpu.memory_space<semaphore_mem>> -> memref<!tpu.dma_semaphore, #tpu.memory_space<semaphore_mem>>
        tpu.enqueue_indirect_dma source(%dma_start3A_598 : memref<1000000xf32, #tpu.memory_space<hbm>>) target(%dma_start3A_593 : memref<128xf32, #tpu.memory_space<vmem>>) offsets(%dma_start3A_596 : memref<128xi32, #tpu.memory_space<vmem>>) semaphore(%dma_start3A_600 : memref<!tpu.dma_semaphore, #tpu.memory_space<semaphore_mem>>)
      } else {
      }
      %ge3A_365 = arith.constant 1 : i32
      %ge3A_366 = arith.cmpi sge, %scan3A_330, %ge3A_365 : i32
      %eq3A_367 = arith.constant 1 : i32
      %eq3A_368 = arith.cmpi eq, %rem3A_332, %eq3A_367 : i32
      %and3A_369 = arith.andi %ge3A_366, %eq3A_368 : i1
      %convert_element_type3A_370 = arith.extui %and3A_369 : i1 to i32
      %cond3A_371 = arith.constant 0 : i32
      %cond3A_372 = arith.cmpi ne, %convert_element_type3A_370, %cond3A_371 : i32
      scf.if %cond3A_372 {
        %dma_wait3A_393 = arith.constant 0 : i32
        %dma_wait3A_394 = arith.constant 0 : i32
        %dma_wait3A_395 = arith.constant 0 : i32
        %dma_wait3A_396 = arith.constant 0 : i32
        %dma_wait3A_397 = tpu.memref_slice %arg6[%dma_wait3A_394, %dma_wait3A_396] : memref<32x128xf32, #tpu.memory_space<vmem>> -> memref<1x128xf32, #tpu.memory_space<vmem>>
        %dma_wait3A_398 = tpu.memref_squeeze %dma_wait3A_397 : memref<1x128xf32, #tpu.memory_space<vmem>> -> memref<128xf32, #tpu.memory_space<vmem>>
        %dma_wait3A_399 = arith.constant 0 : i32
        %dma_wait3A_400 = tpu.memref_slice %arg5[%dma_wait3A_393, %dma_wait3A_399] : memref<32x128xi32, #tpu.memory_space<vmem>> -> memref<1x128xi32, #tpu.memory_space<vmem>>
        %dma_wait3A_401 = tpu.memref_squeeze %dma_wait3A_400 : memref<1x128xi32, #tpu.memory_space<vmem>> -> memref<128xi32, #tpu.memory_space<vmem>>
        %dma_wait3A_402 = arith.constant 0 : i32
        %dma_wait3A_403 = tpu.memref_slice %arg2[%dma_wait3A_402] : memref<1000000xf32, #tpu.memory_space<hbm>> -> memref<1000000xf32, #tpu.memory_space<hbm>>
        %dma_wait3A_404 = tpu.memref_slice %arg8[%dma_wait3A_395] : memref<2x!tpu.dma_semaphore, #tpu.memory_space<semaphore_mem>> -> memref<1x!tpu.dma_semaphore, #tpu.memory_space<semaphore_mem>>
        %dma_wait3A_405 = tpu.memref_squeeze %dma_wait3A_404 : memref<1x!tpu.dma_semaphore, #tpu.memory_space<semaphore_mem>> -> memref<!tpu.dma_semaphore, #tpu.memory_space<semaphore_mem>>
        tpu.wait_indirect_dma semaphore(%dma_wait3A_405 : memref<!tpu.dma_semaphore, #tpu.memory_space<semaphore_mem>>) src(%dma_wait3A_403 : memref<1000000xf32, #tpu.memory_space<hbm>>) dst(%dma_wait3A_398 : memref<128xf32, #tpu.memory_space<vmem>>)
        %dma_wait3A_406 = arith.constant 1 : i32
        %dma_wait3A_407 = arith.constant 1 : i32
        %dma_wait3A_408 = arith.constant 0 : i32
        %dma_wait3A_409 = arith.constant 0 : i32
        %dma_wait3A_410 = tpu.memref_slice %arg6[%dma_wait3A_407, %dma_wait3A_409] : memref<32x128xf32, #tpu.memory_space<vmem>> -> memref<1x128xf32, #tpu.memory_space<vmem>>
        %dma_wait3A_411 = tpu.memref_squeeze %dma_wait3A_410 : memref<1x128xf32, #tpu.memory_space<vmem>> -> memref<128xf32, #tpu.memory_space<vmem>>
        %dma_wait3A_412 = arith.constant 0 : i32
        %dma_wait3A_413 = tpu.memref_slice %arg5[%dma_wait3A_406, %dma_wait3A_412] : memref<32x128xi32, #tpu.memory_space<vmem>> -> memref<1x128xi32, #tpu.memory_space<vmem>>
        %dma_wait3A_414 = tpu.memref_squeeze %dma_wait3A_413 : memref<1x128xi32, #tpu.memory_space<vmem>> -> memref<128xi32, #tpu.memory_space<vmem>>
        %dma_wait3A_415 = arith.constant 0 : i32
        %dma_wait3A_416 = tpu.memref_slice %arg2[%dma_wait3A_415] : memref<1000000xf32, #tpu.memory_space<hbm>> -> memref<1000000xf32, #tpu.memory_space<hbm>>
        %dma_wait3A_417 = tpu.memref_slice %arg8[%dma_wait3A_408] : memref<2x!tpu.dma_semaphore, #tpu.memory_space<semaphore_mem>> -> memref<1x!tpu.dma_semaphore, #tpu.memory_space<semaphore_mem>>
        %dma_wait3A_418 = tpu.memref_squeeze %dma_wait3A_417 : memref<1x!tpu.dma_semaphore, #tpu.memory_space<semaphore_mem>> -> memref<!tpu.dma_semaphore, #tpu.memory_space<semaphore_mem>>
        tpu.wait_indirect_dma semaphore(%dma_wait3A_418 : memref<!tpu.dma_semaphore, #tpu.memory_space<semaphore_mem>>) src(%dma_wait3A_416 : memref<1000000xf32, #tpu.memory_space<hbm>>) dst(%dma_wait3A_411 : memref<128xf32, #tpu.memory_space<vmem>>)
        %dma_wait3A_419 = arith.constant 2 : i32
        %dma_wait3A_420 = arith.constant 2 : i32
        %dma_wait3A_421 = arith.constant 0 : i32
        %dma_wait3A_422 = arith.constant 0 : i32
        %dma_wait3A_423 = tpu.memref_slice %arg6[%dma_wait3A_420, %dma_wait3A_422] : memref<32x128xf32, #tpu.memory_space<vmem>> -> memref<1x128xf32, #tpu.memory_space<vmem>>
        %dma_wait3A_424 = tpu.memref_squeeze %dma_wait3A_423 : memref<1x128xf32, #tpu.memory_space<vmem>> -> memref<128xf32, #tpu.memory_space<vmem>>
        %dma_wait3A_425 = arith.constant 0 : i32
        %dma_wait3A_426 = tpu.memref_slice %arg5[%dma_wait3A_419, %dma_wait3A_425] : memref<32x128xi32, #tpu.memory_space<vmem>> -> memref<1x128xi32, #tpu.memory_space<vmem>>
        %dma_wait3A_427 = tpu.memref_squeeze %dma_wait3A_426 : memref<1x128xi32, #tpu.memory_space<vmem>> -> memref<128xi32, #tpu.memory_space<vmem>>
        %dma_wait3A_428 = arith.constant 0 : i32
        %dma_wait3A_429 = tpu.memref_slice %arg2[%dma_wait3A_428] : memref<1000000xf32, #tpu.memory_space<hbm>> -> memref<1000000xf32, #tpu.memory_space<hbm>>
        %dma_wait3A_430 = tpu.memref_slice %arg8[%dma_wait3A_421] : memref<2x!tpu.dma_semaphore, #tpu.memory_space<semaphore_mem>> -> memref<1x!tpu.dma_semaphore, #tpu.memory_space<semaphore_mem>>
        %dma_wait3A_431 = tpu.memref_squeeze %dma_wait3A_430 : memref<1x!tpu.dma_semaphore, #tpu.memory_space<semaphore_mem>> -> memref<!tpu.dma_semaphore, #tpu.memory_space<semaphore_mem>>
        tpu.wait_indirect_dma semaphore(%dma_wait3A_431 : memref<!tpu.dma_semaphore, #tpu.memory_space<semaphore_mem>>) src(%dma_wait3A_429 : memref<1000000xf32, #tpu.memory_space<hbm>>) dst(%dma_wait3A_424 : memref<128xf32, #tpu.memory_space<vmem>>)
        %dma_wait3A_432 = arith.constant 3 : i32
        %dma_wait3A_433 = arith.constant 3 : i32
        %dma_wait3A_434 = arith.constant 0 : i32
        %dma_wait3A_435 = arith.constant 0 : i32
        %dma_wait3A_436 = tpu.memref_slice %arg6[%dma_wait3A_433, %dma_wait3A_435] : memref<32x128xf32, #tpu.memory_space<vmem>> -> memref<1x128xf32, #tpu.memory_space<vmem>>
        %dma_wait3A_437 = tpu.memref_squeeze %dma_wait3A_436 : memref<1x128xf32, #tpu.memory_space<vmem>> -> memref<128xf32, #tpu.memory_space<vmem>>
        %dma_wait3A_438 = arith.constant 0 : i32
        %dma_wait3A_439 = tpu.memref_slice %arg5[%dma_wait3A_432, %dma_wait3A_438] : memref<32x128xi32, #tpu.memory_space<vmem>> -> memref<1x128xi32, #tpu.memory_space<vmem>>
        %dma_wait3A_440 = tpu.memref_squeeze %dma_wait3A_439 : memref<1x128xi32, #tpu.memory_space<vmem>> -> memref<128xi32, #tpu.memory_space<vmem>>
        %dma_wait3A_441 = arith.constant 0 : i32
        %dma_wait3A_442 = tpu.memref_slice %arg2[%dma_wait3A_441] : memref<1000000xf32, #tpu.memory_space<hbm>> -> memref<1000000xf32, #tpu.memory_space<hbm>>
        %dma_wait3A_443 = tpu.memref_slice %arg8[%dma_wait3A_434] : memref<2x!tpu.dma_semaphore, #tpu.memory_space<semaphore_mem>> -> memref<1x!tpu.dma_semaphore, #tpu.memory_space<semaphore_mem>>
        %dma_wait3A_444 = tpu.memref_squeeze %dma_wait3A_443 : memref<1x!tpu.dma_semaphore, #tpu.memory_space<semaphore_mem>> -> memref<!tpu.dma_semaphore, #tpu.memory_space<semaphore_mem>>
        tpu.wait_indirect_dma semaphore(%dma_wait3A_444 : memref<!tpu.dma_semaphore, #tpu.memory_space<semaphore_mem>>) src(%dma_wait3A_442 : memref<1000000xf32, #tpu.memory_space<hbm>>) dst(%dma_wait3A_437 : memref<128xf32, #tpu.memory_space<vmem>>)
        %dma_wait3A_445 = arith.constant 4 : i32
        %dma_wait3A_446 = arith.constant 4 : i32
        %dma_wait3A_447 = arith.constant 0 : i32
        %dma_wait3A_448 = arith.constant 0 : i32
        %dma_wait3A_449 = tpu.memref_slice %arg6[%dma_wait3A_446, %dma_wait3A_448] : memref<32x128xf32, #tpu.memory_space<vmem>> -> memref<1x128xf32, #tpu.memory_space<vmem>>
        %dma_wait3A_450 = tpu.memref_squeeze %dma_wait3A_449 : memref<1x128xf32, #tpu.memory_space<vmem>> -> memref<128xf32, #tpu.memory_space<vmem>>
        %dma_wait3A_451 = arith.constant 0 : i32
        %dma_wait3A_452 = tpu.memref_slice %arg5[%dma_wait3A_445, %dma_wait3A_451] : memref<32x128xi32, #tpu.memory_space<vmem>> -> memref<1x128xi32, #tpu.memory_space<vmem>>
        %dma_wait3A_453 = tpu.memref_squeeze %dma_wait3A_452 : memref<1x128xi32, #tpu.memory_space<vmem>> -> memref<128xi32, #tpu.memory_space<vmem>>
        %dma_wait3A_454 = arith.constant 0 : i32
        %dma_wait3A_455 = tpu.memref_slice %arg2[%dma_wait3A_454] : memref<1000000xf32, #tpu.memory_space<hbm>> -> memref<1000000xf32, #tpu.memory_space<hbm>>
        %dma_wait3A_456 = tpu.memref_slice %arg8[%dma_wait3A_447] : memref<2x!tpu.dma_semaphore, #tpu.memory_space<semaphore_mem>> -> memref<1x!tpu.dma_semaphore, #tpu.memory_space<semaphore_mem>>
        %dma_wait3A_457 = tpu.memref_squeeze %dma_wait3A_456 : memref<1x!tpu.dma_semaphore, #tpu.memory_space<semaphore_mem>> -> memref<!tpu.dma_semaphore, #tpu.memory_space<semaphore_mem>>
        tpu.wait_indirect_dma semaphore(%dma_wait3A_457 : memref<!tpu.dma_semaphore, #tpu.memory_space<semaphore_mem>>) src(%dma_wait3A_455 : memref<1000000xf32, #tpu.memory_space<hbm>>) dst(%dma_wait3A_450 : memref<128xf32, #tpu.memory_space<vmem>>)
        %dma_wait3A_458 = arith.constant 5 : i32
        %dma_wait3A_459 = arith.constant 5 : i32
        %dma_wait3A_460 = arith.constant 0 : i32
        %dma_wait3A_461 = arith.constant 0 : i32
        %dma_wait3A_462 = tpu.memref_slice %arg6[%dma_wait3A_459, %dma_wait3A_461] : memref<32x128xf32, #tpu.memory_space<vmem>> -> memref<1x128xf32, #tpu.memory_space<vmem>>
        %dma_wait3A_463 = tpu.memref_squeeze %dma_wait3A_462 : memref<1x128xf32, #tpu.memory_space<vmem>> -> memref<128xf32, #tpu.memory_space<vmem>>
        %dma_wait3A_464 = arith.constant 0 : i32
        %dma_wait3A_465 = tpu.memref_slice %arg5[%dma_wait3A_458, %dma_wait3A_464] : memref<32x128xi32, #tpu.memory_space<vmem>> -> memref<1x128xi32, #tpu.memory_space<vmem>>
        %dma_wait3A_466 = tpu.memref_squeeze %dma_wait3A_465 : memref<1x128xi32, #tpu.memory_space<vmem>> -> memref<128xi32, #tpu.memory_space<vmem>>
        %dma_wait3A_467 = arith.constant 0 : i32
        %dma_wait3A_468 = tpu.memref_slice %arg2[%dma_wait3A_467] : memref<1000000xf32, #tpu.memory_space<hbm>> -> memref<1000000xf32, #tpu.memory_space<hbm>>
        %dma_wait3A_469 = tpu.memref_slice %arg8[%dma_wait3A_460] : memref<2x!tpu.dma_semaphore, #tpu.memory_space<semaphore_mem>> -> memref<1x!tpu.dma_semaphore, #tpu.memory_space<semaphore_mem>>
        %dma_wait3A_470 = tpu.memref_squeeze %dma_wait3A_469 : memref<1x!tpu.dma_semaphore, #tpu.memory_space<semaphore_mem>> -> memref<!tpu.dma_semaphore, #tpu.memory_space<semaphore_mem>>
        tpu.wait_indirect_dma semaphore(%dma_wait3A_470 : memref<!tpu.dma_semaphore, #tpu.memory_space<semaphore_mem>>) src(%dma_wait3A_468 : memref<1000000xf32, #tpu.memory_space<hbm>>) dst(%dma_wait3A_463 : memref<128xf32, #tpu.memory_space<vmem>>)
        %dma_wait3A_471 = arith.constant 6 : i32
        %dma_wait3A_472 = arith.constant 6 : i32
        %dma_wait3A_473 = arith.constant 0 : i32
        %dma_wait3A_474 = arith.constant 0 : i32
        %dma_wait3A_475 = tpu.memref_slice %arg6[%dma_wait3A_472, %dma_wait3A_474] : memref<32x128xf32, #tpu.memory_space<vmem>> -> memref<1x128xf32, #tpu.memory_space<vmem>>
        %dma_wait3A_476 = tpu.memref_squeeze %dma_wait3A_475 : memref<1x128xf32, #tpu.memory_space<vmem>> -> memref<128xf32, #tpu.memory_space<vmem>>
        %dma_wait3A_477 = arith.constant 0 : i32
        %dma_wait3A_478 = tpu.memref_slice %arg5[%dma_wait3A_471, %dma_wait3A_477] : memref<32x128xi32, #tpu.memory_space<vmem>> -> memref<1x128xi32, #tpu.memory_space<vmem>>
        %dma_wait3A_479 = tpu.memref_squeeze %dma_wait3A_478 : memref<1x128xi32, #tpu.memory_space<vmem>> -> memref<128xi32, #tpu.memory_space<vmem>>
        %dma_wait3A_480 = arith.constant 0 : i32
        %dma_wait3A_481 = tpu.memref_slice %arg2[%dma_wait3A_480] : memref<1000000xf32, #tpu.memory_space<hbm>> -> memref<1000000xf32, #tpu.memory_space<hbm>>
        %dma_wait3A_482 = tpu.memref_slice %arg8[%dma_wait3A_473] : memref<2x!tpu.dma_semaphore, #tpu.memory_space<semaphore_mem>> -> memref<1x!tpu.dma_semaphore, #tpu.memory_space<semaphore_mem>>
        %dma_wait3A_483 = tpu.memref_squeeze %dma_wait3A_482 : memref<1x!tpu.dma_semaphore, #tpu.memory_space<semaphore_mem>> -> memref<!tpu.dma_semaphore, #tpu.memory_space<semaphore_mem>>
        tpu.wait_indirect_dma semaphore(%dma_wait3A_483 : memref<!tpu.dma_semaphore, #tpu.memory_space<semaphore_mem>>) src(%dma_wait3A_481 : memref<1000000xf32, #tpu.memory_space<hbm>>) dst(%dma_wait3A_476 : memref<128xf32, #tpu.memory_space<vmem>>)
        %dma_wait3A_484 = arith.constant 7 : i32
        %dma_wait3A_485 = arith.constant 7 : i32
        %dma_wait3A_486 = arith.constant 0 : i32
        %dma_wait3A_487 = arith.constant 0 : i32
        %dma_wait3A_488 = tpu.memref_slice %arg6[%dma_wait3A_485, %dma_wait3A_487] : memref<32x128xf32, #tpu.memory_space<vmem>> -> memref<1x128xf32, #tpu.memory_space<vmem>>
        %dma_wait3A_489 = tpu.memref_squeeze %dma_wait3A_488 : memref<1x128xf32, #tpu.memory_space<vmem>> -> memref<128xf32, #tpu.memory_space<vmem>>
        %dma_wait3A_490 = arith.constant 0 : i32
        %dma_wait3A_491 = tpu.memref_slice %arg5[%dma_wait3A_484, %dma_wait3A_490] : memref<32x128xi32, #tpu.memory_space<vmem>> -> memref<1x128xi32, #tpu.memory_space<vmem>>
        %dma_wait3A_492 = tpu.memref_squeeze %dma_wait3A_491 : memref<1x128xi32, #tpu.memory_space<vmem>> -> memref<128xi32, #tpu.memory_space<vmem>>
        %dma_wait3A_493 = arith.constant 0 : i32
        %dma_wait3A_494 = tpu.memref_slice %arg2[%dma_wait3A_493] : memref<1000000xf32, #tpu.memory_space<hbm>> -> memref<1000000xf32, #tpu.memory_space<hbm>>
        %dma_wait3A_495 = tpu.memref_slice %arg8[%dma_wait3A_486] : memref<2x!tpu.dma_semaphore, #tpu.memory_space<semaphore_mem>> -> memref<1x!tpu.dma_semaphore, #tpu.memory_space<semaphore_mem>>
        %dma_wait3A_496 = tpu.memref_squeeze %dma_wait3A_495 : memref<1x!tpu.dma_semaphore, #tpu.memory_space<semaphore_mem>> -> memref<!tpu.dma_semaphore, #tpu.memory_space<semaphore_mem>>
        tpu.wait_indirect_dma semaphore(%dma_wait3A_496 : memref<!tpu.dma_semaphore, #tpu.memory_space<semaphore_mem>>) src(%dma_wait3A_494 : memref<1000000xf32, #tpu.memory_space<hbm>>) dst(%dma_wait3A_489 : memref<128xf32, #tpu.memory_space<vmem>>)
        %dma_wait3A_497 = arith.constant 8 : i32
        %dma_wait3A_498 = arith.constant 8 : i32
        %dma_wait3A_499 = arith.constant 0 : i32
        %dma_wait3A_500 = arith.constant 0 : i32
        %dma_wait3A_501 = tpu.memref_slice %arg6[%dma_wait3A_498, %dma_wait3A_500] : memref<32x128xf32, #tpu.memory_space<vmem>> -> memref<1x128xf32, #tpu.memory_space<vmem>>
        %dma_wait3A_502 = tpu.memref_squeeze %dma_wait3A_501 : memref<1x128xf32, #tpu.memory_space<vmem>> -> memref<128xf32, #tpu.memory_space<vmem>>
        %dma_wait3A_503 = arith.constant 0 : i32
        %dma_wait3A_504 = tpu.memref_slice %arg5[%dma_wait3A_497, %dma_wait3A_503] : memref<32x128xi32, #tpu.memory_space<vmem>> -> memref<1x128xi32, #tpu.memory_space<vmem>>
        %dma_wait3A_505 = tpu.memref_squeeze %dma_wait3A_504 : memref<1x128xi32, #tpu.memory_space<vmem>> -> memref<128xi32, #tpu.memory_space<vmem>>
        %dma_wait3A_506 = arith.constant 0 : i32
        %dma_wait3A_507 = tpu.memref_slice %arg2[%dma_wait3A_506] : memref<1000000xf32, #tpu.memory_space<hbm>> -> memref<1000000xf32, #tpu.memory_space<hbm>>
        %dma_wait3A_508 = tpu.memref_slice %arg8[%dma_wait3A_499] : memref<2x!tpu.dma_semaphore, #tpu.memory_space<semaphore_mem>> -> memref<1x!tpu.dma_semaphore, #tpu.memory_space<semaphore_mem>>
        %dma_wait3A_509 = tpu.memref_squeeze %dma_wait3A_508 : memref<1x!tpu.dma_semaphore, #tpu.memory_space<semaphore_mem>> -> memref<!tpu.dma_semaphore, #tpu.memory_space<semaphore_mem>>
        tpu.wait_indirect_dma semaphore(%dma_wait3A_509 : memref<!tpu.dma_semaphore, #tpu.memory_space<semaphore_mem>>) src(%dma_wait3A_507 : memref<1000000xf32, #tpu.memory_space<hbm>>) dst(%dma_wait3A_502 : memref<128xf32, #tpu.memory_space<vmem>>)
        %dma_wait3A_510 = arith.constant 9 : i32
        %dma_wait3A_511 = arith.constant 9 : i32
        %dma_wait3A_512 = arith.constant 0 : i32
        %dma_wait3A_513 = arith.constant 0 : i32
        %dma_wait3A_514 = tpu.memref_slice %arg6[%dma_wait3A_511, %dma_wait3A_513] : memref<32x128xf32, #tpu.memory_space<vmem>> -> memref<1x128xf32, #tpu.memory_space<vmem>>
        %dma_wait3A_515 = tpu.memref_squeeze %dma_wait3A_514 : memref<1x128xf32, #tpu.memory_space<vmem>> -> memref<128xf32, #tpu.memory_space<vmem>>
        %dma_wait3A_516 = arith.constant 0 : i32
        %dma_wait3A_517 = tpu.memref_slice %arg5[%dma_wait3A_510, %dma_wait3A_516] : memref<32x128xi32, #tpu.memory_space<vmem>> -> memref<1x128xi32, #tpu.memory_space<vmem>>
        %dma_wait3A_518 = tpu.memref_squeeze %dma_wait3A_517 : memref<1x128xi32, #tpu.memory_space<vmem>> -> memref<128xi32, #tpu.memory_space<vmem>>
        %dma_wait3A_519 = arith.constant 0 : i32
        %dma_wait3A_520 = tpu.memref_slice %arg2[%dma_wait3A_519] : memref<1000000xf32, #tpu.memory_space<hbm>> -> memref<1000000xf32, #tpu.memory_space<hbm>>
        %dma_wait3A_521 = tpu.memref_slice %arg8[%dma_wait3A_512] : memref<2x!tpu.dma_semaphore, #tpu.memory_space<semaphore_mem>> -> memref<1x!tpu.dma_semaphore, #tpu.memory_space<semaphore_mem>>
        %dma_wait3A_522 = tpu.memref_squeeze %dma_wait3A_521 : memref<1x!tpu.dma_semaphore, #tpu.memory_space<semaphore_mem>> -> memref<!tpu.dma_semaphore, #tpu.memory_space<semaphore_mem>>
        tpu.wait_indirect_dma semaphore(%dma_wait3A_522 : memref<!tpu.dma_semaphore, #tpu.memory_space<semaphore_mem>>) src(%dma_wait3A_520 : memref<1000000xf32, #tpu.memory_space<hbm>>) dst(%dma_wait3A_515 : memref<128xf32, #tpu.memory_space<vmem>>)
        %dma_wait3A_523 = arith.constant 10 : i32
        %dma_wait3A_524 = arith.constant 10 : i32
        %dma_wait3A_525 = arith.constant 0 : i32
        %dma_wait3A_526 = arith.constant 0 : i32
        %dma_wait3A_527 = tpu.memref_slice %arg6[%dma_wait3A_524, %dma_wait3A_526] : memref<32x128xf32, #tpu.memory_space<vmem>> -> memref<1x128xf32, #tpu.memory_space<vmem>>
        %dma_wait3A_528 = tpu.memref_squeeze %dma_wait3A_527 : memref<1x128xf32, #tpu.memory_space<vmem>> -> memref<128xf32, #tpu.memory_space<vmem>>
        %dma_wait3A_529 = arith.constant 0 : i32
        %dma_wait3A_530 = tpu.memref_slice %arg5[%dma_wait3A_523, %dma_wait3A_529] : memref<32x128xi32, #tpu.memory_space<vmem>> -> memref<1x128xi32, #tpu.memory_space<vmem>>
        %dma_wait3A_531 = tpu.memref_squeeze %dma_wait3A_530 : memref<1x128xi32, #tpu.memory_space<vmem>> -> memref<128xi32, #tpu.memory_space<vmem>>
        %dma_wait3A_532 = arith.constant 0 : i32
        %dma_wait3A_533 = tpu.memref_slice %arg2[%dma_wait3A_532] : memref<1000000xf32, #tpu.memory_space<hbm>> -> memref<1000000xf32, #tpu.memory_space<hbm>>
        %dma_wait3A_534 = tpu.memref_slice %arg8[%dma_wait3A_525] : memref<2x!tpu.dma_semaphore, #tpu.memory_space<semaphore_mem>> -> memref<1x!tpu.dma_semaphore, #tpu.memory_space<semaphore_mem>>
        %dma_wait3A_535 = tpu.memref_squeeze %dma_wait3A_534 : memref<1x!tpu.dma_semaphore, #tpu.memory_space<semaphore_mem>> -> memref<!tpu.dma_semaphore, #tpu.memory_space<semaphore_mem>>
        tpu.wait_indirect_dma semaphore(%dma_wait3A_535 : memref<!tpu.dma_semaphore, #tpu.memory_space<semaphore_mem>>) src(%dma_wait3A_533 : memref<1000000xf32, #tpu.memory_space<hbm>>) dst(%dma_wait3A_528 : memref<128xf32, #tpu.memory_space<vmem>>)
        %dma_wait3A_536 = arith.constant 11 : i32
        %dma_wait3A_537 = arith.constant 11 : i32
        %dma_wait3A_538 = arith.constant 0 : i32
        %dma_wait3A_539 = arith.constant 0 : i32
        %dma_wait3A_540 = tpu.memref_slice %arg6[%dma_wait3A_537, %dma_wait3A_539] : memref<32x128xf32, #tpu.memory_space<vmem>> -> memref<1x128xf32, #tpu.memory_space<vmem>>
        %dma_wait3A_541 = tpu.memref_squeeze %dma_wait3A_540 : memref<1x128xf32, #tpu.memory_space<vmem>> -> memref<128xf32, #tpu.memory_space<vmem>>
        %dma_wait3A_542 = arith.constant 0 : i32
        %dma_wait3A_543 = tpu.memref_slice %arg5[%dma_wait3A_536, %dma_wait3A_542] : memref<32x128xi32, #tpu.memory_space<vmem>> -> memref<1x128xi32, #tpu.memory_space<vmem>>
        %dma_wait3A_544 = tpu.memref_squeeze %dma_wait3A_543 : memref<1x128xi32, #tpu.memory_space<vmem>> -> memref<128xi32, #tpu.memory_space<vmem>>
        %dma_wait3A_545 = arith.constant 0 : i32
        %dma_wait3A_546 = tpu.memref_slice %arg2[%dma_wait3A_545] : memref<1000000xf32, #tpu.memory_space<hbm>> -> memref<1000000xf32, #tpu.memory_space<hbm>>
        %dma_wait3A_547 = tpu.memref_slice %arg8[%dma_wait3A_538] : memref<2x!tpu.dma_semaphore, #tpu.memory_space<semaphore_mem>> -> memref<1x!tpu.dma_semaphore, #tpu.memory_space<semaphore_mem>>
        %dma_wait3A_548 = tpu.memref_squeeze %dma_wait3A_547 : memref<1x!tpu.dma_semaphore, #tpu.memory_space<semaphore_mem>> -> memref<!tpu.dma_semaphore, #tpu.memory_space<semaphore_mem>>
        tpu.wait_indirect_dma semaphore(%dma_wait3A_548 : memref<!tpu.dma_semaphore, #tpu.memory_space<semaphore_mem>>) src(%dma_wait3A_546 : memref<1000000xf32, #tpu.memory_space<hbm>>) dst(%dma_wait3A_541 : memref<128xf32, #tpu.memory_space<vmem>>)
        %dma_wait3A_549 = arith.constant 12 : i32
        %dma_wait3A_550 = arith.constant 12 : i32
        %dma_wait3A_551 = arith.constant 0 : i32
        %dma_wait3A_552 = arith.constant 0 : i32
        %dma_wait3A_553 = tpu.memref_slice %arg6[%dma_wait3A_550, %dma_wait3A_552] : memref<32x128xf32, #tpu.memory_space<vmem>> -> memref<1x128xf32, #tpu.memory_space<vmem>>
        %dma_wait3A_554 = tpu.memref_squeeze %dma_wait3A_553 : memref<1x128xf32, #tpu.memory_space<vmem>> -> memref<128xf32, #tpu.memory_space<vmem>>
        %dma_wait3A_555 = arith.constant 0 : i32
        %dma_wait3A_556 = tpu.memref_slice %arg5[%dma_wait3A_549, %dma_wait3A_555] : memref<32x128xi32, #tpu.memory_space<vmem>> -> memref<1x128xi32, #tpu.memory_space<vmem>>
        %dma_wait3A_557 = tpu.memref_squeeze %dma_wait3A_556 : memref<1x128xi32, #tpu.memory_space<vmem>> -> memref<128xi32, #tpu.memory_space<vmem>>
        %dma_wait3A_558 = arith.constant 0 : i32
        %dma_wait3A_559 = tpu.memref_slice %arg2[%dma_wait3A_558] : memref<1000000xf32, #tpu.memory_space<hbm>> -> memref<1000000xf32, #tpu.memory_space<hbm>>
        %dma_wait3A_560 = tpu.memref_slice %arg8[%dma_wait3A_551] : memref<2x!tpu.dma_semaphore, #tpu.memory_space<semaphore_mem>> -> memref<1x!tpu.dma_semaphore, #tpu.memory_space<semaphore_mem>>
        %dma_wait3A_561 = tpu.memref_squeeze %dma_wait3A_560 : memref<1x!tpu.dma_semaphore, #tpu.memory_space<semaphore_mem>> -> memref<!tpu.dma_semaphore, #tpu.memory_space<semaphore_mem>>
        tpu.wait_indirect_dma semaphore(%dma_wait3A_561 : memref<!tpu.dma_semaphore, #tpu.memory_space<semaphore_mem>>) src(%dma_wait3A_559 : memref<1000000xf32, #tpu.memory_space<hbm>>) dst(%dma_wait3A_554 : memref<128xf32, #tpu.memory_space<vmem>>)
        %dma_wait3A_562 = arith.constant 13 : i32
        %dma_wait3A_563 = arith.constant 13 : i32
        %dma_wait3A_564 = arith.constant 0 : i32
        %dma_wait3A_565 = arith.constant 0 : i32
        %dma_wait3A_566 = tpu.memref_slice %arg6[%dma_wait3A_563, %dma_wait3A_565] : memref<32x128xf32, #tpu.memory_space<vmem>> -> memref<1x128xf32, #tpu.memory_space<vmem>>
        %dma_wait3A_567 = tpu.memref_squeeze %dma_wait3A_566 : memref<1x128xf32, #tpu.memory_space<vmem>> -> memref<128xf32, #tpu.memory_space<vmem>>
        %dma_wait3A_568 = arith.constant 0 : i32
        %dma_wait3A_569 = tpu.memref_slice %arg5[%dma_wait3A_562, %dma_wait3A_568] : memref<32x128xi32, #tpu.memory_space<vmem>> -> memref<1x128xi32, #tpu.memory_space<vmem>>
        %dma_wait3A_570 = tpu.memref_squeeze %dma_wait3A_569 : memref<1x128xi32, #tpu.memory_space<vmem>> -> memref<128xi32, #tpu.memory_space<vmem>>
        %dma_wait3A_571 = arith.constant 0 : i32
        %dma_wait3A_572 = tpu.memref_slice %arg2[%dma_wait3A_571] : memref<1000000xf32, #tpu.memory_space<hbm>> -> memref<1000000xf32, #tpu.memory_space<hbm>>
        %dma_wait3A_573 = tpu.memref_slice %arg8[%dma_wait3A_564] : memref<2x!tpu.dma_semaphore, #tpu.memory_space<semaphore_mem>> -> memref<1x!tpu.dma_semaphore, #tpu.memory_space<semaphore_mem>>
        %dma_wait3A_574 = tpu.memref_squeeze %dma_wait3A_573 : memref<1x!tpu.dma_semaphore, #tpu.memory_space<semaphore_mem>> -> memref<!tpu.dma_semaphore, #tpu.memory_space<semaphore_mem>>
        tpu.wait_indirect_dma semaphore(%dma_wait3A_574 : memref<!tpu.dma_semaphore, #tpu.memory_space<semaphore_mem>>) src(%dma_wait3A_572 : memref<1000000xf32, #tpu.memory_space<hbm>>) dst(%dma_wait3A_567 : memref<128xf32, #tpu.memory_space<vmem>>)
        %dma_wait3A_575 = arith.constant 14 : i32
        %dma_wait3A_576 = arith.constant 14 : i32
        %dma_wait3A_577 = arith.constant 0 : i32
        %dma_wait3A_578 = arith.constant 0 : i32
        %dma_wait3A_579 = tpu.memref_slice %arg6[%dma_wait3A_576, %dma_wait3A_578] : memref<32x128xf32, #tpu.memory_space<vmem>> -> memref<1x128xf32, #tpu.memory_space<vmem>>
        %dma_wait3A_580 = tpu.memref_squeeze %dma_wait3A_579 : memref<1x128xf32, #tpu.memory_space<vmem>> -> memref<128xf32, #tpu.memory_space<vmem>>
        %dma_wait3A_581 = arith.constant 0 : i32
        %dma_wait3A_582 = tpu.memref_slice %arg5[%dma_wait3A_575, %dma_wait3A_581] : memref<32x128xi32, #tpu.memory_space<vmem>> -> memref<1x128xi32, #tpu.memory_space<vmem>>
        %dma_wait3A_583 = tpu.memref_squeeze %dma_wait3A_582 : memref<1x128xi32, #tpu.memory_space<vmem>> -> memref<128xi32, #tpu.memory_space<vmem>>
        %dma_wait3A_584 = arith.constant 0 : i32
        %dma_wait3A_585 = tpu.memref_slice %arg2[%dma_wait3A_584] : memref<1000000xf32, #tpu.memory_space<hbm>> -> memref<1000000xf32, #tpu.memory_space<hbm>>
        %dma_wait3A_586 = tpu.memref_slice %arg8[%dma_wait3A_577] : memref<2x!tpu.dma_semaphore, #tpu.memory_space<semaphore_mem>> -> memref<1x!tpu.dma_semaphore, #tpu.memory_space<semaphore_mem>>
        %dma_wait3A_587 = tpu.memref_squeeze %dma_wait3A_586 : memref<1x!tpu.dma_semaphore, #tpu.memory_space<semaphore_mem>> -> memref<!tpu.dma_semaphore, #tpu.memory_space<semaphore_mem>>
        tpu.wait_indirect_dma semaphore(%dma_wait3A_587 : memref<!tpu.dma_semaphore, #tpu.memory_space<semaphore_mem>>) src(%dma_wait3A_585 : memref<1000000xf32, #tpu.memory_space<hbm>>) dst(%dma_wait3A_580 : memref<128xf32, #tpu.memory_space<vmem>>)
        %dma_wait3A_588 = arith.constant 15 : i32
        %dma_wait3A_589 = arith.constant 15 : i32
        %dma_wait3A_590 = arith.constant 0 : i32
        %dma_wait3A_591 = arith.constant 0 : i32
        %dma_wait3A_592 = tpu.memref_slice %arg6[%dma_wait3A_589, %dma_wait3A_591] : memref<32x128xf32, #tpu.memory_space<vmem>> -> memref<1x128xf32, #tpu.memory_space<vmem>>
        %dma_wait3A_593 = tpu.memref_squeeze %dma_wait3A_592 : memref<1x128xf32, #tpu.memory_space<vmem>> -> memref<128xf32, #tpu.memory_space<vmem>>
        %dma_wait3A_594 = arith.constant 0 : i32
        %dma_wait3A_595 = tpu.memref_slice %arg5[%dma_wait3A_588, %dma_wait3A_594] : memref<32x128xi32, #tpu.memory_space<vmem>> -> memref<1x128xi32, #tpu.memory_space<vmem>>
        %dma_wait3A_596 = tpu.memref_squeeze %dma_wait3A_595 : memref<1x128xi32, #tpu.memory_space<vmem>> -> memref<128xi32, #tpu.memory_space<vmem>>
        %dma_wait3A_597 = arith.constant 0 : i32
        %dma_wait3A_598 = tpu.memref_slice %arg2[%dma_wait3A_597] : memref<1000000xf32, #tpu.memory_space<hbm>> -> memref<1000000xf32, #tpu.memory_space<hbm>>
        %dma_wait3A_599 = tpu.memref_slice %arg8[%dma_wait3A_590] : memref<2x!tpu.dma_semaphore, #tpu.memory_space<semaphore_mem>> -> memref<1x!tpu.dma_semaphore, #tpu.memory_space<semaphore_mem>>
        %dma_wait3A_600 = tpu.memref_squeeze %dma_wait3A_599 : memref<1x!tpu.dma_semaphore, #tpu.memory_space<semaphore_mem>> -> memref<!tpu.dma_semaphore, #tpu.memory_space<semaphore_mem>>
        tpu.wait_indirect_dma semaphore(%dma_wait3A_600 : memref<!tpu.dma_semaphore, #tpu.memory_space<semaphore_mem>>) src(%dma_wait3A_598 : memref<1000000xf32, #tpu.memory_space<hbm>>) dst(%dma_wait3A_593 : memref<128xf32, #tpu.memory_space<vmem>>)
      } else {
      }
      %ge3A_373 = arith.constant 1 : i32
      %ge3A_374 = arith.cmpi sge, %scan3A_330, %ge3A_373 : i32
      %eq3A_375 = arith.constant 0 : i32
      %eq3A_376 = arith.cmpi eq, %rem3A_332, %eq3A_375 : i32
      %and3A_377 = arith.andi %ge3A_374, %eq3A_376 : i1
      %convert_element_type3A_378 = arith.extui %and3A_377 : i1 to i32
      %cond3A_379 = arith.constant 0 : i32
      %cond3A_380 = arith.cmpi ne, %convert_element_type3A_378, %cond3A_379 : i32
      scf.if %cond3A_380 {
        %dma_wait3A_393 = arith.constant 16 : i32
        %dma_wait3A_394 = arith.constant 16 : i32
        %dma_wait3A_395 = arith.constant 1 : i32
        %dma_wait3A_396 = arith.constant 0 : i32
        %dma_wait3A_397 = tpu.memref_slice %arg6[%dma_wait3A_394, %dma_wait3A_396] : memref<32x128xf32, #tpu.memory_space<vmem>> -> memref<1x128xf32, #tpu.memory_space<vmem>>
        %dma_wait3A_398 = tpu.memref_squeeze %dma_wait3A_397 : memref<1x128xf32, #tpu.memory_space<vmem>> -> memref<128xf32, #tpu.memory_space<vmem>>
        %dma_wait3A_399 = arith.constant 0 : i32
        %dma_wait3A_400 = tpu.memref_slice %arg5[%dma_wait3A_393, %dma_wait3A_399] : memref<32x128xi32, #tpu.memory_space<vmem>> -> memref<1x128xi32, #tpu.memory_space<vmem>>
        %dma_wait3A_401 = tpu.memref_squeeze %dma_wait3A_400 : memref<1x128xi32, #tpu.memory_space<vmem>> -> memref<128xi32, #tpu.memory_space<vmem>>
        %dma_wait3A_402 = arith.constant 0 : i32
        %dma_wait3A_403 = tpu.memref_slice %arg2[%dma_wait3A_402] : memref<1000000xf32, #tpu.memory_space<hbm>> -> memref<1000000xf32, #tpu.memory_space<hbm>>
        %dma_wait3A_404 = tpu.memref_slice %arg8[%dma_wait3A_395] : memref<2x!tpu.dma_semaphore, #tpu.memory_space<semaphore_mem>> -> memref<1x!tpu.dma_semaphore, #tpu.memory_space<semaphore_mem>>
        %dma_wait3A_405 = tpu.memref_squeeze %dma_wait3A_404 : memref<1x!tpu.dma_semaphore, #tpu.memory_space<semaphore_mem>> -> memref<!tpu.dma_semaphore, #tpu.memory_space<semaphore_mem>>
        tpu.wait_indirect_dma semaphore(%dma_wait3A_405 : memref<!tpu.dma_semaphore, #tpu.memory_space<semaphore_mem>>) src(%dma_wait3A_403 : memref<1000000xf32, #tpu.memory_space<hbm>>) dst(%dma_wait3A_398 : memref<128xf32, #tpu.memory_space<vmem>>)
        %dma_wait3A_406 = arith.constant 17 : i32
        %dma_wait3A_407 = arith.constant 17 : i32
        %dma_wait3A_408 = arith.constant 1 : i32
        %dma_wait3A_409 = arith.constant 0 : i32
        %dma_wait3A_410 = tpu.memref_slice %arg6[%dma_wait3A_407, %dma_wait3A_409] : memref<32x128xf32, #tpu.memory_space<vmem>> -> memref<1x128xf32, #tpu.memory_space<vmem>>
        %dma_wait3A_411 = tpu.memref_squeeze %dma_wait3A_410 : memref<1x128xf32, #tpu.memory_space<vmem>> -> memref<128xf32, #tpu.memory_space<vmem>>
        %dma_wait3A_412 = arith.constant 0 : i32
        %dma_wait3A_413 = tpu.memref_slice %arg5[%dma_wait3A_406, %dma_wait3A_412] : memref<32x128xi32, #tpu.memory_space<vmem>> -> memref<1x128xi32, #tpu.memory_space<vmem>>
        %dma_wait3A_414 = tpu.memref_squeeze %dma_wait3A_413 : memref<1x128xi32, #tpu.memory_space<vmem>> -> memref<128xi32, #tpu.memory_space<vmem>>
        %dma_wait3A_415 = arith.constant 0 : i32
        %dma_wait3A_416 = tpu.memref_slice %arg2[%dma_wait3A_415] : memref<1000000xf32, #tpu.memory_space<hbm>> -> memref<1000000xf32, #tpu.memory_space<hbm>>
        %dma_wait3A_417 = tpu.memref_slice %arg8[%dma_wait3A_408] : memref<2x!tpu.dma_semaphore, #tpu.memory_space<semaphore_mem>> -> memref<1x!tpu.dma_semaphore, #tpu.memory_space<semaphore_mem>>
        %dma_wait3A_418 = tpu.memref_squeeze %dma_wait3A_417 : memref<1x!tpu.dma_semaphore, #tpu.memory_space<semaphore_mem>> -> memref<!tpu.dma_semaphore, #tpu.memory_space<semaphore_mem>>
        tpu.wait_indirect_dma semaphore(%dma_wait3A_418 : memref<!tpu.dma_semaphore, #tpu.memory_space<semaphore_mem>>) src(%dma_wait3A_416 : memref<1000000xf32, #tpu.memory_space<hbm>>) dst(%dma_wait3A_411 : memref<128xf32, #tpu.memory_space<vmem>>)
        %dma_wait3A_419 = arith.constant 18 : i32
        %dma_wait3A_420 = arith.constant 18 : i32
        %dma_wait3A_421 = arith.constant 1 : i32
        %dma_wait3A_422 = arith.constant 0 : i32
        %dma_wait3A_423 = tpu.memref_slice %arg6[%dma_wait3A_420, %dma_wait3A_422] : memref<32x128xf32, #tpu.memory_space<vmem>> -> memref<1x128xf32, #tpu.memory_space<vmem>>
        %dma_wait3A_424 = tpu.memref_squeeze %dma_wait3A_423 : memref<1x128xf32, #tpu.memory_space<vmem>> -> memref<128xf32, #tpu.memory_space<vmem>>
        %dma_wait3A_425 = arith.constant 0 : i32
        %dma_wait3A_426 = tpu.memref_slice %arg5[%dma_wait3A_419, %dma_wait3A_425] : memref<32x128xi32, #tpu.memory_space<vmem>> -> memref<1x128xi32, #tpu.memory_space<vmem>>
        %dma_wait3A_427 = tpu.memref_squeeze %dma_wait3A_426 : memref<1x128xi32, #tpu.memory_space<vmem>> -> memref<128xi32, #tpu.memory_space<vmem>>
        %dma_wait3A_428 = arith.constant 0 : i32
        %dma_wait3A_429 = tpu.memref_slice %arg2[%dma_wait3A_428] : memref<1000000xf32, #tpu.memory_space<hbm>> -> memref<1000000xf32, #tpu.memory_space<hbm>>
        %dma_wait3A_430 = tpu.memref_slice %arg8[%dma_wait3A_421] : memref<2x!tpu.dma_semaphore, #tpu.memory_space<semaphore_mem>> -> memref<1x!tpu.dma_semaphore, #tpu.memory_space<semaphore_mem>>
        %dma_wait3A_431 = tpu.memref_squeeze %dma_wait3A_430 : memref<1x!tpu.dma_semaphore, #tpu.memory_space<semaphore_mem>> -> memref<!tpu.dma_semaphore, #tpu.memory_space<semaphore_mem>>
        tpu.wait_indirect_dma semaphore(%dma_wait3A_431 : memref<!tpu.dma_semaphore, #tpu.memory_space<semaphore_mem>>) src(%dma_wait3A_429 : memref<1000000xf32, #tpu.memory_space<hbm>>) dst(%dma_wait3A_424 : memref<128xf32, #tpu.memory_space<vmem>>)
        %dma_wait3A_432 = arith.constant 19 : i32
        %dma_wait3A_433 = arith.constant 19 : i32
        %dma_wait3A_434 = arith.constant 1 : i32
        %dma_wait3A_435 = arith.constant 0 : i32
        %dma_wait3A_436 = tpu.memref_slice %arg6[%dma_wait3A_433, %dma_wait3A_435] : memref<32x128xf32, #tpu.memory_space<vmem>> -> memref<1x128xf32, #tpu.memory_space<vmem>>
        %dma_wait3A_437 = tpu.memref_squeeze %dma_wait3A_436 : memref<1x128xf32, #tpu.memory_space<vmem>> -> memref<128xf32, #tpu.memory_space<vmem>>
        %dma_wait3A_438 = arith.constant 0 : i32
        %dma_wait3A_439 = tpu.memref_slice %arg5[%dma_wait3A_432, %dma_wait3A_438] : memref<32x128xi32, #tpu.memory_space<vmem>> -> memref<1x128xi32, #tpu.memory_space<vmem>>
        %dma_wait3A_440 = tpu.memref_squeeze %dma_wait3A_439 : memref<1x128xi32, #tpu.memory_space<vmem>> -> memref<128xi32, #tpu.memory_space<vmem>>
        %dma_wait3A_441 = arith.constant 0 : i32
        %dma_wait3A_442 = tpu.memref_slice %arg2[%dma_wait3A_441] : memref<1000000xf32, #tpu.memory_space<hbm>> -> memref<1000000xf32, #tpu.memory_space<hbm>>
        %dma_wait3A_443 = tpu.memref_slice %arg8[%dma_wait3A_434] : memref<2x!tpu.dma_semaphore, #tpu.memory_space<semaphore_mem>> -> memref<1x!tpu.dma_semaphore, #tpu.memory_space<semaphore_mem>>
        %dma_wait3A_444 = tpu.memref_squeeze %dma_wait3A_443 : memref<1x!tpu.dma_semaphore, #tpu.memory_space<semaphore_mem>> -> memref<!tpu.dma_semaphore, #tpu.memory_space<semaphore_mem>>
        tpu.wait_indirect_dma semaphore(%dma_wait3A_444 : memref<!tpu.dma_semaphore, #tpu.memory_space<semaphore_mem>>) src(%dma_wait3A_442 : memref<1000000xf32, #tpu.memory_space<hbm>>) dst(%dma_wait3A_437 : memref<128xf32, #tpu.memory_space<vmem>>)
        %dma_wait3A_445 = arith.constant 20 : i32
        %dma_wait3A_446 = arith.constant 20 : i32
        %dma_wait3A_447 = arith.constant 1 : i32
        %dma_wait3A_448 = arith.constant 0 : i32
        %dma_wait3A_449 = tpu.memref_slice %arg6[%dma_wait3A_446, %dma_wait3A_448] : memref<32x128xf32, #tpu.memory_space<vmem>> -> memref<1x128xf32, #tpu.memory_space<vmem>>
        %dma_wait3A_450 = tpu.memref_squeeze %dma_wait3A_449 : memref<1x128xf32, #tpu.memory_space<vmem>> -> memref<128xf32, #tpu.memory_space<vmem>>
        %dma_wait3A_451 = arith.constant 0 : i32
        %dma_wait3A_452 = tpu.memref_slice %arg5[%dma_wait3A_445, %dma_wait3A_451] : memref<32x128xi32, #tpu.memory_space<vmem>> -> memref<1x128xi32, #tpu.memory_space<vmem>>
        %dma_wait3A_453 = tpu.memref_squeeze %dma_wait3A_452 : memref<1x128xi32, #tpu.memory_space<vmem>> -> memref<128xi32, #tpu.memory_space<vmem>>
        %dma_wait3A_454 = arith.constant 0 : i32
        %dma_wait3A_455 = tpu.memref_slice %arg2[%dma_wait3A_454] : memref<1000000xf32, #tpu.memory_space<hbm>> -> memref<1000000xf32, #tpu.memory_space<hbm>>
        %dma_wait3A_456 = tpu.memref_slice %arg8[%dma_wait3A_447] : memref<2x!tpu.dma_semaphore, #tpu.memory_space<semaphore_mem>> -> memref<1x!tpu.dma_semaphore, #tpu.memory_space<semaphore_mem>>
        %dma_wait3A_457 = tpu.memref_squeeze %dma_wait3A_456 : memref<1x!tpu.dma_semaphore, #tpu.memory_space<semaphore_mem>> -> memref<!tpu.dma_semaphore, #tpu.memory_space<semaphore_mem>>
        tpu.wait_indirect_dma semaphore(%dma_wait3A_457 : memref<!tpu.dma_semaphore, #tpu.memory_space<semaphore_mem>>) src(%dma_wait3A_455 : memref<1000000xf32, #tpu.memory_space<hbm>>) dst(%dma_wait3A_450 : memref<128xf32, #tpu.memory_space<vmem>>)
        %dma_wait3A_458 = arith.constant 21 : i32
        %dma_wait3A_459 = arith.constant 21 : i32
        %dma_wait3A_460 = arith.constant 1 : i32
        %dma_wait3A_461 = arith.constant 0 : i32
        %dma_wait3A_462 = tpu.memref_slice %arg6[%dma_wait3A_459, %dma_wait3A_461] : memref<32x128xf32, #tpu.memory_space<vmem>> -> memref<1x128xf32, #tpu.memory_space<vmem>>
        %dma_wait3A_463 = tpu.memref_squeeze %dma_wait3A_462 : memref<1x128xf32, #tpu.memory_space<vmem>> -> memref<128xf32, #tpu.memory_space<vmem>>
        %dma_wait3A_464 = arith.constant 0 : i32
        %dma_wait3A_465 = tpu.memref_slice %arg5[%dma_wait3A_458, %dma_wait3A_464] : memref<32x128xi32, #tpu.memory_space<vmem>> -> memref<1x128xi32, #tpu.memory_space<vmem>>
        %dma_wait3A_466 = tpu.memref_squeeze %dma_wait3A_465 : memref<1x128xi32, #tpu.memory_space<vmem>> -> memref<128xi32, #tpu.memory_space<vmem>>
        %dma_wait3A_467 = arith.constant 0 : i32
        %dma_wait3A_468 = tpu.memref_slice %arg2[%dma_wait3A_467] : memref<1000000xf32, #tpu.memory_space<hbm>> -> memref<1000000xf32, #tpu.memory_space<hbm>>
        %dma_wait3A_469 = tpu.memref_slice %arg8[%dma_wait3A_460] : memref<2x!tpu.dma_semaphore, #tpu.memory_space<semaphore_mem>> -> memref<1x!tpu.dma_semaphore, #tpu.memory_space<semaphore_mem>>
        %dma_wait3A_470 = tpu.memref_squeeze %dma_wait3A_469 : memref<1x!tpu.dma_semaphore, #tpu.memory_space<semaphore_mem>> -> memref<!tpu.dma_semaphore, #tpu.memory_space<semaphore_mem>>
        tpu.wait_indirect_dma semaphore(%dma_wait3A_470 : memref<!tpu.dma_semaphore, #tpu.memory_space<semaphore_mem>>) src(%dma_wait3A_468 : memref<1000000xf32, #tpu.memory_space<hbm>>) dst(%dma_wait3A_463 : memref<128xf32, #tpu.memory_space<vmem>>)
        %dma_wait3A_471 = arith.constant 22 : i32
        %dma_wait3A_472 = arith.constant 22 : i32
        %dma_wait3A_473 = arith.constant 1 : i32
        %dma_wait3A_474 = arith.constant 0 : i32
        %dma_wait3A_475 = tpu.memref_slice %arg6[%dma_wait3A_472, %dma_wait3A_474] : memref<32x128xf32, #tpu.memory_space<vmem>> -> memref<1x128xf32, #tpu.memory_space<vmem>>
        %dma_wait3A_476 = tpu.memref_squeeze %dma_wait3A_475 : memref<1x128xf32, #tpu.memory_space<vmem>> -> memref<128xf32, #tpu.memory_space<vmem>>
        %dma_wait3A_477 = arith.constant 0 : i32
        %dma_wait3A_478 = tpu.memref_slice %arg5[%dma_wait3A_471, %dma_wait3A_477] : memref<32x128xi32, #tpu.memory_space<vmem>> -> memref<1x128xi32, #tpu.memory_space<vmem>>
        %dma_wait3A_479 = tpu.memref_squeeze %dma_wait3A_478 : memref<1x128xi32, #tpu.memory_space<vmem>> -> memref<128xi32, #tpu.memory_space<vmem>>
        %dma_wait3A_480 = arith.constant 0 : i32
        %dma_wait3A_481 = tpu.memref_slice %arg2[%dma_wait3A_480] : memref<1000000xf32, #tpu.memory_space<hbm>> -> memref<1000000xf32, #tpu.memory_space<hbm>>
        %dma_wait3A_482 = tpu.memref_slice %arg8[%dma_wait3A_473] : memref<2x!tpu.dma_semaphore, #tpu.memory_space<semaphore_mem>> -> memref<1x!tpu.dma_semaphore, #tpu.memory_space<semaphore_mem>>
        %dma_wait3A_483 = tpu.memref_squeeze %dma_wait3A_482 : memref<1x!tpu.dma_semaphore, #tpu.memory_space<semaphore_mem>> -> memref<!tpu.dma_semaphore, #tpu.memory_space<semaphore_mem>>
        tpu.wait_indirect_dma semaphore(%dma_wait3A_483 : memref<!tpu.dma_semaphore, #tpu.memory_space<semaphore_mem>>) src(%dma_wait3A_481 : memref<1000000xf32, #tpu.memory_space<hbm>>) dst(%dma_wait3A_476 : memref<128xf32, #tpu.memory_space<vmem>>)
        %dma_wait3A_484 = arith.constant 23 : i32
        %dma_wait3A_485 = arith.constant 23 : i32
        %dma_wait3A_486 = arith.constant 1 : i32
        %dma_wait3A_487 = arith.constant 0 : i32
        %dma_wait3A_488 = tpu.memref_slice %arg6[%dma_wait3A_485, %dma_wait3A_487] : memref<32x128xf32, #tpu.memory_space<vmem>> -> memref<1x128xf32, #tpu.memory_space<vmem>>
        %dma_wait3A_489 = tpu.memref_squeeze %dma_wait3A_488 : memref<1x128xf32, #tpu.memory_space<vmem>> -> memref<128xf32, #tpu.memory_space<vmem>>
        %dma_wait3A_490 = arith.constant 0 : i32
        %dma_wait3A_491 = tpu.memref_slice %arg5[%dma_wait3A_484, %dma_wait3A_490] : memref<32x128xi32, #tpu.memory_space<vmem>> -> memref<1x128xi32, #tpu.memory_space<vmem>>
        %dma_wait3A_492 = tpu.memref_squeeze %dma_wait3A_491 : memref<1x128xi32, #tpu.memory_space<vmem>> -> memref<128xi32, #tpu.memory_space<vmem>>
        %dma_wait3A_493 = arith.constant 0 : i32
        %dma_wait3A_494 = tpu.memref_slice %arg2[%dma_wait3A_493] : memref<1000000xf32, #tpu.memory_space<hbm>> -> memref<1000000xf32, #tpu.memory_space<hbm>>
        %dma_wait3A_495 = tpu.memref_slice %arg8[%dma_wait3A_486] : memref<2x!tpu.dma_semaphore, #tpu.memory_space<semaphore_mem>> -> memref<1x!tpu.dma_semaphore, #tpu.memory_space<semaphore_mem>>
        %dma_wait3A_496 = tpu.memref_squeeze %dma_wait3A_495 : memref<1x!tpu.dma_semaphore, #tpu.memory_space<semaphore_mem>> -> memref<!tpu.dma_semaphore, #tpu.memory_space<semaphore_mem>>
        tpu.wait_indirect_dma semaphore(%dma_wait3A_496 : memref<!tpu.dma_semaphore, #tpu.memory_space<semaphore_mem>>) src(%dma_wait3A_494 : memref<1000000xf32, #tpu.memory_space<hbm>>) dst(%dma_wait3A_489 : memref<128xf32, #tpu.memory_space<vmem>>)
        %dma_wait3A_497 = arith.constant 24 : i32
        %dma_wait3A_498 = arith.constant 24 : i32
        %dma_wait3A_499 = arith.constant 1 : i32
        %dma_wait3A_500 = arith.constant 0 : i32
        %dma_wait3A_501 = tpu.memref_slice %arg6[%dma_wait3A_498, %dma_wait3A_500] : memref<32x128xf32, #tpu.memory_space<vmem>> -> memref<1x128xf32, #tpu.memory_space<vmem>>
        %dma_wait3A_502 = tpu.memref_squeeze %dma_wait3A_501 : memref<1x128xf32, #tpu.memory_space<vmem>> -> memref<128xf32, #tpu.memory_space<vmem>>
        %dma_wait3A_503 = arith.constant 0 : i32
        %dma_wait3A_504 = tpu.memref_slice %arg5[%dma_wait3A_497, %dma_wait3A_503] : memref<32x128xi32, #tpu.memory_space<vmem>> -> memref<1x128xi32, #tpu.memory_space<vmem>>
        %dma_wait3A_505 = tpu.memref_squeeze %dma_wait3A_504 : memref<1x128xi32, #tpu.memory_space<vmem>> -> memref<128xi32, #tpu.memory_space<vmem>>
        %dma_wait3A_506 = arith.constant 0 : i32
        %dma_wait3A_507 = tpu.memref_slice %arg2[%dma_wait3A_506] : memref<1000000xf32, #tpu.memory_space<hbm>> -> memref<1000000xf32, #tpu.memory_space<hbm>>
        %dma_wait3A_508 = tpu.memref_slice %arg8[%dma_wait3A_499] : memref<2x!tpu.dma_semaphore, #tpu.memory_space<semaphore_mem>> -> memref<1x!tpu.dma_semaphore, #tpu.memory_space<semaphore_mem>>
        %dma_wait3A_509 = tpu.memref_squeeze %dma_wait3A_508 : memref<1x!tpu.dma_semaphore, #tpu.memory_space<semaphore_mem>> -> memref<!tpu.dma_semaphore, #tpu.memory_space<semaphore_mem>>
        tpu.wait_indirect_dma semaphore(%dma_wait3A_509 : memref<!tpu.dma_semaphore, #tpu.memory_space<semaphore_mem>>) src(%dma_wait3A_507 : memref<1000000xf32, #tpu.memory_space<hbm>>) dst(%dma_wait3A_502 : memref<128xf32, #tpu.memory_space<vmem>>)
        %dma_wait3A_510 = arith.constant 25 : i32
        %dma_wait3A_511 = arith.constant 25 : i32
        %dma_wait3A_512 = arith.constant 1 : i32
        %dma_wait3A_513 = arith.constant 0 : i32
        %dma_wait3A_514 = tpu.memref_slice %arg6[%dma_wait3A_511, %dma_wait3A_513] : memref<32x128xf32, #tpu.memory_space<vmem>> -> memref<1x128xf32, #tpu.memory_space<vmem>>
        %dma_wait3A_515 = tpu.memref_squeeze %dma_wait3A_514 : memref<1x128xf32, #tpu.memory_space<vmem>> -> memref<128xf32, #tpu.memory_space<vmem>>
        %dma_wait3A_516 = arith.constant 0 : i32
        %dma_wait3A_517 = tpu.memref_slice %arg5[%dma_wait3A_510, %dma_wait3A_516] : memref<32x128xi32, #tpu.memory_space<vmem>> -> memref<1x128xi32, #tpu.memory_space<vmem>>
        %dma_wait3A_518 = tpu.memref_squeeze %dma_wait3A_517 : memref<1x128xi32, #tpu.memory_space<vmem>> -> memref<128xi32, #tpu.memory_space<vmem>>
        %dma_wait3A_519 = arith.constant 0 : i32
        %dma_wait3A_520 = tpu.memref_slice %arg2[%dma_wait3A_519] : memref<1000000xf32, #tpu.memory_space<hbm>> -> memref<1000000xf32, #tpu.memory_space<hbm>>
        %dma_wait3A_521 = tpu.memref_slice %arg8[%dma_wait3A_512] : memref<2x!tpu.dma_semaphore, #tpu.memory_space<semaphore_mem>> -> memref<1x!tpu.dma_semaphore, #tpu.memory_space<semaphore_mem>>
        %dma_wait3A_522 = tpu.memref_squeeze %dma_wait3A_521 : memref<1x!tpu.dma_semaphore, #tpu.memory_space<semaphore_mem>> -> memref<!tpu.dma_semaphore, #tpu.memory_space<semaphore_mem>>
        tpu.wait_indirect_dma semaphore(%dma_wait3A_522 : memref<!tpu.dma_semaphore, #tpu.memory_space<semaphore_mem>>) src(%dma_wait3A_520 : memref<1000000xf32, #tpu.memory_space<hbm>>) dst(%dma_wait3A_515 : memref<128xf32, #tpu.memory_space<vmem>>)
        %dma_wait3A_523 = arith.constant 26 : i32
        %dma_wait3A_524 = arith.constant 26 : i32
        %dma_wait3A_525 = arith.constant 1 : i32
        %dma_wait3A_526 = arith.constant 0 : i32
        %dma_wait3A_527 = tpu.memref_slice %arg6[%dma_wait3A_524, %dma_wait3A_526] : memref<32x128xf32, #tpu.memory_space<vmem>> -> memref<1x128xf32, #tpu.memory_space<vmem>>
        %dma_wait3A_528 = tpu.memref_squeeze %dma_wait3A_527 : memref<1x128xf32, #tpu.memory_space<vmem>> -> memref<128xf32, #tpu.memory_space<vmem>>
        %dma_wait3A_529 = arith.constant 0 : i32
        %dma_wait3A_530 = tpu.memref_slice %arg5[%dma_wait3A_523, %dma_wait3A_529] : memref<32x128xi32, #tpu.memory_space<vmem>> -> memref<1x128xi32, #tpu.memory_space<vmem>>
        %dma_wait3A_531 = tpu.memref_squeeze %dma_wait3A_530 : memref<1x128xi32, #tpu.memory_space<vmem>> -> memref<128xi32, #tpu.memory_space<vmem>>
        %dma_wait3A_532 = arith.constant 0 : i32
        %dma_wait3A_533 = tpu.memref_slice %arg2[%dma_wait3A_532] : memref<1000000xf32, #tpu.memory_space<hbm>> -> memref<1000000xf32, #tpu.memory_space<hbm>>
        %dma_wait3A_534 = tpu.memref_slice %arg8[%dma_wait3A_525] : memref<2x!tpu.dma_semaphore, #tpu.memory_space<semaphore_mem>> -> memref<1x!tpu.dma_semaphore, #tpu.memory_space<semaphore_mem>>
        %dma_wait3A_535 = tpu.memref_squeeze %dma_wait3A_534 : memref<1x!tpu.dma_semaphore, #tpu.memory_space<semaphore_mem>> -> memref<!tpu.dma_semaphore, #tpu.memory_space<semaphore_mem>>
        tpu.wait_indirect_dma semaphore(%dma_wait3A_535 : memref<!tpu.dma_semaphore, #tpu.memory_space<semaphore_mem>>) src(%dma_wait3A_533 : memref<1000000xf32, #tpu.memory_space<hbm>>) dst(%dma_wait3A_528 : memref<128xf32, #tpu.memory_space<vmem>>)
        %dma_wait3A_536 = arith.constant 27 : i32
        %dma_wait3A_537 = arith.constant 27 : i32
        %dma_wait3A_538 = arith.constant 1 : i32
        %dma_wait3A_539 = arith.constant 0 : i32
        %dma_wait3A_540 = tpu.memref_slice %arg6[%dma_wait3A_537, %dma_wait3A_539] : memref<32x128xf32, #tpu.memory_space<vmem>> -> memref<1x128xf32, #tpu.memory_space<vmem>>
        %dma_wait3A_541 = tpu.memref_squeeze %dma_wait3A_540 : memref<1x128xf32, #tpu.memory_space<vmem>> -> memref<128xf32, #tpu.memory_space<vmem>>
        %dma_wait3A_542 = arith.constant 0 : i32
        %dma_wait3A_543 = tpu.memref_slice %arg5[%dma_wait3A_536, %dma_wait3A_542] : memref<32x128xi32, #tpu.memory_space<vmem>> -> memref<1x128xi32, #tpu.memory_space<vmem>>
        %dma_wait3A_544 = tpu.memref_squeeze %dma_wait3A_543 : memref<1x128xi32, #tpu.memory_space<vmem>> -> memref<128xi32, #tpu.memory_space<vmem>>
        %dma_wait3A_545 = arith.constant 0 : i32
        %dma_wait3A_546 = tpu.memref_slice %arg2[%dma_wait3A_545] : memref<1000000xf32, #tpu.memory_space<hbm>> -> memref<1000000xf32, #tpu.memory_space<hbm>>
        %dma_wait3A_547 = tpu.memref_slice %arg8[%dma_wait3A_538] : memref<2x!tpu.dma_semaphore, #tpu.memory_space<semaphore_mem>> -> memref<1x!tpu.dma_semaphore, #tpu.memory_space<semaphore_mem>>
        %dma_wait3A_548 = tpu.memref_squeeze %dma_wait3A_547 : memref<1x!tpu.dma_semaphore, #tpu.memory_space<semaphore_mem>> -> memref<!tpu.dma_semaphore, #tpu.memory_space<semaphore_mem>>
        tpu.wait_indirect_dma semaphore(%dma_wait3A_548 : memref<!tpu.dma_semaphore, #tpu.memory_space<semaphore_mem>>) src(%dma_wait3A_546 : memref<1000000xf32, #tpu.memory_space<hbm>>) dst(%dma_wait3A_541 : memref<128xf32, #tpu.memory_space<vmem>>)
        %dma_wait3A_549 = arith.constant 28 : i32
        %dma_wait3A_550 = arith.constant 28 : i32
        %dma_wait3A_551 = arith.constant 1 : i32
        %dma_wait3A_552 = arith.constant 0 : i32
        %dma_wait3A_553 = tpu.memref_slice %arg6[%dma_wait3A_550, %dma_wait3A_552] : memref<32x128xf32, #tpu.memory_space<vmem>> -> memref<1x128xf32, #tpu.memory_space<vmem>>
        %dma_wait3A_554 = tpu.memref_squeeze %dma_wait3A_553 : memref<1x128xf32, #tpu.memory_space<vmem>> -> memref<128xf32, #tpu.memory_space<vmem>>
        %dma_wait3A_555 = arith.constant 0 : i32
        %dma_wait3A_556 = tpu.memref_slice %arg5[%dma_wait3A_549, %dma_wait3A_555] : memref<32x128xi32, #tpu.memory_space<vmem>> -> memref<1x128xi32, #tpu.memory_space<vmem>>
        %dma_wait3A_557 = tpu.memref_squeeze %dma_wait3A_556 : memref<1x128xi32, #tpu.memory_space<vmem>> -> memref<128xi32, #tpu.memory_space<vmem>>
        %dma_wait3A_558 = arith.constant 0 : i32
        %dma_wait3A_559 = tpu.memref_slice %arg2[%dma_wait3A_558] : memref<1000000xf32, #tpu.memory_space<hbm>> -> memref<1000000xf32, #tpu.memory_space<hbm>>
        %dma_wait3A_560 = tpu.memref_slice %arg8[%dma_wait3A_551] : memref<2x!tpu.dma_semaphore, #tpu.memory_space<semaphore_mem>> -> memref<1x!tpu.dma_semaphore, #tpu.memory_space<semaphore_mem>>
        %dma_wait3A_561 = tpu.memref_squeeze %dma_wait3A_560 : memref<1x!tpu.dma_semaphore, #tpu.memory_space<semaphore_mem>> -> memref<!tpu.dma_semaphore, #tpu.memory_space<semaphore_mem>>
        tpu.wait_indirect_dma semaphore(%dma_wait3A_561 : memref<!tpu.dma_semaphore, #tpu.memory_space<semaphore_mem>>) src(%dma_wait3A_559 : memref<1000000xf32, #tpu.memory_space<hbm>>) dst(%dma_wait3A_554 : memref<128xf32, #tpu.memory_space<vmem>>)
        %dma_wait3A_562 = arith.constant 29 : i32
        %dma_wait3A_563 = arith.constant 29 : i32
        %dma_wait3A_564 = arith.constant 1 : i32
        %dma_wait3A_565 = arith.constant 0 : i32
        %dma_wait3A_566 = tpu.memref_slice %arg6[%dma_wait3A_563, %dma_wait3A_565] : memref<32x128xf32, #tpu.memory_space<vmem>> -> memref<1x128xf32, #tpu.memory_space<vmem>>
        %dma_wait3A_567 = tpu.memref_squeeze %dma_wait3A_566 : memref<1x128xf32, #tpu.memory_space<vmem>> -> memref<128xf32, #tpu.memory_space<vmem>>
        %dma_wait3A_568 = arith.constant 0 : i32
        %dma_wait3A_569 = tpu.memref_slice %arg5[%dma_wait3A_562, %dma_wait3A_568] : memref<32x128xi32, #tpu.memory_space<vmem>> -> memref<1x128xi32, #tpu.memory_space<vmem>>
        %dma_wait3A_570 = tpu.memref_squeeze %dma_wait3A_569 : memref<1x128xi32, #tpu.memory_space<vmem>> -> memref<128xi32, #tpu.memory_space<vmem>>
        %dma_wait3A_571 = arith.constant 0 : i32
        %dma_wait3A_572 = tpu.memref_slice %arg2[%dma_wait3A_571] : memref<1000000xf32, #tpu.memory_space<hbm>> -> memref<1000000xf32, #tpu.memory_space<hbm>>
        %dma_wait3A_573 = tpu.memref_slice %arg8[%dma_wait3A_564] : memref<2x!tpu.dma_semaphore, #tpu.memory_space<semaphore_mem>> -> memref<1x!tpu.dma_semaphore, #tpu.memory_space<semaphore_mem>>
        %dma_wait3A_574 = tpu.memref_squeeze %dma_wait3A_573 : memref<1x!tpu.dma_semaphore, #tpu.memory_space<semaphore_mem>> -> memref<!tpu.dma_semaphore, #tpu.memory_space<semaphore_mem>>
        tpu.wait_indirect_dma semaphore(%dma_wait3A_574 : memref<!tpu.dma_semaphore, #tpu.memory_space<semaphore_mem>>) src(%dma_wait3A_572 : memref<1000000xf32, #tpu.memory_space<hbm>>) dst(%dma_wait3A_567 : memref<128xf32, #tpu.memory_space<vmem>>)
        %dma_wait3A_575 = arith.constant 30 : i32
        %dma_wait3A_576 = arith.constant 30 : i32
        %dma_wait3A_577 = arith.constant 1 : i32
        %dma_wait3A_578 = arith.constant 0 : i32
        %dma_wait3A_579 = tpu.memref_slice %arg6[%dma_wait3A_576, %dma_wait3A_578] : memref<32x128xf32, #tpu.memory_space<vmem>> -> memref<1x128xf32, #tpu.memory_space<vmem>>
        %dma_wait3A_580 = tpu.memref_squeeze %dma_wait3A_579 : memref<1x128xf32, #tpu.memory_space<vmem>> -> memref<128xf32, #tpu.memory_space<vmem>>
        %dma_wait3A_581 = arith.constant 0 : i32
        %dma_wait3A_582 = tpu.memref_slice %arg5[%dma_wait3A_575, %dma_wait3A_581] : memref<32x128xi32, #tpu.memory_space<vmem>> -> memref<1x128xi32, #tpu.memory_space<vmem>>
        %dma_wait3A_583 = tpu.memref_squeeze %dma_wait3A_582 : memref<1x128xi32, #tpu.memory_space<vmem>> -> memref<128xi32, #tpu.memory_space<vmem>>
        %dma_wait3A_584 = arith.constant 0 : i32
        %dma_wait3A_585 = tpu.memref_slice %arg2[%dma_wait3A_584] : memref<1000000xf32, #tpu.memory_space<hbm>> -> memref<1000000xf32, #tpu.memory_space<hbm>>
        %dma_wait3A_586 = tpu.memref_slice %arg8[%dma_wait3A_577] : memref<2x!tpu.dma_semaphore, #tpu.memory_space<semaphore_mem>> -> memref<1x!tpu.dma_semaphore, #tpu.memory_space<semaphore_mem>>
        %dma_wait3A_587 = tpu.memref_squeeze %dma_wait3A_586 : memref<1x!tpu.dma_semaphore, #tpu.memory_space<semaphore_mem>> -> memref<!tpu.dma_semaphore, #tpu.memory_space<semaphore_mem>>
        tpu.wait_indirect_dma semaphore(%dma_wait3A_587 : memref<!tpu.dma_semaphore, #tpu.memory_space<semaphore_mem>>) src(%dma_wait3A_585 : memref<1000000xf32, #tpu.memory_space<hbm>>) dst(%dma_wait3A_580 : memref<128xf32, #tpu.memory_space<vmem>>)
        %dma_wait3A_588 = arith.constant 31 : i32
        %dma_wait3A_589 = arith.constant 31 : i32
        %dma_wait3A_590 = arith.constant 1 : i32
        %dma_wait3A_591 = arith.constant 0 : i32
        %dma_wait3A_592 = tpu.memref_slice %arg6[%dma_wait3A_589, %dma_wait3A_591] : memref<32x128xf32, #tpu.memory_space<vmem>> -> memref<1x128xf32, #tpu.memory_space<vmem>>
        %dma_wait3A_593 = tpu.memref_squeeze %dma_wait3A_592 : memref<1x128xf32, #tpu.memory_space<vmem>> -> memref<128xf32, #tpu.memory_space<vmem>>
        %dma_wait3A_594 = arith.constant 0 : i32
        %dma_wait3A_595 = tpu.memref_slice %arg5[%dma_wait3A_588, %dma_wait3A_594] : memref<32x128xi32, #tpu.memory_space<vmem>> -> memref<1x128xi32, #tpu.memory_space<vmem>>
        %dma_wait3A_596 = tpu.memref_squeeze %dma_wait3A_595 : memref<1x128xi32, #tpu.memory_space<vmem>> -> memref<128xi32, #tpu.memory_space<vmem>>
        %dma_wait3A_597 = arith.constant 0 : i32
        %dma_wait3A_598 = tpu.memref_slice %arg2[%dma_wait3A_597] : memref<1000000xf32, #tpu.memory_space<hbm>> -> memref<1000000xf32, #tpu.memory_space<hbm>>
        %dma_wait3A_599 = tpu.memref_slice %arg8[%dma_wait3A_590] : memref<2x!tpu.dma_semaphore, #tpu.memory_space<semaphore_mem>> -> memref<1x!tpu.dma_semaphore, #tpu.memory_space<semaphore_mem>>
        %dma_wait3A_600 = tpu.memref_squeeze %dma_wait3A_599 : memref<1x!tpu.dma_semaphore, #tpu.memory_space<semaphore_mem>> -> memref<!tpu.dma_semaphore, #tpu.memory_space<semaphore_mem>>
        tpu.wait_indirect_dma semaphore(%dma_wait3A_600 : memref<!tpu.dma_semaphore, #tpu.memory_space<semaphore_mem>>) src(%dma_wait3A_598 : memref<1000000xf32, #tpu.memory_space<hbm>>) dst(%dma_wait3A_593 : memref<128xf32, #tpu.memory_space<vmem>>)
      } else {
      }
      %ge3A_381 = arith.constant 1 : i32
      %ge3A_382 = arith.cmpi sge, %scan3A_330, %ge3A_381 : i32
      %convert_element_type3A_383 = arith.extui %ge3A_382 : i1 to i32
      %cond3A_384 = arith.constant 0 : i32
      %cond3A_385 = arith.cmpi ne, %convert_element_type3A_383, %cond3A_384 : i32
      scf.if %cond3A_385 {
        %sub3A_393 = arith.constant 1 : i32
        %sub3A_394 = arith.subi %scan3A_330, %sub3A_393 : i32
        %mul3A_395 = arith.constant 16 : i32
        %mul3A_396 = arith.muli %sub3A_334, %mul3A_395 : i32
        %mul3A_397 = arith.constant 16 : i32
        %mul3A_398 = arith.muli %sub3A_394, %mul3A_397 : i32
        %add3A_399 = arith.addi %mul3A_2, %mul3A_398 : i32
        %dma_start3A_400 = arith.constant 0 : i32
        %dma_start3A_401 = tpu.memref_slice %arg6[%mul3A_396, %dma_start3A_400] : memref<32x128xf32, #tpu.memory_space<vmem>> -> memref<16x128xf32, #tpu.memory_space<vmem>>
        %dma_start3A_402 = arith.constant 0 : i32
        %dma_start3A_403 = tpu.memref_slice %arg4[%add3A_399, %dma_start3A_402] : memref<25600x128xf32, #tpu.memory_space<hbm>> -> memref<16x128xf32, #tpu.memory_space<hbm>>
        %dma_start3A_404 = tpu.memref_slice %arg9[%sub3A_334] : memref<2x!tpu.dma_semaphore, #tpu.memory_space<semaphore_mem>> -> memref<1x!tpu.dma_semaphore, #tpu.memory_space<semaphore_mem>>
        %dma_start3A_405 = tpu.memref_squeeze %dma_start3A_404 : memref<1x!tpu.dma_semaphore, #tpu.memory_space<semaphore_mem>> -> memref<!tpu.dma_semaphore, #tpu.memory_space<semaphore_mem>>
        %dma_start3A_406 = arith.constant 0 : i32
        %dma_start3A_407 = tpu.memref_slice %arg4[%add3A_399, %dma_start3A_406] : memref<25600x128xf32, #tpu.memory_space<hbm>> -> memref<16x128xf32, #tpu.memory_space<hbm>>
        %dma_start3A_408 = arith.constant 0 : i32
        %dma_start3A_409 = tpu.memref_slice %arg6[%mul3A_396, %dma_start3A_408] : memref<32x128xf32, #tpu.memory_space<vmem>> -> memref<16x128xf32, #tpu.memory_space<vmem>>
        tpu.enqueue_dma source(%dma_start3A_409 : memref<16x128xf32, #tpu.memory_space<vmem>>) target(%dma_start3A_407 : memref<16x128xf32, #tpu.memory_space<hbm>>) target_semaphore(%dma_start3A_405 : memref<!tpu.dma_semaphore, #tpu.memory_space<semaphore_mem>>)
      } else {
      }
      %add3A_386 = arith.constant 1 : i32
      %add3A_387 = arith.addi %scan3A_330, %add3A_386 : i32
      %lt3A_388 = arith.constant 50 : i32
      %lt3A_389 = arith.cmpi slt, %add3A_387, %lt3A_388 : i32
      %convert_element_type3A_390 = arith.extui %lt3A_389 : i1 to i32
      %cond3A_391 = arith.constant 0 : i32
      %cond3A_392 = arith.cmpi ne, %convert_element_type3A_390, %cond3A_391 : i32
      scf.if %cond3A_392 {
        %add3A_393 = arith.constant 1 : i32
        %add3A_394 = arith.addi %scan3A_330, %add3A_393 : i32
        %mul3A_395 = arith.constant 16 : i32
        %mul3A_396 = arith.muli %add3A_394, %mul3A_395 : i32
        %add3A_397 = arith.addi %mul3A_2, %mul3A_396 : i32
        %mul3A_398 = arith.constant 16 : i32
        %mul3A_399 = arith.muli %sub3A_334, %mul3A_398 : i32
        %dma_start3A_400 = arith.constant 0 : i32
        %dma_start3A_401 = tpu.memref_slice %arg5[%mul3A_399, %dma_start3A_400] : memref<32x128xi32, #tpu.memory_space<vmem>> -> memref<16x128xi32, #tpu.memory_space<vmem>>
        %dma_start3A_402 = arith.constant 0 : i32
        %dma_start3A_403 = tpu.memref_slice %arg3[%add3A_397, %dma_start3A_402] : memref<25600x128xi32, #tpu.memory_space<hbm>> -> memref<16x128xi32, #tpu.memory_space<hbm>>
        %dma_start3A_404 = tpu.memref_slice %arg7[%sub3A_334] : memref<2x!tpu.dma_semaphore, #tpu.memory_space<semaphore_mem>> -> memref<1x!tpu.dma_semaphore, #tpu.memory_space<semaphore_mem>>
        %dma_start3A_405 = tpu.memref_squeeze %dma_start3A_404 : memref<1x!tpu.dma_semaphore, #tpu.memory_space<semaphore_mem>> -> memref<!tpu.dma_semaphore, #tpu.memory_space<semaphore_mem>>
        %dma_start3A_406 = arith.constant 0 : i32
        %dma_start3A_407 = tpu.memref_slice %arg5[%mul3A_399, %dma_start3A_406] : memref<32x128xi32, #tpu.memory_space<vmem>> -> memref<16x128xi32, #tpu.memory_space<vmem>>
        %dma_start3A_408 = arith.constant 0 : i32
        %dma_start3A_409 = tpu.memref_slice %arg3[%add3A_397, %dma_start3A_408] : memref<25600x128xi32, #tpu.memory_space<hbm>> -> memref<16x128xi32, #tpu.memory_space<hbm>>
        tpu.enqueue_dma source(%dma_start3A_409 : memref<16x128xi32, #tpu.memory_space<hbm>>) target(%dma_start3A_407 : memref<16x128xi32, #tpu.memory_space<vmem>>) target_semaphore(%dma_start3A_405 : memref<!tpu.dma_semaphore, #tpu.memory_space<semaphore_mem>>)
      } else {
      }
    }
    %scan3A_21 = arith.constant 50 : i32
    %dma_wait3A = arith.constant 16 : i32
    %dma_wait3A_22 = arith.constant 16 : i32
    %dma_wait3A_23 = arith.constant 1 : i32
    %dma_wait3A_24 = arith.constant 0 : i32
    %dma_wait3A_25 = tpu.memref_slice %arg6[%dma_wait3A_22, %dma_wait3A_24] : memref<32x128xf32, #tpu.memory_space<vmem>> -> memref<1x128xf32, #tpu.memory_space<vmem>>
    %dma_wait3A_26 = tpu.memref_squeeze %dma_wait3A_25 : memref<1x128xf32, #tpu.memory_space<vmem>> -> memref<128xf32, #tpu.memory_space<vmem>>
    %dma_wait3A_27 = arith.constant 0 : i32
    %dma_wait3A_28 = tpu.memref_slice %arg5[%dma_wait3A, %dma_wait3A_27] : memref<32x128xi32, #tpu.memory_space<vmem>> -> memref<1x128xi32, #tpu.memory_space<vmem>>
    %dma_wait3A_29 = tpu.memref_squeeze %dma_wait3A_28 : memref<1x128xi32, #tpu.memory_space<vmem>> -> memref<128xi32, #tpu.memory_space<vmem>>
    %dma_wait3A_30 = arith.constant 0 : i32
    %dma_wait3A_31 = tpu.memref_slice %arg2[%dma_wait3A_30] : memref<1000000xf32, #tpu.memory_space<hbm>> -> memref<1000000xf32, #tpu.memory_space<hbm>>
    %dma_wait3A_32 = tpu.memref_slice %arg8[%dma_wait3A_23] : memref<2x!tpu.dma_semaphore, #tpu.memory_space<semaphore_mem>> -> memref<1x!tpu.dma_semaphore, #tpu.memory_space<semaphore_mem>>
    %dma_wait3A_33 = tpu.memref_squeeze %dma_wait3A_32 : memref<1x!tpu.dma_semaphore, #tpu.memory_space<semaphore_mem>> -> memref<!tpu.dma_semaphore, #tpu.memory_space<semaphore_mem>>
    tpu.wait_indirect_dma semaphore(%dma_wait3A_33 : memref<!tpu.dma_semaphore, #tpu.memory_space<semaphore_mem>>) src(%dma_wait3A_31 : memref<1000000xf32, #tpu.memory_space<hbm>>) dst(%dma_wait3A_26 : memref<128xf32, #tpu.memory_space<vmem>>)
    %dma_wait3A_34 = arith.constant 17 : i32
    %dma_wait3A_35 = arith.constant 17 : i32
    %dma_wait3A_36 = arith.constant 1 : i32
    %dma_wait3A_37 = arith.constant 0 : i32
    %dma_wait3A_38 = tpu.memref_slice %arg6[%dma_wait3A_35, %dma_wait3A_37] : memref<32x128xf32, #tpu.memory_space<vmem>> -> memref<1x128xf32, #tpu.memory_space<vmem>>
    %dma_wait3A_39 = tpu.memref_squeeze %dma_wait3A_38 : memref<1x128xf32, #tpu.memory_space<vmem>> -> memref<128xf32, #tpu.memory_space<vmem>>
    %dma_wait3A_40 = arith.constant 0 : i32
    %dma_wait3A_41 = tpu.memref_slice %arg5[%dma_wait3A_34, %dma_wait3A_40] : memref<32x128xi32, #tpu.memory_space<vmem>> -> memref<1x128xi32, #tpu.memory_space<vmem>>
    %dma_wait3A_42 = tpu.memref_squeeze %dma_wait3A_41 : memref<1x128xi32, #tpu.memory_space<vmem>> -> memref<128xi32, #tpu.memory_space<vmem>>
    %dma_wait3A_43 = arith.constant 0 : i32
    %dma_wait3A_44 = tpu.memref_slice %arg2[%dma_wait3A_43] : memref<1000000xf32, #tpu.memory_space<hbm>> -> memref<1000000xf32, #tpu.memory_space<hbm>>
    %dma_wait3A_45 = tpu.memref_slice %arg8[%dma_wait3A_36] : memref<2x!tpu.dma_semaphore, #tpu.memory_space<semaphore_mem>> -> memref<1x!tpu.dma_semaphore, #tpu.memory_space<semaphore_mem>>
    %dma_wait3A_46 = tpu.memref_squeeze %dma_wait3A_45 : memref<1x!tpu.dma_semaphore, #tpu.memory_space<semaphore_mem>> -> memref<!tpu.dma_semaphore, #tpu.memory_space<semaphore_mem>>
    tpu.wait_indirect_dma semaphore(%dma_wait3A_46 : memref<!tpu.dma_semaphore, #tpu.memory_space<semaphore_mem>>) src(%dma_wait3A_44 : memref<1000000xf32, #tpu.memory_space<hbm>>) dst(%dma_wait3A_39 : memref<128xf32, #tpu.memory_space<vmem>>)
    %dma_wait3A_47 = arith.constant 18 : i32
    %dma_wait3A_48 = arith.constant 18 : i32
    %dma_wait3A_49 = arith.constant 1 : i32
    %dma_wait3A_50 = arith.constant 0 : i32
    %dma_wait3A_51 = tpu.memref_slice %arg6[%dma_wait3A_48, %dma_wait3A_50] : memref<32x128xf32, #tpu.memory_space<vmem>> -> memref<1x128xf32, #tpu.memory_space<vmem>>
    %dma_wait3A_52 = tpu.memref_squeeze %dma_wait3A_51 : memref<1x128xf32, #tpu.memory_space<vmem>> -> memref<128xf32, #tpu.memory_space<vmem>>
    %dma_wait3A_53 = arith.constant 0 : i32
    %dma_wait3A_54 = tpu.memref_slice %arg5[%dma_wait3A_47, %dma_wait3A_53] : memref<32x128xi32, #tpu.memory_space<vmem>> -> memref<1x128xi32, #tpu.memory_space<vmem>>
    %dma_wait3A_55 = tpu.memref_squeeze %dma_wait3A_54 : memref<1x128xi32, #tpu.memory_space<vmem>> -> memref<128xi32, #tpu.memory_space<vmem>>
    %dma_wait3A_56 = arith.constant 0 : i32
    %dma_wait3A_57 = tpu.memref_slice %arg2[%dma_wait3A_56] : memref<1000000xf32, #tpu.memory_space<hbm>> -> memref<1000000xf32, #tpu.memory_space<hbm>>
    %dma_wait3A_58 = tpu.memref_slice %arg8[%dma_wait3A_49] : memref<2x!tpu.dma_semaphore, #tpu.memory_space<semaphore_mem>> -> memref<1x!tpu.dma_semaphore, #tpu.memory_space<semaphore_mem>>
    %dma_wait3A_59 = tpu.memref_squeeze %dma_wait3A_58 : memref<1x!tpu.dma_semaphore, #tpu.memory_space<semaphore_mem>> -> memref<!tpu.dma_semaphore, #tpu.memory_space<semaphore_mem>>
    tpu.wait_indirect_dma semaphore(%dma_wait3A_59 : memref<!tpu.dma_semaphore, #tpu.memory_space<semaphore_mem>>) src(%dma_wait3A_57 : memref<1000000xf32, #tpu.memory_space<hbm>>) dst(%dma_wait3A_52 : memref<128xf32, #tpu.memory_space<vmem>>)
    %dma_wait3A_60 = arith.constant 19 : i32
    %dma_wait3A_61 = arith.constant 19 : i32
    %dma_wait3A_62 = arith.constant 1 : i32
    %dma_wait3A_63 = arith.constant 0 : i32
    %dma_wait3A_64 = tpu.memref_slice %arg6[%dma_wait3A_61, %dma_wait3A_63] : memref<32x128xf32, #tpu.memory_space<vmem>> -> memref<1x128xf32, #tpu.memory_space<vmem>>
    %dma_wait3A_65 = tpu.memref_squeeze %dma_wait3A_64 : memref<1x128xf32, #tpu.memory_space<vmem>> -> memref<128xf32, #tpu.memory_space<vmem>>
    %dma_wait3A_66 = arith.constant 0 : i32
    %dma_wait3A_67 = tpu.memref_slice %arg5[%dma_wait3A_60, %dma_wait3A_66] : memref<32x128xi32, #tpu.memory_space<vmem>> -> memref<1x128xi32, #tpu.memory_space<vmem>>
    %dma_wait3A_68 = tpu.memref_squeeze %dma_wait3A_67 : memref<1x128xi32, #tpu.memory_space<vmem>> -> memref<128xi32, #tpu.memory_space<vmem>>
    %dma_wait3A_69 = arith.constant 0 : i32
    %dma_wait3A_70 = tpu.memref_slice %arg2[%dma_wait3A_69] : memref<1000000xf32, #tpu.memory_space<hbm>> -> memref<1000000xf32, #tpu.memory_space<hbm>>
    %dma_wait3A_71 = tpu.memref_slice %arg8[%dma_wait3A_62] : memref<2x!tpu.dma_semaphore, #tpu.memory_space<semaphore_mem>> -> memref<1x!tpu.dma_semaphore, #tpu.memory_space<semaphore_mem>>
    %dma_wait3A_72 = tpu.memref_squeeze %dma_wait3A_71 : memref<1x!tpu.dma_semaphore, #tpu.memory_space<semaphore_mem>> -> memref<!tpu.dma_semaphore, #tpu.memory_space<semaphore_mem>>
    tpu.wait_indirect_dma semaphore(%dma_wait3A_72 : memref<!tpu.dma_semaphore, #tpu.memory_space<semaphore_mem>>) src(%dma_wait3A_70 : memref<1000000xf32, #tpu.memory_space<hbm>>) dst(%dma_wait3A_65 : memref<128xf32, #tpu.memory_space<vmem>>)
    %dma_wait3A_73 = arith.constant 20 : i32
    %dma_wait3A_74 = arith.constant 20 : i32
    %dma_wait3A_75 = arith.constant 1 : i32
    %dma_wait3A_76 = arith.constant 0 : i32
    %dma_wait3A_77 = tpu.memref_slice %arg6[%dma_wait3A_74, %dma_wait3A_76] : memref<32x128xf32, #tpu.memory_space<vmem>> -> memref<1x128xf32, #tpu.memory_space<vmem>>
    %dma_wait3A_78 = tpu.memref_squeeze %dma_wait3A_77 : memref<1x128xf32, #tpu.memory_space<vmem>> -> memref<128xf32, #tpu.memory_space<vmem>>
    %dma_wait3A_79 = arith.constant 0 : i32
    %dma_wait3A_80 = tpu.memref_slice %arg5[%dma_wait3A_73, %dma_wait3A_79] : memref<32x128xi32, #tpu.memory_space<vmem>> -> memref<1x128xi32, #tpu.memory_space<vmem>>
    %dma_wait3A_81 = tpu.memref_squeeze %dma_wait3A_80 : memref<1x128xi32, #tpu.memory_space<vmem>> -> memref<128xi32, #tpu.memory_space<vmem>>
    %dma_wait3A_82 = arith.constant 0 : i32
    %dma_wait3A_83 = tpu.memref_slice %arg2[%dma_wait3A_82] : memref<1000000xf32, #tpu.memory_space<hbm>> -> memref<1000000xf32, #tpu.memory_space<hbm>>
    %dma_wait3A_84 = tpu.memref_slice %arg8[%dma_wait3A_75] : memref<2x!tpu.dma_semaphore, #tpu.memory_space<semaphore_mem>> -> memref<1x!tpu.dma_semaphore, #tpu.memory_space<semaphore_mem>>
    %dma_wait3A_85 = tpu.memref_squeeze %dma_wait3A_84 : memref<1x!tpu.dma_semaphore, #tpu.memory_space<semaphore_mem>> -> memref<!tpu.dma_semaphore, #tpu.memory_space<semaphore_mem>>
    tpu.wait_indirect_dma semaphore(%dma_wait3A_85 : memref<!tpu.dma_semaphore, #tpu.memory_space<semaphore_mem>>) src(%dma_wait3A_83 : memref<1000000xf32, #tpu.memory_space<hbm>>) dst(%dma_wait3A_78 : memref<128xf32, #tpu.memory_space<vmem>>)
    %dma_wait3A_86 = arith.constant 21 : i32
    %dma_wait3A_87 = arith.constant 21 : i32
    %dma_wait3A_88 = arith.constant 1 : i32
    %dma_wait3A_89 = arith.constant 0 : i32
    %dma_wait3A_90 = tpu.memref_slice %arg6[%dma_wait3A_87, %dma_wait3A_89] : memref<32x128xf32, #tpu.memory_space<vmem>> -> memref<1x128xf32, #tpu.memory_space<vmem>>
    %dma_wait3A_91 = tpu.memref_squeeze %dma_wait3A_90 : memref<1x128xf32, #tpu.memory_space<vmem>> -> memref<128xf32, #tpu.memory_space<vmem>>
    %dma_wait3A_92 = arith.constant 0 : i32
    %dma_wait3A_93 = tpu.memref_slice %arg5[%dma_wait3A_86, %dma_wait3A_92] : memref<32x128xi32, #tpu.memory_space<vmem>> -> memref<1x128xi32, #tpu.memory_space<vmem>>
    %dma_wait3A_94 = tpu.memref_squeeze %dma_wait3A_93 : memref<1x128xi32, #tpu.memory_space<vmem>> -> memref<128xi32, #tpu.memory_space<vmem>>
    %dma_wait3A_95 = arith.constant 0 : i32
    %dma_wait3A_96 = tpu.memref_slice %arg2[%dma_wait3A_95] : memref<1000000xf32, #tpu.memory_space<hbm>> -> memref<1000000xf32, #tpu.memory_space<hbm>>
    %dma_wait3A_97 = tpu.memref_slice %arg8[%dma_wait3A_88] : memref<2x!tpu.dma_semaphore, #tpu.memory_space<semaphore_mem>> -> memref<1x!tpu.dma_semaphore, #tpu.memory_space<semaphore_mem>>
    %dma_wait3A_98 = tpu.memref_squeeze %dma_wait3A_97 : memref<1x!tpu.dma_semaphore, #tpu.memory_space<semaphore_mem>> -> memref<!tpu.dma_semaphore, #tpu.memory_space<semaphore_mem>>
    tpu.wait_indirect_dma semaphore(%dma_wait3A_98 : memref<!tpu.dma_semaphore, #tpu.memory_space<semaphore_mem>>) src(%dma_wait3A_96 : memref<1000000xf32, #tpu.memory_space<hbm>>) dst(%dma_wait3A_91 : memref<128xf32, #tpu.memory_space<vmem>>)
    %dma_wait3A_99 = arith.constant 22 : i32
    %dma_wait3A_100 = arith.constant 22 : i32
    %dma_wait3A_101 = arith.constant 1 : i32
    %dma_wait3A_102 = arith.constant 0 : i32
    %dma_wait3A_103 = tpu.memref_slice %arg6[%dma_wait3A_100, %dma_wait3A_102] : memref<32x128xf32, #tpu.memory_space<vmem>> -> memref<1x128xf32, #tpu.memory_space<vmem>>
    %dma_wait3A_104 = tpu.memref_squeeze %dma_wait3A_103 : memref<1x128xf32, #tpu.memory_space<vmem>> -> memref<128xf32, #tpu.memory_space<vmem>>
    %dma_wait3A_105 = arith.constant 0 : i32
    %dma_wait3A_106 = tpu.memref_slice %arg5[%dma_wait3A_99, %dma_wait3A_105] : memref<32x128xi32, #tpu.memory_space<vmem>> -> memref<1x128xi32, #tpu.memory_space<vmem>>
    %dma_wait3A_107 = tpu.memref_squeeze %dma_wait3A_106 : memref<1x128xi32, #tpu.memory_space<vmem>> -> memref<128xi32, #tpu.memory_space<vmem>>
    %dma_wait3A_108 = arith.constant 0 : i32
    %dma_wait3A_109 = tpu.memref_slice %arg2[%dma_wait3A_108] : memref<1000000xf32, #tpu.memory_space<hbm>> -> memref<1000000xf32, #tpu.memory_space<hbm>>
    %dma_wait3A_110 = tpu.memref_slice %arg8[%dma_wait3A_101] : memref<2x!tpu.dma_semaphore, #tpu.memory_space<semaphore_mem>> -> memref<1x!tpu.dma_semaphore, #tpu.memory_space<semaphore_mem>>
    %dma_wait3A_111 = tpu.memref_squeeze %dma_wait3A_110 : memref<1x!tpu.dma_semaphore, #tpu.memory_space<semaphore_mem>> -> memref<!tpu.dma_semaphore, #tpu.memory_space<semaphore_mem>>
    tpu.wait_indirect_dma semaphore(%dma_wait3A_111 : memref<!tpu.dma_semaphore, #tpu.memory_space<semaphore_mem>>) src(%dma_wait3A_109 : memref<1000000xf32, #tpu.memory_space<hbm>>) dst(%dma_wait3A_104 : memref<128xf32, #tpu.memory_space<vmem>>)
    %dma_wait3A_112 = arith.constant 23 : i32
    %dma_wait3A_113 = arith.constant 23 : i32
    %dma_wait3A_114 = arith.constant 1 : i32
    %dma_wait3A_115 = arith.constant 0 : i32
    %dma_wait3A_116 = tpu.memref_slice %arg6[%dma_wait3A_113, %dma_wait3A_115] : memref<32x128xf32, #tpu.memory_space<vmem>> -> memref<1x128xf32, #tpu.memory_space<vmem>>
    %dma_wait3A_117 = tpu.memref_squeeze %dma_wait3A_116 : memref<1x128xf32, #tpu.memory_space<vmem>> -> memref<128xf32, #tpu.memory_space<vmem>>
    %dma_wait3A_118 = arith.constant 0 : i32
    %dma_wait3A_119 = tpu.memref_slice %arg5[%dma_wait3A_112, %dma_wait3A_118] : memref<32x128xi32, #tpu.memory_space<vmem>> -> memref<1x128xi32, #tpu.memory_space<vmem>>
    %dma_wait3A_120 = tpu.memref_squeeze %dma_wait3A_119 : memref<1x128xi32, #tpu.memory_space<vmem>> -> memref<128xi32, #tpu.memory_space<vmem>>
    %dma_wait3A_121 = arith.constant 0 : i32
    %dma_wait3A_122 = tpu.memref_slice %arg2[%dma_wait3A_121] : memref<1000000xf32, #tpu.memory_space<hbm>> -> memref<1000000xf32, #tpu.memory_space<hbm>>
    %dma_wait3A_123 = tpu.memref_slice %arg8[%dma_wait3A_114] : memref<2x!tpu.dma_semaphore, #tpu.memory_space<semaphore_mem>> -> memref<1x!tpu.dma_semaphore, #tpu.memory_space<semaphore_mem>>
    %dma_wait3A_124 = tpu.memref_squeeze %dma_wait3A_123 : memref<1x!tpu.dma_semaphore, #tpu.memory_space<semaphore_mem>> -> memref<!tpu.dma_semaphore, #tpu.memory_space<semaphore_mem>>
    tpu.wait_indirect_dma semaphore(%dma_wait3A_124 : memref<!tpu.dma_semaphore, #tpu.memory_space<semaphore_mem>>) src(%dma_wait3A_122 : memref<1000000xf32, #tpu.memory_space<hbm>>) dst(%dma_wait3A_117 : memref<128xf32, #tpu.memory_space<vmem>>)
    %dma_wait3A_125 = arith.constant 24 : i32
    %dma_wait3A_126 = arith.constant 24 : i32
    %dma_wait3A_127 = arith.constant 1 : i32
    %dma_wait3A_128 = arith.constant 0 : i32
    %dma_wait3A_129 = tpu.memref_slice %arg6[%dma_wait3A_126, %dma_wait3A_128] : memref<32x128xf32, #tpu.memory_space<vmem>> -> memref<1x128xf32, #tpu.memory_space<vmem>>
    %dma_wait3A_130 = tpu.memref_squeeze %dma_wait3A_129 : memref<1x128xf32, #tpu.memory_space<vmem>> -> memref<128xf32, #tpu.memory_space<vmem>>
    %dma_wait3A_131 = arith.constant 0 : i32
    %dma_wait3A_132 = tpu.memref_slice %arg5[%dma_wait3A_125, %dma_wait3A_131] : memref<32x128xi32, #tpu.memory_space<vmem>> -> memref<1x128xi32, #tpu.memory_space<vmem>>
    %dma_wait3A_133 = tpu.memref_squeeze %dma_wait3A_132 : memref<1x128xi32, #tpu.memory_space<vmem>> -> memref<128xi32, #tpu.memory_space<vmem>>
    %dma_wait3A_134 = arith.constant 0 : i32
    %dma_wait3A_135 = tpu.memref_slice %arg2[%dma_wait3A_134] : memref<1000000xf32, #tpu.memory_space<hbm>> -> memref<1000000xf32, #tpu.memory_space<hbm>>
    %dma_wait3A_136 = tpu.memref_slice %arg8[%dma_wait3A_127] : memref<2x!tpu.dma_semaphore, #tpu.memory_space<semaphore_mem>> -> memref<1x!tpu.dma_semaphore, #tpu.memory_space<semaphore_mem>>
    %dma_wait3A_137 = tpu.memref_squeeze %dma_wait3A_136 : memref<1x!tpu.dma_semaphore, #tpu.memory_space<semaphore_mem>> -> memref<!tpu.dma_semaphore, #tpu.memory_space<semaphore_mem>>
    tpu.wait_indirect_dma semaphore(%dma_wait3A_137 : memref<!tpu.dma_semaphore, #tpu.memory_space<semaphore_mem>>) src(%dma_wait3A_135 : memref<1000000xf32, #tpu.memory_space<hbm>>) dst(%dma_wait3A_130 : memref<128xf32, #tpu.memory_space<vmem>>)
    %dma_wait3A_138 = arith.constant 25 : i32
    %dma_wait3A_139 = arith.constant 25 : i32
    %dma_wait3A_140 = arith.constant 1 : i32
    %dma_wait3A_141 = arith.constant 0 : i32
    %dma_wait3A_142 = tpu.memref_slice %arg6[%dma_wait3A_139, %dma_wait3A_141] : memref<32x128xf32, #tpu.memory_space<vmem>> -> memref<1x128xf32, #tpu.memory_space<vmem>>
    %dma_wait3A_143 = tpu.memref_squeeze %dma_wait3A_142 : memref<1x128xf32, #tpu.memory_space<vmem>> -> memref<128xf32, #tpu.memory_space<vmem>>
    %dma_wait3A_144 = arith.constant 0 : i32
    %dma_wait3A_145 = tpu.memref_slice %arg5[%dma_wait3A_138, %dma_wait3A_144] : memref<32x128xi32, #tpu.memory_space<vmem>> -> memref<1x128xi32, #tpu.memory_space<vmem>>
    %dma_wait3A_146 = tpu.memref_squeeze %dma_wait3A_145 : memref<1x128xi32, #tpu.memory_space<vmem>> -> memref<128xi32, #tpu.memory_space<vmem>>
    %dma_wait3A_147 = arith.constant 0 : i32
    %dma_wait3A_148 = tpu.memref_slice %arg2[%dma_wait3A_147] : memref<1000000xf32, #tpu.memory_space<hbm>> -> memref<1000000xf32, #tpu.memory_space<hbm>>
    %dma_wait3A_149 = tpu.memref_slice %arg8[%dma_wait3A_140] : memref<2x!tpu.dma_semaphore, #tpu.memory_space<semaphore_mem>> -> memref<1x!tpu.dma_semaphore, #tpu.memory_space<semaphore_mem>>
    %dma_wait3A_150 = tpu.memref_squeeze %dma_wait3A_149 : memref<1x!tpu.dma_semaphore, #tpu.memory_space<semaphore_mem>> -> memref<!tpu.dma_semaphore, #tpu.memory_space<semaphore_mem>>
    tpu.wait_indirect_dma semaphore(%dma_wait3A_150 : memref<!tpu.dma_semaphore, #tpu.memory_space<semaphore_mem>>) src(%dma_wait3A_148 : memref<1000000xf32, #tpu.memory_space<hbm>>) dst(%dma_wait3A_143 : memref<128xf32, #tpu.memory_space<vmem>>)
    %dma_wait3A_151 = arith.constant 26 : i32
    %dma_wait3A_152 = arith.constant 26 : i32
    %dma_wait3A_153 = arith.constant 1 : i32
    %dma_wait3A_154 = arith.constant 0 : i32
    %dma_wait3A_155 = tpu.memref_slice %arg6[%dma_wait3A_152, %dma_wait3A_154] : memref<32x128xf32, #tpu.memory_space<vmem>> -> memref<1x128xf32, #tpu.memory_space<vmem>>
    %dma_wait3A_156 = tpu.memref_squeeze %dma_wait3A_155 : memref<1x128xf32, #tpu.memory_space<vmem>> -> memref<128xf32, #tpu.memory_space<vmem>>
    %dma_wait3A_157 = arith.constant 0 : i32
    %dma_wait3A_158 = tpu.memref_slice %arg5[%dma_wait3A_151, %dma_wait3A_157] : memref<32x128xi32, #tpu.memory_space<vmem>> -> memref<1x128xi32, #tpu.memory_space<vmem>>
    %dma_wait3A_159 = tpu.memref_squeeze %dma_wait3A_158 : memref<1x128xi32, #tpu.memory_space<vmem>> -> memref<128xi32, #tpu.memory_space<vmem>>
    %dma_wait3A_160 = arith.constant 0 : i32
    %dma_wait3A_161 = tpu.memref_slice %arg2[%dma_wait3A_160] : memref<1000000xf32, #tpu.memory_space<hbm>> -> memref<1000000xf32, #tpu.memory_space<hbm>>
    %dma_wait3A_162 = tpu.memref_slice %arg8[%dma_wait3A_153] : memref<2x!tpu.dma_semaphore, #tpu.memory_space<semaphore_mem>> -> memref<1x!tpu.dma_semaphore, #tpu.memory_space<semaphore_mem>>
    %dma_wait3A_163 = tpu.memref_squeeze %dma_wait3A_162 : memref<1x!tpu.dma_semaphore, #tpu.memory_space<semaphore_mem>> -> memref<!tpu.dma_semaphore, #tpu.memory_space<semaphore_mem>>
    tpu.wait_indirect_dma semaphore(%dma_wait3A_163 : memref<!tpu.dma_semaphore, #tpu.memory_space<semaphore_mem>>) src(%dma_wait3A_161 : memref<1000000xf32, #tpu.memory_space<hbm>>) dst(%dma_wait3A_156 : memref<128xf32, #tpu.memory_space<vmem>>)
    %dma_wait3A_164 = arith.constant 27 : i32
    %dma_wait3A_165 = arith.constant 27 : i32
    %dma_wait3A_166 = arith.constant 1 : i32
    %dma_wait3A_167 = arith.constant 0 : i32
    %dma_wait3A_168 = tpu.memref_slice %arg6[%dma_wait3A_165, %dma_wait3A_167] : memref<32x128xf32, #tpu.memory_space<vmem>> -> memref<1x128xf32, #tpu.memory_space<vmem>>
    %dma_wait3A_169 = tpu.memref_squeeze %dma_wait3A_168 : memref<1x128xf32, #tpu.memory_space<vmem>> -> memref<128xf32, #tpu.memory_space<vmem>>
    %dma_wait3A_170 = arith.constant 0 : i32
    %dma_wait3A_171 = tpu.memref_slice %arg5[%dma_wait3A_164, %dma_wait3A_170] : memref<32x128xi32, #tpu.memory_space<vmem>> -> memref<1x128xi32, #tpu.memory_space<vmem>>
    %dma_wait3A_172 = tpu.memref_squeeze %dma_wait3A_171 : memref<1x128xi32, #tpu.memory_space<vmem>> -> memref<128xi32, #tpu.memory_space<vmem>>
    %dma_wait3A_173 = arith.constant 0 : i32
    %dma_wait3A_174 = tpu.memref_slice %arg2[%dma_wait3A_173] : memref<1000000xf32, #tpu.memory_space<hbm>> -> memref<1000000xf32, #tpu.memory_space<hbm>>
    %dma_wait3A_175 = tpu.memref_slice %arg8[%dma_wait3A_166] : memref<2x!tpu.dma_semaphore, #tpu.memory_space<semaphore_mem>> -> memref<1x!tpu.dma_semaphore, #tpu.memory_space<semaphore_mem>>
    %dma_wait3A_176 = tpu.memref_squeeze %dma_wait3A_175 : memref<1x!tpu.dma_semaphore, #tpu.memory_space<semaphore_mem>> -> memref<!tpu.dma_semaphore, #tpu.memory_space<semaphore_mem>>
    tpu.wait_indirect_dma semaphore(%dma_wait3A_176 : memref<!tpu.dma_semaphore, #tpu.memory_space<semaphore_mem>>) src(%dma_wait3A_174 : memref<1000000xf32, #tpu.memory_space<hbm>>) dst(%dma_wait3A_169 : memref<128xf32, #tpu.memory_space<vmem>>)
    %dma_wait3A_177 = arith.constant 28 : i32
    %dma_wait3A_178 = arith.constant 28 : i32
    %dma_wait3A_179 = arith.constant 1 : i32
    %dma_wait3A_180 = arith.constant 0 : i32
    %dma_wait3A_181 = tpu.memref_slice %arg6[%dma_wait3A_178, %dma_wait3A_180] : memref<32x128xf32, #tpu.memory_space<vmem>> -> memref<1x128xf32, #tpu.memory_space<vmem>>
    %dma_wait3A_182 = tpu.memref_squeeze %dma_wait3A_181 : memref<1x128xf32, #tpu.memory_space<vmem>> -> memref<128xf32, #tpu.memory_space<vmem>>
    %dma_wait3A_183 = arith.constant 0 : i32
    %dma_wait3A_184 = tpu.memref_slice %arg5[%dma_wait3A_177, %dma_wait3A_183] : memref<32x128xi32, #tpu.memory_space<vmem>> -> memref<1x128xi32, #tpu.memory_space<vmem>>
    %dma_wait3A_185 = tpu.memref_squeeze %dma_wait3A_184 : memref<1x128xi32, #tpu.memory_space<vmem>> -> memref<128xi32, #tpu.memory_space<vmem>>
    %dma_wait3A_186 = arith.constant 0 : i32
    %dma_wait3A_187 = tpu.memref_slice %arg2[%dma_wait3A_186] : memref<1000000xf32, #tpu.memory_space<hbm>> -> memref<1000000xf32, #tpu.memory_space<hbm>>
    %dma_wait3A_188 = tpu.memref_slice %arg8[%dma_wait3A_179] : memref<2x!tpu.dma_semaphore, #tpu.memory_space<semaphore_mem>> -> memref<1x!tpu.dma_semaphore, #tpu.memory_space<semaphore_mem>>
    %dma_wait3A_189 = tpu.memref_squeeze %dma_wait3A_188 : memref<1x!tpu.dma_semaphore, #tpu.memory_space<semaphore_mem>> -> memref<!tpu.dma_semaphore, #tpu.memory_space<semaphore_mem>>
    tpu.wait_indirect_dma semaphore(%dma_wait3A_189 : memref<!tpu.dma_semaphore, #tpu.memory_space<semaphore_mem>>) src(%dma_wait3A_187 : memref<1000000xf32, #tpu.memory_space<hbm>>) dst(%dma_wait3A_182 : memref<128xf32, #tpu.memory_space<vmem>>)
    %dma_wait3A_190 = arith.constant 29 : i32
    %dma_wait3A_191 = arith.constant 29 : i32
    %dma_wait3A_192 = arith.constant 1 : i32
    %dma_wait3A_193 = arith.constant 0 : i32
    %dma_wait3A_194 = tpu.memref_slice %arg6[%dma_wait3A_191, %dma_wait3A_193] : memref<32x128xf32, #tpu.memory_space<vmem>> -> memref<1x128xf32, #tpu.memory_space<vmem>>
    %dma_wait3A_195 = tpu.memref_squeeze %dma_wait3A_194 : memref<1x128xf32, #tpu.memory_space<vmem>> -> memref<128xf32, #tpu.memory_space<vmem>>
    %dma_wait3A_196 = arith.constant 0 : i32
    %dma_wait3A_197 = tpu.memref_slice %arg5[%dma_wait3A_190, %dma_wait3A_196] : memref<32x128xi32, #tpu.memory_space<vmem>> -> memref<1x128xi32, #tpu.memory_space<vmem>>
    %dma_wait3A_198 = tpu.memref_squeeze %dma_wait3A_197 : memref<1x128xi32, #tpu.memory_space<vmem>> -> memref<128xi32, #tpu.memory_space<vmem>>
    %dma_wait3A_199 = arith.constant 0 : i32
    %dma_wait3A_200 = tpu.memref_slice %arg2[%dma_wait3A_199] : memref<1000000xf32, #tpu.memory_space<hbm>> -> memref<1000000xf32, #tpu.memory_space<hbm>>
    %dma_wait3A_201 = tpu.memref_slice %arg8[%dma_wait3A_192] : memref<2x!tpu.dma_semaphore, #tpu.memory_space<semaphore_mem>> -> memref<1x!tpu.dma_semaphore, #tpu.memory_space<semaphore_mem>>
    %dma_wait3A_202 = tpu.memref_squeeze %dma_wait3A_201 : memref<1x!tpu.dma_semaphore, #tpu.memory_space<semaphore_mem>> -> memref<!tpu.dma_semaphore, #tpu.memory_space<semaphore_mem>>
    tpu.wait_indirect_dma semaphore(%dma_wait3A_202 : memref<!tpu.dma_semaphore, #tpu.memory_space<semaphore_mem>>) src(%dma_wait3A_200 : memref<1000000xf32, #tpu.memory_space<hbm>>) dst(%dma_wait3A_195 : memref<128xf32, #tpu.memory_space<vmem>>)
    %dma_wait3A_203 = arith.constant 30 : i32
    %dma_wait3A_204 = arith.constant 30 : i32
    %dma_wait3A_205 = arith.constant 1 : i32
    %dma_wait3A_206 = arith.constant 0 : i32
    %dma_wait3A_207 = tpu.memref_slice %arg6[%dma_wait3A_204, %dma_wait3A_206] : memref<32x128xf32, #tpu.memory_space<vmem>> -> memref<1x128xf32, #tpu.memory_space<vmem>>
    %dma_wait3A_208 = tpu.memref_squeeze %dma_wait3A_207 : memref<1x128xf32, #tpu.memory_space<vmem>> -> memref<128xf32, #tpu.memory_space<vmem>>
    %dma_wait3A_209 = arith.constant 0 : i32
    %dma_wait3A_210 = tpu.memref_slice %arg5[%dma_wait3A_203, %dma_wait3A_209] : memref<32x128xi32, #tpu.memory_space<vmem>> -> memref<1x128xi32, #tpu.memory_space<vmem>>
    %dma_wait3A_211 = tpu.memref_squeeze %dma_wait3A_210 : memref<1x128xi32, #tpu.memory_space<vmem>> -> memref<128xi32, #tpu.memory_space<vmem>>
    %dma_wait3A_212 = arith.constant 0 : i32
    %dma_wait3A_213 = tpu.memref_slice %arg2[%dma_wait3A_212] : memref<1000000xf32, #tpu.memory_space<hbm>> -> memref<1000000xf32, #tpu.memory_space<hbm>>
    %dma_wait3A_214 = tpu.memref_slice %arg8[%dma_wait3A_205] : memref<2x!tpu.dma_semaphore, #tpu.memory_space<semaphore_mem>> -> memref<1x!tpu.dma_semaphore, #tpu.memory_space<semaphore_mem>>
    %dma_wait3A_215 = tpu.memref_squeeze %dma_wait3A_214 : memref<1x!tpu.dma_semaphore, #tpu.memory_space<semaphore_mem>> -> memref<!tpu.dma_semaphore, #tpu.memory_space<semaphore_mem>>
    tpu.wait_indirect_dma semaphore(%dma_wait3A_215 : memref<!tpu.dma_semaphore, #tpu.memory_space<semaphore_mem>>) src(%dma_wait3A_213 : memref<1000000xf32, #tpu.memory_space<hbm>>) dst(%dma_wait3A_208 : memref<128xf32, #tpu.memory_space<vmem>>)
    %dma_wait3A_216 = arith.constant 31 : i32
    %dma_wait3A_217 = arith.constant 31 : i32
    %dma_wait3A_218 = arith.constant 1 : i32
    %dma_wait3A_219 = arith.constant 0 : i32
    %dma_wait3A_220 = tpu.memref_slice %arg6[%dma_wait3A_217, %dma_wait3A_219] : memref<32x128xf32, #tpu.memory_space<vmem>> -> memref<1x128xf32, #tpu.memory_space<vmem>>
    %dma_wait3A_221 = tpu.memref_squeeze %dma_wait3A_220 : memref<1x128xf32, #tpu.memory_space<vmem>> -> memref<128xf32, #tpu.memory_space<vmem>>
    %dma_wait3A_222 = arith.constant 0 : i32
    %dma_wait3A_223 = tpu.memref_slice %arg5[%dma_wait3A_216, %dma_wait3A_222] : memref<32x128xi32, #tpu.memory_space<vmem>> -> memref<1x128xi32, #tpu.memory_space<vmem>>
    %dma_wait3A_224 = tpu.memref_squeeze %dma_wait3A_223 : memref<1x128xi32, #tpu.memory_space<vmem>> -> memref<128xi32, #tpu.memory_space<vmem>>
    %dma_wait3A_225 = arith.constant 0 : i32
    %dma_wait3A_226 = tpu.memref_slice %arg2[%dma_wait3A_225] : memref<1000000xf32, #tpu.memory_space<hbm>> -> memref<1000000xf32, #tpu.memory_space<hbm>>
    %dma_wait3A_227 = tpu.memref_slice %arg8[%dma_wait3A_218] : memref<2x!tpu.dma_semaphore, #tpu.memory_space<semaphore_mem>> -> memref<1x!tpu.dma_semaphore, #tpu.memory_space<semaphore_mem>>
    %dma_wait3A_228 = tpu.memref_squeeze %dma_wait3A_227 : memref<1x!tpu.dma_semaphore, #tpu.memory_space<semaphore_mem>> -> memref<!tpu.dma_semaphore, #tpu.memory_space<semaphore_mem>>
    tpu.wait_indirect_dma semaphore(%dma_wait3A_228 : memref<!tpu.dma_semaphore, #tpu.memory_space<semaphore_mem>>) src(%dma_wait3A_226 : memref<1000000xf32, #tpu.memory_space<hbm>>) dst(%dma_wait3A_221 : memref<128xf32, #tpu.memory_space<vmem>>)
    %add3A_229 = arith.constant 784 : i32
    %add3A_230 = arith.addi %mul3A_2, %add3A_229 : i32
    %dma_start3A_231 = arith.constant 1 : i32
    %dma_start3A_232 = arith.constant 16 : i32
    %dma_start3A_233 = arith.constant 0 : i32
    %dma_start3A_234 = tpu.memref_slice %arg6[%dma_start3A_232, %dma_start3A_233] : memref<32x128xf32, #tpu.memory_space<vmem>> -> memref<16x128xf32, #tpu.memory_space<vmem>>
    %dma_start3A_235 = arith.constant 0 : i32
    %dma_start3A_236 = tpu.memref_slice %arg4[%add3A_230, %dma_start3A_235] : memref<25600x128xf32, #tpu.memory_space<hbm>> -> memref<16x128xf32, #tpu.memory_space<hbm>>
    %dma_start3A_237 = tpu.memref_slice %arg9[%dma_start3A_231] : memref<2x!tpu.dma_semaphore, #tpu.memory_space<semaphore_mem>> -> memref<1x!tpu.dma_semaphore, #tpu.memory_space<semaphore_mem>>
    %dma_start3A_238 = tpu.memref_squeeze %dma_start3A_237 : memref<1x!tpu.dma_semaphore, #tpu.memory_space<semaphore_mem>> -> memref<!tpu.dma_semaphore, #tpu.memory_space<semaphore_mem>>
    %dma_start3A_239 = arith.constant 0 : i32
    %dma_start3A_240 = tpu.memref_slice %arg4[%add3A_230, %dma_start3A_239] : memref<25600x128xf32, #tpu.memory_space<hbm>> -> memref<16x128xf32, #tpu.memory_space<hbm>>
    %dma_start3A_241 = arith.constant 16 : i32
    %dma_start3A_242 = arith.constant 0 : i32
    %dma_start3A_243 = tpu.memref_slice %arg6[%dma_start3A_241, %dma_start3A_242] : memref<32x128xf32, #tpu.memory_space<vmem>> -> memref<16x128xf32, #tpu.memory_space<vmem>>
    tpu.enqueue_dma source(%dma_start3A_243 : memref<16x128xf32, #tpu.memory_space<vmem>>) target(%dma_start3A_240 : memref<16x128xf32, #tpu.memory_space<hbm>>) target_semaphore(%dma_start3A_238 : memref<!tpu.dma_semaphore, #tpu.memory_space<semaphore_mem>>)
    %add3A_244 = arith.constant 768 : i32
    %add3A_245 = arith.addi %mul3A_2, %add3A_244 : i32
    %dma_wait3A_246 = arith.constant 0 : i32
    %dma_wait3A_247 = arith.constant 0 : i32
    %dma_wait3A_248 = arith.constant 0 : i32
    %dma_wait3A_249 = tpu.memref_slice %arg6[%dma_wait3A_247, %dma_wait3A_248] : memref<32x128xf32, #tpu.memory_space<vmem>> -> memref<16x128xf32, #tpu.memory_space<vmem>>
    %dma_wait3A_250 = arith.constant 0 : i32
    %dma_wait3A_251 = tpu.memref_slice %arg4[%add3A_245, %dma_wait3A_250] : memref<25600x128xf32, #tpu.memory_space<hbm>> -> memref<16x128xf32, #tpu.memory_space<hbm>>
    %dma_wait3A_252 = tpu.memref_slice %arg9[%dma_wait3A_246] : memref<2x!tpu.dma_semaphore, #tpu.memory_space<semaphore_mem>> -> memref<1x!tpu.dma_semaphore, #tpu.memory_space<semaphore_mem>>
    %dma_wait3A_253 = tpu.memref_squeeze %dma_wait3A_252 : memref<1x!tpu.dma_semaphore, #tpu.memory_space<semaphore_mem>> -> memref<!tpu.dma_semaphore, #tpu.memory_space<semaphore_mem>>
    %dma_wait3A_254 = arith.constant 0 : i32
    %dma_wait3A_255 = tpu.memref_slice %arg4[%add3A_245, %dma_wait3A_254] : memref<25600x128xf32, #tpu.memory_space<hbm>> -> memref<16x128xf32, #tpu.memory_space<hbm>>
    %dma_wait3A_256 = arith.constant 0 : i32
    %dma_wait3A_257 = arith.constant 0 : i32
    %dma_wait3A_258 = tpu.memref_slice %arg6[%dma_wait3A_256, %dma_wait3A_257] : memref<32x128xf32, #tpu.memory_space<vmem>> -> memref<16x128xf32, #tpu.memory_space<vmem>>
    tpu.wait_dma2 semaphore(%dma_wait3A_253 : memref<!tpu.dma_semaphore, #tpu.memory_space<semaphore_mem>>) src(%dma_wait3A_258 : memref<16x128xf32, #tpu.memory_space<vmem>>) dst(%dma_wait3A_255 : memref<16x128xf32, #tpu.memory_space<hbm>>)
    %add3A_259 = arith.constant 784 : i32
    %add3A_260 = arith.addi %mul3A_2, %add3A_259 : i32
    %dma_wait3A_261 = arith.constant 1 : i32
    %dma_wait3A_262 = arith.constant 16 : i32
    %dma_wait3A_263 = arith.constant 0 : i32
    %dma_wait3A_264 = tpu.memref_slice %arg6[%dma_wait3A_262, %dma_wait3A_263] : memref<32x128xf32, #tpu.memory_space<vmem>> -> memref<16x128xf32, #tpu.memory_space<vmem>>
    %dma_wait3A_265 = arith.constant 0 : i32
    %dma_wait3A_266 = tpu.memref_slice %arg4[%add3A_260, %dma_wait3A_265] : memref<25600x128xf32, #tpu.memory_space<hbm>> -> memref<16x128xf32, #tpu.memory_space<hbm>>
    %dma_wait3A_267 = tpu.memref_slice %arg9[%dma_wait3A_261] : memref<2x!tpu.dma_semaphore, #tpu.memory_space<semaphore_mem>> -> memref<1x!tpu.dma_semaphore, #tpu.memory_space<semaphore_mem>>
    %dma_wait3A_268 = tpu.memref_squeeze %dma_wait3A_267 : memref<1x!tpu.dma_semaphore, #tpu.memory_space<semaphore_mem>> -> memref<!tpu.dma_semaphore, #tpu.memory_space<semaphore_mem>>
    %dma_wait3A_269 = arith.constant 0 : i32
    %dma_wait3A_270 = tpu.memref_slice %arg4[%add3A_260, %dma_wait3A_269] : memref<25600x128xf32, #tpu.memory_space<hbm>> -> memref<16x128xf32, #tpu.memory_space<hbm>>
    %dma_wait3A_271 = arith.constant 16 : i32
    %dma_wait3A_272 = arith.constant 0 : i32
    %dma_wait3A_273 = tpu.memref_slice %arg6[%dma_wait3A_271, %dma_wait3A_272] : memref<32x128xf32, #tpu.memory_space<vmem>> -> memref<16x128xf32, #tpu.memory_space<vmem>>
    tpu.wait_dma2 semaphore(%dma_wait3A_268 : memref<!tpu.dma_semaphore, #tpu.memory_space<semaphore_mem>>) src(%dma_wait3A_273 : memref<16x128xf32, #tpu.memory_space<vmem>>) dst(%dma_wait3A_270 : memref<16x128xf32, #tpu.memory_space<hbm>>)
    return
  }
}

module attributes {stable_mosaic.version = 14 : i64} {
  func.func @_rowmax_body(%arg0: i32, %arg1: memref<16384x100xf32, #tpu.memory_space<vmem>>, %arg2: memref<16384xf32, #tpu.memory_space<vmem>>) attributes {dimension_semantics = [#tpu.dimension_semantics<arbitrary>], iteration_bounds = array<i64: 62>, scalar_prefetch = 0 : i64, scratch_operands = 0 : i64, tpu.core_type = #tpu.core_type<tc>, window_params = [{transform_indices = @transform_0, window_bounds = array<i64: 16384, 100>}, {transform_indices = @transform_1, window_bounds = array<i64: 16384>}]} {
    %get3A = arith.constant 0 : index
    %get3A_0 = arith.constant 0 : index
    %get3A_1 = vector.load %arg1[%get3A, %get3A_0] : memref<16384x100xf32, #tpu.memory_space<vmem>>, vector<16384x100xf32>
    %reduce_max3A = arith.constant dense<0xFF800000> : vector<16384xf32>
    %reduce_max3A_2 = vector.multi_reduction <maximumf>, %get3A_1, %reduce_max3A [1] : vector<16384x100xf32> to vector<16384xf32>
    %swap3A = arith.constant 0 : index
    %swap3A_3 = vector.load %arg2[%swap3A] : memref<16384xf32, #tpu.memory_space<vmem>>, vector<16384xf32>
    tpu.vector_store %arg2[%swap3A], %reduce_max3A_2 {strides = array<i32>} : memref<16384xf32, #tpu.memory_space<vmem>>, vector<16384xf32>,
    return
  }
  func.func @transform_0(%arg0: i32) -> (i32, i32) {
    %c0_i32 = arith.constant 0 : i32
    %c0_i32_0 = arith.constant 0 : i32
    return %arg0, %c0_i32 : i32, i32
  }
  func.func @transform_1(%arg0: i32) -> i32 {
    %c0_i32 = arith.constant 0 : i32
    return %arg0 : i32
  }
}

module attributes {stable_mosaic.version = 14 : i64} {
  func.func @_head_body(%arg0: i32, %arg1: memref<1024x200xf32, #tpu.memory_space<vmem>>, %arg2: memref<200x64xf32, #tpu.memory_space<vmem>>, %arg3: memref<1x64xf32, #tpu.memory_space<vmem>>, %arg4: memref<1024x64xf32, #tpu.memory_space<vmem>>) attributes {dimension_semantics = [#tpu.dimension_semantics<arbitrary>], iteration_bounds = array<i64: 16>, scalar_prefetch = 0 : i64, scratch_operands = 0 : i64, tpu.core_type = #tpu.core_type<tc>, window_params = [{transform_indices = @transform_0, window_bounds = array<i64: 1024, 200>}, {pipeline_mode = #tpu.pipeline_mode<synchronous>, transform_indices = @transform_1, window_bounds = array<i64: 200, 64>}, {pipeline_mode = #tpu.pipeline_mode<synchronous>, transform_indices = @transform_2, window_bounds = array<i64: 1, 64>}, {transform_indices = @transform_3, window_bounds = array<i64: 1024, 64>}]} {
    %get3A = arith.constant 0 : index
    %get3A_0 = arith.constant 0 : index
    %get3A_1 = vector.load %arg1[%get3A, %get3A_0] : memref<1024x200xf32, #tpu.memory_space<vmem>>, vector<1024x200xf32>
    %slice3A = vector.extract_strided_slice %get3A_1 {offsets = [0, 1], sizes = [1024, 199], strides = [1, 1]} : vector<1024x200xf32> to vector<1024x199xf32>
    %slice3A_2 = vector.extract_strided_slice %get3A_1 {offsets = [0, 0], sizes = [1024, 1], strides = [1, 1]} : vector<1024x200xf32> to vector<1024x1xf32>
    %concatenate3A = tpu.concatenate %slice3A, %slice3A_2 in 1 : vector<1024x199xf32>, vector<1024x1xf32> -> vector<1024x200xf32>
    %max3A = arith.maximumf %get3A_1, %concatenate3A : vector<1024x200xf32>
    %max3A_3 = arith.constant 0.000000e+00 : f32
    %max3A_4 = vector.broadcast %max3A_3 : f32 to vector<1024x200xf32>
    %max3A_5 = arith.maximumf %max3A, %max3A_4 : vector<1024x200xf32>
    %get3A_6 = arith.constant 0 : index
    %get3A_7 = arith.constant 0 : index
    %get3A_8 = vector.load %arg2[%get3A_6, %get3A_7] : memref<200x64xf32, #tpu.memory_space<vmem>>, vector<200x64xf32>
    %dot_general3A = arith.constant dense<0.000000e+00> : vector<1024x64xf32>
    %dot_general3A_9 = tpu.matmul %max3A_5, %get3A_8, %dot_general3A {dimension_numbers = #tpu.dot_dimension_numbers<[1], [0], [0], [1], [0, 0, 1, 1], [], []>, transpose_lhs_hint = false} : vector<1024x200xf32>, vector<200x64xf32>, vector<1024x64xf32> -> vector<1024x64xf32>
    %get3A_10 = arith.constant 0 : index
    %get3A_11 = arith.constant 0 : index
    %get3A_12 = vector.load %arg3[%get3A_10, %get3A_11] : memref<1x64xf32, #tpu.memory_space<vmem>>, vector<1x64xf32>
    %add3A = vector.broadcast %get3A_12 : vector<1x64xf32> to vector<1024x64xf32>
    %add3A_13 = arith.addf %dot_general3A_9, %add3A : vector<1024x64xf32>
    %swap3A = arith.constant 0 : index
    %swap3A_14 = arith.constant 0 : index
    %swap3A_15 = vector.load %arg4[%swap3A, %swap3A_14] : memref<1024x64xf32, #tpu.memory_space<vmem>>, vector<1024x64xf32>
    tpu.vector_store %arg4[%swap3A, %swap3A_14], %add3A_13 {strides = array<i32>} : memref<1024x64xf32, #tpu.memory_space<vmem>>, vector<1024x64xf32>,
    return
  }
  func.func @transform_0(%arg0: i32) -> (i32, i32) {
    %c0_i32 = arith.constant 0 : i32
    %c0_i32_0 = arith.constant 0 : i32
    return %arg0, %c0_i32 : i32, i32
  }
  func.func @transform_1(%arg0: i32) -> (i32, i32) {
    %c0_i32 = arith.constant 0 : i32
    %c0_i32_0 = arith.constant 0 : i32
    %c0_i32_1 = arith.constant 0 : i32
    return %c0_i32, %c0_i32_0 : i32, i32
  }
  func.func @transform_2(%arg0: i32) -> (i32, i32) {
    %c0_i32 = arith.constant 0 : i32
    %c0_i32_0 = arith.constant 0 : i32
    %c0_i32_1 = arith.constant 0 : i32
    return %c0_i32, %c0_i32_0 : i32, i32
  }
  func.func @transform_3(%arg0: i32) -> (i32, i32) {
    %c0_i32 = arith.constant 0 : i32
    %c0_i32_0 = arith.constant 0 : i32
    return %arg0, %c0_i32 : i32, i32
  }
}

</mosaic_0001>

<sc_bundles>
// kernel: kernel.5.cloned.1.call-start
scs
__scs_entry_jumppad:
0x0: {  	(pc) =	sbr.rel $0x88, $3  }
0x1: {  	(tag) =	ssettag $0x0;
	lr =	simm.s32 $0x1  }
0x2: {  	[smem:$0x3F9D] =	sst lr;
	_ =	strace $0xD0000000  }
0x3: {  	_ = 	snop  }
0x4: {  	_ = 	snop  }
0x5: {  	_ = 	snop  }
0x6: {  	_ = 	snop  }
0x7: {  	_ = 	snop  }
__scs_overlays_trampoline_lowered:
0x8: {  	[smem:$0x3FAC] =	sst s0  }
0x9: {  	[smem:$0x3FAD] =	sst s1  }
0xa: {  	[smem:$0x3FAE] =	sst s2  }
0xb: {  	[smem:$0x3FAF] =	sst s3  }
0xc: {  	[smem:$0x3FB0] =	sst s4  }
0xd: {  	[smem:$0x3FB1] =	sst s5  }
0xe: {  	[smem:$0x3FB2] =	sst s6  }
0xf: {  	[smem:$0x3FB3] =	sst s7  }
0x10: {  	[smem:$0x3FB4] =	sst s8  }
0x11: {  	[smem:$0x3FB5] =	sst s9;
	s0 =	simm.s32 @!p0 $0x0  }
0x12: {  	s1 =	sld [smem:$0x3F9B];
	s0 =	simm.s32 @p0 $0x1  }
0x13: {  	[smem:$0x3FB6] =	sst s0;
	s0 =	simm.s32 @!p1 $0x0  }
0x14: {  	s2 =	sld [smem:$0x3F9A];
	s0 =	simm.s32 @p1 $0x1  }
0x15: {  	[smem:$0x3FB7] =	sst s0;
	s0 =	simm.s32 @!p2 $0x0  }
0x16: {  	s3 =	sld [smem:$0x3FDB];
	s0 =	simm.s32 @p2 $0x1  }
0x17: {  	s4 =	simm.s32 $0x1BF5;
	[smem:$0x3FB9] =	sst s0  }
0x18: {  	s0 =	sld [smem:$0x3F9C];
	_ =	swait.ge [sflag:s4], $0x0  }
0x19: {  	s7 =	sld [smem:$0x3F9D]  }
0x1a: {  	s8 =	sadd.s32 $0xFFFFE003, lr  }
0x1b: {  	s9 =	sadd.s32 $0xFFFFFEF7, lr;
	s5 =	simm.s32 $0xFFFFFFFF;
	p2 =	slt.u32 s8, $0xFFFFF086  }
0x1c: {  	p1 =	slt.u32 s9, $0xF7A;
	s5 =	simm.s32 @!p2 $0x0  }
0x1d: {  	s5 =	simm.s32 @p1 $0x1;
	p0 =	seq.s32 s7, s2  }
0x1e: {  	s7 =	smul.u32 @!p0 $0xF7A, s2;
	p2 =	seq.s32 @!p0 s5, $0x0  }
0x1f: {  	s9 =	smul.u32 $0xF7A, s1;
	s8 =	simm.s32 @!p0 $0x1BF5;
	p2 =	por !p2, p0  }
0x20: {  	[sflag:s8] =	ssyncset.s32 @!p0 $0xFFFFF086;
	s6 =	sadd.s32 @!p0 s3, s7;
	s7 =	simm.s32 @!p0 $0x108  }
0x21: {  	s3 =	sadd.s32 s3, s9;
	s6 =	sadd.s32 @!p0 $0x88, s6;
	s7 =	simm.s32 @p2 $0x1082  }
0x22: {  	[simem:s7], [sflag:s8] =	dma.local @!p0 [hbm:s6], $0xF7A  }
0x23: {  	s9 =	sor.u32 $0xD0000000, s2;
	s6 =	simm.s32 $0x108;
	_ =	swait.ge @!p0 [sflag:s8], $0x0  }
0x24: {  	s3 =	sadd.s32 $0x88, s3;
	s6 =	simm.s32 @!p1 $0x1082;
	[sflag:s4] =	ssyncset.s32 $0xFFFFF086  }
0x25: {  	[simem:s6], [sflag:s4] =	dma.local [hbm:s3], $0xF7A  }
0x26: {  	[smem:$0x3F9D] =	sst s1;
	(tag) =	ssettag s2;
	_ =	strace s9  }
0x27: {  	s1 =	sld [smem:$0x3FAD]  }
0x28: {  	s2 =	sld [smem:$0x3FAE]  }
0x29: {  	s4 =	sld [smem:$0x3FB0]  }
0x2a: {  	p0 =	seq.s32 s5, $0x0;
	s5 =	sld [smem:$0x3FB1]  }
0x2b: {  	s6 =	sld [smem:$0x3FB2]  }
0x2c: {  	s7 =	sld [smem:$0x3FB3]  }
0x2d: {  	s3 =	simm.s32 $0x108;
	s8 =	sld [smem:$0x3FB4]  }
0x2e: {  	s3 =	simm.s32 @!p0 $0x1082;
	s9 =	sld [smem:$0x3FB5]  }
0x2f: {  	lr =	sadd.s32 s0, s3;
	s0 =	sld [smem:$0x3FAC]  }
0x30: {  	s3 =	sld [smem:$0x3FAF]  }
0x31: {  	[smem:$0x3FB8] =	sst s10  }
0x32: {  	s10 =	sld [smem:$0x3FB6];
	_ =	sdelay $0x3  }
0x33: {  	p0 =	seq.s32 s10, $0x1;
	s10 =	sld [smem:$0x3FB8];
	_ =	sdelay $0x3  }
0x34: {  	[smem:$0x3FB8] =	sst s10  }
0x35: {  	s10 =	sld [smem:$0x3FB7];
	_ =	sdelay $0x3  }
0x36: {  	p1 =	seq.s32 s10, $0x1;
	s10 =	sld [smem:$0x3FB8];
	_ =	sdelay $0x3  }
0x37: {  	[smem:$0x3FB8] =	sst s10  }
0x38: {  	s10 =	sld [smem:$0x3FB9]  }
0x39: {  	_ = 	snop;
	(pc) =	sbr.ind lr, $3  }
0x3a: {  	_ = 	snop  }
0x3b: {  	_ = 	snop  }
0x3c: {  	p2 =	seq.s32 s10, $0x1;
	s10 =	sld [smem:$0x3FB8]  }
0x3d: {  	_ =	shalt  }
0x3e: {  	_ =	shalt  }
0x3f: {  	_ =	shalt  }
0x40: {  	_ =	shalt  }
0x41: {  	_ =	shalt  }
0x42: {  	_ =	shalt  }
0x43: {  	_ =	shalt  }
0x44: {  	_ =	shalt  }
0x45: {  	_ =	shalt  }
0x46: {  	_ =	shalt  }
0x47: {  	_ =	shalt  }
0x48: {  	_ =	shalt  }
0x49: {  	_ =	shalt  }
0x4a: {  	_ =	shalt  }
0x4b: {  	_ =	shalt  }
0x4c: {  	_ =	shalt  }
0x4d: {  	_ =	shalt  }
0x4e: {  	_ =	shalt  }
0x4f: {  	_ =	shalt  }
0x50: {  	_ =	shalt  }
0x51: {  	_ =	shalt  }
0x52: {  	_ =	shalt  }
0x53: {  	_ =	shalt  }
0x54: {  	_ =	shalt  }
0x55: {  	_ =	shalt  }
0x56: {  	_ =	shalt  }
0x57: {  	_ =	shalt  }
0x58: {  	_ =	shalt  }
0x59: {  	_ =	shalt  }
0x5a: {  	_ =	shalt  }
0x5b: {  	_ =	shalt  }
0x5c: {  	_ =	shalt  }
0x5d: {  	_ =	shalt  }
0x5e: {  	_ =	shalt  }
0x5f: {  	_ =	shalt  }
0x60: {  	_ =	shalt  }
0x61: {  	_ =	shalt  }
0x62: {  	_ =	shalt  }
0x63: {  	_ =	shalt  }
0x64: {  	_ =	shalt  }
0x65: {  	_ =	shalt  }
0x66: {  	_ =	shalt  }
0x67: {  	_ =	shalt  }
0x68: {  	_ =	shalt  }
0x69: {  	_ =	shalt  }
0x6a: {  	_ =	shalt  }
0x6b: {  	_ =	shalt  }
0x6c: {  	_ =	shalt  }
0x6d: {  	_ =	shalt  }
0x6e: {  	_ =	shalt  }
0x6f: {  	_ =	shalt  }
0x70: {  	_ =	shalt  }
0x71: {  	_ =	shalt  }
0x72: {  	_ =	shalt  }
0x73: {  	_ =	shalt  }
0x74: {  	_ =	shalt  }
0x75: {  	_ =	shalt  }
0x76: {  	_ =	shalt  }
0x77: {  	_ =	shalt  }
0x78: {  	_ =	shalt  }
0x79: {  	_ =	shalt  }
0x7a: {  	_ =	shalt  }
0x7b: {  	_ =	shalt  }
0x7c: {  	_ =	shalt  }
0x7d: {  	_ =	shalt  }
0x7e: {  	_ =	shalt  }
0x7f: {  	_ =	shalt  }
0x80: {  	_ =	shalt  }
0x81: {  	_ =	shalt  }
0x82: {  	_ =	shalt  }
0x83: {  	_ =	shalt  }
0x84: {  	_ =	shalt  }
0x85: {  	_ =	shalt  }
0x86: {  	_ =	shalt  }
0x87: {  	_ =	shalt  }
.Lfunc_end0:
.L_simem_size_0:
called_computation_lowered:
.L_overlay_start_0:
0x88: {  	s2 =	sld [smem:$0x3FD9]  }
0x89: {  	s3 =	sld [smem:$0x3FFE];
	_ =	sdelay $0x1  }
0x8a: {  	s1 =	srdreg.scid  }
0x8b: {  	s0 =	sand.u32 $0x1, s1  }
0x8c: {  	s17 =	sshll.u32 s0, $0xA;
	s2 =	sadd.s32 s3, s2  }
0x8d: {  	s2 =	sadd.s32 s2, s17  }
0x8e: {  	[smem:$0x3FC4] =	sst s2  }
0x8f: {  	_ = 	snop  }
0x90: {  	s2 =	sld [smem:$0x3FD0];
	(tm) =	ssettm $0x1  }
0x91: {  	s18 =	sld [smem:$0x3FFB];
	_ =	sdelay $0x3  }
0x92: {  	_ =	strace s18  }
0x93: {  	s3 =	sld [smem:$0x3FFC];
	_ =	sdelay $0x3  }
0x94: {  	_ =	strace s3  }
0x95: {  	s3 =	sld [smem:$0x3FFD];
	_ =	sdelay $0x3  }
0x96: {  	_ =	strace s3  }
0x97: {  	_ =	strace $0x8FFFFFFF  }
0x98: {  	s19 =	sld [smem:$0x3FDB];
	_ =	sdelay $0x1  }
0x99: {  	s4 =	simm.s32 $_scs_section_size  }
0x9a: {  	s5 =	simm.s32 $_size__tile_overlayer_lowered;
	s6 =	simm.s32 $_tile_overlayer_lowered  }
0x9b: {  	s22 =	simm.s32 $0x1BFF;
	s21 =	sshll.u32 s6, $0x1;
	s3 =	sadd.s32 s4, s19  }
0x9c: {  	s7 =	simm.s32 $0x0;
	s20 =	sshll.u32 s5, $0x1;
	s5 =	sadd.s32 s21, s3  }
0x9d: {  	[timem:s7], [sflag:s22] =	dma.local [hbm:s5], s20  }
0x9e: {  	_ =	swait.ge [sflag:s22], s20  }
0x9f: {  	s4 =	ssub.s32 $0x0, s20;
	[sflag:s22] =	ssyncset.done $0x0  }
0xa0: {  	[sflag:s22] =	ssyncadd.s32 s4;
	_ =	sdelay $0x1  }
0xa1: {  	s23 =	simm.s32 $0x1B8B  }
0xa2: {  	_ =	swait.ge [sflag:s23], $0x1  }
0xa3: {  	[sflag:s23] =	ssyncset.done $0x0  }
0xa4: {  	s25 =	simm.s32 $0x1B8E;
	s24 =	sld [smem:$0x3FFE];
	[sflag:s23] =	ssyncadd.s32 $0xFFFFFFFF  }
0xa5: {  	s26 =	simm.s32 $execute0_lowered;
	[smem:$0x3FD2] =	sst s25  }
0xa6: {  	s5 =	sshll.u32 s26, $0x1;
	_ =	strace $0x80000046;
	[dreg:$0x1] =	wrdreg $0xFFFFFFFF  }
0xa7: {  	s28 =	simm.s32 $_size_execute0_lowered;
	s3 =	sadd.s32 s3, s5;
	[dreg:$0x0] =	wrdreg $0x0  }
0xa8: {  	s5 =	sshll.u32 s28, $0x1;
	[dreg:$0x2] =	wrdreg s3  }
0xa9: {  	[dreg:$0x3] =	wrdreg s5  }
0xaa: {  	[dreg:$0x4] =	wrdreg $0xC0  }
0xab: {  	_ =	task [dreg:s7], $0x5FFFF  }
0xac: {  	[dreg:$0x1] =	wrdreg $0xFFFFFFFF  }
0xad: {  	[dreg:$0x0] =	wrdreg $0x60  }
0xae: {  	[dreg:$0x2] =	wrdreg s2  }
0xaf: {  	[dreg:$0x3] =	wrdreg s24  }
0xb0: {  	[dreg:$0x4] =	wrdreg $0x9  }
0xb1: {  	_ =	task.clear_ibuf [dreg:s7], $0x5FFFF;
	_ =	strace $0x90000046  }
0xb2: {  	s29 =	simm.s32 $0x9;
	_ =	strace $0x80000048  }
0xb3: {  	_ =	swait.ge [sflag:s29], $0x1  }
0xb4: {  	[sflag:s29] =	ssyncadd.s32 $0xFFFFFFFF  }
0xb5: {  	_ =	strace $0x90000048  }
0xb6: {  	_ =	sfence  }
0xb7: {  	s30 =	sld [smem:$0x0];
	_ =	sdelay $0x2  }
0xb8: {  	s31 =	sshll.u32 s1, $0xD;
	s1 =	sshrl.u32 s1, $0x2  }
0xb9: {  	s3 =	sand.u32 $0x4000, s31;
	s1 =	sadd.s32 s1, s30  }
0xba: {  	s0 =	sor.u32 s3, s0;
	s1 =	sshll.u32 s1, $0x11  }
0xbb: {  	s0 =	sor.u32 s1, s0  }
0xbc: {  	s0 =	sadd.s32 $0x8F2B, s0  }
0xbd: {  	[sflag:s0] =	ssyncadd.remote.s32 $0x1  }
0xbe: {  	_ =	sfence.sel $0xFFFF  }
0xbf: {  	[dreg:$0x0] =	wrdreg $0xFFFFFFFF;
	(pc) =	sbr.abs _section_cstart, $3  }
0xc0: {  	[dreg:$0x1] =	wrdreg $0xFFFFFFFF  }
0xc1: {  	_ =	task.clear_ibuf [dreg:s7], $0x2FFFF;
	_ =	strace $0x9FFFFFFF  }
0xc2: {  	(tm) =	ssettm $0x7FFFFFFF  }
0xc3: {  	_ =	shalt  }
tec
execute0_lowered:
.L_overlay_start_1:
0x0: {  	(tag) =	ssettag $0x1  }
0x1: {  	s0 =	srdreg.scid  }
0x2: {  	s11 =	stileid.u32;
	s2 =	rddreg [dreg:$0x0]  }
0x3: {  	s5 =	rddreg [dreg:$0x1];
	s3 =	simm.s32 $0x0;
	s12 =	simm.s32 $0x1  }
0x4: {  	s13 =	simm.s32 $0x80;
	s14 =	simm.s32 $0x1000;
	s19 =	simm.s32 $0x800  }
0x5: {  	s20 =	simm.s32 $0x2;
	s15 =	simm.s32 $0xD00;
	s16 =	simm.s32 $0x1D00  }
0x6: {  	s17 =	simm.s32 $0xD80;
	s18 =	simm.s32 $0x1D80;
	s28 =	simm.s32 $0x1F00  }
0x7: {  	s29 =	simm.s32 $0xF80;
	s30 =	simm.s32 $0x1F80;
	s21 =	simm.s32 $0x3  }
0x8: {  	s31 =	simm.s32 $0x4;
	s0 =	sand.u32 $0x1, s0;
	s7 =	smul.u32 $0x6400, s11  }
0x9: {  	s1 =	sshll.u32 s11, $0x1;
	[smem:$0x7FF] =	sst s3;
	s11 =	smul.u32 $0x32000, s11  }
0xa: {  	s4 =	sadd.s32 $0xA00, s5;
	s5 =	sadd.s32 $0x64A00, s5;
	s9 =	smul.u32 $0x3200, s0  }
0xb: {  	s1 =	sor.u32 s0, s1;
	s8 =	ssub.s32 $0x2, s0;
	s0 =	smul.u32 $0x19000, s0  }
0xc: {  	_ =	strace $0x80000047;
	s6 =	smul.u32 $0x3200, s1;
	s10 =	sshrl.u32 s8, $0x1  }
0xd: {  	s1 =	smul.u32 $0x19000, s1;
	s22 =	sadd.s32 s7, s5;
	s8 =	ssub.s32 s8, s10  }
0xe: {  	s23 =	sadd.s32 s9, s22;
	s0 =	sadd.s32 s0, s11;
	s10 =	simm.s32 $0xC80  }
0xf: {  	s11 =	simm.s32 $0x1C80;
	s22 =	simm.s32 $0xE00;
	s6 =	sadd.s32 s4, s6  }
0x10: {  	s1 =	sshrl.u32 s1, $0x3;
	s24 =	smax.u32 s8, $0x1;
	[dreg:$0x3] =	wrdreg s6  }
0x11: {  	s25 =	sor.u32 $0x800, s0;
	s26 =	sadd.s32 $0x1000, s0;
	[dreg:$0x5] =	wrdreg s24  }
0x12: {  	s0 =	sshrl.u32 s0, $0x3;
	s1 =	sadd.s32 s5, s1;
	[dreg:$0x7] =	wrdreg s26  }
.Ltmp0:
0x13: {  	s0 =	sadd.s32 s0, s5;
	s1 =	sadd.s32 $0x3100, s1;
	(pc) =	sbr.rel .LBB2_1-.Ltmp0, $4  }
0x14: {  	s24 =	simm.s32 $0xE80;
	[dreg:$0x4] =	wrdreg s1;
	s1 =	sadd.s32 $0xFFFFFF00, s23  }
0x15: {  	s26 =	simm.s32 $0xF00;
	[dreg:$0x6] =	wrdreg s1;
	s1 =	sshrl.u32 s25, $0x3  }
0x16: {  	s5 =	simm.s32 $0x0;
	[dreg:$0x9] =	wrdreg s0;
	s1 =	sadd.s32 s1, s4  }
0x17: {  	s23 =	simm.s32 $0x1E00;
	s25 =	simm.s32 $0x1E80;
	[dreg:$0x8] =	wrdreg s1  }
.LBB2_4:
0x18: {  	_ =	swait.ge [sflag:s31], $0x80  }
0x19: {  	[sflag:s31] =	ssyncset.done $0x0  }
0x1a: {  	[sflag:s31] =	ssyncadd.s32 $0xFFFFFF80  }
0x1b: {  	_ =	swait.ge [sflag:s31], $0x80  }
0x1c: {  	[sflag:s31] =	ssyncset.done $0x0  }
0x1d: {  	[sflag:s31] =	ssyncadd.s32 $0xFFFFFF80  }
0x1e: {  	_ =	swait.ge [sflag:s31], $0x80  }
0x1f: {  	[sflag:s31] =	ssyncset.done $0x0  }
0x20: {  	[sflag:s31] =	ssyncadd.s32 $0xFFFFFF80  }
0x21: {  	_ =	swait.ge [sflag:s31], $0x80  }
0x22: {  	[sflag:s31] =	ssyncset.done $0x0  }
0x23: {  	[sflag:s31] =	ssyncadd.s32 $0xFFFFFF80  }
0x24: {  	_ =	swait.ge [sflag:s31], $0x80  }
0x25: {  	[sflag:s31] =	ssyncset.done $0x0  }
0x26: {  	[sflag:s31] =	ssyncadd.s32 $0xFFFFFF80  }
0x27: {  	_ =	swait.ge [sflag:s31], $0x80  }
0x28: {  	[sflag:s31] =	ssyncset.done $0x0  }
0x29: {  	[sflag:s31] =	ssyncadd.s32 $0xFFFFFF80  }
0x2a: {  	_ =	swait.ge [sflag:s31], $0x80  }
0x2b: {  	[sflag:s31] =	ssyncset.done $0x0  }
0x2c: {  	[sflag:s31] =	ssyncadd.s32 $0xFFFFFF80  }
0x2d: {  	_ =	swait.ge [sflag:s31], $0x80  }
0x2e: {  	[sflag:s31] =	ssyncset.done $0x0  }
0x2f: {  	[sflag:s31] =	ssyncadd.s32 $0xFFFFFF80  }
0x30: {  	_ =	swait.ge [sflag:s31], $0x80  }
0x31: {  	[sflag:s31] =	ssyncset.done $0x0  }
0x32: {  	[sflag:s31] =	ssyncadd.s32 $0xFFFFFF80  }
0x33: {  	_ =	swait.ge [sflag:s31], $0x80  }
0x34: {  	[sflag:s31] =	ssyncset.done $0x0  }
0x35: {  	[sflag:s31] =	ssyncadd.s32 $0xFFFFFF80  }
0x36: {  	_ =	swait.ge [sflag:s31], $0x80  }
0x37: {  	[sflag:s31] =	ssyncset.done $0x0  }
0x38: {  	[sflag:s31] =	ssyncadd.s32 $0xFFFFFF80  }
0x39: {  	_ =	swait.ge [sflag:s31], $0x80  }
0x3a: {  	[sflag:s31] =	ssyncset.done $0x0  }
0x3b: {  	[sflag:s31] =	ssyncadd.s32 $0xFFFFFF80  }
0x3c: {  	_ =	swait.ge [sflag:s31], $0x80  }
0x3d: {  	[sflag:s31] =	ssyncset.done $0x0  }
0x3e: {  	[sflag:s31] =	ssyncadd.s32 $0xFFFFFF80  }
0x3f: {  	_ =	swait.ge [sflag:s31], $0x80  }
0x40: {  	[sflag:s31] =	ssyncset.done $0x0  }
0x41: {  	[sflag:s31] =	ssyncadd.s32 $0xFFFFFF80  }
0x42: {  	_ =	swait.ge [sflag:s31], $0x80  }
0x43: {  	[sflag:s31] =	ssyncset.done $0x0  }
0x44: {  	[sflag:s31] =	ssyncadd.s32 $0xFFFFFF80  }
0x45: {  	_ =	swait.ge [sflag:s31], $0x80  }
0x46: {  	s1 =	simm.s32 $0x1800;
	[sflag:s31] =	ssyncset.done $0x0  }
0x47: {  	s7 =	simm.s32 $0x5;
	s0 =	rddreg [dreg:$0x4];
	[sflag:s31] =	ssyncadd.s32 $0xFFFFFF80  }
0x48: {  	[hbm4b:s0+s3] =	stream.linear.scatter [tilespmem:s1], [sflag:$0x6], $0x800, $0x38;
	[tilespmem:$0x2000] =	vst v63  }
0x49: {  	_ =	swait.ge [sflag:s7], $0x800  }
0x4a: {  	[sflag:s7] =	ssyncset.done $0x0  }
0x4b: {  	s8 =	simm.s32 $0x6;
	[sflag:s7] =	ssyncadd.s32 $0xFFFFF800  }
0x4c: {  	_ =	swait.ge [sflag:s8], $0x800  }
0x4d: {  	s5 =	rddreg [dreg:$0xa]  }
0x4e: {  	s9 =	rddreg [dreg:$0x5];
	s5 =	sadd.s32 $0x1, s5  }
0x4f: {  	p0 =	sne.s32 s5, s9  }
.Ltmp1:
0x50: {  	_ = 	snop;
	(pc) =	sbr.rel @!p0 .LBB2_5-.Ltmp1, $3  }
0x51: {  	_ =	sdelay $0x1  }
0x52: {  	[sflag:s8] =	ssyncset.done $0x0  }
0x53: {  	[sflag:s8] =	ssyncadd.s32 $0xFFFFF800  }
.LBB2_1:
0x54: {  	[dreg:$0xa] =	wrdreg s5  }
0x55: {  	s1 =	rddreg [dreg:$0x9]  }
0x56: {  	s0 =	rddreg [dreg:$0x8]  }
0x57: {  	s6 =	rddreg [dreg:$0x7]  }
0x58: {  	s5 =	rddreg [dreg:$0x6]  }
0x59: {  	s8 =	rddreg [dreg:$0x3];
	s7 =	simm.s32 $0x0  }
.LBB2_2:
0x5a: {  	[tilespmem:s3], [sflag:$0x1] =	stream.linear.gather [hbm4b:s8+s3], $0x800, $0x38;
	[tilespmem:$0x2000] =	vst v63  }
0x5b: {  	_ =	swait.ge [sflag:s12], $0x800  }
0x5c: {  	p0 =	seq.s32 s7, $0x0;
	[sflag:s12] =	ssyncset.done $0x0  }
0x5d: {  	s8 =	simm.s32 @!p0 $0x5;
	[sflag:s12] =	ssyncadd.s32 $0xFFFFF800  }
0x5e: {  	_ =	swait.ge @!p0 [sflag:s8], $0x800  }
0x5f: {  	[sflag:s8] =	ssyncset.done @!p0 $0x0  }
0x60: {  	[sflag:s8] =	ssyncadd.s32 @!p0 $0xFFFFF800  }
0x61: {  	[tilespmem:s14], [sflag:$0x3] =	stream.indirect.gather [hbm4b:s2+s13], $0x1, s3, s13, $0xb8;
	[tilespmem:$0x2000] =	vst v63  }
0x62: {  	s9 =	simm.s32 $0x1080  }
0x63: {  	[tilespmem:s9], [sflag:$0x3] =	stream.indirect.gather [hbm4b:s2+s13], $0x1, s13, s13, $0xb8;
	[tilespmem:$0x2000] =	vst v63  }
0x64: {  	s8 =	simm.s32 $0x100;
	s9 =	simm.s32 $0x1100  }
0x65: {  	[tilespmem:s9], [sflag:$0x3] =	stream.indirect.gather [hbm4b:s2+s13], $0x1, s8, s13, $0xb8;
	[tilespmem:$0x2000] =	vst v63  }
0x66: {  	s8 =	simm.s32 $0x180;
	s9 =	simm.s32 $0x1180  }
0x67: {  	[tilespmem:s9], [sflag:$0x3] =	stream.indirect.gather [hbm4b:s2+s13], $0x1, s8, s13, $0xb8;
	[tilespmem:$0x2000] =	vst v63  }
0x68: {  	s8 =	simm.s32 $0x200;
	s9 =	simm.s32 $0x1200  }
0x69: {  	[tilespmem:s9], [sflag:$0x3] =	stream.indirect.gather [hbm4b:s2+s13], $0x1, s8, s13, $0xb8;
	[tilespmem:$0x2000] =	vst v63  }
0x6a: {  	s8 =	simm.s32 $0x280;
	s9 =	simm.s32 $0x1280  }
0x6b: {  	[tilespmem:s9], [sflag:$0x3] =	stream.indirect.gather [hbm4b:s2+s13], $0x1, s8, s13, $0xb8;
	[tilespmem:$0x2000] =	vst v63  }
0x6c: {  	s8 =	simm.s32 $0x300;
	s9 =	simm.s32 $0x1300  }
0x6d: {  	[tilespmem:s9], [sflag:$0x3] =	stream.indirect.gather [hbm4b:s2+s13], $0x1, s8, s13, $0xb8;
	[tilespmem:$0x2000] =	vst v63  }
0x6e: {  	s8 =	simm.s32 $0x380;
	s9 =	simm.s32 $0x1380  }
0x6f: {  	[tilespmem:s9], [sflag:$0x3] =	stream.indirect.gather [hbm4b:s2+s13], $0x1, s8, s13, $0xb8;
	[tilespmem:$0x2000] =	vst v63  }
0x70: {  	s8 =	simm.s32 $0x400;
	s9 =	simm.s32 $0x1400  }
0x71: {  	[tilespmem:s9], [sflag:$0x3] =	stream.indirect.gather [hbm4b:s2+s13], $0x1, s8, s13, $0xb8;
	[tilespmem:$0x2000] =	vst v63  }
0x72: {  	s8 =	simm.s32 $0x480;
	s9 =	simm.s32 $0x1480  }
0x73: {  	[tilespmem:s9], [sflag:$0x3] =	stream.indirect.gather [hbm4b:s2+s13], $0x1, s8, s13, $0xb8;
	[tilespmem:$0x2000] =	vst v63  }
0x74: {  	s8 =	simm.s32 $0x500;
	s9 =	simm.s32 $0x1500  }
0x75: {  	[tilespmem:s9], [sflag:$0x3] =	stream.indirect.gather [hbm4b:s2+s13], $0x1, s8, s13, $0xb8;
	[tilespmem:$0x2000] =	vst v63  }
0x76: {  	s8 =	simm.s32 $0x580;
	s9 =	simm.s32 $0x1580  }
0x77: {  	[tilespmem:s9], [sflag:$0x3] =	stream.indirect.gather [hbm4b:s2+s13], $0x1, s8, s13, $0xb8;
	[tilespmem:$0x2000] =	vst v63  }
0x78: {  	s8 =	simm.s32 $0x600;
	s9 =	simm.s32 $0x1600  }
0x79: {  	[tilespmem:s9], [sflag:$0x3] =	stream.indirect.gather [hbm4b:s2+s13], $0x1, s8, s13, $0xb8;
	[tilespmem:$0x2000] =	vst v63  }
0x7a: {  	s8 =	simm.s32 $0x680;
	s9 =	simm.s32 $0x1680  }
0x7b: {  	[tilespmem:s9], [sflag:$0x3] =	stream.indirect.gather [hbm4b:s2+s13], $0x1, s8, s13, $0xb8;
	[tilespmem:$0x2000] =	vst v63  }
0x7c: {  	s8 =	simm.s32 $0x700;
	s9 =	simm.s32 $0x1700  }
0x7d: {  	[tilespmem:s9], [sflag:$0x3] =	stream.indirect.gather [hbm4b:s2+s13], $0x1, s8, s13, $0xb8;
	[tilespmem:$0x2000] =	vst v63  }
0x7e: {  	s8 =	simm.s32 $0x780;
	s9 =	simm.s32 $0x1780  }
0x7f: {  	[tilespmem:s9], [sflag:$0x3] =	stream.indirect.gather [hbm4b:s2+s13], $0x1, s8, s13, $0xb8;
	[tilespmem:$0x2000] =	vst v63  }
0x80: {  	s8 =	simm.s32 @!p0 $0x4  }
0x81: {  	_ =	swait.ge @!p0 [sflag:s8], $0x80  }
0x82: {  	[sflag:s8] =	ssyncset.done @!p0 $0x0  }
0x83: {  	[sflag:s8] =	ssyncadd.s32 @!p0 $0xFFFFFF80  }
0x84: {  	_ =	swait.ge @!p0 [sflag:s8], $0x80  }
0x85: {  	[sflag:s8] =	ssyncset.done @!p0 $0x0  }
0x86: {  	[sflag:s8] =	ssyncadd.s32 @!p0 $0xFFFFFF80  }
0x87: {  	_ =	swait.ge @!p0 [sflag:s8], $0x80  }
0x88: {  	[sflag:s8] =	ssyncset.done @!p0 $0x0  }
0x89: {  	[sflag:s8] =	ssyncadd.s32 @!p0 $0xFFFFFF80  }
0x8a: {  	_ =	swait.ge @!p0 [sflag:s8], $0x80  }
0x8b: {  	[sflag:s8] =	ssyncset.done @!p0 $0x0  }
0x8c: {  	[sflag:s8] =	ssyncadd.s32 @!p0 $0xFFFFFF80  }
0x8d: {  	_ =	swait.ge @!p0 [sflag:s8], $0x80  }
0x8e: {  	[sflag:s8] =	ssyncset.done @!p0 $0x0  }
0x8f: {  	[sflag:s8] =	ssyncadd.s32 @!p0 $0xFFFFFF80  }
0x90: {  	_ =	swait.ge @!p0 [sflag:s8], $0x80  }
0x91: {  	[sflag:s8] =	ssyncset.done @!p0 $0x0  }
0x92: {  	[sflag:s8] =	ssyncadd.s32 @!p0 $0xFFFFFF80  }
0x93: {  	_ =	swait.ge @!p0 [sflag:s8], $0x80  }
0x94: {  	[sflag:s8] =	ssyncset.done @!p0 $0x0  }
0x95: {  	[sflag:s8] =	ssyncadd.s32 @!p0 $0xFFFFFF80  }
0x96: {  	_ =	swait.ge @!p0 [sflag:s8], $0x80  }
0x97: {  	[sflag:s8] =	ssyncset.done @!p0 $0x0  }
0x98: {  	[sflag:s8] =	ssyncadd.s32 @!p0 $0xFFFFFF80  }
0x99: {  	_ =	swait.ge @!p0 [sflag:s8], $0x80  }
0x9a: {  	[sflag:s8] =	ssyncset.done @!p0 $0x0  }
0x9b: {  	[sflag:s8] =	ssyncadd.s32 @!p0 $0xFFFFFF80  }
0x9c: {  	_ =	swait.ge @!p0 [sflag:s8], $0x80  }
0x9d: {  	[sflag:s8] =	ssyncset.done @!p0 $0x0  }
0x9e: {  	[sflag:s8] =	ssyncadd.s32 @!p0 $0xFFFFFF80  }
0x9f: {  	_ =	swait.ge @!p0 [sflag:s8], $0x80  }
0xa0: {  	[sflag:s8] =	ssyncset.done @!p0 $0x0  }
0xa1: {  	[sflag:s8] =	ssyncadd.s32 @!p0 $0xFFFFFF80  }
0xa2: {  	_ =	swait.ge @!p0 [sflag:s8], $0x80  }
0xa3: {  	[sflag:s8] =	ssyncset.done @!p0 $0x0  }
0xa4: {  	[sflag:s8] =	ssyncadd.s32 @!p0 $0xFFFFFF80  }
0xa5: {  	_ =	swait.ge @!p0 [sflag:s8], $0x80  }
0xa6: {  	[sflag:s8] =	ssyncset.done @!p0 $0x0  }
0xa7: {  	[sflag:s8] =	ssyncadd.s32 @!p0 $0xFFFFFF80  }
0xa8: {  	_ =	swait.ge @!p0 [sflag:s8], $0x80  }
0xa9: {  	[sflag:s8] =	ssyncset.done @!p0 $0x0  }
0xaa: {  	[sflag:s8] =	ssyncadd.s32 @!p0 $0xFFFFFF80  }
0xab: {  	_ =	swait.ge @!p0 [sflag:s8], $0x80  }
0xac: {  	[sflag:s8] =	ssyncset.done @!p0 $0x0  }
0xad: {  	[sflag:s8] =	ssyncadd.s32 @!p0 $0xFFFFFF80  }
0xae: {  	_ =	swait.ge @!p0 [sflag:s8], $0x80  }
0xaf: {  	[sflag:s8] =	ssyncset.done @!p0 $0x0  }
0xb0: {  	s9 =	simm.s32 @!p0 $0x1800;
	[sflag:s8] =	ssyncadd.s32 @!p0 $0xFFFFFF80;
	s8 =	simm.s32 @!p0 $0x0  }
0xb1: {  	[hbm4b:s5+s8] =	stream.linear.scatter @!p0 [tilespmem:s9], [sflag:$0x6], $0x800, $0x38;
	[tilespmem:$0x2000] =	vst v63  }
0xb2: {  	_ = 	snop  }
0xb3: {  	[tilespmem:s19], [sflag:$0x2] =	stream.linear.gather [hbm4b:s0+s3], $0x800, $0x38;
	[tilespmem:$0x2000] =	vst v63  }
0xb4: {  	_ =	swait.ge [sflag:s20], $0x800  }
0xb5: {  	[sflag:s20] =	ssyncset.done $0x0  }
0xb6: {  	s8 =	simm.s32 @!p0 $0x6;
	[sflag:s20] =	ssyncadd.s32 $0xFFFFF800  }
0xb7: {  	_ =	swait.ge @!p0 [sflag:s8], $0x800  }
0xb8: {  	[sflag:s8] =	ssyncset.done @!p0 $0x0  }
0xb9: {  	s9 =	simm.s32 $0x1800;
	[sflag:s8] =	ssyncadd.s32 @!p0 $0xFFFFF800  }
0xba: {  	[tilespmem:s9], [sflag:$0x4] =	stream.indirect.gather [hbm4b:s2+s13], $0x1, s19, s13, $0xb8;
	[tilespmem:$0x2000] =	vst v63  }
0xbb: {  	s8 =	simm.s32 $0x880;
	s9 =	simm.s32 $0x1880  }
0xbc: {  	[tilespmem:s9], [sflag:$0x4] =	stream.indirect.gather [hbm4b:s2+s13], $0x1, s8, s13, $0xb8;
	[tilespmem:$0x2000] =	vst v63  }
0xbd: {  	s8 =	simm.s32 $0x900;
	s9 =	simm.s32 $0x1900  }
0xbe: {  	[tilespmem:s9], [sflag:$0x4] =	stream.indirect.gather [hbm4b:s2+s13], $0x1, s8, s13, $0xb8;
	[tilespmem:$0x2000] =	vst v63  }
0xbf: {  	s8 =	simm.s32 $0x980;
	s9 =	simm.s32 $0x1980  }
0xc0: {  	[tilespmem:s9], [sflag:$0x4] =	stream.indirect.gather [hbm4b:s2+s13], $0x1, s8, s13, $0xb8;
	[tilespmem:$0x2000] =	vst v63  }
0xc1: {  	s8 =	simm.s32 $0xA00;
	s9 =	simm.s32 $0x1A00  }
0xc2: {  	[tilespmem:s9], [sflag:$0x4] =	stream.indirect.gather [hbm4b:s2+s13], $0x1, s8, s13, $0xb8;
	[tilespmem:$0x2000] =	vst v63  }
0xc3: {  	s8 =	simm.s32 $0xA80;
	s9 =	simm.s32 $0x1A80  }
0xc4: {  	[tilespmem:s9], [sflag:$0x4] =	stream.indirect.gather [hbm4b:s2+s13], $0x1, s8, s13, $0xb8;
	[tilespmem:$0x2000] =	vst v63  }
0xc5: {  	s8 =	simm.s32 $0xB00;
	s9 =	simm.s32 $0x1B00  }
0xc6: {  	[tilespmem:s9], [sflag:$0x4] =	stream.indirect.gather [hbm4b:s2+s13], $0x1, s8, s13, $0xb8;
	[tilespmem:$0x2000] =	vst v63  }
0xc7: {  	s8 =	simm.s32 $0xB80;
	s9 =	simm.s32 $0x1B80  }
0xc8: {  	[tilespmem:s9], [sflag:$0x4] =	stream.indirect.gather [hbm4b:s2+s13], $0x1, s8, s13, $0xb8;
	[tilespmem:$0x2000] =	vst v63  }
0xc9: {  	s8 =	simm.s32 $0xC00;
	s9 =	simm.s32 $0x1C00  }
0xca: {  	[tilespmem:s9], [sflag:$0x4] =	stream.indirect.gather [hbm4b:s2+s13], $0x1, s8, s13, $0xb8;
	[tilespmem:$0x2000] =	vst v63  }
0xcb: {  	_ = 	snop  }
0xcc: {  	[tilespmem:s11], [sflag:$0x4] =	stream.indirect.gather [hbm4b:s2+s13], $0x1, s10, s13, $0xb8;
	[tilespmem:$0x2000] =	vst v63  }
0xcd: {  	_ = 	snop  }
0xce: {  	[tilespmem:s16], [sflag:$0x4] =	stream.indirect.gather [hbm4b:s2+s13], $0x1, s15, s13, $0xb8;
	[tilespmem:$0x2000] =	vst v63  }
0xcf: {  	_ = 	snop  }
0xd0: {  	[tilespmem:s18], [sflag:$0x4] =	stream.indirect.gather [hbm4b:s2+s13], $0x1, s17, s13, $0xb8;
	[tilespmem:$0x2000] =	vst v63  }
0xd1: {  	_ = 	snop  }
0xd2: {  	[tilespmem:s23], [sflag:$0x4] =	stream.indirect.gather [hbm4b:s2+s13], $0x1, s22, s13, $0xb8;
	[tilespmem:$0x2000] =	vst v63  }
0xd3: {  	_ = 	snop  }
0xd4: {  	[tilespmem:s25], [sflag:$0x4] =	stream.indirect.gather [hbm4b:s2+s13], $0x1, s24, s13, $0xb8;
	[tilespmem:$0x2000] =	vst v63  }
0xd5: {  	_ = 	snop  }
0xd6: {  	[tilespmem:s28], [sflag:$0x4] =	stream.indirect.gather [hbm4b:s2+s13], $0x1, s26, s13, $0xb8;
	[tilespmem:$0x2000] =	vst v63  }
0xd7: {  	_ = 	snop  }
0xd8: {  	[tilespmem:s30], [sflag:$0x4] =	stream.indirect.gather [hbm4b:s2+s13], $0x1, s29, s13, $0xb8;
	[tilespmem:$0x2000] =	vst v63  }
0xd9: {  	_ =	swait.ge [sflag:s21], $0x80  }
0xda: {  	[sflag:s21] =	ssyncset.done $0x0  }
0xdb: {  	[sflag:s21] =	ssyncadd.s32 $0xFFFFFF80  }
0xdc: {  	_ =	swait.ge [sflag:s21], $0x80  }
0xdd: {  	[sflag:s21] =	ssyncset.done $0x0  }
0xde: {  	[sflag:s21] =	ssyncadd.s32 $0xFFFFFF80  }
0xdf: {  	_ =	swait.ge [sflag:s21], $0x80  }
0xe0: {  	[sflag:s21] =	ssyncset.done $0x0  }
0xe1: {  	[sflag:s21] =	ssyncadd.s32 $0xFFFFFF80  }
0xe2: {  	_ =	swait.ge [sflag:s21], $0x80  }
0xe3: {  	[sflag:s21] =	ssyncset.done $0x0  }
0xe4: {  	[sflag:s21] =	ssyncadd.s32 $0xFFFFFF80  }
0xe5: {  	_ =	swait.ge [sflag:s21], $0x80  }
0xe6: {  	[sflag:s21] =	ssyncset.done $0x0  }
0xe7: {  	[sflag:s21] =	ssyncadd.s32 $0xFFFFFF80  }
0xe8: {  	_ =	swait.ge [sflag:s21], $0x80  }
0xe9: {  	[sflag:s21] =	ssyncset.done $0x0  }
0xea: {  	[sflag:s21] =	ssyncadd.s32 $0xFFFFFF80  }
0xeb: {  	_ =	swait.ge [sflag:s21], $0x80  }
0xec: {  	[sflag:s21] =	ssyncset.done $0x0  }
0xed: {  	[sflag:s21] =	ssyncadd.s32 $0xFFFFFF80  }
0xee: {  	_ =	swait.ge [sflag:s21], $0x80  }
0xef: {  	[sflag:s21] =	ssyncset.done $0x0  }
0xf0: {  	[sflag:s21] =	ssyncadd.s32 $0xFFFFFF80  }
0xf1: {  	_ =	swait.ge [sflag:s21], $0x80  }
0xf2: {  	[sflag:s21] =	ssyncset.done $0x0  }
0xf3: {  	[sflag:s21] =	ssyncadd.s32 $0xFFFFFF80  }
0xf4: {  	_ =	swait.ge [sflag:s21], $0x80  }
0xf5: {  	[sflag:s21] =	ssyncset.done $0x0  }
0xf6: {  	[sflag:s21] =	ssyncadd.s32 $0xFFFFFF80  }
0xf7: {  	_ =	swait.ge [sflag:s21], $0x80  }
0xf8: {  	[sflag:s21] =	ssyncset.done $0x0  }
0xf9: {  	[sflag:s21] =	ssyncadd.s32 $0xFFFFFF80  }
0xfa: {  	_ =	swait.ge [sflag:s21], $0x80  }
0xfb: {  	[sflag:s21] =	ssyncset.done $0x0  }
0xfc: {  	[sflag:s21] =	ssyncadd.s32 $0xFFFFFF80  }
0xfd: {  	_ =	swait.ge [sflag:s21], $0x80  }
0xfe: {  	[sflag:s21] =	ssyncset.done $0x0  }
0xff: {  	[sflag:s21] =	ssyncadd.s32 $0xFFFFFF80  }
0x100: {  	_ =	swait.ge [sflag:s21], $0x80  }
0x101: {  	[sflag:s21] =	ssyncset.done $0x0  }
0x102: {  	[sflag:s21] =	ssyncadd.s32 $0xFFFFFF80  }
0x103: {  	_ =	swait.ge [sflag:s21], $0x80  }
0x104: {  	p0 =	sgt.u32 s7, $0x2F;
	[sflag:s21] =	ssyncset.done $0x0  }
.Ltmp2:
0x105: {  	[sflag:s21] =	ssyncadd.s32 $0xFFFFFF80;
	(pc) =	sbr.rel @p0 .LBB2_4-.Ltmp2, $4  }
0x106: {  	_ =	swait.ge [sflag:s21], $0x80  }
0x107: {  	[sflag:s21] =	ssyncset.done $0x0  }
0x108: {  	[sflag:s21] =	ssyncadd.s32 $0xFFFFFF80  }
0x109: {  	[hbm4b:s1+s3] =	stream.linear.scatter [tilespmem:s14], [sflag:$0x5], $0x800, $0x38;
	[tilespmem:$0x2000] =	vst v63  }
.Ltmp3:
0x10a: {  	(pc) =	sbr.rel .LBB2_2-.Ltmp3, $4  }
0x10b: {  	_ = 	snop  }
0x10c: {  	s8 =	sshrl.u32 s6, $0x3  }
0x10d: {  	s7 =	sadd.s32 $0x2, s7;
	s5 =	sadd.s32 $0x200, s5;
	s6 =	sadd.s32 $0x1000, s6  }
0x10e: {  	s0 =	sadd.s32 $0x200, s0;
	s1 =	sadd.s32 $0x200, s1;
	s8 =	sadd.s32 s4, s8  }
.LBB2_5:
0x10f: {  	_ =	sfence.sel $0x180000  }
0x110: {  	[bflag:$0x0] =	sbarrier.arrive $0xFFFF  }
0x111: {  	_ =	strace $0x90000047  }
0x112: {  	s0 =	stileid.u32;
	[bflag:$0x2] =	sbarrier.arrive $0xFFFF  }
0x113: {  	p0 =	sne.s32 s0, $0x0;
	s0 =	rddreg [dreg:$0x2]  }
0x114: {  	s0 =	sadd.s32 @!p0 $0x100000, s0  }
0x115: {  	[sflag:s0] =	ssyncadd.tile.s32 @!p0 $0x1;
	_ =	shalt  }
.Lfunc_end2:
_tile_overlayer_lowered:
.L_overlay_start_2:
0x116: {  	(tag) =	ssettag $0x2  }
0x117: {  	s0 =	rddreg [dreg:$0x0];
	s2 =	stileid.u32  }
0x118: {  	s1 =	rddreg [dreg:$0x1];
	p0 =	sne.s32 s2, $0x0  }
0x119: {  	s3 =	rddreg [dreg:$0x2];
	[bflag:$0x3] =	sbarrier.arrive $0xFFFF;
	s2 =	simm.s32 @!p0 $0x1C07  }
0x11a: {  	[timem:s3], [sflag:s2] =	dma.local @!p0 [hbm:s0], s1  }
0x11b: {  	s0 =	simm.s32 @!p0 $0x7  }
0x11c: {  	_ =	swait.ge @!p0 [sflag:s0], s1  }
0x11d: {  	s1 =	ssub.s32 @!p0 $0x0, s1;
	[sflag:s0] =	ssyncset.done @!p0 $0x0  }
0x11e: {  	[sflag:s0] =	ssyncadd.s32 @!p0 s1  }
0x11f: {  	[bflag:$0x3] =	sbarrier.arrive $0xFFFF  }
0x120: {  	_ =	shalt  }

</sc_bundles>
